<compile_context>
chip_gen: v7x
topology: tpu7x:2x2x1
jax: 0.10.2.dev20260603
libtpu: 0.0.44.dev20260713+nightly
codegen_flags: <defaults>
</compile_context>

<pallas_src>
import functools

import jax
import jax.numpy as jnp
from jax import lax
from jax.experimental import pallas as pl
from jax.experimental.pallas import tpu as pltpu
from jax.experimental.pallas import tpu_sc as plsc

N = 10000
E = 320000
D = 128
DE = 16
H = 128
L = 2
EPS = 1e-5

NC = 2
NS = 16
NW = NC * NS
CH = 128
NCP = 2560
EP = NCP * CH
CPW = NCP // NW
NP = CPW // 2

NACC = N + 8
NT = N // CH
NTAIL = N - NT * CH
NTAILZ = NACC - NT * CH

BN_BLK = 1000
BE = 2560


@functools.cache
def _mesh():
    return plsc.VectorSubcoreMesh(core_axis_name="c", subcore_axis_name="s",
                                  num_cores=NC, num_subcores=NS)


def _fold_bn(W, b, bn):
    s = bn["g"] * jax.lax.rsqrt(bn["v"] + EPS)
    return W * s[None, :], b * s + (bn["b"] - bn["m"] * s)


def _zero_rows(buf, ncols, value=0.0):
    v16 = jnp.full((16,), value, jnp.float32)

    def row(i, carry):
        for k in range(ncols // 16):
            buf[i, pl.ds(k * 16, 16)] = v16
        return carry

    lax.fori_loop(0, CH, row, 0)



def _gather_body(pi_hbm, pj_hbm, dst_hbm, src_hbm, gi_hbm, gj_hbm,
                 id_v, is_v, bi0, bj0, bi1, bj1, gsem0, gsem1, wsem0, wsem1):
    cid = lax.axis_index("c")
    sid = lax.axis_index("s")
    wid = sid * NC + cid
    cbase = wid * CPW

    pltpu.sync_copy(dst_hbm.at[pl.ds(cbase, CPW)], id_v)
    pltpu.sync_copy(src_hbm.at[pl.ds(cbase, CPW)], is_v)

    def fire_gather(k, bi, bj, sem):
        pltpu.async_copy(pi_hbm.at[id_v.at[k]], bi, sem)
        pltpu.async_copy(pj_hbm.at[is_v.at[k]], bj, sem)

    def wait_gather(bi, bj, sem):
        pltpu.make_async_copy(pi_hbm.at[id_v.at[0]], bi, sem).wait()
        pltpu.make_async_copy(pj_hbm.at[is_v.at[0]], bj, sem).wait()

    def fire_write(k, bi, bj, sem):
        pltpu.async_copy(bi, gi_hbm.at[pl.ds((cbase + k) * CH, CH)], sem)
        pltpu.async_copy(bj, gj_hbm.at[pl.ds((cbase + k) * CH, CH)], sem)

    def wait_write(bi, bj, sem):
        pltpu.make_async_copy(bi, gi_hbm.at[pl.ds(0, CH)], sem).wait()
        pltpu.make_async_copy(bj, gj_hbm.at[pl.ds(0, CH)], sem).wait()

    fire_gather(0, bi0, bj0, gsem0)

    def pair(i, carry):
        k0 = 2 * i
        k1 = k0 + 1

        @pl.when(i > 0)
        def _():
            wait_write(bi1, bj1, wsem1)

        fire_gather(k1, bi1, bj1, gsem1)
        wait_gather(bi0, bj0, gsem0)
        fire_write(k0, bi0, bj0, wsem0)
        wait_gather(bi1, bj1, gsem1)
        fire_write(k1, bi1, bj1, wsem1)
        wait_write(bi0, bj0, wsem0)

        @pl.when(i < NP - 1)
        def _():
            fire_gather(k0 + 2, bi0, bj0, gsem0)

        return carry

    lax.fori_loop(0, NP, pair, 0)
    wait_write(bi1, bj1, wsem1)


@functools.cache
def _sc_gather():
    return pl.kernel(
        _gather_body,
        out_type=[jax.ShapeDtypeStruct((EP, D), jnp.float32),
                  jax.ShapeDtypeStruct((EP, D), jnp.float32)],
        mesh=_mesh(),
        scratch_types=[
            pltpu.VMEM((CPW, CH), jnp.int32),
            pltpu.VMEM((CPW, CH), jnp.int32),
            pltpu.VMEM((CH, D), jnp.float32),
            pltpu.VMEM((CH, D), jnp.float32),
            pltpu.VMEM((CH, D), jnp.float32),
            pltpu.VMEM((CH, D), jnp.float32),
            pltpu.SemaphoreType.DMA,
            pltpu.SemaphoreType.DMA,
            pltpu.SemaphoreType.DMA,
            pltpu.SemaphoreType.DMA,
        ],
    )



def _scatter_body(msg_hbm, dst_hbm, agg_hbm, acc_sh, id2_v, m0, m1,
                  lsem0, lsem1, ssem0, ssem1, ones):
    cid = lax.axis_index("c")
    sid = lax.axis_index("s")
    wid = sid * NC + cid
    cbase = wid * CPW
    ntiles = (NT - sid + NS - 1) // NS

    _zero_rows(m0, D)

    def zchunk(i, carry):
        c = (sid + i * NS) * CH
        pltpu.sync_copy(m0, acc_sh.at[pl.ds(c, CH)])
        return carry

    lax.fori_loop(0, ntiles, zchunk, 0)

    @pl.when(sid == 0)
    def _ztail():
        pltpu.sync_copy(m0.at[pl.ds(0, NTAILZ)], acc_sh.at[pl.ds(NT * CH, NTAILZ)])

    pltpu.sync_copy(dst_hbm.at[pl.ds(cbase, CPW)], id2_v)
    if ones:
        _zero_rows(m0, D, value=1.0)
    plsc.subcore_barrier()

    def fire_load(k, m, sem):
        pltpu.async_copy(msg_hbm.at[pl.ds((cbase + k) * CH, CH)], m, sem)

    def wait_load(m, sem):
        pltpu.make_async_copy(msg_hbm.at[pl.ds(0, CH)], m, sem).wait()

    def fire_sadd(k, m, sem):
        pltpu.async_copy(m, acc_sh.at[id2_v.at[k]], sem, add=True)

    def wait_sadd(m, sem):
        pltpu.make_async_copy(m, acc_sh.at[id2_v.at[0]], sem).wait()

    if ones:
        def pair(i, carry):
            k0 = 2 * i
            fire_sadd(k0, m0, ssem0)
            fire_sadd(k0 + 1, m0, ssem1)
            wait_sadd(m0, ssem0)
            wait_sadd(m0, ssem1)
            return carry

        lax.fori_loop(0, NP, pair, 0)
    else:
        fire_load(0, m0, lsem0)

        def pair(i, carry):
            k0 = 2 * i
            k1 = k0 + 1

            @pl.when(i > 0)
            def _():
                wait_sadd(m1, ssem1)

            fire_load(k1, m1, lsem1)
            wait_load(m0, lsem0)
            fire_sadd(k0, m0, ssem0)
            wait_load(m1, lsem1)
            fire_sadd(k1, m1, ssem1)
            wait_sadd(m0, ssem0)

            @pl.when(i < NP - 1)
            def _():
                fire_load(k0 + 2, m0, lsem0)

            return carry

        lax.fori_loop(0, NP, pair, 0)
        wait_sadd(m1, ssem1)
    plsc.subcore_barrier()

    def wchunk(i, carry):
        c = (sid + i * NS) * CH
        pltpu.sync_copy(acc_sh.at[pl.ds(c, CH)], m0)
        pltpu.sync_copy(m0, agg_hbm.at[cid, pl.ds(c, CH)])
        return carry

    lax.fori_loop(0, ntiles, wchunk, 0)

    @pl.when(sid == 0)
    def _wtail():
        pltpu.sync_copy(acc_sh.at[pl.ds(NT * CH, NTAIL)], m0.at[pl.ds(0, NTAIL)])
        pltpu.sync_copy(m0.at[pl.ds(0, NTAIL)], agg_hbm.at[cid, pl.ds(NT * CH, NTAIL)])


def _cnt_body(dst_hbm, cnt_hbm, acc_sh, id2_v, m0, m1, ls0, ls1, ss0, ss1):
    _scatter_body(None, dst_hbm, cnt_hbm, acc_sh, id2_v, m0, m1,
                  ls0, ls1, ss0, ss1, ones=True)


def _msg_body(msg_hbm, dst_hbm, agg_hbm, acc_sh, id2_v, m0, m1, ls0, ls1, ss0, ss1):
    _scatter_body(msg_hbm, dst_hbm, agg_hbm, acc_sh, id2_v, m0, m1,
                  ls0, ls1, ss0, ss1, ones=False)


_SC_SCRATCH = [
    pltpu.VMEM_SHARED((NACC, D), jnp.float32),
    pltpu.VMEM((CPW, CH), jnp.int32),
    pltpu.VMEM((CH, D), jnp.float32),
    pltpu.VMEM((CH, D), jnp.float32),
    pltpu.SemaphoreType.DMA,
    pltpu.SemaphoreType.DMA,
    pltpu.SemaphoreType.DMA,
    pltpu.SemaphoreType.DMA,
]


@functools.cache
def _sc_scatter():
    return pl.kernel(
        _msg_body,
        out_type=[jax.ShapeDtypeStruct((NC, N, D), jnp.float32)],
        mesh=_mesh(),
        scratch_types=_SC_SCRATCH,
    )


@functools.cache
def _sc_cnt():
    return pl.kernel(
        _cnt_body,
        out_type=[jax.ShapeDtypeStruct((NC, N, D), jnp.float32)],
        mesh=_mesh(),
        scratch_types=_SC_SCRATCH,
    )



def _node_proj_body(x_ref, wi_ref, wj_ref, pi_ref, pj_ref):
    x = x_ref[...]
    pi_ref[...] = jnp.dot(x, wi_ref[...], preferred_element_type=jnp.float32)
    pj_ref[...] = jnp.dot(x, wj_ref[...], preferred_element_type=jnp.float32)


def _node_proj(x, Wi, Wj):
    return pl.pallas_call(
        _node_proj_body,
        grid=(N // BN_BLK,),
        in_specs=[pl.BlockSpec((BN_BLK, D), lambda i: (i, 0)),
                  pl.BlockSpec((D, H), lambda i: (0, 0)),
                  pl.BlockSpec((D, H), lambda i: (0, 0))],
        out_specs=[pl.BlockSpec((BN_BLK, H), lambda i: (i, 0)),
                   pl.BlockSpec((BN_BLK, H), lambda i: (i, 0))],
        out_shape=[jax.ShapeDtypeStruct((N, H), jnp.float32),
                   jax.ShapeDtypeStruct((N, H), jnp.float32)],
    )(x, Wi, Wj)


def _edge_mlp_body(gi_ref, gj_ref, e_ref, w1e_ref, b1_ref,
                   w2ij_ref, b2ij_ref, w2e_ref, b2e_ref, msg_ref, ne_ref):
    h = (gi_ref[...] + gj_ref[...]
         + jnp.dot(e_ref[...], w1e_ref[...], preferred_element_type=jnp.float32)
         + b1_ref[...])
    h = jnp.maximum(h, 0.0).astype(jnp.bfloat16)
    zij = jnp.dot(h, w2ij_ref[...], preferred_element_type=jnp.float32) + b2ij_ref[...]
    zij = jnp.maximum(zij, 0.0)
    msg_ref[...] = zij[:, :H] + zij[:, H:]
    ze = jnp.dot(h, w2e_ref[...], preferred_element_type=jnp.float32) + b2e_ref[...]
    ne_ref[...] = jnp.maximum(ze, 0.0)


def _edge_mlp(Gi, Gj, e, W1e, b1, W2ij, b2ij, W2e, b2e):
    return pl.pallas_call(
        _edge_mlp_body,
        grid=(EP // BE,),
        in_specs=[pl.BlockSpec((BE, H), lambda i: (i, 0)),
                  pl.BlockSpec((BE, H), lambda i: (i, 0)),
                  pl.BlockSpec((BE, DE), lambda i: (i, 0)),
                  pl.BlockSpec((DE, H), lambda i: (0, 0)),
                  pl.BlockSpec((1, H), lambda i: (0, 0)),
                  pl.BlockSpec((H, 2 * H), lambda i: (0, 0)),
                  pl.BlockSpec((1, 2 * H), lambda i: (0, 0)),
                  pl.BlockSpec((H, DE), lambda i: (0, 0)),
                  pl.BlockSpec((1, DE), lambda i: (0, 0))],
        out_specs=[pl.BlockSpec((BE, H), lambda i: (i, 0)),
                   pl.BlockSpec((BE, DE), lambda i: (i, 0))],
        out_shape=[jax.ShapeDtypeStruct((EP, H), jnp.float32),
                   jax.ShapeDtypeStruct((EP, DE), jnp.float32)],
    )(Gi, Gj, e, W1e, b1, W2ij, b2ij, W2e, b2e)


def _node_epi_body(x_ref, agg_ref, cnt_ref, v1_ref, c1_ref, v2_ref, c2_ref,
                   o_ref, *, final_relu):
    a = agg_ref[0] + agg_ref[1]
    cnt = jnp.maximum(cnt_ref[0, :, :1] + cnt_ref[1, :, :1], 1.0)
    gcn = a / cnt
    t = jnp.dot(gcn, v1_ref[...], preferred_element_type=jnp.float32) + c1_ref[...]
    t = jnp.maximum(t, 0.0)
    out = x_ref[...] + jnp.dot(t, v2_ref[...], preferred_element_type=jnp.float32) + c2_ref[...]
    if final_relu:
        out = jnp.maximum(out, 0.0)
    o_ref[...] = out


def _node_epi(x, agg2, cnt2, V1, c1, V2, c2, final_relu):
    return pl.pallas_call(
        functools.partial(_node_epi_body, final_relu=final_relu),
        grid=(N // BN_BLK,),
        in_specs=[pl.BlockSpec((BN_BLK, D), lambda i: (i, 0)),
                  pl.BlockSpec((NC, BN_BLK, D), lambda i: (0, i, 0)),
                  pl.BlockSpec((NC, BN_BLK, D), lambda i: (0, i, 0)),
                  pl.BlockSpec((H, H), lambda i: (0, 0)),
                  pl.BlockSpec((1, H), lambda i: (0, 0)),
                  pl.BlockSpec((H, D), lambda i: (0, 0)),
                  pl.BlockSpec((1, D), lambda i: (0, 0))],
        out_specs=pl.BlockSpec((BN_BLK, D), lambda i: (i, 0)),
        out_shape=jax.ShapeDtypeStruct((N, D), jnp.float32),
    )(x, agg2, cnt2, V1, c1, V2, c2)



def kernel(node_feature, edge_feature, edges_indices, params):
    x = node_feature
    src = edges_indices[0]
    dst = edges_indices[1]
    pad = EP - E
    padidx = jnp.arange(pad, dtype=jnp.int32)
    dst_g = jnp.concatenate([dst, padidx % N]).reshape(NCP, CH)
    src_g = jnp.concatenate([src, padidx % N]).reshape(NCP, CH)
    dst_s = jnp.concatenate([dst, N + (padidx % 8)]).reshape(NCP, CH)
    e = jnp.concatenate([edge_feature, jnp.zeros((pad, DE), jnp.float32)], axis=0)

    cnt2 = _sc_cnt()(dst_s)[0]
    for l in range(L):
        p = params[l]
        W1, b1 = _fold_bn(p["nn1"]["w1"], p["nn1"]["b1"], p["nn1"]["bn1"])
        W2, b2 = _fold_bn(p["nn1"]["w2"], p["nn1"]["b2"], p["nn1"]["bn2"])
        W1i, W1e, W1j = W1[:D], W1[D:D + DE], W1[D + DE:]
        W2ij = jnp.concatenate([W2[:, :H], W2[:, H + DE:]], axis=1)
        b2ij = jnp.concatenate([b2[:H], b2[H + DE:]])[None, :]
        W2e = W2[:, H:H + DE]
        b2e = b2[H:H + DE][None, :]
        V1, c1 = _fold_bn(p["nn2"]["w1"], p["nn2"]["b1"], p["nn2"]["bn"])
        V2, c2 = p["nn2"]["w2"], p["nn2"]["b2"]

        Pi, Pj = _node_proj(x, W1i, W1j)
        Gi, Gj = _sc_gather()(Pi, Pj, dst_g, src_g)
        msg, ne = _edge_mlp(Gi, Gj, e, W1e, b1[None, :],
                            W2ij.astype(jnp.bfloat16), b2ij,
                            W2e.astype(jnp.bfloat16), b2e)
        (agg2,) = _sc_scatter()(msg, dst_s)
        x = _node_epi(x, agg2, cnt2, V1, c1[None, :], V2, c2[None, :],
                      final_relu=(l < L - 1))
        e = ne
    return (x, e[:E])

# --- scband reference (transcript-rebuilt; emitter-appended) ---
"""Pipeline reference for scband-triplet-gcnmodel-25314537243262 (READ-ONLY COPY).

The authoritative reference and input builder live on the scoring server;
editing this copy changes nothing except your own understanding.
"""

import jax, jax.numpy as jnp
import numpy as np

N = 10000
E = 320000
D = 128   # node_feat_dim
DE = 16   # edge_feat_dim
H = 128   # hidden_feat_dim
L = 2     # num_layers
EPS = 1e-5


def _lin_init(key, din, dout):
    s = 1.0 / np.sqrt(din)
    kw, kb = jax.random.split(key)
    W = jax.random.uniform(kw, (din, dout), minval=-s, maxval=s, dtype=jnp.float32)
    b = jax.random.uniform(kb, (dout,), minval=-s, maxval=s, dtype=jnp.float32)
    return W, b


def _bn_init(d):
    return {"g": jnp.ones((d,), jnp.float32), "b": jnp.zeros((d,), jnp.float32),
            "m": jnp.zeros((d,), jnp.float32), "v": jnp.ones((d,), jnp.float32)}


def setup_inputs(seed: int = 0) -> dict:
    key = jax.random.key(seed)
    k1, k2, k3, kp = jax.random.split(key, 4)
    node_feature = jax.random.normal(k1, (N, D), dtype=jnp.float32)
    edge_feature = jax.random.normal(k2, (E, DE), dtype=jnp.float32)
    edges_indices = jax.random.randint(k3, (2, E), 0, N, dtype=jnp.int32)
    params = []
    for l in range(L):
        ks = jax.random.split(jax.random.fold_in(kp, l), 4)
        w1a, b1a = _lin_init(ks[0], 2 * D + DE, H)
        w1b, b1b = _lin_init(ks[1], H, 2 * H + DE)
        w2a, b2a = _lin_init(ks[2], H, H)
        w2b, b2b = _lin_init(ks[3], H, D)
        params.append({
            "nn1": {"w1": w1a, "b1": b1a, "bn1": _bn_init(H),
                     "w2": w1b, "b2": b1b, "bn2": _bn_init(2 * H + DE)},
            "nn2": {"w1": w2a, "b1": b2a, "bn": _bn_init(H),
                     "w2": w2b, "b2": b2b},
        })
    return {"node_feature": node_feature, "edge_feature": edge_feature,
            "edges_indices": edges_indices, "params": params}


def _bn(x, p):
    return p["g"] * (x - p["m"]) / jnp.sqrt(p["v"] + EPS) + p["b"]


def _nn1(x, p):
    x = jax.nn.relu(_bn(x @ p["w1"] + p["b1"], p["bn1"]))
    x = jax.nn.relu(_bn(x @ p["w2"] + p["b2"], p["bn2"]))
    return x


def _nn2(x, p):
    x = jax.nn.relu(_bn(x @ p["w1"] + p["b1"], p["bn"]))
    return x @ p["w2"] + p["b2"]


def _triplet_layer(x, e, src, dst, p):
    # PyG source_to_target: x_j = x[src], x_i = x[dst]; aggregate on dst
    x_i = x[dst]
    x_j = x[src]
    m = jnp.concatenate([x_i, e, x_j], axis=1)
    m = _nn1(m, p["nn1"])  # dropout is identity in eval mode
    new_x_i = m[:, :H]
    new_e = m[:, H:H + DE]
    new_x_j = m[:, H + DE:]
    msg = new_x_i + new_x_j
    agg = jax.ops.segment_sum(msg, dst, num_segments=N)
    cnt = jax.ops.segment_sum(jnp.ones((E,), msg.dtype), dst, num_segments=N)
    cnt = jnp.maximum(cnt, 1.0)
    gcn_x = agg / cnt[:, None]
    new_x = x + _nn2(gcn_x, p["nn2"])
    return new_x, new_e


def reference(node_feature, edge_feature, edges_indices, params):
    src = edges_indices[0]
    dst = edges_indices[1]
    x, e = node_feature, edge_feature
    for l in range(L):
        x, e = _triplet_layer(x, e, src, dst, params[l])
        if l < L - 1:
            x = jax.nn.relu(x)
            e = jax.nn.relu(e)
    return (x, e)

if __name__ == "__main__":
    import jax
    _d = setup_inputs()
    print(jax.jit(kernel)(*tuple(_d.values())))

</pallas_src>

<mosaic_0001>
#map = affine_map<(d0, d1) -> (0, 0)>
module attributes {stable_mosaic.version = 14 : i64} {
  func.func @_gather_body(%arg0: i32, %arg1: i32, %arg2: memref<10000x128xf32, #tpu.memory_space<hbm>>, %arg3: memref<10000x128xf32, #tpu.memory_space<hbm>>, %arg4: memref<2560x128xi32, #tpu.memory_space<hbm>>, %arg5: memref<2560x128xi32, #tpu.memory_space<hbm>>, %arg6: memref<327680x128xf32, #tpu.memory_space<hbm>>, %arg7: memref<327680x128xf32, #tpu.memory_space<hbm>>, %arg8: memref<80x128xi32, #tpu.memory_space<vmem>>, %arg9: memref<80x128xi32, #tpu.memory_space<vmem>>, %arg10: memref<128x128xf32, #tpu.memory_space<vmem>>, %arg11: memref<128x128xf32, #tpu.memory_space<vmem>>, %arg12: memref<128x128xf32, #tpu.memory_space<vmem>>, %arg13: memref<128x128xf32, #tpu.memory_space<vmem>>, %arg14: memref<!tpu.dma_semaphore, #tpu.memory_space<semaphore_mem>>, %arg15: memref<!tpu.dma_semaphore, #tpu.memory_space<semaphore_mem>>, %arg16: memref<!tpu.dma_semaphore, #tpu.memory_space<semaphore_mem>>, %arg17: memref<!tpu.dma_semaphore, #tpu.memory_space<semaphore_mem>>) attributes {dimension_semantics = [#tpu.dimension_semantics<core_parallel>, #tpu.dimension_semantics<subcore_parallel>], iteration_bounds = array<i64: 2, 16>, scalar_prefetch = 0 : i64, scratch_operands = 10 : i64, tpu.core_type = #tpu.core_type<sc_vector_subcore>, window_params = [{transform_indices = #map}, {transform_indices = #map}, {transform_indices = #map}, {transform_indices = #map}, {transform_indices = #map}, {transform_indices = #map}]} {
    %mul3A = arith.constant 2 : i32
    %mul3A_0 = arith.muli %arg1, %mul3A : i32
    %add3A = arith.addi %mul3A_0, %arg0 : i32
    %mul3A_1 = arith.constant 80 : i32
    %mul3A_2 = arith.muli %add3A, %mul3A_1 : i32
    "tpu.region"() ({
      %run_scoped3A = tpu.sem_alloc : memref<!tpu.dma_semaphore, #tpu.memory_space<semaphore_mem>>
      %dma_start3A_32 = arith.constant 0 : i32
      %dma_start3A_33 = tpu.memref_slice %arg4[%mul3A_2, %dma_start3A_32] : memref<2560x128xi32, #tpu.memory_space<hbm>> -> memref<80x128xi32, #tpu.memory_space<hbm>>
      %dma_start3A_34 = arith.constant 0 : i32
      %dma_start3A_35 = tpu.memref_slice %arg4[%mul3A_2, %dma_start3A_34] : memref<2560x128xi32, #tpu.memory_space<hbm>> -> memref<80x128xi32, #tpu.memory_space<hbm>>
      tpu.enqueue_dma source(%dma_start3A_35 : memref<80x128xi32, #tpu.memory_space<hbm>>) target(%arg8 : memref<80x128xi32, #tpu.memory_space<vmem>>) target_semaphore(%run_scoped3A : memref<!tpu.dma_semaphore, #tpu.memory_space<semaphore_mem>>)
      %dma_wait3A_36 = arith.constant 0 : i32
      %dma_wait3A_37 = tpu.memref_slice %arg4[%mul3A_2, %dma_wait3A_36] : memref<2560x128xi32, #tpu.memory_space<hbm>> -> memref<80x128xi32, #tpu.memory_space<hbm>>
      %dma_wait3A_38 = arith.constant 0 : i32
      %dma_wait3A_39 = tpu.memref_slice %arg4[%mul3A_2, %dma_wait3A_38] : memref<2560x128xi32, #tpu.memory_space<hbm>> -> memref<80x128xi32, #tpu.memory_space<hbm>>
      tpu.wait_dma2 semaphore(%run_scoped3A : memref<!tpu.dma_semaphore, #tpu.memory_space<semaphore_mem>>) src(%dma_wait3A_39 : memref<80x128xi32, #tpu.memory_space<hbm>>) dst(%arg8 : memref<80x128xi32, #tpu.memory_space<vmem>>)
      tpu.yield
    }) : () -> ()
    "tpu.region"() ({
      %run_scoped3A = tpu.sem_alloc : memref<!tpu.dma_semaphore, #tpu.memory_space<semaphore_mem>>
      %dma_start3A_32 = arith.constant 0 : i32
      %dma_start3A_33 = tpu.memref_slice %arg5[%mul3A_2, %dma_start3A_32] : memref<2560x128xi32, #tpu.memory_space<hbm>> -> memref<80x128xi32, #tpu.memory_space<hbm>>
      %dma_start3A_34 = arith.constant 0 : i32
      %dma_start3A_35 = tpu.memref_slice %arg5[%mul3A_2, %dma_start3A_34] : memref<2560x128xi32, #tpu.memory_space<hbm>> -> memref<80x128xi32, #tpu.memory_space<hbm>>
      tpu.enqueue_dma source(%dma_start3A_35 : memref<80x128xi32, #tpu.memory_space<hbm>>) target(%arg9 : memref<80x128xi32, #tpu.memory_space<vmem>>) target_semaphore(%run_scoped3A : memref<!tpu.dma_semaphore, #tpu.memory_space<semaphore_mem>>)
      %dma_wait3A_36 = arith.constant 0 : i32
      %dma_wait3A_37 = tpu.memref_slice %arg5[%mul3A_2, %dma_wait3A_36] : memref<2560x128xi32, #tpu.memory_space<hbm>> -> memref<80x128xi32, #tpu.memory_space<hbm>>
      %dma_wait3A_38 = arith.constant 0 : i32
      %dma_wait3A_39 = tpu.memref_slice %arg5[%mul3A_2, %dma_wait3A_38] : memref<2560x128xi32, #tpu.memory_space<hbm>> -> memref<80x128xi32, #tpu.memory_space<hbm>>
      tpu.wait_dma2 semaphore(%run_scoped3A : memref<!tpu.dma_semaphore, #tpu.memory_space<semaphore_mem>>) src(%dma_wait3A_39 : memref<80x128xi32, #tpu.memory_space<hbm>>) dst(%arg9 : memref<80x128xi32, #tpu.memory_space<vmem>>)
      tpu.yield
    }) : () -> ()
    %dma_start3A = arith.constant 0 : i32
    %dma_start3A_3 = arith.constant 0 : i32
    %dma_start3A_4 = tpu.memref_slice %arg8[%dma_start3A, %dma_start3A_3] : memref<80x128xi32, #tpu.memory_space<vmem>> -> memref<1x128xi32, #tpu.memory_space<vmem>>
    %dma_start3A_5 = tpu.memref_squeeze %dma_start3A_4 : memref<1x128xi32, #tpu.memory_space<vmem>> -> memref<128xi32, #tpu.memory_space<vmem>>
    %dma_start3A_6 = arith.constant 0 : i32
    %dma_start3A_7 = arith.constant 0 : i32
    %dma_start3A_8 = tpu.memref_slice %arg2[%dma_start3A_6, %dma_start3A_7] : memref<10000x128xf32, #tpu.memory_space<hbm>> -> memref<10000x128xf32, #tpu.memory_space<hbm>>
    tpu.enqueue_indirect_dma source(%dma_start3A_8 : memref<10000x128xf32, #tpu.memory_space<hbm>>) target(%arg10 : memref<128x128xf32, #tpu.memory_space<vmem>>) offsets(%dma_start3A_5 : memref<128xi32, #tpu.memory_space<vmem>>) semaphore(%arg14 : memref<!tpu.dma_semaphore, #tpu.memory_space<semaphore_mem>>)
    %dma_start3A_9 = arith.constant 0 : i32
    %dma_start3A_10 = arith.constant 0 : i32
    %dma_start3A_11 = tpu.memref_slice %arg9[%dma_start3A_9, %dma_start3A_10] : memref<80x128xi32, #tpu.memory_space<vmem>> -> memref<1x128xi32, #tpu.memory_space<vmem>>
    %dma_start3A_12 = tpu.memref_squeeze %dma_start3A_11 : memref<1x128xi32, #tpu.memory_space<vmem>> -> memref<128xi32, #tpu.memory_space<vmem>>
    %dma_start3A_13 = arith.constant 0 : i32
    %dma_start3A_14 = arith.constant 0 : i32
    %dma_start3A_15 = tpu.memref_slice %arg3[%dma_start3A_13, %dma_start3A_14] : memref<10000x128xf32, #tpu.memory_space<hbm>> -> memref<10000x128xf32, #tpu.memory_space<hbm>>
    tpu.enqueue_indirect_dma source(%dma_start3A_15 : memref<10000x128xf32, #tpu.memory_space<hbm>>) target(%arg11 : memref<128x128xf32, #tpu.memory_space<vmem>>) offsets(%dma_start3A_12 : memref<128xi32, #tpu.memory_space<vmem>>) semaphore(%arg14 : memref<!tpu.dma_semaphore, #tpu.memory_space<semaphore_mem>>)
    %scan3A = arith.constant 0 : i32
    %scan3A_16 = arith.constant 0 : i32
    %scan3A_17 = arith.constant 40 : i32
    %scan3A_18 = arith.addi %scan3A_16, %scan3A_17 : i32
    %scan3A_19 = arith.constant 1 : i32
    scf.for %scan3A_32 = %scan3A_16 to %scan3A_18 step %scan3A_19  : i32 {
      %mul3A_33 = arith.constant 2 : i32
      %mul3A_34 = arith.muli %mul3A_33, %scan3A_32 : i32
      %add3A_35 = arith.constant 1 : i32
      %add3A_36 = arith.addi %mul3A_34, %add3A_35 : i32
      %gt3A = arith.constant 0 : i32
      %gt3A_37 = arith.cmpi sgt, %scan3A_32, %gt3A : i32
      %convert_element_type3A = arith.extui %gt3A_37 : i1 to i32
      %cond3A = arith.constant 0 : i32
      %cond3A_38 = arith.cmpi ne, %convert_element_type3A, %cond3A : i32
      scf.if %cond3A_38 {
        %dma_wait3A_123 = arith.constant 0 : i32
        %dma_wait3A_124 = arith.constant 0 : i32
        %dma_wait3A_125 = tpu.memref_slice %arg6[%dma_wait3A_123, %dma_wait3A_124] : memref<327680x128xf32, #tpu.memory_space<hbm>> -> memref<128x128xf32, #tpu.memory_space<hbm>>
        %dma_wait3A_126 = arith.constant 0 : i32
        %dma_wait3A_127 = arith.constant 0 : i32
        %dma_wait3A_128 = tpu.memref_slice %arg6[%dma_wait3A_126, %dma_wait3A_127] : memref<327680x128xf32, #tpu.memory_space<hbm>> -> memref<128x128xf32, #tpu.memory_space<hbm>>
        tpu.wait_dma2 semaphore(%arg17 : memref<!tpu.dma_semaphore, #tpu.memory_space<semaphore_mem>>) src(%arg12 : memref<128x128xf32, #tpu.memory_space<vmem>>) dst(%dma_wait3A_128 : memref<128x128xf32, #tpu.memory_space<hbm>>)
        %dma_wait3A_129 = arith.constant 0 : i32
        %dma_wait3A_130 = arith.constant 0 : i32
        %dma_wait3A_131 = tpu.memref_slice %arg7[%dma_wait3A_129, %dma_wait3A_130] : memref<327680x128xf32, #tpu.memory_space<hbm>> -> memref<128x128xf32, #tpu.memory_space<hbm>>
        %dma_wait3A_132 = arith.constant 0 : i32
        %dma_wait3A_133 = arith.constant 0 : i32
        %dma_wait3A_134 = tpu.memref_slice %arg7[%dma_wait3A_132, %dma_wait3A_133] : memref<327680x128xf32, #tpu.memory_space<hbm>> -> memref<128x128xf32, #tpu.memory_space<hbm>>
        tpu.wait_dma2 semaphore(%arg17 : memref<!tpu.dma_semaphore, #tpu.memory_space<semaphore_mem>>) src(%arg13 : memref<128x128xf32, #tpu.memory_space<vmem>>) dst(%dma_wait3A_134 : memref<128x128xf32, #tpu.memory_space<hbm>>)
      } else {
      }
      %dma_start3A_39 = arith.constant 0 : i32
      %dma_start3A_40 = tpu.memref_slice %arg8[%add3A_36, %dma_start3A_39] : memref<80x128xi32, #tpu.memory_space<vmem>> -> memref<1x128xi32, #tpu.memory_space<vmem>>
      %dma_start3A_41 = tpu.memref_squeeze %dma_start3A_40 : memref<1x128xi32, #tpu.memory_space<vmem>> -> memref<128xi32, #tpu.memory_space<vmem>>
      %dma_start3A_42 = arith.constant 0 : i32
      %dma_start3A_43 = arith.constant 0 : i32
      %dma_start3A_44 = tpu.memref_slice %arg2[%dma_start3A_42, %dma_start3A_43] : memref<10000x128xf32, #tpu.memory_space<hbm>> -> memref<10000x128xf32, #tpu.memory_space<hbm>>
      tpu.enqueue_indirect_dma source(%dma_start3A_44 : memref<10000x128xf32, #tpu.memory_space<hbm>>) target(%arg12 : memref<128x128xf32, #tpu.memory_space<vmem>>) offsets(%dma_start3A_41 : memref<128xi32, #tpu.memory_space<vmem>>) semaphore(%arg15 : memref<!tpu.dma_semaphore, #tpu.memory_space<semaphore_mem>>)
      %dma_start3A_45 = arith.constant 0 : i32
      %dma_start3A_46 = tpu.memref_slice %arg9[%add3A_36, %dma_start3A_45] : memref<80x128xi32, #tpu.memory_space<vmem>> -> memref<1x128xi32, #tpu.memory_space<vmem>>
      %dma_start3A_47 = tpu.memref_squeeze %dma_start3A_46 : memref<1x128xi32, #tpu.memory_space<vmem>> -> memref<128xi32, #tpu.memory_space<vmem>>
      %dma_start3A_48 = arith.constant 0 : i32
      %dma_start3A_49 = arith.constant 0 : i32
      %dma_start3A_50 = tpu.memref_slice %arg3[%dma_start3A_48, %dma_start3A_49] : memref<10000x128xf32, #tpu.memory_space<hbm>> -> memref<10000x128xf32, #tpu.memory_space<hbm>>
      tpu.enqueue_indirect_dma source(%dma_start3A_50 : memref<10000x128xf32, #tpu.memory_space<hbm>>) target(%arg13 : memref<128x128xf32, #tpu.memory_space<vmem>>) offsets(%dma_start3A_47 : memref<128xi32, #tpu.memory_space<vmem>>) semaphore(%arg15 : memref<!tpu.dma_semaphore, #tpu.memory_space<semaphore_mem>>)
      %dma_wait3A_51 = arith.constant 0 : i32
      %dma_wait3A_52 = arith.constant 0 : i32
      %dma_wait3A_53 = tpu.memref_slice %arg8[%dma_wait3A_51, %dma_wait3A_52] : memref<80x128xi32, #tpu.memory_space<vmem>> -> memref<1x128xi32, #tpu.memory_space<vmem>>
      %dma_wait3A_54 = tpu.memref_squeeze %dma_wait3A_53 : memref<1x128xi32, #tpu.memory_space<vmem>> -> memref<128xi32, #tpu.memory_space<vmem>>
      %dma_wait3A_55 = arith.constant 0 : i32
      %dma_wait3A_56 = arith.constant 0 : i32
      %dma_wait3A_57 = tpu.memref_slice %arg2[%dma_wait3A_55, %dma_wait3A_56] : memref<10000x128xf32, #tpu.memory_space<hbm>> -> memref<10000x128xf32, #tpu.memory_space<hbm>>
      tpu.wait_indirect_dma semaphore(%arg14 : memref<!tpu.dma_semaphore, #tpu.memory_space<semaphore_mem>>) src(%dma_wait3A_57 : memref<10000x128xf32, #tpu.memory_space<hbm>>) dst(%arg10 : memref<128x128xf32, #tpu.memory_space<vmem>>)
      %dma_wait3A_58 = arith.constant 0 : i32
      %dma_wait3A_59 = arith.constant 0 : i32
      %dma_wait3A_60 = tpu.memref_slice %arg9[%dma_wait3A_58, %dma_wait3A_59] : memref<80x128xi32, #tpu.memory_space<vmem>> -> memref<1x128xi32, #tpu.memory_space<vmem>>
      %dma_wait3A_61 = tpu.memref_squeeze %dma_wait3A_60 : memref<1x128xi32, #tpu.memory_space<vmem>> -> memref<128xi32, #tpu.memory_space<vmem>>
      %dma_wait3A_62 = arith.constant 0 : i32
      %dma_wait3A_63 = arith.constant 0 : i32
      %dma_wait3A_64 = tpu.memref_slice %arg3[%dma_wait3A_62, %dma_wait3A_63] : memref<10000x128xf32, #tpu.memory_space<hbm>> -> memref<10000x128xf32, #tpu.memory_space<hbm>>
      tpu.wait_indirect_dma semaphore(%arg14 : memref<!tpu.dma_semaphore, #tpu.memory_space<semaphore_mem>>) src(%dma_wait3A_64 : memref<10000x128xf32, #tpu.memory_space<hbm>>) dst(%arg11 : memref<128x128xf32, #tpu.memory_space<vmem>>)
      %add3A_65 = arith.addi %mul3A_2, %mul3A_34 : i32
      %mul3A_66 = arith.constant 128 : i32
      %mul3A_67 = arith.muli %add3A_65, %mul3A_66 : i32
      %dma_start3A_68 = arith.constant 0 : i32
      %dma_start3A_69 = tpu.memref_slice %arg6[%mul3A_67, %dma_start3A_68] : memref<327680x128xf32, #tpu.memory_space<hbm>> -> memref<128x128xf32, #tpu.memory_space<hbm>>
      %dma_start3A_70 = arith.constant 0 : i32
      %dma_start3A_71 = tpu.memref_slice %arg6[%mul3A_67, %dma_start3A_70] : memref<327680x128xf32, #tpu.memory_space<hbm>> -> memref<128x128xf32, #tpu.memory_space<hbm>>
      tpu.enqueue_dma source(%arg10 : memref<128x128xf32, #tpu.memory_space<vmem>>) target(%dma_start3A_71 : memref<128x128xf32, #tpu.memory_space<hbm>>) target_semaphore(%arg16 : memref<!tpu.dma_semaphore, #tpu.memory_space<semaphore_mem>>)
      %add3A_72 = arith.addi %mul3A_2, %mul3A_34 : i32
      %mul3A_73 = arith.constant 128 : i32
      %mul3A_74 = arith.muli %add3A_72, %mul3A_73 : i32
      %dma_start3A_75 = arith.constant 0 : i32
      %dma_start3A_76 = tpu.memref_slice %arg7[%mul3A_74, %dma_start3A_75] : memref<327680x128xf32, #tpu.memory_space<hbm>> -> memref<128x128xf32, #tpu.memory_space<hbm>>
      %dma_start3A_77 = arith.constant 0 : i32
      %dma_start3A_78 = tpu.memref_slice %arg7[%mul3A_74, %dma_start3A_77] : memref<327680x128xf32, #tpu.memory_space<hbm>> -> memref<128x128xf32, #tpu.memory_space<hbm>>
      tpu.enqueue_dma source(%arg11 : memref<128x128xf32, #tpu.memory_space<vmem>>) target(%dma_start3A_78 : memref<128x128xf32, #tpu.memory_space<hbm>>) target_semaphore(%arg16 : memref<!tpu.dma_semaphore, #tpu.memory_space<semaphore_mem>>)
      %dma_wait3A_79 = arith.constant 0 : i32
      %dma_wait3A_80 = arith.constant 0 : i32
      %dma_wait3A_81 = tpu.memref_slice %arg8[%dma_wait3A_79, %dma_wait3A_80] : memref<80x128xi32, #tpu.memory_space<vmem>> -> memref<1x128xi32, #tpu.memory_space<vmem>>
      %dma_wait3A_82 = tpu.memref_squeeze %dma_wait3A_81 : memref<1x128xi32, #tpu.memory_space<vmem>> -> memref<128xi32, #tpu.memory_space<vmem>>
      %dma_wait3A_83 = arith.constant 0 : i32
      %dma_wait3A_84 = arith.constant 0 : i32
      %dma_wait3A_85 = tpu.memref_slice %arg2[%dma_wait3A_83, %dma_wait3A_84] : memref<10000x128xf32, #tpu.memory_space<hbm>> -> memref<10000x128xf32, #tpu.memory_space<hbm>>
      tpu.wait_indirect_dma semaphore(%arg15 : memref<!tpu.dma_semaphore, #tpu.memory_space<semaphore_mem>>) src(%dma_wait3A_85 : memref<10000x128xf32, #tpu.memory_space<hbm>>) dst(%arg12 : memref<128x128xf32, #tpu.memory_space<vmem>>)
      %dma_wait3A_86 = arith.constant 0 : i32
      %dma_wait3A_87 = arith.constant 0 : i32
      %dma_wait3A_88 = tpu.memref_slice %arg9[%dma_wait3A_86, %dma_wait3A_87] : memref<80x128xi32, #tpu.memory_space<vmem>> -> memref<1x128xi32, #tpu.memory_space<vmem>>
      %dma_wait3A_89 = tpu.memref_squeeze %dma_wait3A_88 : memref<1x128xi32, #tpu.memory_space<vmem>> -> memref<128xi32, #tpu.memory_space<vmem>>
      %dma_wait3A_90 = arith.constant 0 : i32
      %dma_wait3A_91 = arith.constant 0 : i32
      %dma_wait3A_92 = tpu.memref_slice %arg3[%dma_wait3A_90, %dma_wait3A_91] : memref<10000x128xf32, #tpu.memory_space<hbm>> -> memref<10000x128xf32, #tpu.memory_space<hbm>>
      tpu.wait_indirect_dma semaphore(%arg15 : memref<!tpu.dma_semaphore, #tpu.memory_space<semaphore_mem>>) src(%dma_wait3A_92 : memref<10000x128xf32, #tpu.memory_space<hbm>>) dst(%arg13 : memref<128x128xf32, #tpu.memory_space<vmem>>)
      %add3A_93 = arith.addi %mul3A_2, %add3A_36 : i32
      %mul3A_94 = arith.constant 128 : i32
      %mul3A_95 = arith.muli %add3A_93, %mul3A_94 : i32
      %dma_start3A_96 = arith.constant 0 : i32
      %dma_start3A_97 = tpu.memref_slice %arg6[%mul3A_95, %dma_start3A_96] : memref<327680x128xf32, #tpu.memory_space<hbm>> -> memref<128x128xf32, #tpu.memory_space<hbm>>
      %dma_start3A_98 = arith.constant 0 : i32
      %dma_start3A_99 = tpu.memref_slice %arg6[%mul3A_95, %dma_start3A_98] : memref<327680x128xf32, #tpu.memory_space<hbm>> -> memref<128x128xf32, #tpu.memory_space<hbm>>
      tpu.enqueue_dma source(%arg12 : memref<128x128xf32, #tpu.memory_space<vmem>>) target(%dma_start3A_99 : memref<128x128xf32, #tpu.memory_space<hbm>>) target_semaphore(%arg17 : memref<!tpu.dma_semaphore, #tpu.memory_space<semaphore_mem>>)
      %add3A_100 = arith.addi %mul3A_2, %add3A_36 : i32
      %mul3A_101 = arith.constant 128 : i32
      %mul3A_102 = arith.muli %add3A_100, %mul3A_101 : i32
      %dma_start3A_103 = arith.constant 0 : i32
      %dma_start3A_104 = tpu.memref_slice %arg7[%mul3A_102, %dma_start3A_103] : memref<327680x128xf32, #tpu.memory_space<hbm>> -> memref<128x128xf32, #tpu.memory_space<hbm>>
      %dma_start3A_105 = arith.constant 0 : i32
      %dma_start3A_106 = tpu.memref_slice %arg7[%mul3A_102, %dma_start3A_105] : memref<327680x128xf32, #tpu.memory_space<hbm>> -> memref<128x128xf32, #tpu.memory_space<hbm>>
      tpu.enqueue_dma source(%arg13 : memref<128x128xf32, #tpu.memory_space<vmem>>) target(%dma_start3A_106 : memref<128x128xf32, #tpu.memory_space<hbm>>) target_semaphore(%arg17 : memref<!tpu.dma_semaphore, #tpu.memory_space<semaphore_mem>>)
      %dma_wait3A_107 = arith.constant 0 : i32
      %dma_wait3A_108 = arith.constant 0 : i32
      %dma_wait3A_109 = tpu.memref_slice %arg6[%dma_wait3A_107, %dma_wait3A_108] : memref<327680x128xf32, #tpu.memory_space<hbm>> -> memref<128x128xf32, #tpu.memory_space<hbm>>
      %dma_wait3A_110 = arith.constant 0 : i32
      %dma_wait3A_111 = arith.constant 0 : i32
      %dma_wait3A_112 = tpu.memref_slice %arg6[%dma_wait3A_110, %dma_wait3A_111] : memref<327680x128xf32, #tpu.memory_space<hbm>> -> memref<128x128xf32, #tpu.memory_space<hbm>>
      tpu.wait_dma2 semaphore(%arg16 : memref<!tpu.dma_semaphore, #tpu.memory_space<semaphore_mem>>) src(%arg10 : memref<128x128xf32, #tpu.memory_space<vmem>>) dst(%dma_wait3A_112 : memref<128x128xf32, #tpu.memory_space<hbm>>)
      %dma_wait3A_113 = arith.constant 0 : i32
      %dma_wait3A_114 = arith.constant 0 : i32
      %dma_wait3A_115 = tpu.memref_slice %arg7[%dma_wait3A_113, %dma_wait3A_114] : memref<327680x128xf32, #tpu.memory_space<hbm>> -> memref<128x128xf32, #tpu.memory_space<hbm>>
      %dma_wait3A_116 = arith.constant 0 : i32
      %dma_wait3A_117 = arith.constant 0 : i32
      %dma_wait3A_118 = tpu.memref_slice %arg7[%dma_wait3A_116, %dma_wait3A_117] : memref<327680x128xf32, #tpu.memory_space<hbm>> -> memref<128x128xf32, #tpu.memory_space<hbm>>
      tpu.wait_dma2 semaphore(%arg16 : memref<!tpu.dma_semaphore, #tpu.memory_space<semaphore_mem>>) src(%arg11 : memref<128x128xf32, #tpu.memory_space<vmem>>) dst(%dma_wait3A_118 : memref<128x128xf32, #tpu.memory_space<hbm>>)
      %lt3A = arith.constant 39 : i32
      %lt3A_119 = arith.cmpi slt, %scan3A_32, %lt3A : i32
      %convert_element_type3A_120 = arith.extui %lt3A_119 : i1 to i32
      %cond3A_121 = arith.constant 0 : i32
      %cond3A_122 = arith.cmpi ne, %convert_element_type3A_120, %cond3A_121 : i32
      scf.if %cond3A_122 {
        %add3A_123 = arith.constant 2 : i32
        %add3A_124 = arith.addi %mul3A_34, %add3A_123 : i32
        %dma_start3A_125 = arith.constant 0 : i32
        %dma_start3A_126 = tpu.memref_slice %arg8[%add3A_124, %dma_start3A_125] : memref<80x128xi32, #tpu.memory_space<vmem>> -> memref<1x128xi32, #tpu.memory_space<vmem>>
        %dma_start3A_127 = tpu.memref_squeeze %dma_start3A_126 : memref<1x128xi32, #tpu.memory_space<vmem>> -> memref<128xi32, #tpu.memory_space<vmem>>
        %dma_start3A_128 = arith.constant 0 : i32
        %dma_start3A_129 = arith.constant 0 : i32
        %dma_start3A_130 = tpu.memref_slice %arg2[%dma_start3A_128, %dma_start3A_129] : memref<10000x128xf32, #tpu.memory_space<hbm>> -> memref<10000x128xf32, #tpu.memory_space<hbm>>
        tpu.enqueue_indirect_dma source(%dma_start3A_130 : memref<10000x128xf32, #tpu.memory_space<hbm>>) target(%arg10 : memref<128x128xf32, #tpu.memory_space<vmem>>) offsets(%dma_start3A_127 : memref<128xi32, #tpu.memory_space<vmem>>) semaphore(%arg14 : memref<!tpu.dma_semaphore, #tpu.memory_space<semaphore_mem>>)
        %dma_start3A_131 = arith.constant 0 : i32
        %dma_start3A_132 = tpu.memref_slice %arg9[%add3A_124, %dma_start3A_131] : memref<80x128xi32, #tpu.memory_space<vmem>> -> memref<1x128xi32, #tpu.memory_space<vmem>>
        %dma_start3A_133 = tpu.memref_squeeze %dma_start3A_132 : memref<1x128xi32, #tpu.memory_space<vmem>> -> memref<128xi32, #tpu.memory_space<vmem>>
        %dma_start3A_134 = arith.constant 0 : i32
        %dma_start3A_135 = arith.constant 0 : i32
        %dma_start3A_136 = tpu.memref_slice %arg3[%dma_start3A_134, %dma_start3A_135] : memref<10000x128xf32, #tpu.memory_space<hbm>> -> memref<10000x128xf32, #tpu.memory_space<hbm>>
        tpu.enqueue_indirect_dma source(%dma_start3A_136 : memref<10000x128xf32, #tpu.memory_space<hbm>>) target(%arg11 : memref<128x128xf32, #tpu.memory_space<vmem>>) offsets(%dma_start3A_133 : memref<128xi32, #tpu.memory_space<vmem>>) semaphore(%arg14 : memref<!tpu.dma_semaphore, #tpu.memory_space<semaphore_mem>>)
      } else {
      }
    }
    %scan3A_20 = arith.constant 40 : i32
    %dma_wait3A = arith.constant 0 : i32
    %dma_wait3A_21 = arith.constant 0 : i32
    %dma_wait3A_22 = tpu.memref_slice %arg6[%dma_wait3A, %dma_wait3A_21] : memref<327680x128xf32, #tpu.memory_space<hbm>> -> memref<128x128xf32, #tpu.memory_space<hbm>>
    %dma_wait3A_23 = arith.constant 0 : i32
    %dma_wait3A_24 = arith.constant 0 : i32
    %dma_wait3A_25 = tpu.memref_slice %arg6[%dma_wait3A_23, %dma_wait3A_24] : memref<327680x128xf32, #tpu.memory_space<hbm>> -> memref<128x128xf32, #tpu.memory_space<hbm>>
    tpu.wait_dma2 semaphore(%arg17 : memref<!tpu.dma_semaphore, #tpu.memory_space<semaphore_mem>>) src(%arg12 : memref<128x128xf32, #tpu.memory_space<vmem>>) dst(%dma_wait3A_25 : memref<128x128xf32, #tpu.memory_space<hbm>>)
    %dma_wait3A_26 = arith.constant 0 : i32
    %dma_wait3A_27 = arith.constant 0 : i32
    %dma_wait3A_28 = tpu.memref_slice %arg7[%dma_wait3A_26, %dma_wait3A_27] : memref<327680x128xf32, #tpu.memory_space<hbm>> -> memref<128x128xf32, #tpu.memory_space<hbm>>
    %dma_wait3A_29 = arith.constant 0 : i32
    %dma_wait3A_30 = arith.constant 0 : i32
    %dma_wait3A_31 = tpu.memref_slice %arg7[%dma_wait3A_29, %dma_wait3A_30] : memref<327680x128xf32, #tpu.memory_space<hbm>> -> memref<128x128xf32, #tpu.memory_space<hbm>>
    tpu.wait_dma2 semaphore(%arg17 : memref<!tpu.dma_semaphore, #tpu.memory_space<semaphore_mem>>) src(%arg13 : memref<128x128xf32, #tpu.memory_space<vmem>>) dst(%dma_wait3A_31 : memref<128x128xf32, #tpu.memory_space<hbm>>)
    return
  }
}

#map = affine_map<(d0, d1) -> (0, 0)>
module attributes {stable_mosaic.version = 14 : i64} {
  func.func @_gather_body(%arg0: i32, %arg1: i32, %arg2: memref<10000x128xf32, #tpu.memory_space<hbm>>, %arg3: memref<10000x128xf32, #tpu.memory_space<hbm>>, %arg4: memref<2560x128xi32, #tpu.memory_space<hbm>>, %arg5: memref<2560x128xi32, #tpu.memory_space<hbm>>, %arg6: memref<327680x128xf32, #tpu.memory_space<hbm>>, %arg7: memref<327680x128xf32, #tpu.memory_space<hbm>>, %arg8: memref<80x128xi32, #tpu.memory_space<vmem>>, %arg9: memref<80x128xi32, #tpu.memory_space<vmem>>, %arg10: memref<128x128xf32, #tpu.memory_space<vmem>>, %arg11: memref<128x128xf32, #tpu.memory_space<vmem>>, %arg12: memref<128x128xf32, #tpu.memory_space<vmem>>, %arg13: memref<128x128xf32, #tpu.memory_space<vmem>>, %arg14: memref<!tpu.dma_semaphore, #tpu.memory_space<semaphore_mem>>, %arg15: memref<!tpu.dma_semaphore, #tpu.memory_space<semaphore_mem>>, %arg16: memref<!tpu.dma_semaphore, #tpu.memory_space<semaphore_mem>>, %arg17: memref<!tpu.dma_semaphore, #tpu.memory_space<semaphore_mem>>) attributes {dimension_semantics = [#tpu.dimension_semantics<core_parallel>, #tpu.dimension_semantics<subcore_parallel>], iteration_bounds = array<i64: 2, 16>, scalar_prefetch = 0 : i64, scratch_operands = 10 : i64, tpu.core_type = #tpu.core_type<sc_vector_subcore>, window_params = [{transform_indices = #map}, {transform_indices = #map}, {transform_indices = #map}, {transform_indices = #map}, {transform_indices = #map}, {transform_indices = #map}]} {
    %mul3A = arith.constant 2 : i32
    %mul3A_0 = arith.muli %arg1, %mul3A : i32
    %add3A = arith.addi %mul3A_0, %arg0 : i32
    %mul3A_1 = arith.constant 80 : i32
    %mul3A_2 = arith.muli %add3A, %mul3A_1 : i32
    "tpu.region"() ({
      %run_scoped3A = tpu.sem_alloc : memref<!tpu.dma_semaphore, #tpu.memory_space<semaphore_mem>>
      %dma_start3A_32 = arith.constant 0 : i32
      %dma_start3A_33 = tpu.memref_slice %arg4[%mul3A_2, %dma_start3A_32] : memref<2560x128xi32, #tpu.memory_space<hbm>> -> memref<80x128xi32, #tpu.memory_space<hbm>>
      %dma_start3A_34 = arith.constant 0 : i32
      %dma_start3A_35 = tpu.memref_slice %arg4[%mul3A_2, %dma_start3A_34] : memref<2560x128xi32, #tpu.memory_space<hbm>> -> memref<80x128xi32, #tpu.memory_space<hbm>>
      tpu.enqueue_dma source(%dma_start3A_35 : memref<80x128xi32, #tpu.memory_space<hbm>>) target(%arg8 : memref<80x128xi32, #tpu.memory_space<vmem>>) target_semaphore(%run_scoped3A : memref<!tpu.dma_semaphore, #tpu.memory_space<semaphore_mem>>)
      %dma_wait3A_36 = arith.constant 0 : i32
      %dma_wait3A_37 = tpu.memref_slice %arg4[%mul3A_2, %dma_wait3A_36] : memref<2560x128xi32, #tpu.memory_space<hbm>> -> memref<80x128xi32, #tpu.memory_space<hbm>>
      %dma_wait3A_38 = arith.constant 0 : i32
      %dma_wait3A_39 = tpu.memref_slice %arg4[%mul3A_2, %dma_wait3A_38] : memref<2560x128xi32, #tpu.memory_space<hbm>> -> memref<80x128xi32, #tpu.memory_space<hbm>>
      tpu.wait_dma2 semaphore(%run_scoped3A : memref<!tpu.dma_semaphore, #tpu.memory_space<semaphore_mem>>) src(%dma_wait3A_39 : memref<80x128xi32, #tpu.memory_space<hbm>>) dst(%arg8 : memref<80x128xi32, #tpu.memory_space<vmem>>)
      tpu.yield
    }) : () -> ()
    "tpu.region"() ({
      %run_scoped3A = tpu.sem_alloc : memref<!tpu.dma_semaphore, #tpu.memory_space<semaphore_mem>>
      %dma_start3A_32 = arith.constant 0 : i32
      %dma_start3A_33 = tpu.memref_slice %arg5[%mul3A_2, %dma_start3A_32] : memref<2560x128xi32, #tpu.memory_space<hbm>> -> memref<80x128xi32, #tpu.memory_space<hbm>>
      %dma_start3A_34 = arith.constant 0 : i32
      %dma_start3A_35 = tpu.memref_slice %arg5[%mul3A_2, %dma_start3A_34] : memref<2560x128xi32, #tpu.memory_space<hbm>> -> memref<80x128xi32, #tpu.memory_space<hbm>>
      tpu.enqueue_dma source(%dma_start3A_35 : memref<80x128xi32, #tpu.memory_space<hbm>>) target(%arg9 : memref<80x128xi32, #tpu.memory_space<vmem>>) target_semaphore(%run_scoped3A : memref<!tpu.dma_semaphore, #tpu.memory_space<semaphore_mem>>)
      %dma_wait3A_36 = arith.constant 0 : i32
      %dma_wait3A_37 = tpu.memref_slice %arg5[%mul3A_2, %dma_wait3A_36] : memref<2560x128xi32, #tpu.memory_space<hbm>> -> memref<80x128xi32, #tpu.memory_space<hbm>>
      %dma_wait3A_38 = arith.constant 0 : i32
      %dma_wait3A_39 = tpu.memref_slice %arg5[%mul3A_2, %dma_wait3A_38] : memref<2560x128xi32, #tpu.memory_space<hbm>> -> memref<80x128xi32, #tpu.memory_space<hbm>>
      tpu.wait_dma2 semaphore(%run_scoped3A : memref<!tpu.dma_semaphore, #tpu.memory_space<semaphore_mem>>) src(%dma_wait3A_39 : memref<80x128xi32, #tpu.memory_space<hbm>>) dst(%arg9 : memref<80x128xi32, #tpu.memory_space<vmem>>)
      tpu.yield
    }) : () -> ()
    %dma_start3A = arith.constant 0 : i32
    %dma_start3A_3 = arith.constant 0 : i32
    %dma_start3A_4 = tpu.memref_slice %arg8[%dma_start3A, %dma_start3A_3] : memref<80x128xi32, #tpu.memory_space<vmem>> -> memref<1x128xi32, #tpu.memory_space<vmem>>
    %dma_start3A_5 = tpu.memref_squeeze %dma_start3A_4 : memref<1x128xi32, #tpu.memory_space<vmem>> -> memref<128xi32, #tpu.memory_space<vmem>>
    %dma_start3A_6 = arith.constant 0 : i32
    %dma_start3A_7 = arith.constant 0 : i32
    %dma_start3A_8 = tpu.memref_slice %arg2[%dma_start3A_6, %dma_start3A_7] : memref<10000x128xf32, #tpu.memory_space<hbm>> -> memref<10000x128xf32, #tpu.memory_space<hbm>>
    tpu.enqueue_indirect_dma source(%dma_start3A_8 : memref<10000x128xf32, #tpu.memory_space<hbm>>) target(%arg10 : memref<128x128xf32, #tpu.memory_space<vmem>>) offsets(%dma_start3A_5 : memref<128xi32, #tpu.memory_space<vmem>>) semaphore(%arg14 : memref<!tpu.dma_semaphore, #tpu.memory_space<semaphore_mem>>)
    %dma_start3A_9 = arith.constant 0 : i32
    %dma_start3A_10 = arith.constant 0 : i32
    %dma_start3A_11 = tpu.memref_slice %arg9[%dma_start3A_9, %dma_start3A_10] : memref<80x128xi32, #tpu.memory_space<vmem>> -> memref<1x128xi32, #tpu.memory_space<vmem>>
    %dma_start3A_12 = tpu.memref_squeeze %dma_start3A_11 : memref<1x128xi32, #tpu.memory_space<vmem>> -> memref<128xi32, #tpu.memory_space<vmem>>
    %dma_start3A_13 = arith.constant 0 : i32
    %dma_start3A_14 = arith.constant 0 : i32
    %dma_start3A_15 = tpu.memref_slice %arg3[%dma_start3A_13, %dma_start3A_14] : memref<10000x128xf32, #tpu.memory_space<hbm>> -> memref<10000x128xf32, #tpu.memory_space<hbm>>
    tpu.enqueue_indirect_dma source(%dma_start3A_15 : memref<10000x128xf32, #tpu.memory_space<hbm>>) target(%arg11 : memref<128x128xf32, #tpu.memory_space<vmem>>) offsets(%dma_start3A_12 : memref<128xi32, #tpu.memory_space<vmem>>) semaphore(%arg14 : memref<!tpu.dma_semaphore, #tpu.memory_space<semaphore_mem>>)
    %scan3A = arith.constant 0 : i32
    %scan3A_16 = arith.constant 0 : i32
    %scan3A_17 = arith.constant 40 : i32
    %scan3A_18 = arith.addi %scan3A_16, %scan3A_17 : i32
    %scan3A_19 = arith.constant 1 : i32
    scf.for %scan3A_32 = %scan3A_16 to %scan3A_18 step %scan3A_19  : i32 {
      %mul3A_33 = arith.constant 2 : i32
      %mul3A_34 = arith.muli %mul3A_33, %scan3A_32 : i32
      %add3A_35 = arith.constant 1 : i32
      %add3A_36 = arith.addi %mul3A_34, %add3A_35 : i32
      %gt3A = arith.constant 0 : i32
      %gt3A_37 = arith.cmpi sgt, %scan3A_32, %gt3A : i32
      %convert_element_type3A = arith.extui %gt3A_37 : i1 to i32
      %cond3A = arith.constant 0 : i32
      %cond3A_38 = arith.cmpi ne, %convert_element_type3A, %cond3A : i32
      scf.if %cond3A_38 {
        %dma_wait3A_123 = arith.constant 0 : i32
        %dma_wait3A_124 = arith.constant 0 : i32
        %dma_wait3A_125 = tpu.memref_slice %arg6[%dma_wait3A_123, %dma_wait3A_124] : memref<327680x128xf32, #tpu.memory_space<hbm>> -> memref<128x128xf32, #tpu.memory_space<hbm>>
        %dma_wait3A_126 = arith.constant 0 : i32
        %dma_wait3A_127 = arith.constant 0 : i32
        %dma_wait3A_128 = tpu.memref_slice %arg6[%dma_wait3A_126, %dma_wait3A_127] : memref<327680x128xf32, #tpu.memory_space<hbm>> -> memref<128x128xf32, #tpu.memory_space<hbm>>
        tpu.wait_dma2 semaphore(%arg17 : memref<!tpu.dma_semaphore, #tpu.memory_space<semaphore_mem>>) src(%arg12 : memref<128x128xf32, #tpu.memory_space<vmem>>) dst(%dma_wait3A_128 : memref<128x128xf32, #tpu.memory_space<hbm>>)
        %dma_wait3A_129 = arith.constant 0 : i32
        %dma_wait3A_130 = arith.constant 0 : i32
        %dma_wait3A_131 = tpu.memref_slice %arg7[%dma_wait3A_129, %dma_wait3A_130] : memref<327680x128xf32, #tpu.memory_space<hbm>> -> memref<128x128xf32, #tpu.memory_space<hbm>>
        %dma_wait3A_132 = arith.constant 0 : i32
        %dma_wait3A_133 = arith.constant 0 : i32
        %dma_wait3A_134 = tpu.memref_slice %arg7[%dma_wait3A_132, %dma_wait3A_133] : memref<327680x128xf32, #tpu.memory_space<hbm>> -> memref<128x128xf32, #tpu.memory_space<hbm>>
        tpu.wait_dma2 semaphore(%arg17 : memref<!tpu.dma_semaphore, #tpu.memory_space<semaphore_mem>>) src(%arg13 : memref<128x128xf32, #tpu.memory_space<vmem>>) dst(%dma_wait3A_134 : memref<128x128xf32, #tpu.memory_space<hbm>>)
      } else {
      }
      %dma_start3A_39 = arith.constant 0 : i32
      %dma_start3A_40 = tpu.memref_slice %arg8[%add3A_36, %dma_start3A_39] : memref<80x128xi32, #tpu.memory_space<vmem>> -> memref<1x128xi32, #tpu.memory_space<vmem>>
      %dma_start3A_41 = tpu.memref_squeeze %dma_start3A_40 : memref<1x128xi32, #tpu.memory_space<vmem>> -> memref<128xi32, #tpu.memory_space<vmem>>
      %dma_start3A_42 = arith.constant 0 : i32
      %dma_start3A_43 = arith.constant 0 : i32
      %dma_start3A_44 = tpu.memref_slice %arg2[%dma_start3A_42, %dma_start3A_43] : memref<10000x128xf32, #tpu.memory_space<hbm>> -> memref<10000x128xf32, #tpu.memory_space<hbm>>
      tpu.enqueue_indirect_dma source(%dma_start3A_44 : memref<10000x128xf32, #tpu.memory_space<hbm>>) target(%arg12 : memref<128x128xf32, #tpu.memory_space<vmem>>) offsets(%dma_start3A_41 : memref<128xi32, #tpu.memory_space<vmem>>) semaphore(%arg15 : memref<!tpu.dma_semaphore, #tpu.memory_space<semaphore_mem>>)
      %dma_start3A_45 = arith.constant 0 : i32
      %dma_start3A_46 = tpu.memref_slice %arg9[%add3A_36, %dma_start3A_45] : memref<80x128xi32, #tpu.memory_space<vmem>> -> memref<1x128xi32, #tpu.memory_space<vmem>>
      %dma_start3A_47 = tpu.memref_squeeze %dma_start3A_46 : memref<1x128xi32, #tpu.memory_space<vmem>> -> memref<128xi32, #tpu.memory_space<vmem>>
      %dma_start3A_48 = arith.constant 0 : i32
      %dma_start3A_49 = arith.constant 0 : i32
      %dma_start3A_50 = tpu.memref_slice %arg3[%dma_start3A_48, %dma_start3A_49] : memref<10000x128xf32, #tpu.memory_space<hbm>> -> memref<10000x128xf32, #tpu.memory_space<hbm>>
      tpu.enqueue_indirect_dma source(%dma_start3A_50 : memref<10000x128xf32, #tpu.memory_space<hbm>>) target(%arg13 : memref<128x128xf32, #tpu.memory_space<vmem>>) offsets(%dma_start3A_47 : memref<128xi32, #tpu.memory_space<vmem>>) semaphore(%arg15 : memref<!tpu.dma_semaphore, #tpu.memory_space<semaphore_mem>>)
      %dma_wait3A_51 = arith.constant 0 : i32
      %dma_wait3A_52 = arith.constant 0 : i32
      %dma_wait3A_53 = tpu.memref_slice %arg8[%dma_wait3A_51, %dma_wait3A_52] : memref<80x128xi32, #tpu.memory_space<vmem>> -> memref<1x128xi32, #tpu.memory_space<vmem>>
      %dma_wait3A_54 = tpu.memref_squeeze %dma_wait3A_53 : memref<1x128xi32, #tpu.memory_space<vmem>> -> memref<128xi32, #tpu.memory_space<vmem>>
      %dma_wait3A_55 = arith.constant 0 : i32
      %dma_wait3A_56 = arith.constant 0 : i32
      %dma_wait3A_57 = tpu.memref_slice %arg2[%dma_wait3A_55, %dma_wait3A_56] : memref<10000x128xf32, #tpu.memory_space<hbm>> -> memref<10000x128xf32, #tpu.memory_space<hbm>>
      tpu.wait_indirect_dma semaphore(%arg14 : memref<!tpu.dma_semaphore, #tpu.memory_space<semaphore_mem>>) src(%dma_wait3A_57 : memref<10000x128xf32, #tpu.memory_space<hbm>>) dst(%arg10 : memref<128x128xf32, #tpu.memory_space<vmem>>)
      %dma_wait3A_58 = arith.constant 0 : i32
      %dma_wait3A_59 = arith.constant 0 : i32
      %dma_wait3A_60 = tpu.memref_slice %arg9[%dma_wait3A_58, %dma_wait3A_59] : memref<80x128xi32, #tpu.memory_space<vmem>> -> memref<1x128xi32, #tpu.memory_space<vmem>>
      %dma_wait3A_61 = tpu.memref_squeeze %dma_wait3A_60 : memref<1x128xi32, #tpu.memory_space<vmem>> -> memref<128xi32, #tpu.memory_space<vmem>>
      %dma_wait3A_62 = arith.constant 0 : i32
      %dma_wait3A_63 = arith.constant 0 : i32
      %dma_wait3A_64 = tpu.memref_slice %arg3[%dma_wait3A_62, %dma_wait3A_63] : memref<10000x128xf32, #tpu.memory_space<hbm>> -> memref<10000x128xf32, #tpu.memory_space<hbm>>
      tpu.wait_indirect_dma semaphore(%arg14 : memref<!tpu.dma_semaphore, #tpu.memory_space<semaphore_mem>>) src(%dma_wait3A_64 : memref<10000x128xf32, #tpu.memory_space<hbm>>) dst(%arg11 : memref<128x128xf32, #tpu.memory_space<vmem>>)
      %add3A_65 = arith.addi %mul3A_2, %mul3A_34 : i32
      %mul3A_66 = arith.constant 128 : i32
      %mul3A_67 = arith.muli %add3A_65, %mul3A_66 : i32
      %dma_start3A_68 = arith.constant 0 : i32
      %dma_start3A_69 = tpu.memref_slice %arg6[%mul3A_67, %dma_start3A_68] : memref<327680x128xf32, #tpu.memory_space<hbm>> -> memref<128x128xf32, #tpu.memory_space<hbm>>
      %dma_start3A_70 = arith.constant 0 : i32
      %dma_start3A_71 = tpu.memref_slice %arg6[%mul3A_67, %dma_start3A_70] : memref<327680x128xf32, #tpu.memory_space<hbm>> -> memref<128x128xf32, #tpu.memory_space<hbm>>
      tpu.enqueue_dma source(%arg10 : memref<128x128xf32, #tpu.memory_space<vmem>>) target(%dma_start3A_71 : memref<128x128xf32, #tpu.memory_space<hbm>>) target_semaphore(%arg16 : memref<!tpu.dma_semaphore, #tpu.memory_space<semaphore_mem>>)
      %add3A_72 = arith.addi %mul3A_2, %mul3A_34 : i32
      %mul3A_73 = arith.constant 128 : i32
      %mul3A_74 = arith.muli %add3A_72, %mul3A_73 : i32
      %dma_start3A_75 = arith.constant 0 : i32
      %dma_start3A_76 = tpu.memref_slice %arg7[%mul3A_74, %dma_start3A_75] : memref<327680x128xf32, #tpu.memory_space<hbm>> -> memref<128x128xf32, #tpu.memory_space<hbm>>
      %dma_start3A_77 = arith.constant 0 : i32
      %dma_start3A_78 = tpu.memref_slice %arg7[%mul3A_74, %dma_start3A_77] : memref<327680x128xf32, #tpu.memory_space<hbm>> -> memref<128x128xf32, #tpu.memory_space<hbm>>
      tpu.enqueue_dma source(%arg11 : memref<128x128xf32, #tpu.memory_space<vmem>>) target(%dma_start3A_78 : memref<128x128xf32, #tpu.memory_space<hbm>>) target_semaphore(%arg16 : memref<!tpu.dma_semaphore, #tpu.memory_space<semaphore_mem>>)
      %dma_wait3A_79 = arith.constant 0 : i32
      %dma_wait3A_80 = arith.constant 0 : i32
      %dma_wait3A_81 = tpu.memref_slice %arg8[%dma_wait3A_79, %dma_wait3A_80] : memref<80x128xi32, #tpu.memory_space<vmem>> -> memref<1x128xi32, #tpu.memory_space<vmem>>
      %dma_wait3A_82 = tpu.memref_squeeze %dma_wait3A_81 : memref<1x128xi32, #tpu.memory_space<vmem>> -> memref<128xi32, #tpu.memory_space<vmem>>
      %dma_wait3A_83 = arith.constant 0 : i32
      %dma_wait3A_84 = arith.constant 0 : i32
      %dma_wait3A_85 = tpu.memref_slice %arg2[%dma_wait3A_83, %dma_wait3A_84] : memref<10000x128xf32, #tpu.memory_space<hbm>> -> memref<10000x128xf32, #tpu.memory_space<hbm>>
      tpu.wait_indirect_dma semaphore(%arg15 : memref<!tpu.dma_semaphore, #tpu.memory_space<semaphore_mem>>) src(%dma_wait3A_85 : memref<10000x128xf32, #tpu.memory_space<hbm>>) dst(%arg12 : memref<128x128xf32, #tpu.memory_space<vmem>>)
      %dma_wait3A_86 = arith.constant 0 : i32
      %dma_wait3A_87 = arith.constant 0 : i32
      %dma_wait3A_88 = tpu.memref_slice %arg9[%dma_wait3A_86, %dma_wait3A_87] : memref<80x128xi32, #tpu.memory_space<vmem>> -> memref<1x128xi32, #tpu.memory_space<vmem>>
      %dma_wait3A_89 = tpu.memref_squeeze %dma_wait3A_88 : memref<1x128xi32, #tpu.memory_space<vmem>> -> memref<128xi32, #tpu.memory_space<vmem>>
      %dma_wait3A_90 = arith.constant 0 : i32
      %dma_wait3A_91 = arith.constant 0 : i32
      %dma_wait3A_92 = tpu.memref_slice %arg3[%dma_wait3A_90, %dma_wait3A_91] : memref<10000x128xf32, #tpu.memory_space<hbm>> -> memref<10000x128xf32, #tpu.memory_space<hbm>>
      tpu.wait_indirect_dma semaphore(%arg15 : memref<!tpu.dma_semaphore, #tpu.memory_space<semaphore_mem>>) src(%dma_wait3A_92 : memref<10000x128xf32, #tpu.memory_space<hbm>>) dst(%arg13 : memref<128x128xf32, #tpu.memory_space<vmem>>)
      %add3A_93 = arith.addi %mul3A_2, %add3A_36 : i32
      %mul3A_94 = arith.constant 128 : i32
      %mul3A_95 = arith.muli %add3A_93, %mul3A_94 : i32
      %dma_start3A_96 = arith.constant 0 : i32
      %dma_start3A_97 = tpu.memref_slice %arg6[%mul3A_95, %dma_start3A_96] : memref<327680x128xf32, #tpu.memory_space<hbm>> -> memref<128x128xf32, #tpu.memory_space<hbm>>
      %dma_start3A_98 = arith.constant 0 : i32
      %dma_start3A_99 = tpu.memref_slice %arg6[%mul3A_95, %dma_start3A_98] : memref<327680x128xf32, #tpu.memory_space<hbm>> -> memref<128x128xf32, #tpu.memory_space<hbm>>
      tpu.enqueue_dma source(%arg12 : memref<128x128xf32, #tpu.memory_space<vmem>>) target(%dma_start3A_99 : memref<128x128xf32, #tpu.memory_space<hbm>>) target_semaphore(%arg17 : memref<!tpu.dma_semaphore, #tpu.memory_space<semaphore_mem>>)
      %add3A_100 = arith.addi %mul3A_2, %add3A_36 : i32
      %mul3A_101 = arith.constant 128 : i32
      %mul3A_102 = arith.muli %add3A_100, %mul3A_101 : i32
      %dma_start3A_103 = arith.constant 0 : i32
      %dma_start3A_104 = tpu.memref_slice %arg7[%mul3A_102, %dma_start3A_103] : memref<327680x128xf32, #tpu.memory_space<hbm>> -> memref<128x128xf32, #tpu.memory_space<hbm>>
      %dma_start3A_105 = arith.constant 0 : i32
      %dma_start3A_106 = tpu.memref_slice %arg7[%mul3A_102, %dma_start3A_105] : memref<327680x128xf32, #tpu.memory_space<hbm>> -> memref<128x128xf32, #tpu.memory_space<hbm>>
      tpu.enqueue_dma source(%arg13 : memref<128x128xf32, #tpu.memory_space<vmem>>) target(%dma_start3A_106 : memref<128x128xf32, #tpu.memory_space<hbm>>) target_semaphore(%arg17 : memref<!tpu.dma_semaphore, #tpu.memory_space<semaphore_mem>>)
      %dma_wait3A_107 = arith.constant 0 : i32
      %dma_wait3A_108 = arith.constant 0 : i32
      %dma_wait3A_109 = tpu.memref_slice %arg6[%dma_wait3A_107, %dma_wait3A_108] : memref<327680x128xf32, #tpu.memory_space<hbm>> -> memref<128x128xf32, #tpu.memory_space<hbm>>
      %dma_wait3A_110 = arith.constant 0 : i32
      %dma_wait3A_111 = arith.constant 0 : i32
      %dma_wait3A_112 = tpu.memref_slice %arg6[%dma_wait3A_110, %dma_wait3A_111] : memref<327680x128xf32, #tpu.memory_space<hbm>> -> memref<128x128xf32, #tpu.memory_space<hbm>>
      tpu.wait_dma2 semaphore(%arg16 : memref<!tpu.dma_semaphore, #tpu.memory_space<semaphore_mem>>) src(%arg10 : memref<128x128xf32, #tpu.memory_space<vmem>>) dst(%dma_wait3A_112 : memref<128x128xf32, #tpu.memory_space<hbm>>)
      %dma_wait3A_113 = arith.constant 0 : i32
      %dma_wait3A_114 = arith.constant 0 : i32
      %dma_wait3A_115 = tpu.memref_slice %arg7[%dma_wait3A_113, %dma_wait3A_114] : memref<327680x128xf32, #tpu.memory_space<hbm>> -> memref<128x128xf32, #tpu.memory_space<hbm>>
      %dma_wait3A_116 = arith.constant 0 : i32
      %dma_wait3A_117 = arith.constant 0 : i32
      %dma_wait3A_118 = tpu.memref_slice %arg7[%dma_wait3A_116, %dma_wait3A_117] : memref<327680x128xf32, #tpu.memory_space<hbm>> -> memref<128x128xf32, #tpu.memory_space<hbm>>
      tpu.wait_dma2 semaphore(%arg16 : memref<!tpu.dma_semaphore, #tpu.memory_space<semaphore_mem>>) src(%arg11 : memref<128x128xf32, #tpu.memory_space<vmem>>) dst(%dma_wait3A_118 : memref<128x128xf32, #tpu.memory_space<hbm>>)
      %lt3A = arith.constant 39 : i32
      %lt3A_119 = arith.cmpi slt, %scan3A_32, %lt3A : i32
      %convert_element_type3A_120 = arith.extui %lt3A_119 : i1 to i32
      %cond3A_121 = arith.constant 0 : i32
      %cond3A_122 = arith.cmpi ne, %convert_element_type3A_120, %cond3A_121 : i32
      scf.if %cond3A_122 {
        %add3A_123 = arith.constant 2 : i32
        %add3A_124 = arith.addi %mul3A_34, %add3A_123 : i32
        %dma_start3A_125 = arith.constant 0 : i32
        %dma_start3A_126 = tpu.memref_slice %arg8[%add3A_124, %dma_start3A_125] : memref<80x128xi32, #tpu.memory_space<vmem>> -> memref<1x128xi32, #tpu.memory_space<vmem>>
        %dma_start3A_127 = tpu.memref_squeeze %dma_start3A_126 : memref<1x128xi32, #tpu.memory_space<vmem>> -> memref<128xi32, #tpu.memory_space<vmem>>
        %dma_start3A_128 = arith.constant 0 : i32
        %dma_start3A_129 = arith.constant 0 : i32
        %dma_start3A_130 = tpu.memref_slice %arg2[%dma_start3A_128, %dma_start3A_129] : memref<10000x128xf32, #tpu.memory_space<hbm>> -> memref<10000x128xf32, #tpu.memory_space<hbm>>
        tpu.enqueue_indirect_dma source(%dma_start3A_130 : memref<10000x128xf32, #tpu.memory_space<hbm>>) target(%arg10 : memref<128x128xf32, #tpu.memory_space<vmem>>) offsets(%dma_start3A_127 : memref<128xi32, #tpu.memory_space<vmem>>) semaphore(%arg14 : memref<!tpu.dma_semaphore, #tpu.memory_space<semaphore_mem>>)
        %dma_start3A_131 = arith.constant 0 : i32
        %dma_start3A_132 = tpu.memref_slice %arg9[%add3A_124, %dma_start3A_131] : memref<80x128xi32, #tpu.memory_space<vmem>> -> memref<1x128xi32, #tpu.memory_space<vmem>>
        %dma_start3A_133 = tpu.memref_squeeze %dma_start3A_132 : memref<1x128xi32, #tpu.memory_space<vmem>> -> memref<128xi32, #tpu.memory_space<vmem>>
        %dma_start3A_134 = arith.constant 0 : i32
        %dma_start3A_135 = arith.constant 0 : i32
        %dma_start3A_136 = tpu.memref_slice %arg3[%dma_start3A_134, %dma_start3A_135] : memref<10000x128xf32, #tpu.memory_space<hbm>> -> memref<10000x128xf32, #tpu.memory_space<hbm>>
        tpu.enqueue_indirect_dma source(%dma_start3A_136 : memref<10000x128xf32, #tpu.memory_space<hbm>>) target(%arg11 : memref<128x128xf32, #tpu.memory_space<vmem>>) offsets(%dma_start3A_133 : memref<128xi32, #tpu.memory_space<vmem>>) semaphore(%arg14 : memref<!tpu.dma_semaphore, #tpu.memory_space<semaphore_mem>>)
      } else {
      }
    }
    %scan3A_20 = arith.constant 40 : i32
    %dma_wait3A = arith.constant 0 : i32
    %dma_wait3A_21 = arith.constant 0 : i32
    %dma_wait3A_22 = tpu.memref_slice %arg6[%dma_wait3A, %dma_wait3A_21] : memref<327680x128xf32, #tpu.memory_space<hbm>> -> memref<128x128xf32, #tpu.memory_space<hbm>>
    %dma_wait3A_23 = arith.constant 0 : i32
    %dma_wait3A_24 = arith.constant 0 : i32
    %dma_wait3A_25 = tpu.memref_slice %arg6[%dma_wait3A_23, %dma_wait3A_24] : memref<327680x128xf32, #tpu.memory_space<hbm>> -> memref<128x128xf32, #tpu.memory_space<hbm>>
    tpu.wait_dma2 semaphore(%arg17 : memref<!tpu.dma_semaphore, #tpu.memory_space<semaphore_mem>>) src(%arg12 : memref<128x128xf32, #tpu.memory_space<vmem>>) dst(%dma_wait3A_25 : memref<128x128xf32, #tpu.memory_space<hbm>>)
    %dma_wait3A_26 = arith.constant 0 : i32
    %dma_wait3A_27 = arith.constant 0 : i32
    %dma_wait3A_28 = tpu.memref_slice %arg7[%dma_wait3A_26, %dma_wait3A_27] : memref<327680x128xf32, #tpu.memory_space<hbm>> -> memref<128x128xf32, #tpu.memory_space<hbm>>
    %dma_wait3A_29 = arith.constant 0 : i32
    %dma_wait3A_30 = arith.constant 0 : i32
    %dma_wait3A_31 = tpu.memref_slice %arg7[%dma_wait3A_29, %dma_wait3A_30] : memref<327680x128xf32, #tpu.memory_space<hbm>> -> memref<128x128xf32, #tpu.memory_space<hbm>>
    tpu.wait_dma2 semaphore(%arg17 : memref<!tpu.dma_semaphore, #tpu.memory_space<semaphore_mem>>) src(%arg13 : memref<128x128xf32, #tpu.memory_space<vmem>>) dst(%dma_wait3A_31 : memref<128x128xf32, #tpu.memory_space<hbm>>)
    return
  }
}

#map = affine_map<(d0, d1) -> (0, 0)>
#map1 = affine_map<(d0, d1) -> (0, 0, 0)>
module attributes {stable_mosaic.version = 14 : i64} {
  func.func @_cnt_body(%arg0: i32, %arg1: i32, %arg2: memref<2560x128xi32, #tpu.memory_space<hbm>>, %arg3: memref<2x10000x128xf32, #tpu.memory_space<hbm>>, %arg4: memref<10008x128xf32, #tpu.memory_space<vmem_shared>>, %arg5: memref<80x128xi32, #tpu.memory_space<vmem>>, %arg6: memref<128x128xf32, #tpu.memory_space<vmem>>, %arg7: memref<128x128xf32, #tpu.memory_space<vmem>>, %arg8: memref<!tpu.dma_semaphore, #tpu.memory_space<semaphore_mem>>, %arg9: memref<!tpu.dma_semaphore, #tpu.memory_space<semaphore_mem>>, %arg10: memref<!tpu.dma_semaphore, #tpu.memory_space<semaphore_mem>>, %arg11: memref<!tpu.dma_semaphore, #tpu.memory_space<semaphore_mem>>) attributes {dimension_semantics = [#tpu.dimension_semantics<core_parallel>, #tpu.dimension_semantics<subcore_parallel>], iteration_bounds = array<i64: 2, 16>, scalar_prefetch = 0 : i64, scratch_operands = 8 : i64, tpu.core_type = #tpu.core_type<sc_vector_subcore>, window_params = [{transform_indices = #map}, {transform_indices = #map1}]} {
    %mul3A = arith.constant 2 : i32
    %mul3A_0 = arith.muli %arg1, %mul3A : i32
    %add3A = arith.addi %mul3A_0, %arg0 : i32
    %mul3A_1 = arith.constant 80 : i32
    %mul3A_2 = arith.muli %add3A, %mul3A_1 : i32
    %sub3A = arith.constant 78 : i32
    %sub3A_3 = arith.subi %sub3A, %arg1 : i32
    %add3A_4 = arith.constant 16 : i32
    %add3A_5 = arith.addi %sub3A_3, %add3A_4 : i32
    %sub3A_6 = arith.constant 1 : i32
    %sub3A_7 = arith.subi %add3A_5, %sub3A_6 : i32
    %jit3A = arith.constant 16 : i32
    %div3A = arith.divsi %sub3A_7, %jit3A : i32
    %sign3A = arith.constant 0 : i32
    %sign3A_8 = arith.cmpi sgt, %sub3A_7, %sign3A : i32
    %sign3A_9 = arith.extui %sign3A_8 : i1 to i32
    %sign3A_10 = arith.constant 0 : i32
    %sign3A_11 = arith.cmpi slt, %sub3A_7, %sign3A_10 : i32
    %sign3A_12 = arith.extui %sign3A_11 : i1 to i32
    %sign3A_13 = arith.subi %sign3A_9, %sign3A_12 : i32
    %sign3A_14 = arith.constant 0 : i32
    %sign3A_15 = arith.cmpi sgt, %jit3A, %sign3A_14 : i32
    %sign3A_16 = arith.extui %sign3A_15 : i1 to i32
    %sign3A_17 = arith.constant 0 : i32
    %sign3A_18 = arith.cmpi slt, %jit3A, %sign3A_17 : i32
    %sign3A_19 = arith.extui %sign3A_18 : i1 to i32
    %sign3A_20 = arith.subi %sign3A_16, %sign3A_19 : i32
    %ne3A = arith.cmpi ne, %sign3A_13, %sign3A_20 : i32
    %rem3A = arith.remsi %sub3A_7, %jit3A : i32
    %ne3A_21 = arith.constant 0 : i32
    %ne3A_22 = arith.cmpi ne, %rem3A, %ne3A_21 : i32
    %and3A = arith.andi %ne3A, %ne3A_22 : i1
    %sub3A_23 = arith.constant 1 : i32
    %sub3A_24 = arith.subi %div3A, %sub3A_23 : i32
    %select_n3A = arith.select %and3A, %sub3A_24, %div3A : i32
    %broadcast_in_dim3A = arith.constant 0.000000e+00 : f32
    %broadcast_in_dim3A_25 = vector.broadcast %broadcast_in_dim3A : f32 to vector<16xf32>
    %scan3A = arith.constant 0 : i32
    %scan3A_26 = arith.constant 0 : i32
    %scan3A_27 = arith.constant 128 : i32
    %scan3A_28 = arith.addi %scan3A_26, %scan3A_27 : i32
    %scan3A_29 = arith.constant 1 : i32
    scf.for %scan3A_72 = %scan3A_26 to %scan3A_28 step %scan3A_29  : i32 {
      %swap3A = arith.index_cast %scan3A_72 : i32 to index
      %swap3A_73 = arith.constant 0 : index
      %swap3A_74 = tpu.vector_load %arg6[%swap3A, %swap3A_73] {strides = array<i32>} : memref<128x128xf32, #tpu.memory_space<vmem>>, vector<1x16xf32>,
      %swap3A_75 = vector.shape_cast %swap3A_74 : vector<1x16xf32> to vector<16xf32>
      %swap3A_76 = vector.shape_cast %broadcast_in_dim3A_25 : vector<16xf32> to vector<1x16xf32>
      tpu.vector_store %arg6[%swap3A, %swap3A_73], %swap3A_76 {strides = array<i32>} : memref<128x128xf32, #tpu.memory_space<vmem>>, vector<1x16xf32>,
      %swap3A_77 = arith.index_cast %scan3A_72 : i32 to index
      %swap3A_78 = arith.constant 16 : index
      %swap3A_79 = tpu.vector_load %arg6[%swap3A_77, %swap3A_78] {strides = array<i32>} : memref<128x128xf32, #tpu.memory_space<vmem>>, vector<1x16xf32>,
      %swap3A_80 = vector.shape_cast %swap3A_79 : vector<1x16xf32> to vector<16xf32>
      %swap3A_81 = vector.shape_cast %broadcast_in_dim3A_25 : vector<16xf32> to vector<1x16xf32>
      tpu.vector_store %arg6[%swap3A_77, %swap3A_78], %swap3A_81 {strides = array<i32>} : memref<128x128xf32, #tpu.memory_space<vmem>>, vector<1x16xf32>,
      %swap3A_82 = arith.index_cast %scan3A_72 : i32 to index
      %swap3A_83 = arith.constant 32 : index
      %swap3A_84 = tpu.vector_load %arg6[%swap3A_82, %swap3A_83] {strides = array<i32>} : memref<128x128xf32, #tpu.memory_space<vmem>>, vector<1x16xf32>,
      %swap3A_85 = vector.shape_cast %swap3A_84 : vector<1x16xf32> to vector<16xf32>
      %swap3A_86 = vector.shape_cast %broadcast_in_dim3A_25 : vector<16xf32> to vector<1x16xf32>
      tpu.vector_store %arg6[%swap3A_82, %swap3A_83], %swap3A_86 {strides = array<i32>} : memref<128x128xf32, #tpu.memory_space<vmem>>, vector<1x16xf32>,
      %swap3A_87 = arith.index_cast %scan3A_72 : i32 to index
      %swap3A_88 = arith.constant 48 : index
      %swap3A_89 = tpu.vector_load %arg6[%swap3A_87, %swap3A_88] {strides = array<i32>} : memref<128x128xf32, #tpu.memory_space<vmem>>, vector<1x16xf32>,
      %swap3A_90 = vector.shape_cast %swap3A_89 : vector<1x16xf32> to vector<16xf32>
      %swap3A_91 = vector.shape_cast %broadcast_in_dim3A_25 : vector<16xf32> to vector<1x16xf32>
      tpu.vector_store %arg6[%swap3A_87, %swap3A_88], %swap3A_91 {strides = array<i32>} : memref<128x128xf32, #tpu.memory_space<vmem>>, vector<1x16xf32>,
      %swap3A_92 = arith.index_cast %scan3A_72 : i32 to index
      %swap3A_93 = arith.constant 64 : index
      %swap3A_94 = tpu.vector_load %arg6[%swap3A_92, %swap3A_93] {strides = array<i32>} : memref<128x128xf32, #tpu.memory_space<vmem>>, vector<1x16xf32>,
      %swap3A_95 = vector.shape_cast %swap3A_94 : vector<1x16xf32> to vector<16xf32>
      %swap3A_96 = vector.shape_cast %broadcast_in_dim3A_25 : vector<16xf32> to vector<1x16xf32>
      tpu.vector_store %arg6[%swap3A_92, %swap3A_93], %swap3A_96 {strides = array<i32>} : memref<128x128xf32, #tpu.memory_space<vmem>>, vector<1x16xf32>,
      %swap3A_97 = arith.index_cast %scan3A_72 : i32 to index
      %swap3A_98 = arith.constant 80 : index
      %swap3A_99 = tpu.vector_load %arg6[%swap3A_97, %swap3A_98] {strides = array<i32>} : memref<128x128xf32, #tpu.memory_space<vmem>>, vector<1x16xf32>,
      %swap3A_100 = vector.shape_cast %swap3A_99 : vector<1x16xf32> to vector<16xf32>
      %swap3A_101 = vector.shape_cast %broadcast_in_dim3A_25 : vector<16xf32> to vector<1x16xf32>
      tpu.vector_store %arg6[%swap3A_97, %swap3A_98], %swap3A_101 {strides = array<i32>} : memref<128x128xf32, #tpu.memory_space<vmem>>, vector<1x16xf32>,
      %swap3A_102 = arith.index_cast %scan3A_72 : i32 to index
      %swap3A_103 = arith.constant 96 : index
      %swap3A_104 = tpu.vector_load %arg6[%swap3A_102, %swap3A_103] {strides = array<i32>} : memref<128x128xf32, #tpu.memory_space<vmem>>, vector<1x16xf32>,
      %swap3A_105 = vector.shape_cast %swap3A_104 : vector<1x16xf32> to vector<16xf32>
      %swap3A_106 = vector.shape_cast %broadcast_in_dim3A_25 : vector<16xf32> to vector<1x16xf32>
      tpu.vector_store %arg6[%swap3A_102, %swap3A_103], %swap3A_106 {strides = array<i32>} : memref<128x128xf32, #tpu.memory_space<vmem>>, vector<1x16xf32>,
      %swap3A_107 = arith.index_cast %scan3A_72 : i32 to index
      %swap3A_108 = arith.constant 112 : index
      %swap3A_109 = tpu.vector_load %arg6[%swap3A_107, %swap3A_108] {strides = array<i32>} : memref<128x128xf32, #tpu.memory_space<vmem>>, vector<1x16xf32>,
      %swap3A_110 = vector.shape_cast %swap3A_109 : vector<1x16xf32> to vector<16xf32>
      %swap3A_111 = vector.shape_cast %broadcast_in_dim3A_25 : vector<16xf32> to vector<1x16xf32>
      tpu.vector_store %arg6[%swap3A_107, %swap3A_108], %swap3A_111 {strides = array<i32>} : memref<128x128xf32, #tpu.memory_space<vmem>>, vector<1x16xf32>,
    }
    %scan3A_30 = arith.constant 128 : i32
    %while3A = arith.constant 0 : i32
    %while3A_31 = arith.constant 0 : i32
    %while3A_32 = arith.subi %select_n3A, %while3A_31 : i32
    %while3A_33 = arith.addi %while3A_31, %while3A_32 : i32
    %while3A_34 = arith.constant 1 : i32
    %while3A_35 = arith.divsi %while3A_32, %while3A_34 : i32
    %while3A_36 = arith.muli %while3A_35, %while3A_34 : i32
    %while3A_37 = arith.addi %while3A_31, %while3A_36 : i32
    %while3A_38 = arith.constant 1 : i32
    scf.for %while3A_72 = %while3A_31 to %while3A_37 step %while3A_38  : i32 {
      %mul3A_73 = arith.constant 16 : i32
      %mul3A_74 = arith.muli %while3A_72, %mul3A_73 : i32
      %add3A_75 = arith.addi %arg1, %mul3A_74 : i32
      %mul3A_76 = arith.constant 128 : i32
      %mul3A_77 = arith.muli %add3A_75, %mul3A_76 : i32
      "tpu.region"() ({
        %run_scoped3A = tpu.sem_alloc : memref<!tpu.dma_semaphore, #tpu.memory_space<semaphore_mem>>
        %dma_start3A = arith.constant 0 : i32
        %dma_start3A_78 = tpu.memref_slice %arg4[%mul3A_77, %dma_start3A] : memref<10008x128xf32, #tpu.memory_space<vmem_shared>> -> memref<128x128xf32, #tpu.memory_space<vmem_shared>>
        %dma_start3A_79 = arith.constant 0 : i32
        %dma_start3A_80 = tpu.memref_slice %arg4[%mul3A_77, %dma_start3A_79] : memref<10008x128xf32, #tpu.memory_space<vmem_shared>> -> memref<128x128xf32, #tpu.memory_space<vmem_shared>>
        tpu.enqueue_dma source(%arg6 : memref<128x128xf32, #tpu.memory_space<vmem>>) target(%dma_start3A_80 : memref<128x128xf32, #tpu.memory_space<vmem_shared>>) target_semaphore(%run_scoped3A : memref<!tpu.dma_semaphore, #tpu.memory_space<semaphore_mem>>)
        %dma_wait3A = arith.constant 0 : i32
        %dma_wait3A_81 = tpu.memref_slice %arg4[%mul3A_77, %dma_wait3A] : memref<10008x128xf32, #tpu.memory_space<vmem_shared>> -> memref<128x128xf32, #tpu.memory_space<vmem_shared>>
        %dma_wait3A_82 = arith.constant 0 : i32
        %dma_wait3A_83 = tpu.memref_slice %arg4[%mul3A_77, %dma_wait3A_82] : memref<10008x128xf32, #tpu.memory_space<vmem_shared>> -> memref<128x128xf32, #tpu.memory_space<vmem_shared>>
        tpu.wait_dma2 semaphore(%run_scoped3A : memref<!tpu.dma_semaphore, #tpu.memory_space<semaphore_mem>>) src(%arg6 : memref<128x128xf32, #tpu.memory_space<vmem>>) dst(%dma_wait3A_83 : memref<128x128xf32, #tpu.memory_space<vmem_shared>>)
        tpu.yield
      }) : () -> ()
    }
    %while3A_39 = arith.constant 1 : i32
    scf.for %while3A_72 = %while3A_37 to %while3A_33 step %while3A_39  : i32 {
      %mul3A_73 = arith.constant 16 : i32
      %mul3A_74 = arith.muli %while3A_72, %mul3A_73 : i32
      %add3A_75 = arith.addi %arg1, %mul3A_74 : i32
      %mul3A_76 = arith.constant 128 : i32
      %mul3A_77 = arith.muli %add3A_75, %mul3A_76 : i32
      "tpu.region"() ({
        %run_scoped3A = tpu.sem_alloc : memref<!tpu.dma_semaphore, #tpu.memory_space<semaphore_mem>>
        %dma_start3A = arith.constant 0 : i32
        %dma_start3A_78 = tpu.memref_slice %arg4[%mul3A_77, %dma_start3A] : memref<10008x128xf32, #tpu.memory_space<vmem_shared>> -> memref<128x128xf32, #tpu.memory_space<vmem_shared>>
        %dma_start3A_79 = arith.constant 0 : i32
        %dma_start3A_80 = tpu.memref_slice %arg4[%mul3A_77, %dma_start3A_79] : memref<10008x128xf32, #tpu.memory_space<vmem_shared>> -> memref<128x128xf32, #tpu.memory_space<vmem_shared>>
        tpu.enqueue_dma source(%arg6 : memref<128x128xf32, #tpu.memory_space<vmem>>) target(%dma_start3A_80 : memref<128x128xf32, #tpu.memory_space<vmem_shared>>) target_semaphore(%run_scoped3A : memref<!tpu.dma_semaphore, #tpu.memory_space<semaphore_mem>>)
        %dma_wait3A = arith.constant 0 : i32
        %dma_wait3A_81 = tpu.memref_slice %arg4[%mul3A_77, %dma_wait3A] : memref<10008x128xf32, #tpu.memory_space<vmem_shared>> -> memref<128x128xf32, #tpu.memory_space<vmem_shared>>
        %dma_wait3A_82 = arith.constant 0 : i32
        %dma_wait3A_83 = tpu.memref_slice %arg4[%mul3A_77, %dma_wait3A_82] : memref<10008x128xf32, #tpu.memory_space<vmem_shared>> -> memref<128x128xf32, #tpu.memory_space<vmem_shared>>
        tpu.wait_dma2 semaphore(%run_scoped3A : memref<!tpu.dma_semaphore, #tpu.memory_space<semaphore_mem>>) src(%arg6 : memref<128x128xf32, #tpu.memory_space<vmem>>) dst(%dma_wait3A_83 : memref<128x128xf32, #tpu.memory_space<vmem_shared>>)
        tpu.yield
      }) : () -> ()
    }
    %eq3A = arith.constant 0 : i32
    %eq3A_40 = arith.cmpi eq, %arg1, %eq3A : i32
    %convert_element_type3A = arith.extui %eq3A_40 : i1 to i32
    %cond3A = arith.constant 0 : i32
    %cond3A_41 = arith.cmpi ne, %convert_element_type3A, %cond3A : i32
    scf.if %cond3A_41 {
      "tpu.region"() ({
        %run_scoped3A = tpu.sem_alloc : memref<!tpu.dma_semaphore, #tpu.memory_space<semaphore_mem>>
        %dma_start3A = arith.constant 0 : i32
        %dma_start3A_72 = arith.constant 0 : i32
        %dma_start3A_73 = tpu.memref_slice %arg6[%dma_start3A, %dma_start3A_72] : memref<128x128xf32, #tpu.memory_space<vmem>> -> memref<24x128xf32, #tpu.memory_space<vmem>>
        %dma_start3A_74 = arith.constant 9984 : i32
        %dma_start3A_75 = arith.constant 0 : i32
        %dma_start3A_76 = tpu.memref_slice %arg4[%dma_start3A_74, %dma_start3A_75] : memref<10008x128xf32, #tpu.memory_space<vmem_shared>> -> memref<24x128xf32, #tpu.memory_space<vmem_shared>>
        %dma_start3A_77 = arith.constant 9984 : i32
        %dma_start3A_78 = arith.constant 0 : i32
        %dma_start3A_79 = tpu.memref_slice %arg4[%dma_start3A_77, %dma_start3A_78] : memref<10008x128xf32, #tpu.memory_space<vmem_shared>> -> memref<24x128xf32, #tpu.memory_space<vmem_shared>>
        %dma_start3A_80 = arith.constant 0 : i32
        %dma_start3A_81 = arith.constant 0 : i32
        %dma_start3A_82 = tpu.memref_slice %arg6[%dma_start3A_80, %dma_start3A_81] : memref<128x128xf32, #tpu.memory_space<vmem>> -> memref<24x128xf32, #tpu.memory_space<vmem>>
        tpu.enqueue_dma source(%dma_start3A_82 : memref<24x128xf32, #tpu.memory_space<vmem>>) target(%dma_start3A_79 : memref<24x128xf32, #tpu.memory_space<vmem_shared>>) target_semaphore(%run_scoped3A : memref<!tpu.dma_semaphore, #tpu.memory_space<semaphore_mem>>)
        %dma_wait3A = arith.constant 0 : i32
        %dma_wait3A_83 = arith.constant 0 : i32
        %dma_wait3A_84 = tpu.memref_slice %arg6[%dma_wait3A, %dma_wait3A_83] : memref<128x128xf32, #tpu.memory_space<vmem>> -> memref<24x128xf32, #tpu.memory_space<vmem>>
        %dma_wait3A_85 = arith.constant 9984 : i32
        %dma_wait3A_86 = arith.constant 0 : i32
        %dma_wait3A_87 = tpu.memref_slice %arg4[%dma_wait3A_85, %dma_wait3A_86] : memref<10008x128xf32, #tpu.memory_space<vmem_shared>> -> memref<24x128xf32, #tpu.memory_space<vmem_shared>>
        %dma_wait3A_88 = arith.constant 9984 : i32
        %dma_wait3A_89 = arith.constant 0 : i32
        %dma_wait3A_90 = tpu.memref_slice %arg4[%dma_wait3A_88, %dma_wait3A_89] : memref<10008x128xf32, #tpu.memory_space<vmem_shared>> -> memref<24x128xf32, #tpu.memory_space<vmem_shared>>
        %dma_wait3A_91 = arith.constant 0 : i32
        %dma_wait3A_92 = arith.constant 0 : i32
        %dma_wait3A_93 = tpu.memref_slice %arg6[%dma_wait3A_91, %dma_wait3A_92] : memref<128x128xf32, #tpu.memory_space<vmem>> -> memref<24x128xf32, #tpu.memory_space<vmem>>
        tpu.wait_dma2 semaphore(%run_scoped3A : memref<!tpu.dma_semaphore, #tpu.memory_space<semaphore_mem>>) src(%dma_wait3A_93 : memref<24x128xf32, #tpu.memory_space<vmem>>) dst(%dma_wait3A_90 : memref<24x128xf32, #tpu.memory_space<vmem_shared>>)
        tpu.yield
      }) : () -> ()
    } else {
    }
    "tpu.region"() ({
      %run_scoped3A = tpu.sem_alloc : memref<!tpu.dma_semaphore, #tpu.memory_space<semaphore_mem>>
      %dma_start3A = arith.constant 0 : i32
      %dma_start3A_72 = tpu.memref_slice %arg2[%mul3A_2, %dma_start3A] : memref<2560x128xi32, #tpu.memory_space<hbm>> -> memref<80x128xi32, #tpu.memory_space<hbm>>
      %dma_start3A_73 = arith.constant 0 : i32
      %dma_start3A_74 = tpu.memref_slice %arg2[%mul3A_2, %dma_start3A_73] : memref<2560x128xi32, #tpu.memory_space<hbm>> -> memref<80x128xi32, #tpu.memory_space<hbm>>
      tpu.enqueue_dma source(%dma_start3A_74 : memref<80x128xi32, #tpu.memory_space<hbm>>) target(%arg5 : memref<80x128xi32, #tpu.memory_space<vmem>>) target_semaphore(%run_scoped3A : memref<!tpu.dma_semaphore, #tpu.memory_space<semaphore_mem>>)
      %dma_wait3A = arith.constant 0 : i32
      %dma_wait3A_75 = tpu.memref_slice %arg2[%mul3A_2, %dma_wait3A] : memref<2560x128xi32, #tpu.memory_space<hbm>> -> memref<80x128xi32, #tpu.memory_space<hbm>>
      %dma_wait3A_76 = arith.constant 0 : i32
      %dma_wait3A_77 = tpu.memref_slice %arg2[%mul3A_2, %dma_wait3A_76] : memref<2560x128xi32, #tpu.memory_space<hbm>> -> memref<80x128xi32, #tpu.memory_space<hbm>>
      tpu.wait_dma2 semaphore(%run_scoped3A : memref<!tpu.dma_semaphore, #tpu.memory_space<semaphore_mem>>) src(%dma_wait3A_77 : memref<80x128xi32, #tpu.memory_space<hbm>>) dst(%arg5 : memref<80x128xi32, #tpu.memory_space<vmem>>)
      tpu.yield
    }) : () -> ()
    %broadcast_in_dim3A_42 = arith.constant 1.000000e+00 : f32
    %broadcast_in_dim3A_43 = vector.broadcast %broadcast_in_dim3A_42 : f32 to vector<16xf32>
    %scan3A_44 = arith.constant 0 : i32
    %scan3A_45 = arith.constant 0 : i32
    %scan3A_46 = arith.constant 128 : i32
    %scan3A_47 = arith.addi %scan3A_45, %scan3A_46 : i32
    %scan3A_48 = arith.constant 1 : i32
    scf.for %scan3A_72 = %scan3A_45 to %scan3A_47 step %scan3A_48  : i32 {
      %swap3A = arith.index_cast %scan3A_72 : i32 to index
      %swap3A_73 = arith.constant 0 : index
      %swap3A_74 = tpu.vector_load %arg6[%swap3A, %swap3A_73] {strides = array<i32>} : memref<128x128xf32, #tpu.memory_space<vmem>>, vector<1x16xf32>,
      %swap3A_75 = vector.shape_cast %swap3A_74 : vector<1x16xf32> to vector<16xf32>
      %swap3A_76 = vector.shape_cast %broadcast_in_dim3A_43 : vector<16xf32> to vector<1x16xf32>
      tpu.vector_store %arg6[%swap3A, %swap3A_73], %swap3A_76 {strides = array<i32>} : memref<128x128xf32, #tpu.memory_space<vmem>>, vector<1x16xf32>,
      %swap3A_77 = arith.index_cast %scan3A_72 : i32 to index
      %swap3A_78 = arith.constant 16 : index
      %swap3A_79 = tpu.vector_load %arg6[%swap3A_77, %swap3A_78] {strides = array<i32>} : memref<128x128xf32, #tpu.memory_space<vmem>>, vector<1x16xf32>,
      %swap3A_80 = vector.shape_cast %swap3A_79 : vector<1x16xf32> to vector<16xf32>
      %swap3A_81 = vector.shape_cast %broadcast_in_dim3A_43 : vector<16xf32> to vector<1x16xf32>
      tpu.vector_store %arg6[%swap3A_77, %swap3A_78], %swap3A_81 {strides = array<i32>} : memref<128x128xf32, #tpu.memory_space<vmem>>, vector<1x16xf32>,
      %swap3A_82 = arith.index_cast %scan3A_72 : i32 to index
      %swap3A_83 = arith.constant 32 : index
      %swap3A_84 = tpu.vector_load %arg6[%swap3A_82, %swap3A_83] {strides = array<i32>} : memref<128x128xf32, #tpu.memory_space<vmem>>, vector<1x16xf32>,
      %swap3A_85 = vector.shape_cast %swap3A_84 : vector<1x16xf32> to vector<16xf32>
      %swap3A_86 = vector.shape_cast %broadcast_in_dim3A_43 : vector<16xf32> to vector<1x16xf32>
      tpu.vector_store %arg6[%swap3A_82, %swap3A_83], %swap3A_86 {strides = array<i32>} : memref<128x128xf32, #tpu.memory_space<vmem>>, vector<1x16xf32>,
      %swap3A_87 = arith.index_cast %scan3A_72 : i32 to index
      %swap3A_88 = arith.constant 48 : index
      %swap3A_89 = tpu.vector_load %arg6[%swap3A_87, %swap3A_88] {strides = array<i32>} : memref<128x128xf32, #tpu.memory_space<vmem>>, vector<1x16xf32>,
      %swap3A_90 = vector.shape_cast %swap3A_89 : vector<1x16xf32> to vector<16xf32>
      %swap3A_91 = vector.shape_cast %broadcast_in_dim3A_43 : vector<16xf32> to vector<1x16xf32>
      tpu.vector_store %arg6[%swap3A_87, %swap3A_88], %swap3A_91 {strides = array<i32>} : memref<128x128xf32, #tpu.memory_space<vmem>>, vector<1x16xf32>,
      %swap3A_92 = arith.index_cast %scan3A_72 : i32 to index
      %swap3A_93 = arith.constant 64 : index
      %swap3A_94 = tpu.vector_load %arg6[%swap3A_92, %swap3A_93] {strides = array<i32>} : memref<128x128xf32, #tpu.memory_space<vmem>>, vector<1x16xf32>,
      %swap3A_95 = vector.shape_cast %swap3A_94 : vector<1x16xf32> to vector<16xf32>
      %swap3A_96 = vector.shape_cast %broadcast_in_dim3A_43 : vector<16xf32> to vector<1x16xf32>
      tpu.vector_store %arg6[%swap3A_92, %swap3A_93], %swap3A_96 {strides = array<i32>} : memref<128x128xf32, #tpu.memory_space<vmem>>, vector<1x16xf32>,
      %swap3A_97 = arith.index_cast %scan3A_72 : i32 to index
      %swap3A_98 = arith.constant 80 : index
      %swap3A_99 = tpu.vector_load %arg6[%swap3A_97, %swap3A_98] {strides = array<i32>} : memref<128x128xf32, #tpu.memory_space<vmem>>, vector<1x16xf32>,
      %swap3A_100 = vector.shape_cast %swap3A_99 : vector<1x16xf32> to vector<16xf32>
      %swap3A_101 = vector.shape_cast %broadcast_in_dim3A_43 : vector<16xf32> to vector<1x16xf32>
      tpu.vector_store %arg6[%swap3A_97, %swap3A_98], %swap3A_101 {strides = array<i32>} : memref<128x128xf32, #tpu.memory_space<vmem>>, vector<1x16xf32>,
      %swap3A_102 = arith.index_cast %scan3A_72 : i32 to index
      %swap3A_103 = arith.constant 96 : index
      %swap3A_104 = tpu.vector_load %arg6[%swap3A_102, %swap3A_103] {strides = array<i32>} : memref<128x128xf32, #tpu.memory_space<vmem>>, vector<1x16xf32>,
      %swap3A_105 = vector.shape_cast %swap3A_104 : vector<1x16xf32> to vector<16xf32>
      %swap3A_106 = vector.shape_cast %broadcast_in_dim3A_43 : vector<16xf32> to vector<1x16xf32>
      tpu.vector_store %arg6[%swap3A_102, %swap3A_103], %swap3A_106 {strides = array<i32>} : memref<128x128xf32, #tpu.memory_space<vmem>>, vector<1x16xf32>,
      %swap3A_107 = arith.index_cast %scan3A_72 : i32 to index
      %swap3A_108 = arith.constant 112 : index
      %swap3A_109 = tpu.vector_load %arg6[%swap3A_107, %swap3A_108] {strides = array<i32>} : memref<128x128xf32, #tpu.memory_space<vmem>>, vector<1x16xf32>,
      %swap3A_110 = vector.shape_cast %swap3A_109 : vector<1x16xf32> to vector<16xf32>
      %swap3A_111 = vector.shape_cast %broadcast_in_dim3A_43 : vector<16xf32> to vector<1x16xf32>
      tpu.vector_store %arg6[%swap3A_107, %swap3A_108], %swap3A_111 {strides = array<i32>} : memref<128x128xf32, #tpu.memory_space<vmem>>, vector<1x16xf32>,
    }
    %scan3A_49 = arith.constant 128 : i32
    %barrier3A = arith.constant 0 : index
    tpu.barrier barrier_id(%barrier3A)
    %scan3A_50 = arith.constant 0 : i32
    %scan3A_51 = arith.constant 0 : i32
    %scan3A_52 = arith.constant 40 : i32
    %scan3A_53 = arith.addi %scan3A_51, %scan3A_52 : i32
    %scan3A_54 = arith.constant 1 : i32
    scf.for %scan3A_72 = %scan3A_51 to %scan3A_53 step %scan3A_54  : i32 {
      %mul3A_73 = arith.constant 2 : i32
      %mul3A_74 = arith.muli %mul3A_73, %scan3A_72 : i32
      %dma_start3A = arith.constant 0 : i32
      %dma_start3A_75 = tpu.memref_slice %arg5[%mul3A_74, %dma_start3A] : memref<80x128xi32, #tpu.memory_space<vmem>> -> memref<1x128xi32, #tpu.memory_space<vmem>>
      %dma_start3A_76 = tpu.memref_squeeze %dma_start3A_75 : memref<1x128xi32, #tpu.memory_space<vmem>> -> memref<128xi32, #tpu.memory_space<vmem>>
      %dma_start3A_77 = arith.constant 0 : i32
      %dma_start3A_78 = arith.constant 0 : i32
      %dma_start3A_79 = tpu.memref_slice %arg4[%dma_start3A_77, %dma_start3A_78] : memref<10008x128xf32, #tpu.memory_space<vmem_shared>> -> memref<10008x128xf32, #tpu.memory_space<vmem_shared>>
      tpu.enqueue_indirect_dma source(%arg6 : memref<128x128xf32, #tpu.memory_space<vmem>>) target(%dma_start3A_79 : memref<10008x128xf32, #tpu.memory_space<vmem_shared>>) offsets(%dma_start3A_76 : memref<128xi32, #tpu.memory_space<vmem>>) semaphore(%arg10 : memref<!tpu.dma_semaphore, #tpu.memory_space<semaphore_mem>>) {add = true}
      %add3A_80 = arith.constant 1 : i32
      %add3A_81 = arith.addi %mul3A_74, %add3A_80 : i32
      %dma_start3A_82 = arith.constant 0 : i32
      %dma_start3A_83 = tpu.memref_slice %arg5[%add3A_81, %dma_start3A_82] : memref<80x128xi32, #tpu.memory_space<vmem>> -> memref<1x128xi32, #tpu.memory_space<vmem>>
      %dma_start3A_84 = tpu.memref_squeeze %dma_start3A_83 : memref<1x128xi32, #tpu.memory_space<vmem>> -> memref<128xi32, #tpu.memory_space<vmem>>
      %dma_start3A_85 = arith.constant 0 : i32
      %dma_start3A_86 = arith.constant 0 : i32
      %dma_start3A_87 = tpu.memref_slice %arg4[%dma_start3A_85, %dma_start3A_86] : memref<10008x128xf32, #tpu.memory_space<vmem_shared>> -> memref<10008x128xf32, #tpu.memory_space<vmem_shared>>
      tpu.enqueue_indirect_dma source(%arg6 : memref<128x128xf32, #tpu.memory_space<vmem>>) target(%dma_start3A_87 : memref<10008x128xf32, #tpu.memory_space<vmem_shared>>) offsets(%dma_start3A_84 : memref<128xi32, #tpu.memory_space<vmem>>) semaphore(%arg11 : memref<!tpu.dma_semaphore, #tpu.memory_space<semaphore_mem>>) {add = true}
      %dma_wait3A = arith.constant 0 : i32
      %dma_wait3A_88 = arith.constant 0 : i32
      %dma_wait3A_89 = tpu.memref_slice %arg5[%dma_wait3A, %dma_wait3A_88] : memref<80x128xi32, #tpu.memory_space<vmem>> -> memref<1x128xi32, #tpu.memory_space<vmem>>
      %dma_wait3A_90 = tpu.memref_squeeze %dma_wait3A_89 : memref<1x128xi32, #tpu.memory_space<vmem>> -> memref<128xi32, #tpu.memory_space<vmem>>
      %dma_wait3A_91 = arith.constant 0 : i32
      %dma_wait3A_92 = arith.constant 0 : i32
      %dma_wait3A_93 = tpu.memref_slice %arg4[%dma_wait3A_91, %dma_wait3A_92] : memref<10008x128xf32, #tpu.memory_space<vmem_shared>> -> memref<10008x128xf32, #tpu.memory_space<vmem_shared>>
      tpu.wait_indirect_dma semaphore(%arg10 : memref<!tpu.dma_semaphore, #tpu.memory_space<semaphore_mem>>) src(%arg6 : memref<128x128xf32, #tpu.memory_space<vmem>>) dst(%dma_wait3A_93 : memref<10008x128xf32, #tpu.memory_space<vmem_shared>>)
      %dma_wait3A_94 = arith.constant 0 : i32
      %dma_wait3A_95 = arith.constant 0 : i32
      %dma_wait3A_96 = tpu.memref_slice %arg5[%dma_wait3A_94, %dma_wait3A_95] : memref<80x128xi32, #tpu.memory_space<vmem>> -> memref<1x128xi32, #tpu.memory_space<vmem>>
      %dma_wait3A_97 = tpu.memref_squeeze %dma_wait3A_96 : memref<1x128xi32, #tpu.memory_space<vmem>> -> memref<128xi32, #tpu.memory_space<vmem>>
      %dma_wait3A_98 = arith.constant 0 : i32
      %dma_wait3A_99 = arith.constant 0 : i32
      %dma_wait3A_100 = tpu.memref_slice %arg4[%dma_wait3A_98, %dma_wait3A_99] : memref<10008x128xf32, #tpu.memory_space<vmem_shared>> -> memref<10008x128xf32, #tpu.memory_space<vmem_shared>>
      tpu.wait_indirect_dma semaphore(%arg11 : memref<!tpu.dma_semaphore, #tpu.memory_space<semaphore_mem>>) src(%arg6 : memref<128x128xf32, #tpu.memory_space<vmem>>) dst(%dma_wait3A_100 : memref<10008x128xf32, #tpu.memory_space<vmem_shared>>)
    }
    %scan3A_55 = arith.constant 40 : i32
    %barrier3A_56 = arith.constant 0 : index
    tpu.barrier barrier_id(%barrier3A_56)
    %while3A_57 = arith.constant 0 : i32
    %while3A_58 = arith.constant 0 : i32
    %while3A_59 = arith.subi %select_n3A, %while3A_58 : i32
    %while3A_60 = arith.addi %while3A_58, %while3A_59 : i32
    %while3A_61 = arith.constant 1 : i32
    %while3A_62 = arith.divsi %while3A_59, %while3A_61 : i32
    %while3A_63 = arith.muli %while3A_62, %while3A_61 : i32
    %while3A_64 = arith.addi %while3A_58, %while3A_63 : i32
    %while3A_65 = arith.constant 1 : i32
    scf.for %while3A_72 = %while3A_58 to %while3A_64 step %while3A_65  : i32 {
      %mul3A_73 = arith.constant 16 : i32
      %mul3A_74 = arith.muli %while3A_72, %mul3A_73 : i32
      %add3A_75 = arith.addi %arg1, %mul3A_74 : i32
      %mul3A_76 = arith.constant 128 : i32
      %mul3A_77 = arith.muli %add3A_75, %mul3A_76 : i32
      "tpu.region"() ({
        %run_scoped3A = tpu.sem_alloc : memref<!tpu.dma_semaphore, #tpu.memory_space<semaphore_mem>>
        %dma_start3A = arith.constant 0 : i32
        %dma_start3A_78 = tpu.memref_slice %arg4[%mul3A_77, %dma_start3A] : memref<10008x128xf32, #tpu.memory_space<vmem_shared>> -> memref<128x128xf32, #tpu.memory_space<vmem_shared>>
        %dma_start3A_79 = arith.constant 0 : i32
        %dma_start3A_80 = tpu.memref_slice %arg4[%mul3A_77, %dma_start3A_79] : memref<10008x128xf32, #tpu.memory_space<vmem_shared>> -> memref<128x128xf32, #tpu.memory_space<vmem_shared>>
        tpu.enqueue_dma source(%dma_start3A_80 : memref<128x128xf32, #tpu.memory_space<vmem_shared>>) target(%arg6 : memref<128x128xf32, #tpu.memory_space<vmem>>) target_semaphore(%run_scoped3A : memref<!tpu.dma_semaphore, #tpu.memory_space<semaphore_mem>>)
        %dma_wait3A = arith.constant 0 : i32
        %dma_wait3A_81 = tpu.memref_slice %arg4[%mul3A_77, %dma_wait3A] : memref<10008x128xf32, #tpu.memory_space<vmem_shared>> -> memref<128x128xf32, #tpu.memory_space<vmem_shared>>
        %dma_wait3A_82 = arith.constant 0 : i32
        %dma_wait3A_83 = tpu.memref_slice %arg4[%mul3A_77, %dma_wait3A_82] : memref<10008x128xf32, #tpu.memory_space<vmem_shared>> -> memref<128x128xf32, #tpu.memory_space<vmem_shared>>
        tpu.wait_dma2 semaphore(%run_scoped3A : memref<!tpu.dma_semaphore, #tpu.memory_space<semaphore_mem>>) src(%dma_wait3A_83 : memref<128x128xf32, #tpu.memory_space<vmem_shared>>) dst(%arg6 : memref<128x128xf32, #tpu.memory_space<vmem>>)
        tpu.yield
      }) : () -> ()
      "tpu.region"() ({
        %run_scoped3A = tpu.sem_alloc : memref<!tpu.dma_semaphore, #tpu.memory_space<semaphore_mem>>
        %dma_start3A = arith.constant 0 : i32
        %dma_start3A_78 = tpu.memref_slice %arg3[%arg0, %mul3A_77, %dma_start3A] : memref<2x10000x128xf32, #tpu.memory_space<hbm>> -> memref<1x128x128xf32, #tpu.memory_space<hbm>>
        %dma_start3A_79 = tpu.memref_squeeze %dma_start3A_78 : memref<1x128x128xf32, #tpu.memory_space<hbm>> -> memref<128x128xf32, #tpu.memory_space<hbm>>
        %dma_start3A_80 = arith.constant 0 : i32
        %dma_start3A_81 = tpu.memref_slice %arg3[%arg0, %mul3A_77, %dma_start3A_80] : memref<2x10000x128xf32, #tpu.memory_space<hbm>> -> memref<1x128x128xf32, #tpu.memory_space<hbm>>
        %dma_start3A_82 = tpu.memref_squeeze %dma_start3A_81 : memref<1x128x128xf32, #tpu.memory_space<hbm>> -> memref<128x128xf32, #tpu.memory_space<hbm>>
        tpu.enqueue_dma source(%arg6 : memref<128x128xf32, #tpu.memory_space<vmem>>) target(%dma_start3A_82 : memref<128x128xf32, #tpu.memory_space<hbm>>) target_semaphore(%run_scoped3A : memref<!tpu.dma_semaphore, #tpu.memory_space<semaphore_mem>>)
        %dma_wait3A = arith.constant 0 : i32
        %dma_wait3A_83 = tpu.memref_slice %arg3[%arg0, %mul3A_77, %dma_wait3A] : memref<2x10000x128xf32, #tpu.memory_space<hbm>> -> memref<1x128x128xf32, #tpu.memory_space<hbm>>
        %dma_wait3A_84 = tpu.memref_squeeze %dma_wait3A_83 : memref<1x128x128xf32, #tpu.memory_space<hbm>> -> memref<128x128xf32, #tpu.memory_space<hbm>>
        %dma_wait3A_85 = arith.constant 0 : i32
        %dma_wait3A_86 = tpu.memref_slice %arg3[%arg0, %mul3A_77, %dma_wait3A_85] : memref<2x10000x128xf32, #tpu.memory_space<hbm>> -> memref<1x128x128xf32, #tpu.memory_space<hbm>>
        %dma_wait3A_87 = tpu.memref_squeeze %dma_wait3A_86 : memref<1x128x128xf32, #tpu.memory_space<hbm>> -> memref<128x128xf32, #tpu.memory_space<hbm>>
        tpu.wait_dma2 semaphore(%run_scoped3A : memref<!tpu.dma_semaphore, #tpu.memory_space<semaphore_mem>>) src(%arg6 : memref<128x128xf32, #tpu.memory_space<vmem>>) dst(%dma_wait3A_87 : memref<128x128xf32, #tpu.memory_space<hbm>>)
        tpu.yield
      }) : () -> ()
    }
    %while3A_66 = arith.constant 1 : i32
    scf.for %while3A_72 = %while3A_64 to %while3A_60 step %while3A_66  : i32 {
      %mul3A_73 = arith.constant 16 : i32
      %mul3A_74 = arith.muli %while3A_72, %mul3A_73 : i32
      %add3A_75 = arith.addi %arg1, %mul3A_74 : i32
      %mul3A_76 = arith.constant 128 : i32
      %mul3A_77 = arith.muli %add3A_75, %mul3A_76 : i32
      "tpu.region"() ({
        %run_scoped3A = tpu.sem_alloc : memref<!tpu.dma_semaphore, #tpu.memory_space<semaphore_mem>>
        %dma_start3A = arith.constant 0 : i32
        %dma_start3A_78 = tpu.memref_slice %arg4[%mul3A_77, %dma_start3A] : memref<10008x128xf32, #tpu.memory_space<vmem_shared>> -> memref<128x128xf32, #tpu.memory_space<vmem_shared>>
        %dma_start3A_79 = arith.constant 0 : i32
        %dma_start3A_80 = tpu.memref_slice %arg4[%mul3A_77, %dma_start3A_79] : memref<10008x128xf32, #tpu.memory_space<vmem_shared>> -> memref<128x128xf32, #tpu.memory_space<vmem_shared>>
        tpu.enqueue_dma source(%dma_start3A_80 : memref<128x128xf32, #tpu.memory_space<vmem_shared>>) target(%arg6 : memref<128x128xf32, #tpu.memory_space<vmem>>) target_semaphore(%run_scoped3A : memref<!tpu.dma_semaphore, #tpu.memory_space<semaphore_mem>>)
        %dma_wait3A = arith.constant 0 : i32
        %dma_wait3A_81 = tpu.memref_slice %arg4[%mul3A_77, %dma_wait3A] : memref<10008x128xf32, #tpu.memory_space<vmem_shared>> -> memref<128x128xf32, #tpu.memory_space<vmem_shared>>
        %dma_wait3A_82 = arith.constant 0 : i32
        %dma_wait3A_83 = tpu.memref_slice %arg4[%mul3A_77, %dma_wait3A_82] : memref<10008x128xf32, #tpu.memory_space<vmem_shared>> -> memref<128x128xf32, #tpu.memory_space<vmem_shared>>
        tpu.wait_dma2 semaphore(%run_scoped3A : memref<!tpu.dma_semaphore, #tpu.memory_space<semaphore_mem>>) src(%dma_wait3A_83 : memref<128x128xf32, #tpu.memory_space<vmem_shared>>) dst(%arg6 : memref<128x128xf32, #tpu.memory_space<vmem>>)
        tpu.yield
      }) : () -> ()
      "tpu.region"() ({
        %run_scoped3A = tpu.sem_alloc : memref<!tpu.dma_semaphore, #tpu.memory_space<semaphore_mem>>
        %dma_start3A = arith.constant 0 : i32
        %dma_start3A_78 = tpu.memref_slice %arg3[%arg0, %mul3A_77, %dma_start3A] : memref<2x10000x128xf32, #tpu.memory_space<hbm>> -> memref<1x128x128xf32, #tpu.memory_space<hbm>>
        %dma_start3A_79 = tpu.memref_squeeze %dma_start3A_78 : memref<1x128x128xf32, #tpu.memory_space<hbm>> -> memref<128x128xf32, #tpu.memory_space<hbm>>
        %dma_start3A_80 = arith.constant 0 : i32
        %dma_start3A_81 = tpu.memref_slice %arg3[%arg0, %mul3A_77, %dma_start3A_80] : memref<2x10000x128xf32, #tpu.memory_space<hbm>> -> memref<1x128x128xf32, #tpu.memory_space<hbm>>
        %dma_start3A_82 = tpu.memref_squeeze %dma_start3A_81 : memref<1x128x128xf32, #tpu.memory_space<hbm>> -> memref<128x128xf32, #tpu.memory_space<hbm>>
        tpu.enqueue_dma source(%arg6 : memref<128x128xf32, #tpu.memory_space<vmem>>) target(%dma_start3A_82 : memref<128x128xf32, #tpu.memory_space<hbm>>) target_semaphore(%run_scoped3A : memref<!tpu.dma_semaphore, #tpu.memory_space<semaphore_mem>>)
        %dma_wait3A = arith.constant 0 : i32
        %dma_wait3A_83 = tpu.memref_slice %arg3[%arg0, %mul3A_77, %dma_wait3A] : memref<2x10000x128xf32, #tpu.memory_space<hbm>> -> memref<1x128x128xf32, #tpu.memory_space<hbm>>
        %dma_wait3A_84 = tpu.memref_squeeze %dma_wait3A_83 : memref<1x128x128xf32, #tpu.memory_space<hbm>> -> memref<128x128xf32, #tpu.memory_space<hbm>>
        %dma_wait3A_85 = arith.constant 0 : i32
        %dma_wait3A_86 = tpu.memref_slice %arg3[%arg0, %mul3A_77, %dma_wait3A_85] : memref<2x10000x128xf32, #tpu.memory_space<hbm>> -> memref<1x128x128xf32, #tpu.memory_space<hbm>>
        %dma_wait3A_87 = tpu.memref_squeeze %dma_wait3A_86 : memref<1x128x128xf32, #tpu.memory_space<hbm>> -> memref<128x128xf32, #tpu.memory_space<hbm>>
        tpu.wait_dma2 semaphore(%run_scoped3A : memref<!tpu.dma_semaphore, #tpu.memory_space<semaphore_mem>>) src(%arg6 : memref<128x128xf32, #tpu.memory_space<vmem>>) dst(%dma_wait3A_87 : memref<128x128xf32, #tpu.memory_space<hbm>>)
        tpu.yield
      }) : () -> ()
    }
    %eq3A_67 = arith.constant 0 : i32
    %eq3A_68 = arith.cmpi eq, %arg1, %eq3A_67 : i32
    %convert_element_type3A_69 = arith.extui %eq3A_68 : i1 to i32
    %cond3A_70 = arith.constant 0 : i32
    %cond3A_71 = arith.cmpi ne, %convert_element_type3A_69, %cond3A_70 : i32
    scf.if %cond3A_71 {
      "tpu.region"() ({
        %run_scoped3A = tpu.sem_alloc : memref<!tpu.dma_semaphore, #tpu.memory_space<semaphore_mem>>
        %dma_start3A = arith.constant 0 : i32
        %dma_start3A_72 = arith.constant 0 : i32
        %dma_start3A_73 = tpu.memref_slice %arg6[%dma_start3A, %dma_start3A_72] : memref<128x128xf32, #tpu.memory_space<vmem>> -> memref<16x128xf32, #tpu.memory_space<vmem>>
        %dma_start3A_74 = arith.constant 9984 : i32
        %dma_start3A_75 = arith.constant 0 : i32
        %dma_start3A_76 = tpu.memref_slice %arg4[%dma_start3A_74, %dma_start3A_75] : memref<10008x128xf32, #tpu.memory_space<vmem_shared>> -> memref<16x128xf32, #tpu.memory_space<vmem_shared>>
        %dma_start3A_77 = arith.constant 0 : i32
        %dma_start3A_78 = arith.constant 0 : i32
        %dma_start3A_79 = tpu.memref_slice %arg6[%dma_start3A_77, %dma_start3A_78] : memref<128x128xf32, #tpu.memory_space<vmem>> -> memref<16x128xf32, #tpu.memory_space<vmem>>
        %dma_start3A_80 = arith.constant 9984 : i32
        %dma_start3A_81 = arith.constant 0 : i32
        %dma_start3A_82 = tpu.memref_slice %arg4[%dma_start3A_80, %dma_start3A_81] : memref<10008x128xf32, #tpu.memory_space<vmem_shared>> -> memref<16x128xf32, #tpu.memory_space<vmem_shared>>
        tpu.enqueue_dma source(%dma_start3A_82 : memref<16x128xf32, #tpu.memory_space<vmem_shared>>) target(%dma_start3A_79 : memref<16x128xf32, #tpu.memory_space<vmem>>) target_semaphore(%run_scoped3A : memref<!tpu.dma_semaphore, #tpu.memory_space<semaphore_mem>>)
        %dma_wait3A = arith.constant 0 : i32
        %dma_wait3A_83 = arith.constant 0 : i32
        %dma_wait3A_84 = tpu.memref_slice %arg6[%dma_wait3A, %dma_wait3A_83] : memref<128x128xf32, #tpu.memory_space<vmem>> -> memref<16x128xf32, #tpu.memory_space<vmem>>
        %dma_wait3A_85 = arith.constant 9984 : i32
        %dma_wait3A_86 = arith.constant 0 : i32
        %dma_wait3A_87 = tpu.memref_slice %arg4[%dma_wait3A_85, %dma_wait3A_86] : memref<10008x128xf32, #tpu.memory_space<vmem_shared>> -> memref<16x128xf32, #tpu.memory_space<vmem_shared>>
        %dma_wait3A_88 = arith.constant 0 : i32
        %dma_wait3A_89 = arith.constant 0 : i32
        %dma_wait3A_90 = tpu.memref_slice %arg6[%dma_wait3A_88, %dma_wait3A_89] : memref<128x128xf32, #tpu.memory_space<vmem>> -> memref<16x128xf32, #tpu.memory_space<vmem>>
        %dma_wait3A_91 = arith.constant 9984 : i32
        %dma_wait3A_92 = arith.constant 0 : i32
        %dma_wait3A_93 = tpu.memref_slice %arg4[%dma_wait3A_91, %dma_wait3A_92] : memref<10008x128xf32, #tpu.memory_space<vmem_shared>> -> memref<16x128xf32, #tpu.memory_space<vmem_shared>>
        tpu.wait_dma2 semaphore(%run_scoped3A : memref<!tpu.dma_semaphore, #tpu.memory_space<semaphore_mem>>) src(%dma_wait3A_93 : memref<16x128xf32, #tpu.memory_space<vmem_shared>>) dst(%dma_wait3A_90 : memref<16x128xf32, #tpu.memory_space<vmem>>)
        tpu.yield
      }) : () -> ()
      "tpu.region"() ({
        %run_scoped3A = tpu.sem_alloc : memref<!tpu.dma_semaphore, #tpu.memory_space<semaphore_mem>>
        %dma_start3A = arith.constant 0 : i32
        %dma_start3A_72 = arith.constant 0 : i32
        %dma_start3A_73 = tpu.memref_slice %arg6[%dma_start3A, %dma_start3A_72] : memref<128x128xf32, #tpu.memory_space<vmem>> -> memref<16x128xf32, #tpu.memory_space<vmem>>
        %dma_start3A_74 = arith.constant 9984 : i32
        %dma_start3A_75 = arith.constant 0 : i32
        %dma_start3A_76 = tpu.memref_slice %arg3[%arg0, %dma_start3A_74, %dma_start3A_75] : memref<2x10000x128xf32, #tpu.memory_space<hbm>> -> memref<1x16x128xf32, #tpu.memory_space<hbm>>
        %dma_start3A_77 = tpu.memref_squeeze %dma_start3A_76 : memref<1x16x128xf32, #tpu.memory_space<hbm>> -> memref<16x128xf32, #tpu.memory_space<hbm>>
        %dma_start3A_78 = arith.constant 9984 : i32
        %dma_start3A_79 = arith.constant 0 : i32
        %dma_start3A_80 = tpu.memref_slice %arg3[%arg0, %dma_start3A_78, %dma_start3A_79] : memref<2x10000x128xf32, #tpu.memory_space<hbm>> -> memref<1x16x128xf32, #tpu.memory_space<hbm>>
        %dma_start3A_81 = tpu.memref_squeeze %dma_start3A_80 : memref<1x16x128xf32, #tpu.memory_space<hbm>> -> memref<16x128xf32, #tpu.memory_space<hbm>>
        %dma_start3A_82 = arith.constant 0 : i32
        %dma_start3A_83 = arith.constant 0 : i32
        %dma_start3A_84 = tpu.memref_slice %arg6[%dma_start3A_82, %dma_start3A_83] : memref<128x128xf32, #tpu.memory_space<vmem>> -> memref<16x128xf32, #tpu.memory_space<vmem>>
        tpu.enqueue_dma source(%dma_start3A_84 : memref<16x128xf32, #tpu.memory_space<vmem>>) target(%dma_start3A_81 : memref<16x128xf32, #tpu.memory_space<hbm>>) target_semaphore(%run_scoped3A : memref<!tpu.dma_semaphore, #tpu.memory_space<semaphore_mem>>)
        %dma_wait3A = arith.constant 0 : i32
        %dma_wait3A_85 = arith.constant 0 : i32
        %dma_wait3A_86 = tpu.memref_slice %arg6[%dma_wait3A, %dma_wait3A_85] : memref<128x128xf32, #tpu.memory_space<vmem>> -> memref<16x128xf32, #tpu.memory_space<vmem>>
        %dma_wait3A_87 = arith.constant 9984 : i32
        %dma_wait3A_88 = arith.constant 0 : i32
        %dma_wait3A_89 = tpu.memref_slice %arg3[%arg0, %dma_wait3A_87, %dma_wait3A_88] : memref<2x10000x128xf32, #tpu.memory_space<hbm>> -> memref<1x16x128xf32, #tpu.memory_space<hbm>>
        %dma_wait3A_90 = tpu.memref_squeeze %dma_wait3A_89 : memref<1x16x128xf32, #tpu.memory_space<hbm>> -> memref<16x128xf32, #tpu.memory_space<hbm>>
        %dma_wait3A_91 = arith.constant 9984 : i32
        %dma_wait3A_92 = arith.constant 0 : i32
        %dma_wait3A_93 = tpu.memref_slice %arg3[%arg0, %dma_wait3A_91, %dma_wait3A_92] : memref<2x10000x128xf32, #tpu.memory_space<hbm>> -> memref<1x16x128xf32, #tpu.memory_space<hbm>>
        %dma_wait3A_94 = tpu.memref_squeeze %dma_wait3A_93 : memref<1x16x128xf32, #tpu.memory_space<hbm>> -> memref<16x128xf32, #tpu.memory_space<hbm>>
        %dma_wait3A_95 = arith.constant 0 : i32
        %dma_wait3A_96 = arith.constant 0 : i32
        %dma_wait3A_97 = tpu.memref_slice %arg6[%dma_wait3A_95, %dma_wait3A_96] : memref<128x128xf32, #tpu.memory_space<vmem>> -> memref<16x128xf32, #tpu.memory_space<vmem>>
        tpu.wait_dma2 semaphore(%run_scoped3A : memref<!tpu.dma_semaphore, #tpu.memory_space<semaphore_mem>>) src(%dma_wait3A_97 : memref<16x128xf32, #tpu.memory_space<vmem>>) dst(%dma_wait3A_94 : memref<16x128xf32, #tpu.memory_space<hbm>>)
        tpu.yield
      }) : () -> ()
    } else {
    }
    return
  }
}

#map = affine_map<(d0, d1) -> (0, 0)>
#map1 = affine_map<(d0, d1) -> (0, 0, 0)>
module attributes {stable_mosaic.version = 14 : i64} {
  func.func @_msg_body(%arg0: i32, %arg1: i32, %arg2: memref<327680x128xf32, #tpu.memory_space<hbm>>, %arg3: memref<2560x128xi32, #tpu.memory_space<hbm>>, %arg4: memref<2x10000x128xf32, #tpu.memory_space<hbm>>, %arg5: memref<10008x128xf32, #tpu.memory_space<vmem_shared>>, %arg6: memref<80x128xi32, #tpu.memory_space<vmem>>, %arg7: memref<128x128xf32, #tpu.memory_space<vmem>>, %arg8: memref<128x128xf32, #tpu.memory_space<vmem>>, %arg9: memref<!tpu.dma_semaphore, #tpu.memory_space<semaphore_mem>>, %arg10: memref<!tpu.dma_semaphore, #tpu.memory_space<semaphore_mem>>, %arg11: memref<!tpu.dma_semaphore, #tpu.memory_space<semaphore_mem>>, %arg12: memref<!tpu.dma_semaphore, #tpu.memory_space<semaphore_mem>>) attributes {dimension_semantics = [#tpu.dimension_semantics<core_parallel>, #tpu.dimension_semantics<subcore_parallel>], iteration_bounds = array<i64: 2, 16>, scalar_prefetch = 0 : i64, scratch_operands = 8 : i64, tpu.core_type = #tpu.core_type<sc_vector_subcore>, window_params = [{transform_indices = #map}, {transform_indices = #map}, {transform_indices = #map1}]} {
    %mul3A = arith.constant 2 : i32
    %mul3A_0 = arith.muli %arg1, %mul3A : i32
    %add3A = arith.addi %mul3A_0, %arg0 : i32
    %mul3A_1 = arith.constant 80 : i32
    %mul3A_2 = arith.muli %add3A, %mul3A_1 : i32
    %sub3A = arith.constant 78 : i32
    %sub3A_3 = arith.subi %sub3A, %arg1 : i32
    %add3A_4 = arith.constant 16 : i32
    %add3A_5 = arith.addi %sub3A_3, %add3A_4 : i32
    %sub3A_6 = arith.constant 1 : i32
    %sub3A_7 = arith.subi %add3A_5, %sub3A_6 : i32
    %jit3A = arith.constant 16 : i32
    %div3A = arith.divsi %sub3A_7, %jit3A : i32
    %sign3A = arith.constant 0 : i32
    %sign3A_8 = arith.cmpi sgt, %sub3A_7, %sign3A : i32
    %sign3A_9 = arith.extui %sign3A_8 : i1 to i32
    %sign3A_10 = arith.constant 0 : i32
    %sign3A_11 = arith.cmpi slt, %sub3A_7, %sign3A_10 : i32
    %sign3A_12 = arith.extui %sign3A_11 : i1 to i32
    %sign3A_13 = arith.subi %sign3A_9, %sign3A_12 : i32
    %sign3A_14 = arith.constant 0 : i32
    %sign3A_15 = arith.cmpi sgt, %jit3A, %sign3A_14 : i32
    %sign3A_16 = arith.extui %sign3A_15 : i1 to i32
    %sign3A_17 = arith.constant 0 : i32
    %sign3A_18 = arith.cmpi slt, %jit3A, %sign3A_17 : i32
    %sign3A_19 = arith.extui %sign3A_18 : i1 to i32
    %sign3A_20 = arith.subi %sign3A_16, %sign3A_19 : i32
    %ne3A = arith.cmpi ne, %sign3A_13, %sign3A_20 : i32
    %rem3A = arith.remsi %sub3A_7, %jit3A : i32
    %ne3A_21 = arith.constant 0 : i32
    %ne3A_22 = arith.cmpi ne, %rem3A, %ne3A_21 : i32
    %and3A = arith.andi %ne3A, %ne3A_22 : i1
    %sub3A_23 = arith.constant 1 : i32
    %sub3A_24 = arith.subi %div3A, %sub3A_23 : i32
    %select_n3A = arith.select %and3A, %sub3A_24, %div3A : i32
    %broadcast_in_dim3A = arith.constant 0.000000e+00 : f32
    %broadcast_in_dim3A_25 = vector.broadcast %broadcast_in_dim3A : f32 to vector<16xf32>
    %scan3A = arith.constant 0 : i32
    %scan3A_26 = arith.constant 0 : i32
    %scan3A_27 = arith.constant 128 : i32
    %scan3A_28 = arith.addi %scan3A_26, %scan3A_27 : i32
    %scan3A_29 = arith.constant 1 : i32
    scf.for %scan3A_77 = %scan3A_26 to %scan3A_28 step %scan3A_29  : i32 {
      %swap3A = arith.index_cast %scan3A_77 : i32 to index
      %swap3A_78 = arith.constant 0 : index
      %swap3A_79 = tpu.vector_load %arg7[%swap3A, %swap3A_78] {strides = array<i32>} : memref<128x128xf32, #tpu.memory_space<vmem>>, vector<1x16xf32>,
      %swap3A_80 = vector.shape_cast %swap3A_79 : vector<1x16xf32> to vector<16xf32>
      %swap3A_81 = vector.shape_cast %broadcast_in_dim3A_25 : vector<16xf32> to vector<1x16xf32>
      tpu.vector_store %arg7[%swap3A, %swap3A_78], %swap3A_81 {strides = array<i32>} : memref<128x128xf32, #tpu.memory_space<vmem>>, vector<1x16xf32>,
      %swap3A_82 = arith.index_cast %scan3A_77 : i32 to index
      %swap3A_83 = arith.constant 16 : index
      %swap3A_84 = tpu.vector_load %arg7[%swap3A_82, %swap3A_83] {strides = array<i32>} : memref<128x128xf32, #tpu.memory_space<vmem>>, vector<1x16xf32>,
      %swap3A_85 = vector.shape_cast %swap3A_84 : vector<1x16xf32> to vector<16xf32>
      %swap3A_86 = vector.shape_cast %broadcast_in_dim3A_25 : vector<16xf32> to vector<1x16xf32>
      tpu.vector_store %arg7[%swap3A_82, %swap3A_83], %swap3A_86 {strides = array<i32>} : memref<128x128xf32, #tpu.memory_space<vmem>>, vector<1x16xf32>,
      %swap3A_87 = arith.index_cast %scan3A_77 : i32 to index
      %swap3A_88 = arith.constant 32 : index
      %swap3A_89 = tpu.vector_load %arg7[%swap3A_87, %swap3A_88] {strides = array<i32>} : memref<128x128xf32, #tpu.memory_space<vmem>>, vector<1x16xf32>,
      %swap3A_90 = vector.shape_cast %swap3A_89 : vector<1x16xf32> to vector<16xf32>
      %swap3A_91 = vector.shape_cast %broadcast_in_dim3A_25 : vector<16xf32> to vector<1x16xf32>
      tpu.vector_store %arg7[%swap3A_87, %swap3A_88], %swap3A_91 {strides = array<i32>} : memref<128x128xf32, #tpu.memory_space<vmem>>, vector<1x16xf32>,
      %swap3A_92 = arith.index_cast %scan3A_77 : i32 to index
      %swap3A_93 = arith.constant 48 : index
      %swap3A_94 = tpu.vector_load %arg7[%swap3A_92, %swap3A_93] {strides = array<i32>} : memref<128x128xf32, #tpu.memory_space<vmem>>, vector<1x16xf32>,
      %swap3A_95 = vector.shape_cast %swap3A_94 : vector<1x16xf32> to vector<16xf32>
      %swap3A_96 = vector.shape_cast %broadcast_in_dim3A_25 : vector<16xf32> to vector<1x16xf32>
      tpu.vector_store %arg7[%swap3A_92, %swap3A_93], %swap3A_96 {strides = array<i32>} : memref<128x128xf32, #tpu.memory_space<vmem>>, vector<1x16xf32>,
      %swap3A_97 = arith.index_cast %scan3A_77 : i32 to index
      %swap3A_98 = arith.constant 64 : index
      %swap3A_99 = tpu.vector_load %arg7[%swap3A_97, %swap3A_98] {strides = array<i32>} : memref<128x128xf32, #tpu.memory_space<vmem>>, vector<1x16xf32>,
      %swap3A_100 = vector.shape_cast %swap3A_99 : vector<1x16xf32> to vector<16xf32>
      %swap3A_101 = vector.shape_cast %broadcast_in_dim3A_25 : vector<16xf32> to vector<1x16xf32>
      tpu.vector_store %arg7[%swap3A_97, %swap3A_98], %swap3A_101 {strides = array<i32>} : memref<128x128xf32, #tpu.memory_space<vmem>>, vector<1x16xf32>,
      %swap3A_102 = arith.index_cast %scan3A_77 : i32 to index
      %swap3A_103 = arith.constant 80 : index
      %swap3A_104 = tpu.vector_load %arg7[%swap3A_102, %swap3A_103] {strides = array<i32>} : memref<128x128xf32, #tpu.memory_space<vmem>>, vector<1x16xf32>,
      %swap3A_105 = vector.shape_cast %swap3A_104 : vector<1x16xf32> to vector<16xf32>
      %swap3A_106 = vector.shape_cast %broadcast_in_dim3A_25 : vector<16xf32> to vector<1x16xf32>
      tpu.vector_store %arg7[%swap3A_102, %swap3A_103], %swap3A_106 {strides = array<i32>} : memref<128x128xf32, #tpu.memory_space<vmem>>, vector<1x16xf32>,
      %swap3A_107 = arith.index_cast %scan3A_77 : i32 to index
      %swap3A_108 = arith.constant 96 : index
      %swap3A_109 = tpu.vector_load %arg7[%swap3A_107, %swap3A_108] {strides = array<i32>} : memref<128x128xf32, #tpu.memory_space<vmem>>, vector<1x16xf32>,
      %swap3A_110 = vector.shape_cast %swap3A_109 : vector<1x16xf32> to vector<16xf32>
      %swap3A_111 = vector.shape_cast %broadcast_in_dim3A_25 : vector<16xf32> to vector<1x16xf32>
      tpu.vector_store %arg7[%swap3A_107, %swap3A_108], %swap3A_111 {strides = array<i32>} : memref<128x128xf32, #tpu.memory_space<vmem>>, vector<1x16xf32>,
      %swap3A_112 = arith.index_cast %scan3A_77 : i32 to index
      %swap3A_113 = arith.constant 112 : index
      %swap3A_114 = tpu.vector_load %arg7[%swap3A_112, %swap3A_113] {strides = array<i32>} : memref<128x128xf32, #tpu.memory_space<vmem>>, vector<1x16xf32>,
      %swap3A_115 = vector.shape_cast %swap3A_114 : vector<1x16xf32> to vector<16xf32>
      %swap3A_116 = vector.shape_cast %broadcast_in_dim3A_25 : vector<16xf32> to vector<1x16xf32>
      tpu.vector_store %arg7[%swap3A_112, %swap3A_113], %swap3A_116 {strides = array<i32>} : memref<128x128xf32, #tpu.memory_space<vmem>>, vector<1x16xf32>,
    }
    %scan3A_30 = arith.constant 128 : i32
    %while3A = arith.constant 0 : i32
    %while3A_31 = arith.constant 0 : i32
    %while3A_32 = arith.subi %select_n3A, %while3A_31 : i32
    %while3A_33 = arith.addi %while3A_31, %while3A_32 : i32
    %while3A_34 = arith.constant 1 : i32
    %while3A_35 = arith.divsi %while3A_32, %while3A_34 : i32
    %while3A_36 = arith.muli %while3A_35, %while3A_34 : i32
    %while3A_37 = arith.addi %while3A_31, %while3A_36 : i32
    %while3A_38 = arith.constant 1 : i32
    scf.for %while3A_77 = %while3A_31 to %while3A_37 step %while3A_38  : i32 {
      %mul3A_78 = arith.constant 16 : i32
      %mul3A_79 = arith.muli %while3A_77, %mul3A_78 : i32
      %add3A_80 = arith.addi %arg1, %mul3A_79 : i32
      %mul3A_81 = arith.constant 128 : i32
      %mul3A_82 = arith.muli %add3A_80, %mul3A_81 : i32
      "tpu.region"() ({
        %run_scoped3A = tpu.sem_alloc : memref<!tpu.dma_semaphore, #tpu.memory_space<semaphore_mem>>
        %dma_start3A_83 = arith.constant 0 : i32
        %dma_start3A_84 = tpu.memref_slice %arg5[%mul3A_82, %dma_start3A_83] : memref<10008x128xf32, #tpu.memory_space<vmem_shared>> -> memref<128x128xf32, #tpu.memory_space<vmem_shared>>
        %dma_start3A_85 = arith.constant 0 : i32
        %dma_start3A_86 = tpu.memref_slice %arg5[%mul3A_82, %dma_start3A_85] : memref<10008x128xf32, #tpu.memory_space<vmem_shared>> -> memref<128x128xf32, #tpu.memory_space<vmem_shared>>
        tpu.enqueue_dma source(%arg7 : memref<128x128xf32, #tpu.memory_space<vmem>>) target(%dma_start3A_86 : memref<128x128xf32, #tpu.memory_space<vmem_shared>>) target_semaphore(%run_scoped3A : memref<!tpu.dma_semaphore, #tpu.memory_space<semaphore_mem>>)
        %dma_wait3A_87 = arith.constant 0 : i32
        %dma_wait3A_88 = tpu.memref_slice %arg5[%mul3A_82, %dma_wait3A_87] : memref<10008x128xf32, #tpu.memory_space<vmem_shared>> -> memref<128x128xf32, #tpu.memory_space<vmem_shared>>
        %dma_wait3A_89 = arith.constant 0 : i32
        %dma_wait3A_90 = tpu.memref_slice %arg5[%mul3A_82, %dma_wait3A_89] : memref<10008x128xf32, #tpu.memory_space<vmem_shared>> -> memref<128x128xf32, #tpu.memory_space<vmem_shared>>
        tpu.wait_dma2 semaphore(%run_scoped3A : memref<!tpu.dma_semaphore, #tpu.memory_space<semaphore_mem>>) src(%arg7 : memref<128x128xf32, #tpu.memory_space<vmem>>) dst(%dma_wait3A_90 : memref<128x128xf32, #tpu.memory_space<vmem_shared>>)
        tpu.yield
      }) : () -> ()
    }
    %while3A_39 = arith.constant 1 : i32
    scf.for %while3A_77 = %while3A_37 to %while3A_33 step %while3A_39  : i32 {
      %mul3A_78 = arith.constant 16 : i32
      %mul3A_79 = arith.muli %while3A_77, %mul3A_78 : i32
      %add3A_80 = arith.addi %arg1, %mul3A_79 : i32
      %mul3A_81 = arith.constant 128 : i32
      %mul3A_82 = arith.muli %add3A_80, %mul3A_81 : i32
      "tpu.region"() ({
        %run_scoped3A = tpu.sem_alloc : memref<!tpu.dma_semaphore, #tpu.memory_space<semaphore_mem>>
        %dma_start3A_83 = arith.constant 0 : i32
        %dma_start3A_84 = tpu.memref_slice %arg5[%mul3A_82, %dma_start3A_83] : memref<10008x128xf32, #tpu.memory_space<vmem_shared>> -> memref<128x128xf32, #tpu.memory_space<vmem_shared>>
        %dma_start3A_85 = arith.constant 0 : i32
        %dma_start3A_86 = tpu.memref_slice %arg5[%mul3A_82, %dma_start3A_85] : memref<10008x128xf32, #tpu.memory_space<vmem_shared>> -> memref<128x128xf32, #tpu.memory_space<vmem_shared>>
        tpu.enqueue_dma source(%arg7 : memref<128x128xf32, #tpu.memory_space<vmem>>) target(%dma_start3A_86 : memref<128x128xf32, #tpu.memory_space<vmem_shared>>) target_semaphore(%run_scoped3A : memref<!tpu.dma_semaphore, #tpu.memory_space<semaphore_mem>>)
        %dma_wait3A_87 = arith.constant 0 : i32
        %dma_wait3A_88 = tpu.memref_slice %arg5[%mul3A_82, %dma_wait3A_87] : memref<10008x128xf32, #tpu.memory_space<vmem_shared>> -> memref<128x128xf32, #tpu.memory_space<vmem_shared>>
        %dma_wait3A_89 = arith.constant 0 : i32
        %dma_wait3A_90 = tpu.memref_slice %arg5[%mul3A_82, %dma_wait3A_89] : memref<10008x128xf32, #tpu.memory_space<vmem_shared>> -> memref<128x128xf32, #tpu.memory_space<vmem_shared>>
        tpu.wait_dma2 semaphore(%run_scoped3A : memref<!tpu.dma_semaphore, #tpu.memory_space<semaphore_mem>>) src(%arg7 : memref<128x128xf32, #tpu.memory_space<vmem>>) dst(%dma_wait3A_90 : memref<128x128xf32, #tpu.memory_space<vmem_shared>>)
        tpu.yield
      }) : () -> ()
    }
    %eq3A = arith.constant 0 : i32
    %eq3A_40 = arith.cmpi eq, %arg1, %eq3A : i32
    %convert_element_type3A = arith.extui %eq3A_40 : i1 to i32
    %cond3A = arith.constant 0 : i32
    %cond3A_41 = arith.cmpi ne, %convert_element_type3A, %cond3A : i32
    scf.if %cond3A_41 {
      "tpu.region"() ({
        %run_scoped3A = tpu.sem_alloc : memref<!tpu.dma_semaphore, #tpu.memory_space<semaphore_mem>>
        %dma_start3A_77 = arith.constant 0 : i32
        %dma_start3A_78 = arith.constant 0 : i32
        %dma_start3A_79 = tpu.memref_slice %arg7[%dma_start3A_77, %dma_start3A_78] : memref<128x128xf32, #tpu.memory_space<vmem>> -> memref<24x128xf32, #tpu.memory_space<vmem>>
        %dma_start3A_80 = arith.constant 9984 : i32
        %dma_start3A_81 = arith.constant 0 : i32
        %dma_start3A_82 = tpu.memref_slice %arg5[%dma_start3A_80, %dma_start3A_81] : memref<10008x128xf32, #tpu.memory_space<vmem_shared>> -> memref<24x128xf32, #tpu.memory_space<vmem_shared>>
        %dma_start3A_83 = arith.constant 9984 : i32
        %dma_start3A_84 = arith.constant 0 : i32
        %dma_start3A_85 = tpu.memref_slice %arg5[%dma_start3A_83, %dma_start3A_84] : memref<10008x128xf32, #tpu.memory_space<vmem_shared>> -> memref<24x128xf32, #tpu.memory_space<vmem_shared>>
        %dma_start3A_86 = arith.constant 0 : i32
        %dma_start3A_87 = arith.constant 0 : i32
        %dma_start3A_88 = tpu.memref_slice %arg7[%dma_start3A_86, %dma_start3A_87] : memref<128x128xf32, #tpu.memory_space<vmem>> -> memref<24x128xf32, #tpu.memory_space<vmem>>
        tpu.enqueue_dma source(%dma_start3A_88 : memref<24x128xf32, #tpu.memory_space<vmem>>) target(%dma_start3A_85 : memref<24x128xf32, #tpu.memory_space<vmem_shared>>) target_semaphore(%run_scoped3A : memref<!tpu.dma_semaphore, #tpu.memory_space<semaphore_mem>>)
        %dma_wait3A_89 = arith.constant 0 : i32
        %dma_wait3A_90 = arith.constant 0 : i32
        %dma_wait3A_91 = tpu.memref_slice %arg7[%dma_wait3A_89, %dma_wait3A_90] : memref<128x128xf32, #tpu.memory_space<vmem>> -> memref<24x128xf32, #tpu.memory_space<vmem>>
        %dma_wait3A_92 = arith.constant 9984 : i32
        %dma_wait3A_93 = arith.constant 0 : i32
        %dma_wait3A_94 = tpu.memref_slice %arg5[%dma_wait3A_92, %dma_wait3A_93] : memref<10008x128xf32, #tpu.memory_space<vmem_shared>> -> memref<24x128xf32, #tpu.memory_space<vmem_shared>>
        %dma_wait3A_95 = arith.constant 9984 : i32
        %dma_wait3A_96 = arith.constant 0 : i32
        %dma_wait3A_97 = tpu.memref_slice %arg5[%dma_wait3A_95, %dma_wait3A_96] : memref<10008x128xf32, #tpu.memory_space<vmem_shared>> -> memref<24x128xf32, #tpu.memory_space<vmem_shared>>
        %dma_wait3A_98 = arith.constant 0 : i32
        %dma_wait3A_99 = arith.constant 0 : i32
        %dma_wait3A_100 = tpu.memref_slice %arg7[%dma_wait3A_98, %dma_wait3A_99] : memref<128x128xf32, #tpu.memory_space<vmem>> -> memref<24x128xf32, #tpu.memory_space<vmem>>
        tpu.wait_dma2 semaphore(%run_scoped3A : memref<!tpu.dma_semaphore, #tpu.memory_space<semaphore_mem>>) src(%dma_wait3A_100 : memref<24x128xf32, #tpu.memory_space<vmem>>) dst(%dma_wait3A_97 : memref<24x128xf32, #tpu.memory_space<vmem_shared>>)
        tpu.yield
      }) : () -> ()
    } else {
    }
    "tpu.region"() ({
      %run_scoped3A = tpu.sem_alloc : memref<!tpu.dma_semaphore, #tpu.memory_space<semaphore_mem>>
      %dma_start3A_77 = arith.constant 0 : i32
      %dma_start3A_78 = tpu.memref_slice %arg3[%mul3A_2, %dma_start3A_77] : memref<2560x128xi32, #tpu.memory_space<hbm>> -> memref<80x128xi32, #tpu.memory_space<hbm>>
      %dma_start3A_79 = arith.constant 0 : i32
      %dma_start3A_80 = tpu.memref_slice %arg3[%mul3A_2, %dma_start3A_79] : memref<2560x128xi32, #tpu.memory_space<hbm>> -> memref<80x128xi32, #tpu.memory_space<hbm>>
      tpu.enqueue_dma source(%dma_start3A_80 : memref<80x128xi32, #tpu.memory_space<hbm>>) target(%arg6 : memref<80x128xi32, #tpu.memory_space<vmem>>) target_semaphore(%run_scoped3A : memref<!tpu.dma_semaphore, #tpu.memory_space<semaphore_mem>>)
      %dma_wait3A_81 = arith.constant 0 : i32
      %dma_wait3A_82 = tpu.memref_slice %arg3[%mul3A_2, %dma_wait3A_81] : memref<2560x128xi32, #tpu.memory_space<hbm>> -> memref<80x128xi32, #tpu.memory_space<hbm>>
      %dma_wait3A_83 = arith.constant 0 : i32
      %dma_wait3A_84 = tpu.memref_slice %arg3[%mul3A_2, %dma_wait3A_83] : memref<2560x128xi32, #tpu.memory_space<hbm>> -> memref<80x128xi32, #tpu.memory_space<hbm>>
      tpu.wait_dma2 semaphore(%run_scoped3A : memref<!tpu.dma_semaphore, #tpu.memory_space<semaphore_mem>>) src(%dma_wait3A_84 : memref<80x128xi32, #tpu.memory_space<hbm>>) dst(%arg6 : memref<80x128xi32, #tpu.memory_space<vmem>>)
      tpu.yield
    }) : () -> ()
    %barrier3A = arith.constant 0 : index
    tpu.barrier barrier_id(%barrier3A)
    %add3A_42 = arith.constant 0 : i32
    %add3A_43 = arith.addi %mul3A_2, %add3A_42 : i32
    %mul3A_44 = arith.constant 128 : i32
    %mul3A_45 = arith.muli %add3A_43, %mul3A_44 : i32
    %dma_start3A = arith.constant 0 : i32
    %dma_start3A_46 = tpu.memref_slice %arg2[%mul3A_45, %dma_start3A] : memref<327680x128xf32, #tpu.memory_space<hbm>> -> memref<128x128xf32, #tpu.memory_space<hbm>>
    %dma_start3A_47 = arith.constant 0 : i32
    %dma_start3A_48 = tpu.memref_slice %arg2[%mul3A_45, %dma_start3A_47] : memref<327680x128xf32, #tpu.memory_space<hbm>> -> memref<128x128xf32, #tpu.memory_space<hbm>>
    tpu.enqueue_dma source(%dma_start3A_48 : memref<128x128xf32, #tpu.memory_space<hbm>>) target(%arg7 : memref<128x128xf32, #tpu.memory_space<vmem>>) target_semaphore(%arg9 : memref<!tpu.dma_semaphore, #tpu.memory_space<semaphore_mem>>)
    %scan3A_49 = arith.constant 0 : i32
    %scan3A_50 = arith.constant 0 : i32
    %scan3A_51 = arith.constant 40 : i32
    %scan3A_52 = arith.addi %scan3A_50, %scan3A_51 : i32
    %scan3A_53 = arith.constant 1 : i32
    scf.for %scan3A_77 = %scan3A_50 to %scan3A_52 step %scan3A_53  : i32 {
      %mul3A_78 = arith.constant 2 : i32
      %mul3A_79 = arith.muli %mul3A_78, %scan3A_77 : i32
      %add3A_80 = arith.constant 1 : i32
      %add3A_81 = arith.addi %mul3A_79, %add3A_80 : i32
      %gt3A = arith.constant 0 : i32
      %gt3A_82 = arith.cmpi sgt, %scan3A_77, %gt3A : i32
      %convert_element_type3A_83 = arith.extui %gt3A_82 : i1 to i32
      %cond3A_84 = arith.constant 0 : i32
      %cond3A_85 = arith.cmpi ne, %convert_element_type3A_83, %cond3A_84 : i32
      scf.if %cond3A_85 {
        %dma_wait3A_128 = arith.constant 0 : i32
        %dma_wait3A_129 = arith.constant 0 : i32
        %dma_wait3A_130 = tpu.memref_slice %arg6[%dma_wait3A_128, %dma_wait3A_129] : memref<80x128xi32, #tpu.memory_space<vmem>> -> memref<1x128xi32, #tpu.memory_space<vmem>>
        %dma_wait3A_131 = tpu.memref_squeeze %dma_wait3A_130 : memref<1x128xi32, #tpu.memory_space<vmem>> -> memref<128xi32, #tpu.memory_space<vmem>>
        %dma_wait3A_132 = arith.constant 0 : i32
        %dma_wait3A_133 = arith.constant 0 : i32
        %dma_wait3A_134 = tpu.memref_slice %arg5[%dma_wait3A_132, %dma_wait3A_133] : memref<10008x128xf32, #tpu.memory_space<vmem_shared>> -> memref<10008x128xf32, #tpu.memory_space<vmem_shared>>
        tpu.wait_indirect_dma semaphore(%arg12 : memref<!tpu.dma_semaphore, #tpu.memory_space<semaphore_mem>>) src(%arg8 : memref<128x128xf32, #tpu.memory_space<vmem>>) dst(%dma_wait3A_134 : memref<10008x128xf32, #tpu.memory_space<vmem_shared>>)
      } else {
      }
      %add3A_86 = arith.addi %mul3A_2, %add3A_81 : i32
      %mul3A_87 = arith.constant 128 : i32
      %mul3A_88 = arith.muli %add3A_86, %mul3A_87 : i32
      %dma_start3A_89 = arith.constant 0 : i32
      %dma_start3A_90 = tpu.memref_slice %arg2[%mul3A_88, %dma_start3A_89] : memref<327680x128xf32, #tpu.memory_space<hbm>> -> memref<128x128xf32, #tpu.memory_space<hbm>>
      %dma_start3A_91 = arith.constant 0 : i32
      %dma_start3A_92 = tpu.memref_slice %arg2[%mul3A_88, %dma_start3A_91] : memref<327680x128xf32, #tpu.memory_space<hbm>> -> memref<128x128xf32, #tpu.memory_space<hbm>>
      tpu.enqueue_dma source(%dma_start3A_92 : memref<128x128xf32, #tpu.memory_space<hbm>>) target(%arg8 : memref<128x128xf32, #tpu.memory_space<vmem>>) target_semaphore(%arg10 : memref<!tpu.dma_semaphore, #tpu.memory_space<semaphore_mem>>)
      %dma_wait3A_93 = arith.constant 0 : i32
      %dma_wait3A_94 = arith.constant 0 : i32
      %dma_wait3A_95 = tpu.memref_slice %arg2[%dma_wait3A_93, %dma_wait3A_94] : memref<327680x128xf32, #tpu.memory_space<hbm>> -> memref<128x128xf32, #tpu.memory_space<hbm>>
      %dma_wait3A_96 = arith.constant 0 : i32
      %dma_wait3A_97 = arith.constant 0 : i32
      %dma_wait3A_98 = tpu.memref_slice %arg2[%dma_wait3A_96, %dma_wait3A_97] : memref<327680x128xf32, #tpu.memory_space<hbm>> -> memref<128x128xf32, #tpu.memory_space<hbm>>
      tpu.wait_dma2 semaphore(%arg9 : memref<!tpu.dma_semaphore, #tpu.memory_space<semaphore_mem>>) src(%dma_wait3A_98 : memref<128x128xf32, #tpu.memory_space<hbm>>) dst(%arg7 : memref<128x128xf32, #tpu.memory_space<vmem>>)
      %dma_start3A_99 = arith.constant 0 : i32
      %dma_start3A_100 = tpu.memref_slice %arg6[%mul3A_79, %dma_start3A_99] : memref<80x128xi32, #tpu.memory_space<vmem>> -> memref<1x128xi32, #tpu.memory_space<vmem>>
      %dma_start3A_101 = tpu.memref_squeeze %dma_start3A_100 : memref<1x128xi32, #tpu.memory_space<vmem>> -> memref<128xi32, #tpu.memory_space<vmem>>
      %dma_start3A_102 = arith.constant 0 : i32
      %dma_start3A_103 = arith.constant 0 : i32
      %dma_start3A_104 = tpu.memref_slice %arg5[%dma_start3A_102, %dma_start3A_103] : memref<10008x128xf32, #tpu.memory_space<vmem_shared>> -> memref<10008x128xf32, #tpu.memory_space<vmem_shared>>
      tpu.enqueue_indirect_dma source(%arg7 : memref<128x128xf32, #tpu.memory_space<vmem>>) target(%dma_start3A_104 : memref<10008x128xf32, #tpu.memory_space<vmem_shared>>) offsets(%dma_start3A_101 : memref<128xi32, #tpu.memory_space<vmem>>) semaphore(%arg11 : memref<!tpu.dma_semaphore, #tpu.memory_space<semaphore_mem>>) {add = true}
      %dma_wait3A_105 = arith.constant 0 : i32
      %dma_wait3A_106 = arith.constant 0 : i32
      %dma_wait3A_107 = tpu.memref_slice %arg2[%dma_wait3A_105, %dma_wait3A_106] : memref<327680x128xf32, #tpu.memory_space<hbm>> -> memref<128x128xf32, #tpu.memory_space<hbm>>
      %dma_wait3A_108 = arith.constant 0 : i32
      %dma_wait3A_109 = arith.constant 0 : i32
      %dma_wait3A_110 = tpu.memref_slice %arg2[%dma_wait3A_108, %dma_wait3A_109] : memref<327680x128xf32, #tpu.memory_space<hbm>> -> memref<128x128xf32, #tpu.memory_space<hbm>>
      tpu.wait_dma2 semaphore(%arg10 : memref<!tpu.dma_semaphore, #tpu.memory_space<semaphore_mem>>) src(%dma_wait3A_110 : memref<128x128xf32, #tpu.memory_space<hbm>>) dst(%arg8 : memref<128x128xf32, #tpu.memory_space<vmem>>)
      %dma_start3A_111 = arith.constant 0 : i32
      %dma_start3A_112 = tpu.memref_slice %arg6[%add3A_81, %dma_start3A_111] : memref<80x128xi32, #tpu.memory_space<vmem>> -> memref<1x128xi32, #tpu.memory_space<vmem>>
      %dma_start3A_113 = tpu.memref_squeeze %dma_start3A_112 : memref<1x128xi32, #tpu.memory_space<vmem>> -> memref<128xi32, #tpu.memory_space<vmem>>
      %dma_start3A_114 = arith.constant 0 : i32
      %dma_start3A_115 = arith.constant 0 : i32
      %dma_start3A_116 = tpu.memref_slice %arg5[%dma_start3A_114, %dma_start3A_115] : memref<10008x128xf32, #tpu.memory_space<vmem_shared>> -> memref<10008x128xf32, #tpu.memory_space<vmem_shared>>
      tpu.enqueue_indirect_dma source(%arg8 : memref<128x128xf32, #tpu.memory_space<vmem>>) target(%dma_start3A_116 : memref<10008x128xf32, #tpu.memory_space<vmem_shared>>) offsets(%dma_start3A_113 : memref<128xi32, #tpu.memory_space<vmem>>) semaphore(%arg12 : memref<!tpu.dma_semaphore, #tpu.memory_space<semaphore_mem>>) {add = true}
      %dma_wait3A_117 = arith.constant 0 : i32
      %dma_wait3A_118 = arith.constant 0 : i32
      %dma_wait3A_119 = tpu.memref_slice %arg6[%dma_wait3A_117, %dma_wait3A_118] : memref<80x128xi32, #tpu.memory_space<vmem>> -> memref<1x128xi32, #tpu.memory_space<vmem>>
      %dma_wait3A_120 = tpu.memref_squeeze %dma_wait3A_119 : memref<1x128xi32, #tpu.memory_space<vmem>> -> memref<128xi32, #tpu.memory_space<vmem>>
      %dma_wait3A_121 = arith.constant 0 : i32
      %dma_wait3A_122 = arith.constant 0 : i32
      %dma_wait3A_123 = tpu.memref_slice %arg5[%dma_wait3A_121, %dma_wait3A_122] : memref<10008x128xf32, #tpu.memory_space<vmem_shared>> -> memref<10008x128xf32, #tpu.memory_space<vmem_shared>>
      tpu.wait_indirect_dma semaphore(%arg11 : memref<!tpu.dma_semaphore, #tpu.memory_space<semaphore_mem>>) src(%arg7 : memref<128x128xf32, #tpu.memory_space<vmem>>) dst(%dma_wait3A_123 : memref<10008x128xf32, #tpu.memory_space<vmem_shared>>)
      %lt3A = arith.constant 39 : i32
      %lt3A_124 = arith.cmpi slt, %scan3A_77, %lt3A : i32
      %convert_element_type3A_125 = arith.extui %lt3A_124 : i1 to i32
      %cond3A_126 = arith.constant 0 : i32
      %cond3A_127 = arith.cmpi ne, %convert_element_type3A_125, %cond3A_126 : i32
      scf.if %cond3A_127 {
        %add3A_128 = arith.constant 2 : i32
        %add3A_129 = arith.addi %mul3A_79, %add3A_128 : i32
        %add3A_130 = arith.addi %mul3A_2, %add3A_129 : i32
        %mul3A_131 = arith.constant 128 : i32
        %mul3A_132 = arith.muli %add3A_130, %mul3A_131 : i32
        %dma_start3A_133 = arith.constant 0 : i32
        %dma_start3A_134 = tpu.memref_slice %arg2[%mul3A_132, %dma_start3A_133] : memref<327680x128xf32, #tpu.memory_space<hbm>> -> memref<128x128xf32, #tpu.memory_space<hbm>>
        %dma_start3A_135 = arith.constant 0 : i32
        %dma_start3A_136 = tpu.memref_slice %arg2[%mul3A_132, %dma_start3A_135] : memref<327680x128xf32, #tpu.memory_space<hbm>> -> memref<128x128xf32, #tpu.memory_space<hbm>>
        tpu.enqueue_dma source(%dma_start3A_136 : memref<128x128xf32, #tpu.memory_space<hbm>>) target(%arg7 : memref<128x128xf32, #tpu.memory_space<vmem>>) target_semaphore(%arg9 : memref<!tpu.dma_semaphore, #tpu.memory_space<semaphore_mem>>)
      } else {
      }
    }
    %scan3A_54 = arith.constant 40 : i32
    %dma_wait3A = arith.constant 0 : i32
    %dma_wait3A_55 = arith.constant 0 : i32
    %dma_wait3A_56 = tpu.memref_slice %arg6[%dma_wait3A, %dma_wait3A_55] : memref<80x128xi32, #tpu.memory_space<vmem>> -> memref<1x128xi32, #tpu.memory_space<vmem>>
    %dma_wait3A_57 = tpu.memref_squeeze %dma_wait3A_56 : memref<1x128xi32, #tpu.memory_space<vmem>> -> memref<128xi32, #tpu.memory_space<vmem>>
    %dma_wait3A_58 = arith.constant 0 : i32
    %dma_wait3A_59 = arith.constant 0 : i32
    %dma_wait3A_60 = tpu.memref_slice %arg5[%dma_wait3A_58, %dma_wait3A_59] : memref<10008x128xf32, #tpu.memory_space<vmem_shared>> -> memref<10008x128xf32, #tpu.memory_space<vmem_shared>>
    tpu.wait_indirect_dma semaphore(%arg12 : memref<!tpu.dma_semaphore, #tpu.memory_space<semaphore_mem>>) src(%arg8 : memref<128x128xf32, #tpu.memory_space<vmem>>) dst(%dma_wait3A_60 : memref<10008x128xf32, #tpu.memory_space<vmem_shared>>)
    %barrier3A_61 = arith.constant 0 : index
    tpu.barrier barrier_id(%barrier3A_61)
    %while3A_62 = arith.constant 0 : i32
    %while3A_63 = arith.constant 0 : i32
    %while3A_64 = arith.subi %select_n3A, %while3A_63 : i32
    %while3A_65 = arith.addi %while3A_63, %while3A_64 : i32
    %while3A_66 = arith.constant 1 : i32
    %while3A_67 = arith.divsi %while3A_64, %while3A_66 : i32
    %while3A_68 = arith.muli %while3A_67, %while3A_66 : i32
    %while3A_69 = arith.addi %while3A_63, %while3A_68 : i32
    %while3A_70 = arith.constant 1 : i32
    scf.for %while3A_77 = %while3A_63 to %while3A_69 step %while3A_70  : i32 {
      %mul3A_78 = arith.constant 16 : i32
      %mul3A_79 = arith.muli %while3A_77, %mul3A_78 : i32
      %add3A_80 = arith.addi %arg1, %mul3A_79 : i32
      %mul3A_81 = arith.constant 128 : i32
      %mul3A_82 = arith.muli %add3A_80, %mul3A_81 : i32
      "tpu.region"() ({
        %run_scoped3A = tpu.sem_alloc : memref<!tpu.dma_semaphore, #tpu.memory_space<semaphore_mem>>
        %dma_start3A_83 = arith.constant 0 : i32
        %dma_start3A_84 = tpu.memref_slice %arg5[%mul3A_82, %dma_start3A_83] : memref<10008x128xf32, #tpu.memory_space<vmem_shared>> -> memref<128x128xf32, #tpu.memory_space<vmem_shared>>
        %dma_start3A_85 = arith.constant 0 : i32
        %dma_start3A_86 = tpu.memref_slice %arg5[%mul3A_82, %dma_start3A_85] : memref<10008x128xf32, #tpu.memory_space<vmem_shared>> -> memref<128x128xf32, #tpu.memory_space<vmem_shared>>
        tpu.enqueue_dma source(%dma_start3A_86 : memref<128x128xf32, #tpu.memory_space<vmem_shared>>) target(%arg7 : memref<128x128xf32, #tpu.memory_space<vmem>>) target_semaphore(%run_scoped3A : memref<!tpu.dma_semaphore, #tpu.memory_space<semaphore_mem>>)
        %dma_wait3A_87 = arith.constant 0 : i32
        %dma_wait3A_88 = tpu.memref_slice %arg5[%mul3A_82, %dma_wait3A_87] : memref<10008x128xf32, #tpu.memory_space<vmem_shared>> -> memref<128x128xf32, #tpu.memory_space<vmem_shared>>
        %dma_wait3A_89 = arith.constant 0 : i32
        %dma_wait3A_90 = tpu.memref_slice %arg5[%mul3A_82, %dma_wait3A_89] : memref<10008x128xf32, #tpu.memory_space<vmem_shared>> -> memref<128x128xf32, #tpu.memory_space<vmem_shared>>
        tpu.wait_dma2 semaphore(%run_scoped3A : memref<!tpu.dma_semaphore, #tpu.memory_space<semaphore_mem>>) src(%dma_wait3A_90 : memref<128x128xf32, #tpu.memory_space<vmem_shared>>) dst(%arg7 : memref<128x128xf32, #tpu.memory_space<vmem>>)
        tpu.yield
      }) : () -> ()
      "tpu.region"() ({
        %run_scoped3A = tpu.sem_alloc : memref<!tpu.dma_semaphore, #tpu.memory_space<semaphore_mem>>
        %dma_start3A_83 = arith.constant 0 : i32
        %dma_start3A_84 = tpu.memref_slice %arg4[%arg0, %mul3A_82, %dma_start3A_83] : memref<2x10000x128xf32, #tpu.memory_space<hbm>> -> memref<1x128x128xf32, #tpu.memory_space<hbm>>
        %dma_start3A_85 = tpu.memref_squeeze %dma_start3A_84 : memref<1x128x128xf32, #tpu.memory_space<hbm>> -> memref<128x128xf32, #tpu.memory_space<hbm>>
        %dma_start3A_86 = arith.constant 0 : i32
        %dma_start3A_87 = tpu.memref_slice %arg4[%arg0, %mul3A_82, %dma_start3A_86] : memref<2x10000x128xf32, #tpu.memory_space<hbm>> -> memref<1x128x128xf32, #tpu.memory_space<hbm>>
        %dma_start3A_88 = tpu.memref_squeeze %dma_start3A_87 : memref<1x128x128xf32, #tpu.memory_space<hbm>> -> memref<128x128xf32, #tpu.memory_space<hbm>>
        tpu.enqueue_dma source(%arg7 : memref<128x128xf32, #tpu.memory_space<vmem>>) target(%dma_start3A_88 : memref<128x128xf32, #tpu.memory_space<hbm>>) target_semaphore(%run_scoped3A : memref<!tpu.dma_semaphore, #tpu.memory_space<semaphore_mem>>)
        %dma_wait3A_89 = arith.constant 0 : i32
        %dma_wait3A_90 = tpu.memref_slice %arg4[%arg0, %mul3A_82, %dma_wait3A_89] : memref<2x10000x128xf32, #tpu.memory_space<hbm>> -> memref<1x128x128xf32, #tpu.memory_space<hbm>>
        %dma_wait3A_91 = tpu.memref_squeeze %dma_wait3A_90 : memref<1x128x128xf32, #tpu.memory_space<hbm>> -> memref<128x128xf32, #tpu.memory_space<hbm>>
        %dma_wait3A_92 = arith.constant 0 : i32
        %dma_wait3A_93 = tpu.memref_slice %arg4[%arg0, %mul3A_82, %dma_wait3A_92] : memref<2x10000x128xf32, #tpu.memory_space<hbm>> -> memref<1x128x128xf32, #tpu.memory_space<hbm>>
        %dma_wait3A_94 = tpu.memref_squeeze %dma_wait3A_93 : memref<1x128x128xf32, #tpu.memory_space<hbm>> -> memref<128x128xf32, #tpu.memory_space<hbm>>
        tpu.wait_dma2 semaphore(%run_scoped3A : memref<!tpu.dma_semaphore, #tpu.memory_space<semaphore_mem>>) src(%arg7 : memref<128x128xf32, #tpu.memory_space<vmem>>) dst(%dma_wait3A_94 : memref<128x128xf32, #tpu.memory_space<hbm>>)
        tpu.yield
      }) : () -> ()
    }
    %while3A_71 = arith.constant 1 : i32
    scf.for %while3A_77 = %while3A_69 to %while3A_65 step %while3A_71  : i32 {
      %mul3A_78 = arith.constant 16 : i32
      %mul3A_79 = arith.muli %while3A_77, %mul3A_78 : i32
      %add3A_80 = arith.addi %arg1, %mul3A_79 : i32
      %mul3A_81 = arith.constant 128 : i32
      %mul3A_82 = arith.muli %add3A_80, %mul3A_81 : i32
      "tpu.region"() ({
        %run_scoped3A = tpu.sem_alloc : memref<!tpu.dma_semaphore, #tpu.memory_space<semaphore_mem>>
        %dma_start3A_83 = arith.constant 0 : i32
        %dma_start3A_84 = tpu.memref_slice %arg5[%mul3A_82, %dma_start3A_83] : memref<10008x128xf32, #tpu.memory_space<vmem_shared>> -> memref<128x128xf32, #tpu.memory_space<vmem_shared>>
        %dma_start3A_85 = arith.constant 0 : i32
        %dma_start3A_86 = tpu.memref_slice %arg5[%mul3A_82, %dma_start3A_85] : memref<10008x128xf32, #tpu.memory_space<vmem_shared>> -> memref<128x128xf32, #tpu.memory_space<vmem_shared>>
        tpu.enqueue_dma source(%dma_start3A_86 : memref<128x128xf32, #tpu.memory_space<vmem_shared>>) target(%arg7 : memref<128x128xf32, #tpu.memory_space<vmem>>) target_semaphore(%run_scoped3A : memref<!tpu.dma_semaphore, #tpu.memory_space<semaphore_mem>>)
        %dma_wait3A_87 = arith.constant 0 : i32
        %dma_wait3A_88 = tpu.memref_slice %arg5[%mul3A_82, %dma_wait3A_87] : memref<10008x128xf32, #tpu.memory_space<vmem_shared>> -> memref<128x128xf32, #tpu.memory_space<vmem_shared>>
        %dma_wait3A_89 = arith.constant 0 : i32
        %dma_wait3A_90 = tpu.memref_slice %arg5[%mul3A_82, %dma_wait3A_89] : memref<10008x128xf32, #tpu.memory_space<vmem_shared>> -> memref<128x128xf32, #tpu.memory_space<vmem_shared>>
        tpu.wait_dma2 semaphore(%run_scoped3A : memref<!tpu.dma_semaphore, #tpu.memory_space<semaphore_mem>>) src(%dma_wait3A_90 : memref<128x128xf32, #tpu.memory_space<vmem_shared>>) dst(%arg7 : memref<128x128xf32, #tpu.memory_space<vmem>>)
        tpu.yield
      }) : () -> ()
      "tpu.region"() ({
        %run_scoped3A = tpu.sem_alloc : memref<!tpu.dma_semaphore, #tpu.memory_space<semaphore_mem>>
        %dma_start3A_83 = arith.constant 0 : i32
        %dma_start3A_84 = tpu.memref_slice %arg4[%arg0, %mul3A_82, %dma_start3A_83] : memref<2x10000x128xf32, #tpu.memory_space<hbm>> -> memref<1x128x128xf32, #tpu.memory_space<hbm>>
        %dma_start3A_85 = tpu.memref_squeeze %dma_start3A_84 : memref<1x128x128xf32, #tpu.memory_space<hbm>> -> memref<128x128xf32, #tpu.memory_space<hbm>>
        %dma_start3A_86 = arith.constant 0 : i32
        %dma_start3A_87 = tpu.memref_slice %arg4[%arg0, %mul3A_82, %dma_start3A_86] : memref<2x10000x128xf32, #tpu.memory_space<hbm>> -> memref<1x128x128xf32, #tpu.memory_space<hbm>>
        %dma_start3A_88 = tpu.memref_squeeze %dma_start3A_87 : memref<1x128x128xf32, #tpu.memory_space<hbm>> -> memref<128x128xf32, #tpu.memory_space<hbm>>
        tpu.enqueue_dma source(%arg7 : memref<128x128xf32, #tpu.memory_space<vmem>>) target(%dma_start3A_88 : memref<128x128xf32, #tpu.memory_space<hbm>>) target_semaphore(%run_scoped3A : memref<!tpu.dma_semaphore, #tpu.memory_space<semaphore_mem>>)
        %dma_wait3A_89 = arith.constant 0 : i32
        %dma_wait3A_90 = tpu.memref_slice %arg4[%arg0, %mul3A_82, %dma_wait3A_89] : memref<2x10000x128xf32, #tpu.memory_space<hbm>> -> memref<1x128x128xf32, #tpu.memory_space<hbm>>
        %dma_wait3A_91 = tpu.memref_squeeze %dma_wait3A_90 : memref<1x128x128xf32, #tpu.memory_space<hbm>> -> memref<128x128xf32, #tpu.memory_space<hbm>>
        %dma_wait3A_92 = arith.constant 0 : i32
        %dma_wait3A_93 = tpu.memref_slice %arg4[%arg0, %mul3A_82, %dma_wait3A_92] : memref<2x10000x128xf32, #tpu.memory_space<hbm>> -> memref<1x128x128xf32, #tpu.memory_space<hbm>>
        %dma_wait3A_94 = tpu.memref_squeeze %dma_wait3A_93 : memref<1x128x128xf32, #tpu.memory_space<hbm>> -> memref<128x128xf32, #tpu.memory_space<hbm>>
        tpu.wait_dma2 semaphore(%run_scoped3A : memref<!tpu.dma_semaphore, #tpu.memory_space<semaphore_mem>>) src(%arg7 : memref<128x128xf32, #tpu.memory_space<vmem>>) dst(%dma_wait3A_94 : memref<128x128xf32, #tpu.memory_space<hbm>>)
        tpu.yield
      }) : () -> ()
    }
    %eq3A_72 = arith.constant 0 : i32
    %eq3A_73 = arith.cmpi eq, %arg1, %eq3A_72 : i32
    %convert_element_type3A_74 = arith.extui %eq3A_73 : i1 to i32
    %cond3A_75 = arith.constant 0 : i32
    %cond3A_76 = arith.cmpi ne, %convert_element_type3A_74, %cond3A_75 : i32
    scf.if %cond3A_76 {
      "tpu.region"() ({
        %run_scoped3A = tpu.sem_alloc : memref<!tpu.dma_semaphore, #tpu.memory_space<semaphore_mem>>
        %dma_start3A_77 = arith.constant 0 : i32
        %dma_start3A_78 = arith.constant 0 : i32
        %dma_start3A_79 = tpu.memref_slice %arg7[%dma_start3A_77, %dma_start3A_78] : memref<128x128xf32, #tpu.memory_space<vmem>> -> memref<16x128xf32, #tpu.memory_space<vmem>>
        %dma_start3A_80 = arith.constant 9984 : i32
        %dma_start3A_81 = arith.constant 0 : i32
        %dma_start3A_82 = tpu.memref_slice %arg5[%dma_start3A_80, %dma_start3A_81] : memref<10008x128xf32, #tpu.memory_space<vmem_shared>> -> memref<16x128xf32, #tpu.memory_space<vmem_shared>>
        %dma_start3A_83 = arith.constant 0 : i32
        %dma_start3A_84 = arith.constant 0 : i32
        %dma_start3A_85 = tpu.memref_slice %arg7[%dma_start3A_83, %dma_start3A_84] : memref<128x128xf32, #tpu.memory_space<vmem>> -> memref<16x128xf32, #tpu.memory_space<vmem>>
        %dma_start3A_86 = arith.constant 9984 : i32
        %dma_start3A_87 = arith.constant 0 : i32
        %dma_start3A_88 = tpu.memref_slice %arg5[%dma_start3A_86, %dma_start3A_87] : memref<10008x128xf32, #tpu.memory_space<vmem_shared>> -> memref<16x128xf32, #tpu.memory_space<vmem_shared>>
        tpu.enqueue_dma source(%dma_start3A_88 : memref<16x128xf32, #tpu.memory_space<vmem_shared>>) target(%dma_start3A_85 : memref<16x128xf32, #tpu.memory_space<vmem>>) target_semaphore(%run_scoped3A : memref<!tpu.dma_semaphore, #tpu.memory_space<semaphore_mem>>)
        %dma_wait3A_89 = arith.constant 0 : i32
        %dma_wait3A_90 = arith.constant 0 : i32
        %dma_wait3A_91 = tpu.memref_slice %arg7[%dma_wait3A_89, %dma_wait3A_90] : memref<128x128xf32, #tpu.memory_space<vmem>> -> memref<16x128xf32, #tpu.memory_space<vmem>>
        %dma_wait3A_92 = arith.constant 9984 : i32
        %dma_wait3A_93 = arith.constant 0 : i32
        %dma_wait3A_94 = tpu.memref_slice %arg5[%dma_wait3A_92, %dma_wait3A_93] : memref<10008x128xf32, #tpu.memory_space<vmem_shared>> -> memref<16x128xf32, #tpu.memory_space<vmem_shared>>
        %dma_wait3A_95 = arith.constant 0 : i32
        %dma_wait3A_96 = arith.constant 0 : i32
        %dma_wait3A_97 = tpu.memref_slice %arg7[%dma_wait3A_95, %dma_wait3A_96] : memref<128x128xf32, #tpu.memory_space<vmem>> -> memref<16x128xf32, #tpu.memory_space<vmem>>
        %dma_wait3A_98 = arith.constant 9984 : i32
        %dma_wait3A_99 = arith.constant 0 : i32
        %dma_wait3A_100 = tpu.memref_slice %arg5[%dma_wait3A_98, %dma_wait3A_99] : memref<10008x128xf32, #tpu.memory_space<vmem_shared>> -> memref<16x128xf32, #tpu.memory_space<vmem_shared>>
        tpu.wait_dma2 semaphore(%run_scoped3A : memref<!tpu.dma_semaphore, #tpu.memory_space<semaphore_mem>>) src(%dma_wait3A_100 : memref<16x128xf32, #tpu.memory_space<vmem_shared>>) dst(%dma_wait3A_97 : memref<16x128xf32, #tpu.memory_space<vmem>>)
        tpu.yield
      }) : () -> ()
      "tpu.region"() ({
        %run_scoped3A = tpu.sem_alloc : memref<!tpu.dma_semaphore, #tpu.memory_space<semaphore_mem>>
        %dma_start3A_77 = arith.constant 0 : i32
        %dma_start3A_78 = arith.constant 0 : i32
        %dma_start3A_79 = tpu.memref_slice %arg7[%dma_start3A_77, %dma_start3A_78] : memref<128x128xf32, #tpu.memory_space<vmem>> -> memref<16x128xf32, #tpu.memory_space<vmem>>
        %dma_start3A_80 = arith.constant 9984 : i32
        %dma_start3A_81 = arith.constant 0 : i32
        %dma_start3A_82 = tpu.memref_slice %arg4[%arg0, %dma_start3A_80, %dma_start3A_81] : memref<2x10000x128xf32, #tpu.memory_space<hbm>> -> memref<1x16x128xf32, #tpu.memory_space<hbm>>
        %dma_start3A_83 = tpu.memref_squeeze %dma_start3A_82 : memref<1x16x128xf32, #tpu.memory_space<hbm>> -> memref<16x128xf32, #tpu.memory_space<hbm>>
        %dma_start3A_84 = arith.constant 9984 : i32
        %dma_start3A_85 = arith.constant 0 : i32
        %dma_start3A_86 = tpu.memref_slice %arg4[%arg0, %dma_start3A_84, %dma_start3A_85] : memref<2x10000x128xf32, #tpu.memory_space<hbm>> -> memref<1x16x128xf32, #tpu.memory_space<hbm>>
        %dma_start3A_87 = tpu.memref_squeeze %dma_start3A_86 : memref<1x16x128xf32, #tpu.memory_space<hbm>> -> memref<16x128xf32, #tpu.memory_space<hbm>>
        %dma_start3A_88 = arith.constant 0 : i32
        %dma_start3A_89 = arith.constant 0 : i32
        %dma_start3A_90 = tpu.memref_slice %arg7[%dma_start3A_88, %dma_start3A_89] : memref<128x128xf32, #tpu.memory_space<vmem>> -> memref<16x128xf32, #tpu.memory_space<vmem>>
        tpu.enqueue_dma source(%dma_start3A_90 : memref<16x128xf32, #tpu.memory_space<vmem>>) target(%dma_start3A_87 : memref<16x128xf32, #tpu.memory_space<hbm>>) target_semaphore(%run_scoped3A : memref<!tpu.dma_semaphore, #tpu.memory_space<semaphore_mem>>)
        %dma_wait3A_91 = arith.constant 0 : i32
        %dma_wait3A_92 = arith.constant 0 : i32
        %dma_wait3A_93 = tpu.memref_slice %arg7[%dma_wait3A_91, %dma_wait3A_92] : memref<128x128xf32, #tpu.memory_space<vmem>> -> memref<16x128xf32, #tpu.memory_space<vmem>>
        %dma_wait3A_94 = arith.constant 9984 : i32
        %dma_wait3A_95 = arith.constant 0 : i32
        %dma_wait3A_96 = tpu.memref_slice %arg4[%arg0, %dma_wait3A_94, %dma_wait3A_95] : memref<2x10000x128xf32, #tpu.memory_space<hbm>> -> memref<1x16x128xf32, #tpu.memory_space<hbm>>
        %dma_wait3A_97 = tpu.memref_squeeze %dma_wait3A_96 : memref<1x16x128xf32, #tpu.memory_space<hbm>> -> memref<16x128xf32, #tpu.memory_space<hbm>>
        %dma_wait3A_98 = arith.constant 9984 : i32
        %dma_wait3A_99 = arith.constant 0 : i32
        %dma_wait3A_100 = tpu.memref_slice %arg4[%arg0, %dma_wait3A_98, %dma_wait3A_99] : memref<2x10000x128xf32, #tpu.memory_space<hbm>> -> memref<1x16x128xf32, #tpu.memory_space<hbm>>
        %dma_wait3A_101 = tpu.memref_squeeze %dma_wait3A_100 : memref<1x16x128xf32, #tpu.memory_space<hbm>> -> memref<16x128xf32, #tpu.memory_space<hbm>>
        %dma_wait3A_102 = arith.constant 0 : i32
        %dma_wait3A_103 = arith.constant 0 : i32
        %dma_wait3A_104 = tpu.memref_slice %arg7[%dma_wait3A_102, %dma_wait3A_103] : memref<128x128xf32, #tpu.memory_space<vmem>> -> memref<16x128xf32, #tpu.memory_space<vmem>>
        tpu.wait_dma2 semaphore(%run_scoped3A : memref<!tpu.dma_semaphore, #tpu.memory_space<semaphore_mem>>) src(%dma_wait3A_104 : memref<16x128xf32, #tpu.memory_space<vmem>>) dst(%dma_wait3A_101 : memref<16x128xf32, #tpu.memory_space<hbm>>)
        tpu.yield
      }) : () -> ()
    } else {
    }
    return
  }
}

#map = affine_map<(d0, d1) -> (0, 0)>
#map1 = affine_map<(d0, d1) -> (0, 0, 0)>
module attributes {stable_mosaic.version = 14 : i64} {
  func.func @_msg_body(%arg0: i32, %arg1: i32, %arg2: memref<327680x128xf32, #tpu.memory_space<hbm>>, %arg3: memref<2560x128xi32, #tpu.memory_space<hbm>>, %arg4: memref<2x10000x128xf32, #tpu.memory_space<hbm>>, %arg5: memref<10008x128xf32, #tpu.memory_space<vmem_shared>>, %arg6: memref<80x128xi32, #tpu.memory_space<vmem>>, %arg7: memref<128x128xf32, #tpu.memory_space<vmem>>, %arg8: memref<128x128xf32, #tpu.memory_space<vmem>>, %arg9: memref<!tpu.dma_semaphore, #tpu.memory_space<semaphore_mem>>, %arg10: memref<!tpu.dma_semaphore, #tpu.memory_space<semaphore_mem>>, %arg11: memref<!tpu.dma_semaphore, #tpu.memory_space<semaphore_mem>>, %arg12: memref<!tpu.dma_semaphore, #tpu.memory_space<semaphore_mem>>) attributes {dimension_semantics = [#tpu.dimension_semantics<core_parallel>, #tpu.dimension_semantics<subcore_parallel>], iteration_bounds = array<i64: 2, 16>, scalar_prefetch = 0 : i64, scratch_operands = 8 : i64, tpu.core_type = #tpu.core_type<sc_vector_subcore>, window_params = [{transform_indices = #map}, {transform_indices = #map}, {transform_indices = #map1}]} {
    %mul3A = arith.constant 2 : i32
    %mul3A_0 = arith.muli %arg1, %mul3A : i32
    %add3A = arith.addi %mul3A_0, %arg0 : i32
    %mul3A_1 = arith.constant 80 : i32
    %mul3A_2 = arith.muli %add3A, %mul3A_1 : i32
    %sub3A = arith.constant 78 : i32
    %sub3A_3 = arith.subi %sub3A, %arg1 : i32
    %add3A_4 = arith.constant 16 : i32
    %add3A_5 = arith.addi %sub3A_3, %add3A_4 : i32
    %sub3A_6 = arith.constant 1 : i32
    %sub3A_7 = arith.subi %add3A_5, %sub3A_6 : i32
    %jit3A = arith.constant 16 : i32
    %div3A = arith.divsi %sub3A_7, %jit3A : i32
    %sign3A = arith.constant 0 : i32
    %sign3A_8 = arith.cmpi sgt, %sub3A_7, %sign3A : i32
    %sign3A_9 = arith.extui %sign3A_8 : i1 to i32
    %sign3A_10 = arith.constant 0 : i32
    %sign3A_11 = arith.cmpi slt, %sub3A_7, %sign3A_10 : i32
    %sign3A_12 = arith.extui %sign3A_11 : i1 to i32
    %sign3A_13 = arith.subi %sign3A_9, %sign3A_12 : i32
    %sign3A_14 = arith.constant 0 : i32
    %sign3A_15 = arith.cmpi sgt, %jit3A, %sign3A_14 : i32
    %sign3A_16 = arith.extui %sign3A_15 : i1 to i32
    %sign3A_17 = arith.constant 0 : i32
    %sign3A_18 = arith.cmpi slt, %jit3A, %sign3A_17 : i32
    %sign3A_19 = arith.extui %sign3A_18 : i1 to i32
    %sign3A_20 = arith.subi %sign3A_16, %sign3A_19 : i32
    %ne3A = arith.cmpi ne, %sign3A_13, %sign3A_20 : i32
    %rem3A = arith.remsi %sub3A_7, %jit3A : i32
    %ne3A_21 = arith.constant 0 : i32
    %ne3A_22 = arith.cmpi ne, %rem3A, %ne3A_21 : i32
    %and3A = arith.andi %ne3A, %ne3A_22 : i1
    %sub3A_23 = arith.constant 1 : i32
    %sub3A_24 = arith.subi %div3A, %sub3A_23 : i32
    %select_n3A = arith.select %and3A, %sub3A_24, %div3A : i32
    %broadcast_in_dim3A = arith.constant 0.000000e+00 : f32
    %broadcast_in_dim3A_25 = vector.broadcast %broadcast_in_dim3A : f32 to vector<16xf32>
    %scan3A = arith.constant 0 : i32
    %scan3A_26 = arith.constant 0 : i32
    %scan3A_27 = arith.constant 128 : i32
    %scan3A_28 = arith.addi %scan3A_26, %scan3A_27 : i32
    %scan3A_29 = arith.constant 1 : i32
    scf.for %scan3A_77 = %scan3A_26 to %scan3A_28 step %scan3A_29  : i32 {
      %swap3A = arith.index_cast %scan3A_77 : i32 to index
      %swap3A_78 = arith.constant 0 : index
      %swap3A_79 = tpu.vector_load %arg7[%swap3A, %swap3A_78] {strides = array<i32>} : memref<128x128xf32, #tpu.memory_space<vmem>>, vector<1x16xf32>,
      %swap3A_80 = vector.shape_cast %swap3A_79 : vector<1x16xf32> to vector<16xf32>
      %swap3A_81 = vector.shape_cast %broadcast_in_dim3A_25 : vector<16xf32> to vector<1x16xf32>
      tpu.vector_store %arg7[%swap3A, %swap3A_78], %swap3A_81 {strides = array<i32>} : memref<128x128xf32, #tpu.memory_space<vmem>>, vector<1x16xf32>,
      %swap3A_82 = arith.index_cast %scan3A_77 : i32 to index
      %swap3A_83 = arith.constant 16 : index
      %swap3A_84 = tpu.vector_load %arg7[%swap3A_82, %swap3A_83] {strides = array<i32>} : memref<128x128xf32, #tpu.memory_space<vmem>>, vector<1x16xf32>,
      %swap3A_85 = vector.shape_cast %swap3A_84 : vector<1x16xf32> to vector<16xf32>
      %swap3A_86 = vector.shape_cast %broadcast_in_dim3A_25 : vector<16xf32> to vector<1x16xf32>
      tpu.vector_store %arg7[%swap3A_82, %swap3A_83], %swap3A_86 {strides = array<i32>} : memref<128x128xf32, #tpu.memory_space<vmem>>, vector<1x16xf32>,
      %swap3A_87 = arith.index_cast %scan3A_77 : i32 to index
      %swap3A_88 = arith.constant 32 : index
      %swap3A_89 = tpu.vector_load %arg7[%swap3A_87, %swap3A_88] {strides = array<i32>} : memref<128x128xf32, #tpu.memory_space<vmem>>, vector<1x16xf32>,
      %swap3A_90 = vector.shape_cast %swap3A_89 : vector<1x16xf32> to vector<16xf32>
      %swap3A_91 = vector.shape_cast %broadcast_in_dim3A_25 : vector<16xf32> to vector<1x16xf32>
      tpu.vector_store %arg7[%swap3A_87, %swap3A_88], %swap3A_91 {strides = array<i32>} : memref<128x128xf32, #tpu.memory_space<vmem>>, vector<1x16xf32>,
      %swap3A_92 = arith.index_cast %scan3A_77 : i32 to index
      %swap3A_93 = arith.constant 48 : index
      %swap3A_94 = tpu.vector_load %arg7[%swap3A_92, %swap3A_93] {strides = array<i32>} : memref<128x128xf32, #tpu.memory_space<vmem>>, vector<1x16xf32>,
      %swap3A_95 = vector.shape_cast %swap3A_94 : vector<1x16xf32> to vector<16xf32>
      %swap3A_96 = vector.shape_cast %broadcast_in_dim3A_25 : vector<16xf32> to vector<1x16xf32>
      tpu.vector_store %arg7[%swap3A_92, %swap3A_93], %swap3A_96 {strides = array<i32>} : memref<128x128xf32, #tpu.memory_space<vmem>>, vector<1x16xf32>,
      %swap3A_97 = arith.index_cast %scan3A_77 : i32 to index
      %swap3A_98 = arith.constant 64 : index
      %swap3A_99 = tpu.vector_load %arg7[%swap3A_97, %swap3A_98] {strides = array<i32>} : memref<128x128xf32, #tpu.memory_space<vmem>>, vector<1x16xf32>,
      %swap3A_100 = vector.shape_cast %swap3A_99 : vector<1x16xf32> to vector<16xf32>
      %swap3A_101 = vector.shape_cast %broadcast_in_dim3A_25 : vector<16xf32> to vector<1x16xf32>
      tpu.vector_store %arg7[%swap3A_97, %swap3A_98], %swap3A_101 {strides = array<i32>} : memref<128x128xf32, #tpu.memory_space<vmem>>, vector<1x16xf32>,
      %swap3A_102 = arith.index_cast %scan3A_77 : i32 to index
      %swap3A_103 = arith.constant 80 : index
      %swap3A_104 = tpu.vector_load %arg7[%swap3A_102, %swap3A_103] {strides = array<i32>} : memref<128x128xf32, #tpu.memory_space<vmem>>, vector<1x16xf32>,
      %swap3A_105 = vector.shape_cast %swap3A_104 : vector<1x16xf32> to vector<16xf32>
      %swap3A_106 = vector.shape_cast %broadcast_in_dim3A_25 : vector<16xf32> to vector<1x16xf32>
      tpu.vector_store %arg7[%swap3A_102, %swap3A_103], %swap3A_106 {strides = array<i32>} : memref<128x128xf32, #tpu.memory_space<vmem>>, vector<1x16xf32>,
      %swap3A_107 = arith.index_cast %scan3A_77 : i32 to index
      %swap3A_108 = arith.constant 96 : index
      %swap3A_109 = tpu.vector_load %arg7[%swap3A_107, %swap3A_108] {strides = array<i32>} : memref<128x128xf32, #tpu.memory_space<vmem>>, vector<1x16xf32>,
      %swap3A_110 = vector.shape_cast %swap3A_109 : vector<1x16xf32> to vector<16xf32>
      %swap3A_111 = vector.shape_cast %broadcast_in_dim3A_25 : vector<16xf32> to vector<1x16xf32>
      tpu.vector_store %arg7[%swap3A_107, %swap3A_108], %swap3A_111 {strides = array<i32>} : memref<128x128xf32, #tpu.memory_space<vmem>>, vector<1x16xf32>,
      %swap3A_112 = arith.index_cast %scan3A_77 : i32 to index
      %swap3A_113 = arith.constant 112 : index
      %swap3A_114 = tpu.vector_load %arg7[%swap3A_112, %swap3A_113] {strides = array<i32>} : memref<128x128xf32, #tpu.memory_space<vmem>>, vector<1x16xf32>,
      %swap3A_115 = vector.shape_cast %swap3A_114 : vector<1x16xf32> to vector<16xf32>
      %swap3A_116 = vector.shape_cast %broadcast_in_dim3A_25 : vector<16xf32> to vector<1x16xf32>
      tpu.vector_store %arg7[%swap3A_112, %swap3A_113], %swap3A_116 {strides = array<i32>} : memref<128x128xf32, #tpu.memory_space<vmem>>, vector<1x16xf32>,
    }
    %scan3A_30 = arith.constant 128 : i32
    %while3A = arith.constant 0 : i32
    %while3A_31 = arith.constant 0 : i32
    %while3A_32 = arith.subi %select_n3A, %while3A_31 : i32
    %while3A_33 = arith.addi %while3A_31, %while3A_32 : i32
    %while3A_34 = arith.constant 1 : i32
    %while3A_35 = arith.divsi %while3A_32, %while3A_34 : i32
    %while3A_36 = arith.muli %while3A_35, %while3A_34 : i32
    %while3A_37 = arith.addi %while3A_31, %while3A_36 : i32
    %while3A_38 = arith.constant 1 : i32
    scf.for %while3A_77 = %while3A_31 to %while3A_37 step %while3A_38  : i32 {
      %mul3A_78 = arith.constant 16 : i32
      %mul3A_79 = arith.muli %while3A_77, %mul3A_78 : i32
      %add3A_80 = arith.addi %arg1, %mul3A_79 : i32
      %mul3A_81 = arith.constant 128 : i32
      %mul3A_82 = arith.muli %add3A_80, %mul3A_81 : i32
      "tpu.region"() ({
        %run_scoped3A = tpu.sem_alloc : memref<!tpu.dma_semaphore, #tpu.memory_space<semaphore_mem>>
        %dma_start3A_83 = arith.constant 0 : i32
        %dma_start3A_84 = tpu.memref_slice %arg5[%mul3A_82, %dma_start3A_83] : memref<10008x128xf32, #tpu.memory_space<vmem_shared>> -> memref<128x128xf32, #tpu.memory_space<vmem_shared>>
        %dma_start3A_85 = arith.constant 0 : i32
        %dma_start3A_86 = tpu.memref_slice %arg5[%mul3A_82, %dma_start3A_85] : memref<10008x128xf32, #tpu.memory_space<vmem_shared>> -> memref<128x128xf32, #tpu.memory_space<vmem_shared>>
        tpu.enqueue_dma source(%arg7 : memref<128x128xf32, #tpu.memory_space<vmem>>) target(%dma_start3A_86 : memref<128x128xf32, #tpu.memory_space<vmem_shared>>) target_semaphore(%run_scoped3A : memref<!tpu.dma_semaphore, #tpu.memory_space<semaphore_mem>>)
        %dma_wait3A_87 = arith.constant 0 : i32
        %dma_wait3A_88 = tpu.memref_slice %arg5[%mul3A_82, %dma_wait3A_87] : memref<10008x128xf32, #tpu.memory_space<vmem_shared>> -> memref<128x128xf32, #tpu.memory_space<vmem_shared>>
        %dma_wait3A_89 = arith.constant 0 : i32
        %dma_wait3A_90 = tpu.memref_slice %arg5[%mul3A_82, %dma_wait3A_89] : memref<10008x128xf32, #tpu.memory_space<vmem_shared>> -> memref<128x128xf32, #tpu.memory_space<vmem_shared>>
        tpu.wait_dma2 semaphore(%run_scoped3A : memref<!tpu.dma_semaphore, #tpu.memory_space<semaphore_mem>>) src(%arg7 : memref<128x128xf32, #tpu.memory_space<vmem>>) dst(%dma_wait3A_90 : memref<128x128xf32, #tpu.memory_space<vmem_shared>>)
        tpu.yield
      }) : () -> ()
    }
    %while3A_39 = arith.constant 1 : i32
    scf.for %while3A_77 = %while3A_37 to %while3A_33 step %while3A_39  : i32 {
      %mul3A_78 = arith.constant 16 : i32
      %mul3A_79 = arith.muli %while3A_77, %mul3A_78 : i32
      %add3A_80 = arith.addi %arg1, %mul3A_79 : i32
      %mul3A_81 = arith.constant 128 : i32
      %mul3A_82 = arith.muli %add3A_80, %mul3A_81 : i32
      "tpu.region"() ({
        %run_scoped3A = tpu.sem_alloc : memref<!tpu.dma_semaphore, #tpu.memory_space<semaphore_mem>>
        %dma_start3A_83 = arith.constant 0 : i32
        %dma_start3A_84 = tpu.memref_slice %arg5[%mul3A_82, %dma_start3A_83] : memref<10008x128xf32, #tpu.memory_space<vmem_shared>> -> memref<128x128xf32, #tpu.memory_space<vmem_shared>>
        %dma_start3A_85 = arith.constant 0 : i32
        %dma_start3A_86 = tpu.memref_slice %arg5[%mul3A_82, %dma_start3A_85] : memref<10008x128xf32, #tpu.memory_space<vmem_shared>> -> memref<128x128xf32, #tpu.memory_space<vmem_shared>>
        tpu.enqueue_dma source(%arg7 : memref<128x128xf32, #tpu.memory_space<vmem>>) target(%dma_start3A_86 : memref<128x128xf32, #tpu.memory_space<vmem_shared>>) target_semaphore(%run_scoped3A : memref<!tpu.dma_semaphore, #tpu.memory_space<semaphore_mem>>)
        %dma_wait3A_87 = arith.constant 0 : i32
        %dma_wait3A_88 = tpu.memref_slice %arg5[%mul3A_82, %dma_wait3A_87] : memref<10008x128xf32, #tpu.memory_space<vmem_shared>> -> memref<128x128xf32, #tpu.memory_space<vmem_shared>>
        %dma_wait3A_89 = arith.constant 0 : i32
        %dma_wait3A_90 = tpu.memref_slice %arg5[%mul3A_82, %dma_wait3A_89] : memref<10008x128xf32, #tpu.memory_space<vmem_shared>> -> memref<128x128xf32, #tpu.memory_space<vmem_shared>>
        tpu.wait_dma2 semaphore(%run_scoped3A : memref<!tpu.dma_semaphore, #tpu.memory_space<semaphore_mem>>) src(%arg7 : memref<128x128xf32, #tpu.memory_space<vmem>>) dst(%dma_wait3A_90 : memref<128x128xf32, #tpu.memory_space<vmem_shared>>)
        tpu.yield
      }) : () -> ()
    }
    %eq3A = arith.constant 0 : i32
    %eq3A_40 = arith.cmpi eq, %arg1, %eq3A : i32
    %convert_element_type3A = arith.extui %eq3A_40 : i1 to i32
    %cond3A = arith.constant 0 : i32
    %cond3A_41 = arith.cmpi ne, %convert_element_type3A, %cond3A : i32
    scf.if %cond3A_41 {
      "tpu.region"() ({
        %run_scoped3A = tpu.sem_alloc : memref<!tpu.dma_semaphore, #tpu.memory_space<semaphore_mem>>
        %dma_start3A_77 = arith.constant 0 : i32
        %dma_start3A_78 = arith.constant 0 : i32
        %dma_start3A_79 = tpu.memref_slice %arg7[%dma_start3A_77, %dma_start3A_78] : memref<128x128xf32, #tpu.memory_space<vmem>> -> memref<24x128xf32, #tpu.memory_space<vmem>>
        %dma_start3A_80 = arith.constant 9984 : i32
        %dma_start3A_81 = arith.constant 0 : i32
        %dma_start3A_82 = tpu.memref_slice %arg5[%dma_start3A_80, %dma_start3A_81] : memref<10008x128xf32, #tpu.memory_space<vmem_shared>> -> memref<24x128xf32, #tpu.memory_space<vmem_shared>>
        %dma_start3A_83 = arith.constant 9984 : i32
        %dma_start3A_84 = arith.constant 0 : i32
        %dma_start3A_85 = tpu.memref_slice %arg5[%dma_start3A_83, %dma_start3A_84] : memref<10008x128xf32, #tpu.memory_space<vmem_shared>> -> memref<24x128xf32, #tpu.memory_space<vmem_shared>>
        %dma_start3A_86 = arith.constant 0 : i32
        %dma_start3A_87 = arith.constant 0 : i32
        %dma_start3A_88 = tpu.memref_slice %arg7[%dma_start3A_86, %dma_start3A_87] : memref<128x128xf32, #tpu.memory_space<vmem>> -> memref<24x128xf32, #tpu.memory_space<vmem>>
        tpu.enqueue_dma source(%dma_start3A_88 : memref<24x128xf32, #tpu.memory_space<vmem>>) target(%dma_start3A_85 : memref<24x128xf32, #tpu.memory_space<vmem_shared>>) target_semaphore(%run_scoped3A : memref<!tpu.dma_semaphore, #tpu.memory_space<semaphore_mem>>)
        %dma_wait3A_89 = arith.constant 0 : i32
        %dma_wait3A_90 = arith.constant 0 : i32
        %dma_wait3A_91 = tpu.memref_slice %arg7[%dma_wait3A_89, %dma_wait3A_90] : memref<128x128xf32, #tpu.memory_space<vmem>> -> memref<24x128xf32, #tpu.memory_space<vmem>>
        %dma_wait3A_92 = arith.constant 9984 : i32
        %dma_wait3A_93 = arith.constant 0 : i32
        %dma_wait3A_94 = tpu.memref_slice %arg5[%dma_wait3A_92, %dma_wait3A_93] : memref<10008x128xf32, #tpu.memory_space<vmem_shared>> -> memref<24x128xf32, #tpu.memory_space<vmem_shared>>
        %dma_wait3A_95 = arith.constant 9984 : i32
        %dma_wait3A_96 = arith.constant 0 : i32
        %dma_wait3A_97 = tpu.memref_slice %arg5[%dma_wait3A_95, %dma_wait3A_96] : memref<10008x128xf32, #tpu.memory_space<vmem_shared>> -> memref<24x128xf32, #tpu.memory_space<vmem_shared>>
        %dma_wait3A_98 = arith.constant 0 : i32
        %dma_wait3A_99 = arith.constant 0 : i32
        %dma_wait3A_100 = tpu.memref_slice %arg7[%dma_wait3A_98, %dma_wait3A_99] : memref<128x128xf32, #tpu.memory_space<vmem>> -> memref<24x128xf32, #tpu.memory_space<vmem>>
        tpu.wait_dma2 semaphore(%run_scoped3A : memref<!tpu.dma_semaphore, #tpu.memory_space<semaphore_mem>>) src(%dma_wait3A_100 : memref<24x128xf32, #tpu.memory_space<vmem>>) dst(%dma_wait3A_97 : memref<24x128xf32, #tpu.memory_space<vmem_shared>>)
        tpu.yield
      }) : () -> ()
    } else {
    }
    "tpu.region"() ({
      %run_scoped3A = tpu.sem_alloc : memref<!tpu.dma_semaphore, #tpu.memory_space<semaphore_mem>>
      %dma_start3A_77 = arith.constant 0 : i32
      %dma_start3A_78 = tpu.memref_slice %arg3[%mul3A_2, %dma_start3A_77] : memref<2560x128xi32, #tpu.memory_space<hbm>> -> memref<80x128xi32, #tpu.memory_space<hbm>>
      %dma_start3A_79 = arith.constant 0 : i32
      %dma_start3A_80 = tpu.memref_slice %arg3[%mul3A_2, %dma_start3A_79] : memref<2560x128xi32, #tpu.memory_space<hbm>> -> memref<80x128xi32, #tpu.memory_space<hbm>>
      tpu.enqueue_dma source(%dma_start3A_80 : memref<80x128xi32, #tpu.memory_space<hbm>>) target(%arg6 : memref<80x128xi32, #tpu.memory_space<vmem>>) target_semaphore(%run_scoped3A : memref<!tpu.dma_semaphore, #tpu.memory_space<semaphore_mem>>)
      %dma_wait3A_81 = arith.constant 0 : i32
      %dma_wait3A_82 = tpu.memref_slice %arg3[%mul3A_2, %dma_wait3A_81] : memref<2560x128xi32, #tpu.memory_space<hbm>> -> memref<80x128xi32, #tpu.memory_space<hbm>>
      %dma_wait3A_83 = arith.constant 0 : i32
      %dma_wait3A_84 = tpu.memref_slice %arg3[%mul3A_2, %dma_wait3A_83] : memref<2560x128xi32, #tpu.memory_space<hbm>> -> memref<80x128xi32, #tpu.memory_space<hbm>>
      tpu.wait_dma2 semaphore(%run_scoped3A : memref<!tpu.dma_semaphore, #tpu.memory_space<semaphore_mem>>) src(%dma_wait3A_84 : memref<80x128xi32, #tpu.memory_space<hbm>>) dst(%arg6 : memref<80x128xi32, #tpu.memory_space<vmem>>)
      tpu.yield
    }) : () -> ()
    %barrier3A = arith.constant 0 : index
    tpu.barrier barrier_id(%barrier3A)
    %add3A_42 = arith.constant 0 : i32
    %add3A_43 = arith.addi %mul3A_2, %add3A_42 : i32
    %mul3A_44 = arith.constant 128 : i32
    %mul3A_45 = arith.muli %add3A_43, %mul3A_44 : i32
    %dma_start3A = arith.constant 0 : i32
    %dma_start3A_46 = tpu.memref_slice %arg2[%mul3A_45, %dma_start3A] : memref<327680x128xf32, #tpu.memory_space<hbm>> -> memref<128x128xf32, #tpu.memory_space<hbm>>
    %dma_start3A_47 = arith.constant 0 : i32
    %dma_start3A_48 = tpu.memref_slice %arg2[%mul3A_45, %dma_start3A_47] : memref<327680x128xf32, #tpu.memory_space<hbm>> -> memref<128x128xf32, #tpu.memory_space<hbm>>
    tpu.enqueue_dma source(%dma_start3A_48 : memref<128x128xf32, #tpu.memory_space<hbm>>) target(%arg7 : memref<128x128xf32, #tpu.memory_space<vmem>>) target_semaphore(%arg9 : memref<!tpu.dma_semaphore, #tpu.memory_space<semaphore_mem>>)
    %scan3A_49 = arith.constant 0 : i32
    %scan3A_50 = arith.constant 0 : i32
    %scan3A_51 = arith.constant 40 : i32
    %scan3A_52 = arith.addi %scan3A_50, %scan3A_51 : i32
    %scan3A_53 = arith.constant 1 : i32
    scf.for %scan3A_77 = %scan3A_50 to %scan3A_52 step %scan3A_53  : i32 {
      %mul3A_78 = arith.constant 2 : i32
      %mul3A_79 = arith.muli %mul3A_78, %scan3A_77 : i32
      %add3A_80 = arith.constant 1 : i32
      %add3A_81 = arith.addi %mul3A_79, %add3A_80 : i32
      %gt3A = arith.constant 0 : i32
      %gt3A_82 = arith.cmpi sgt, %scan3A_77, %gt3A : i32
      %convert_element_type3A_83 = arith.extui %gt3A_82 : i1 to i32
      %cond3A_84 = arith.constant 0 : i32
      %cond3A_85 = arith.cmpi ne, %convert_element_type3A_83, %cond3A_84 : i32
      scf.if %cond3A_85 {
        %dma_wait3A_128 = arith.constant 0 : i32
        %dma_wait3A_129 = arith.constant 0 : i32
        %dma_wait3A_130 = tpu.memref_slice %arg6[%dma_wait3A_128, %dma_wait3A_129] : memref<80x128xi32, #tpu.memory_space<vmem>> -> memref<1x128xi32, #tpu.memory_space<vmem>>
        %dma_wait3A_131 = tpu.memref_squeeze %dma_wait3A_130 : memref<1x128xi32, #tpu.memory_space<vmem>> -> memref<128xi32, #tpu.memory_space<vmem>>
        %dma_wait3A_132 = arith.constant 0 : i32
        %dma_wait3A_133 = arith.constant 0 : i32
        %dma_wait3A_134 = tpu.memref_slice %arg5[%dma_wait3A_132, %dma_wait3A_133] : memref<10008x128xf32, #tpu.memory_space<vmem_shared>> -> memref<10008x128xf32, #tpu.memory_space<vmem_shared>>
        tpu.wait_indirect_dma semaphore(%arg12 : memref<!tpu.dma_semaphore, #tpu.memory_space<semaphore_mem>>) src(%arg8 : memref<128x128xf32, #tpu.memory_space<vmem>>) dst(%dma_wait3A_134 : memref<10008x128xf32, #tpu.memory_space<vmem_shared>>)
      } else {
      }
      %add3A_86 = arith.addi %mul3A_2, %add3A_81 : i32
      %mul3A_87 = arith.constant 128 : i32
      %mul3A_88 = arith.muli %add3A_86, %mul3A_87 : i32
      %dma_start3A_89 = arith.constant 0 : i32
      %dma_start3A_90 = tpu.memref_slice %arg2[%mul3A_88, %dma_start3A_89] : memref<327680x128xf32, #tpu.memory_space<hbm>> -> memref<128x128xf32, #tpu.memory_space<hbm>>
      %dma_start3A_91 = arith.constant 0 : i32
      %dma_start3A_92 = tpu.memref_slice %arg2[%mul3A_88, %dma_start3A_91] : memref<327680x128xf32, #tpu.memory_space<hbm>> -> memref<128x128xf32, #tpu.memory_space<hbm>>
      tpu.enqueue_dma source(%dma_start3A_92 : memref<128x128xf32, #tpu.memory_space<hbm>>) target(%arg8 : memref<128x128xf32, #tpu.memory_space<vmem>>) target_semaphore(%arg10 : memref<!tpu.dma_semaphore, #tpu.memory_space<semaphore_mem>>)
      %dma_wait3A_93 = arith.constant 0 : i32
      %dma_wait3A_94 = arith.constant 0 : i32
      %dma_wait3A_95 = tpu.memref_slice %arg2[%dma_wait3A_93, %dma_wait3A_94] : memref<327680x128xf32, #tpu.memory_space<hbm>> -> memref<128x128xf32, #tpu.memory_space<hbm>>
      %dma_wait3A_96 = arith.constant 0 : i32
      %dma_wait3A_97 = arith.constant 0 : i32
      %dma_wait3A_98 = tpu.memref_slice %arg2[%dma_wait3A_96, %dma_wait3A_97] : memref<327680x128xf32, #tpu.memory_space<hbm>> -> memref<128x128xf32, #tpu.memory_space<hbm>>
      tpu.wait_dma2 semaphore(%arg9 : memref<!tpu.dma_semaphore, #tpu.memory_space<semaphore_mem>>) src(%dma_wait3A_98 : memref<128x128xf32, #tpu.memory_space<hbm>>) dst(%arg7 : memref<128x128xf32, #tpu.memory_space<vmem>>)
      %dma_start3A_99 = arith.constant 0 : i32
      %dma_start3A_100 = tpu.memref_slice %arg6[%mul3A_79, %dma_start3A_99] : memref<80x128xi32, #tpu.memory_space<vmem>> -> memref<1x128xi32, #tpu.memory_space<vmem>>
      %dma_start3A_101 = tpu.memref_squeeze %dma_start3A_100 : memref<1x128xi32, #tpu.memory_space<vmem>> -> memref<128xi32, #tpu.memory_space<vmem>>
      %dma_start3A_102 = arith.constant 0 : i32
      %dma_start3A_103 = arith.constant 0 : i32
      %dma_start3A_104 = tpu.memref_slice %arg5[%dma_start3A_102, %dma_start3A_103] : memref<10008x128xf32, #tpu.memory_space<vmem_shared>> -> memref<10008x128xf32, #tpu.memory_space<vmem_shared>>
      tpu.enqueue_indirect_dma source(%arg7 : memref<128x128xf32, #tpu.memory_space<vmem>>) target(%dma_start3A_104 : memref<10008x128xf32, #tpu.memory_space<vmem_shared>>) offsets(%dma_start3A_101 : memref<128xi32, #tpu.memory_space<vmem>>) semaphore(%arg11 : memref<!tpu.dma_semaphore, #tpu.memory_space<semaphore_mem>>) {add = true}
      %dma_wait3A_105 = arith.constant 0 : i32
      %dma_wait3A_106 = arith.constant 0 : i32
      %dma_wait3A_107 = tpu.memref_slice %arg2[%dma_wait3A_105, %dma_wait3A_106] : memref<327680x128xf32, #tpu.memory_space<hbm>> -> memref<128x128xf32, #tpu.memory_space<hbm>>
      %dma_wait3A_108 = arith.constant 0 : i32
      %dma_wait3A_109 = arith.constant 0 : i32
      %dma_wait3A_110 = tpu.memref_slice %arg2[%dma_wait3A_108, %dma_wait3A_109] : memref<327680x128xf32, #tpu.memory_space<hbm>> -> memref<128x128xf32, #tpu.memory_space<hbm>>
      tpu.wait_dma2 semaphore(%arg10 : memref<!tpu.dma_semaphore, #tpu.memory_space<semaphore_mem>>) src(%dma_wait3A_110 : memref<128x128xf32, #tpu.memory_space<hbm>>) dst(%arg8 : memref<128x128xf32, #tpu.memory_space<vmem>>)
      %dma_start3A_111 = arith.constant 0 : i32
      %dma_start3A_112 = tpu.memref_slice %arg6[%add3A_81, %dma_start3A_111] : memref<80x128xi32, #tpu.memory_space<vmem>> -> memref<1x128xi32, #tpu.memory_space<vmem>>
      %dma_start3A_113 = tpu.memref_squeeze %dma_start3A_112 : memref<1x128xi32, #tpu.memory_space<vmem>> -> memref<128xi32, #tpu.memory_space<vmem>>
      %dma_start3A_114 = arith.constant 0 : i32
      %dma_start3A_115 = arith.constant 0 : i32
      %dma_start3A_116 = tpu.memref_slice %arg5[%dma_start3A_114, %dma_start3A_115] : memref<10008x128xf32, #tpu.memory_space<vmem_shared>> -> memref<10008x128xf32, #tpu.memory_space<vmem_shared>>
      tpu.enqueue_indirect_dma source(%arg8 : memref<128x128xf32, #tpu.memory_space<vmem>>) target(%dma_start3A_116 : memref<10008x128xf32, #tpu.memory_space<vmem_shared>>) offsets(%dma_start3A_113 : memref<128xi32, #tpu.memory_space<vmem>>) semaphore(%arg12 : memref<!tpu.dma_semaphore, #tpu.memory_space<semaphore_mem>>) {add = true}
      %dma_wait3A_117 = arith.constant 0 : i32
      %dma_wait3A_118 = arith.constant 0 : i32
      %dma_wait3A_119 = tpu.memref_slice %arg6[%dma_wait3A_117, %dma_wait3A_118] : memref<80x128xi32, #tpu.memory_space<vmem>> -> memref<1x128xi32, #tpu.memory_space<vmem>>
      %dma_wait3A_120 = tpu.memref_squeeze %dma_wait3A_119 : memref<1x128xi32, #tpu.memory_space<vmem>> -> memref<128xi32, #tpu.memory_space<vmem>>
      %dma_wait3A_121 = arith.constant 0 : i32
      %dma_wait3A_122 = arith.constant 0 : i32
      %dma_wait3A_123 = tpu.memref_slice %arg5[%dma_wait3A_121, %dma_wait3A_122] : memref<10008x128xf32, #tpu.memory_space<vmem_shared>> -> memref<10008x128xf32, #tpu.memory_space<vmem_shared>>
      tpu.wait_indirect_dma semaphore(%arg11 : memref<!tpu.dma_semaphore, #tpu.memory_space<semaphore_mem>>) src(%arg7 : memref<128x128xf32, #tpu.memory_space<vmem>>) dst(%dma_wait3A_123 : memref<10008x128xf32, #tpu.memory_space<vmem_shared>>)
      %lt3A = arith.constant 39 : i32
      %lt3A_124 = arith.cmpi slt, %scan3A_77, %lt3A : i32
      %convert_element_type3A_125 = arith.extui %lt3A_124 : i1 to i32
      %cond3A_126 = arith.constant 0 : i32
      %cond3A_127 = arith.cmpi ne, %convert_element_type3A_125, %cond3A_126 : i32
      scf.if %cond3A_127 {
        %add3A_128 = arith.constant 2 : i32
        %add3A_129 = arith.addi %mul3A_79, %add3A_128 : i32
        %add3A_130 = arith.addi %mul3A_2, %add3A_129 : i32
        %mul3A_131 = arith.constant 128 : i32
        %mul3A_132 = arith.muli %add3A_130, %mul3A_131 : i32
        %dma_start3A_133 = arith.constant 0 : i32
        %dma_start3A_134 = tpu.memref_slice %arg2[%mul3A_132, %dma_start3A_133] : memref<327680x128xf32, #tpu.memory_space<hbm>> -> memref<128x128xf32, #tpu.memory_space<hbm>>
        %dma_start3A_135 = arith.constant 0 : i32
        %dma_start3A_136 = tpu.memref_slice %arg2[%mul3A_132, %dma_start3A_135] : memref<327680x128xf32, #tpu.memory_space<hbm>> -> memref<128x128xf32, #tpu.memory_space<hbm>>
        tpu.enqueue_dma source(%dma_start3A_136 : memref<128x128xf32, #tpu.memory_space<hbm>>) target(%arg7 : memref<128x128xf32, #tpu.memory_space<vmem>>) target_semaphore(%arg9 : memref<!tpu.dma_semaphore, #tpu.memory_space<semaphore_mem>>)
      } else {
      }
    }
    %scan3A_54 = arith.constant 40 : i32
    %dma_wait3A = arith.constant 0 : i32
    %dma_wait3A_55 = arith.constant 0 : i32
    %dma_wait3A_56 = tpu.memref_slice %arg6[%dma_wait3A, %dma_wait3A_55] : memref<80x128xi32, #tpu.memory_space<vmem>> -> memref<1x128xi32, #tpu.memory_space<vmem>>
    %dma_wait3A_57 = tpu.memref_squeeze %dma_wait3A_56 : memref<1x128xi32, #tpu.memory_space<vmem>> -> memref<128xi32, #tpu.memory_space<vmem>>
    %dma_wait3A_58 = arith.constant 0 : i32
    %dma_wait3A_59 = arith.constant 0 : i32
    %dma_wait3A_60 = tpu.memref_slice %arg5[%dma_wait3A_58, %dma_wait3A_59] : memref<10008x128xf32, #tpu.memory_space<vmem_shared>> -> memref<10008x128xf32, #tpu.memory_space<vmem_shared>>
    tpu.wait_indirect_dma semaphore(%arg12 : memref<!tpu.dma_semaphore, #tpu.memory_space<semaphore_mem>>) src(%arg8 : memref<128x128xf32, #tpu.memory_space<vmem>>) dst(%dma_wait3A_60 : memref<10008x128xf32, #tpu.memory_space<vmem_shared>>)
    %barrier3A_61 = arith.constant 0 : index
    tpu.barrier barrier_id(%barrier3A_61)
    %while3A_62 = arith.constant 0 : i32
    %while3A_63 = arith.constant 0 : i32
    %while3A_64 = arith.subi %select_n3A, %while3A_63 : i32
    %while3A_65 = arith.addi %while3A_63, %while3A_64 : i32
    %while3A_66 = arith.constant 1 : i32
    %while3A_67 = arith.divsi %while3A_64, %while3A_66 : i32
    %while3A_68 = arith.muli %while3A_67, %while3A_66 : i32
    %while3A_69 = arith.addi %while3A_63, %while3A_68 : i32
    %while3A_70 = arith.constant 1 : i32
    scf.for %while3A_77 = %while3A_63 to %while3A_69 step %while3A_70  : i32 {
      %mul3A_78 = arith.constant 16 : i32
      %mul3A_79 = arith.muli %while3A_77, %mul3A_78 : i32
      %add3A_80 = arith.addi %arg1, %mul3A_79 : i32
      %mul3A_81 = arith.constant 128 : i32
      %mul3A_82 = arith.muli %add3A_80, %mul3A_81 : i32
      "tpu.region"() ({
        %run_scoped3A = tpu.sem_alloc : memref<!tpu.dma_semaphore, #tpu.memory_space<semaphore_mem>>
        %dma_start3A_83 = arith.constant 0 : i32
        %dma_start3A_84 = tpu.memref_slice %arg5[%mul3A_82, %dma_start3A_83] : memref<10008x128xf32, #tpu.memory_space<vmem_shared>> -> memref<128x128xf32, #tpu.memory_space<vmem_shared>>
        %dma_start3A_85 = arith.constant 0 : i32
        %dma_start3A_86 = tpu.memref_slice %arg5[%mul3A_82, %dma_start3A_85] : memref<10008x128xf32, #tpu.memory_space<vmem_shared>> -> memref<128x128xf32, #tpu.memory_space<vmem_shared>>
        tpu.enqueue_dma source(%dma_start3A_86 : memref<128x128xf32, #tpu.memory_space<vmem_shared>>) target(%arg7 : memref<128x128xf32, #tpu.memory_space<vmem>>) target_semaphore(%run_scoped3A : memref<!tpu.dma_semaphore, #tpu.memory_space<semaphore_mem>>)
        %dma_wait3A_87 = arith.constant 0 : i32
        %dma_wait3A_88 = tpu.memref_slice %arg5[%mul3A_82, %dma_wait3A_87] : memref<10008x128xf32, #tpu.memory_space<vmem_shared>> -> memref<128x128xf32, #tpu.memory_space<vmem_shared>>
        %dma_wait3A_89 = arith.constant 0 : i32
        %dma_wait3A_90 = tpu.memref_slice %arg5[%mul3A_82, %dma_wait3A_89] : memref<10008x128xf32, #tpu.memory_space<vmem_shared>> -> memref<128x128xf32, #tpu.memory_space<vmem_shared>>
        tpu.wait_dma2 semaphore(%run_scoped3A : memref<!tpu.dma_semaphore, #tpu.memory_space<semaphore_mem>>) src(%dma_wait3A_90 : memref<128x128xf32, #tpu.memory_space<vmem_shared>>) dst(%arg7 : memref<128x128xf32, #tpu.memory_space<vmem>>)
        tpu.yield
      }) : () -> ()
      "tpu.region"() ({
        %run_scoped3A = tpu.sem_alloc : memref<!tpu.dma_semaphore, #tpu.memory_space<semaphore_mem>>
        %dma_start3A_83 = arith.constant 0 : i32
        %dma_start3A_84 = tpu.memref_slice %arg4[%arg0, %mul3A_82, %dma_start3A_83] : memref<2x10000x128xf32, #tpu.memory_space<hbm>> -> memref<1x128x128xf32, #tpu.memory_space<hbm>>
        %dma_start3A_85 = tpu.memref_squeeze %dma_start3A_84 : memref<1x128x128xf32, #tpu.memory_space<hbm>> -> memref<128x128xf32, #tpu.memory_space<hbm>>
        %dma_start3A_86 = arith.constant 0 : i32
        %dma_start3A_87 = tpu.memref_slice %arg4[%arg0, %mul3A_82, %dma_start3A_86] : memref<2x10000x128xf32, #tpu.memory_space<hbm>> -> memref<1x128x128xf32, #tpu.memory_space<hbm>>
        %dma_start3A_88 = tpu.memref_squeeze %dma_start3A_87 : memref<1x128x128xf32, #tpu.memory_space<hbm>> -> memref<128x128xf32, #tpu.memory_space<hbm>>
        tpu.enqueue_dma source(%arg7 : memref<128x128xf32, #tpu.memory_space<vmem>>) target(%dma_start3A_88 : memref<128x128xf32, #tpu.memory_space<hbm>>) target_semaphore(%run_scoped3A : memref<!tpu.dma_semaphore, #tpu.memory_space<semaphore_mem>>)
        %dma_wait3A_89 = arith.constant 0 : i32
        %dma_wait3A_90 = tpu.memref_slice %arg4[%arg0, %mul3A_82, %dma_wait3A_89] : memref<2x10000x128xf32, #tpu.memory_space<hbm>> -> memref<1x128x128xf32, #tpu.memory_space<hbm>>
        %dma_wait3A_91 = tpu.memref_squeeze %dma_wait3A_90 : memref<1x128x128xf32, #tpu.memory_space<hbm>> -> memref<128x128xf32, #tpu.memory_space<hbm>>
        %dma_wait3A_92 = arith.constant 0 : i32
        %dma_wait3A_93 = tpu.memref_slice %arg4[%arg0, %mul3A_82, %dma_wait3A_92] : memref<2x10000x128xf32, #tpu.memory_space<hbm>> -> memref<1x128x128xf32, #tpu.memory_space<hbm>>
        %dma_wait3A_94 = tpu.memref_squeeze %dma_wait3A_93 : memref<1x128x128xf32, #tpu.memory_space<hbm>> -> memref<128x128xf32, #tpu.memory_space<hbm>>
        tpu.wait_dma2 semaphore(%run_scoped3A : memref<!tpu.dma_semaphore, #tpu.memory_space<semaphore_mem>>) src(%arg7 : memref<128x128xf32, #tpu.memory_space<vmem>>) dst(%dma_wait3A_94 : memref<128x128xf32, #tpu.memory_space<hbm>>)
        tpu.yield
      }) : () -> ()
    }
    %while3A_71 = arith.constant 1 : i32
    scf.for %while3A_77 = %while3A_69 to %while3A_65 step %while3A_71  : i32 {
      %mul3A_78 = arith.constant 16 : i32
      %mul3A_79 = arith.muli %while3A_77, %mul3A_78 : i32
      %add3A_80 = arith.addi %arg1, %mul3A_79 : i32
      %mul3A_81 = arith.constant 128 : i32
      %mul3A_82 = arith.muli %add3A_80, %mul3A_81 : i32
      "tpu.region"() ({
        %run_scoped3A = tpu.sem_alloc : memref<!tpu.dma_semaphore, #tpu.memory_space<semaphore_mem>>
        %dma_start3A_83 = arith.constant 0 : i32
        %dma_start3A_84 = tpu.memref_slice %arg5[%mul3A_82, %dma_start3A_83] : memref<10008x128xf32, #tpu.memory_space<vmem_shared>> -> memref<128x128xf32, #tpu.memory_space<vmem_shared>>
        %dma_start3A_85 = arith.constant 0 : i32
        %dma_start3A_86 = tpu.memref_slice %arg5[%mul3A_82, %dma_start3A_85] : memref<10008x128xf32, #tpu.memory_space<vmem_shared>> -> memref<128x128xf32, #tpu.memory_space<vmem_shared>>
        tpu.enqueue_dma source(%dma_start3A_86 : memref<128x128xf32, #tpu.memory_space<vmem_shared>>) target(%arg7 : memref<128x128xf32, #tpu.memory_space<vmem>>) target_semaphore(%run_scoped3A : memref<!tpu.dma_semaphore, #tpu.memory_space<semaphore_mem>>)
        %dma_wait3A_87 = arith.constant 0 : i32
        %dma_wait3A_88 = tpu.memref_slice %arg5[%mul3A_82, %dma_wait3A_87] : memref<10008x128xf32, #tpu.memory_space<vmem_shared>> -> memref<128x128xf32, #tpu.memory_space<vmem_shared>>
        %dma_wait3A_89 = arith.constant 0 : i32
        %dma_wait3A_90 = tpu.memref_slice %arg5[%mul3A_82, %dma_wait3A_89] : memref<10008x128xf32, #tpu.memory_space<vmem_shared>> -> memref<128x128xf32, #tpu.memory_space<vmem_shared>>
        tpu.wait_dma2 semaphore(%run_scoped3A : memref<!tpu.dma_semaphore, #tpu.memory_space<semaphore_mem>>) src(%dma_wait3A_90 : memref<128x128xf32, #tpu.memory_space<vmem_shared>>) dst(%arg7 : memref<128x128xf32, #tpu.memory_space<vmem>>)
        tpu.yield
      }) : () -> ()
      "tpu.region"() ({
        %run_scoped3A = tpu.sem_alloc : memref<!tpu.dma_semaphore, #tpu.memory_space<semaphore_mem>>
        %dma_start3A_83 = arith.constant 0 : i32
        %dma_start3A_84 = tpu.memref_slice %arg4[%arg0, %mul3A_82, %dma_start3A_83] : memref<2x10000x128xf32, #tpu.memory_space<hbm>> -> memref<1x128x128xf32, #tpu.memory_space<hbm>>
        %dma_start3A_85 = tpu.memref_squeeze %dma_start3A_84 : memref<1x128x128xf32, #tpu.memory_space<hbm>> -> memref<128x128xf32, #tpu.memory_space<hbm>>
        %dma_start3A_86 = arith.constant 0 : i32
        %dma_start3A_87 = tpu.memref_slice %arg4[%arg0, %mul3A_82, %dma_start3A_86] : memref<2x10000x128xf32, #tpu.memory_space<hbm>> -> memref<1x128x128xf32, #tpu.memory_space<hbm>>
        %dma_start3A_88 = tpu.memref_squeeze %dma_start3A_87 : memref<1x128x128xf32, #tpu.memory_space<hbm>> -> memref<128x128xf32, #tpu.memory_space<hbm>>
        tpu.enqueue_dma source(%arg7 : memref<128x128xf32, #tpu.memory_space<vmem>>) target(%dma_start3A_88 : memref<128x128xf32, #tpu.memory_space<hbm>>) target_semaphore(%run_scoped3A : memref<!tpu.dma_semaphore, #tpu.memory_space<semaphore_mem>>)
        %dma_wait3A_89 = arith.constant 0 : i32
        %dma_wait3A_90 = tpu.memref_slice %arg4[%arg0, %mul3A_82, %dma_wait3A_89] : memref<2x10000x128xf32, #tpu.memory_space<hbm>> -> memref<1x128x128xf32, #tpu.memory_space<hbm>>
        %dma_wait3A_91 = tpu.memref_squeeze %dma_wait3A_90 : memref<1x128x128xf32, #tpu.memory_space<hbm>> -> memref<128x128xf32, #tpu.memory_space<hbm>>
        %dma_wait3A_92 = arith.constant 0 : i32
        %dma_wait3A_93 = tpu.memref_slice %arg4[%arg0, %mul3A_82, %dma_wait3A_92] : memref<2x10000x128xf32, #tpu.memory_space<hbm>> -> memref<1x128x128xf32, #tpu.memory_space<hbm>>
        %dma_wait3A_94 = tpu.memref_squeeze %dma_wait3A_93 : memref<1x128x128xf32, #tpu.memory_space<hbm>> -> memref<128x128xf32, #tpu.memory_space<hbm>>
        tpu.wait_dma2 semaphore(%run_scoped3A : memref<!tpu.dma_semaphore, #tpu.memory_space<semaphore_mem>>) src(%arg7 : memref<128x128xf32, #tpu.memory_space<vmem>>) dst(%dma_wait3A_94 : memref<128x128xf32, #tpu.memory_space<hbm>>)
        tpu.yield
      }) : () -> ()
    }
    %eq3A_72 = arith.constant 0 : i32
    %eq3A_73 = arith.cmpi eq, %arg1, %eq3A_72 : i32
    %convert_element_type3A_74 = arith.extui %eq3A_73 : i1 to i32
    %cond3A_75 = arith.constant 0 : i32
    %cond3A_76 = arith.cmpi ne, %convert_element_type3A_74, %cond3A_75 : i32
    scf.if %cond3A_76 {
      "tpu.region"() ({
        %run_scoped3A = tpu.sem_alloc : memref<!tpu.dma_semaphore, #tpu.memory_space<semaphore_mem>>
        %dma_start3A_77 = arith.constant 0 : i32
        %dma_start3A_78 = arith.constant 0 : i32
        %dma_start3A_79 = tpu.memref_slice %arg7[%dma_start3A_77, %dma_start3A_78] : memref<128x128xf32, #tpu.memory_space<vmem>> -> memref<16x128xf32, #tpu.memory_space<vmem>>
        %dma_start3A_80 = arith.constant 9984 : i32
        %dma_start3A_81 = arith.constant 0 : i32
        %dma_start3A_82 = tpu.memref_slice %arg5[%dma_start3A_80, %dma_start3A_81] : memref<10008x128xf32, #tpu.memory_space<vmem_shared>> -> memref<16x128xf32, #tpu.memory_space<vmem_shared>>
        %dma_start3A_83 = arith.constant 0 : i32
        %dma_start3A_84 = arith.constant 0 : i32
        %dma_start3A_85 = tpu.memref_slice %arg7[%dma_start3A_83, %dma_start3A_84] : memref<128x128xf32, #tpu.memory_space<vmem>> -> memref<16x128xf32, #tpu.memory_space<vmem>>
        %dma_start3A_86 = arith.constant 9984 : i32
        %dma_start3A_87 = arith.constant 0 : i32
        %dma_start3A_88 = tpu.memref_slice %arg5[%dma_start3A_86, %dma_start3A_87] : memref<10008x128xf32, #tpu.memory_space<vmem_shared>> -> memref<16x128xf32, #tpu.memory_space<vmem_shared>>
        tpu.enqueue_dma source(%dma_start3A_88 : memref<16x128xf32, #tpu.memory_space<vmem_shared>>) target(%dma_start3A_85 : memref<16x128xf32, #tpu.memory_space<vmem>>) target_semaphore(%run_scoped3A : memref<!tpu.dma_semaphore, #tpu.memory_space<semaphore_mem>>)
        %dma_wait3A_89 = arith.constant 0 : i32
        %dma_wait3A_90 = arith.constant 0 : i32
        %dma_wait3A_91 = tpu.memref_slice %arg7[%dma_wait3A_89, %dma_wait3A_90] : memref<128x128xf32, #tpu.memory_space<vmem>> -> memref<16x128xf32, #tpu.memory_space<vmem>>
        %dma_wait3A_92 = arith.constant 9984 : i32
        %dma_wait3A_93 = arith.constant 0 : i32
        %dma_wait3A_94 = tpu.memref_slice %arg5[%dma_wait3A_92, %dma_wait3A_93] : memref<10008x128xf32, #tpu.memory_space<vmem_shared>> -> memref<16x128xf32, #tpu.memory_space<vmem_shared>>
        %dma_wait3A_95 = arith.constant 0 : i32
        %dma_wait3A_96 = arith.constant 0 : i32
        %dma_wait3A_97 = tpu.memref_slice %arg7[%dma_wait3A_95, %dma_wait3A_96] : memref<128x128xf32, #tpu.memory_space<vmem>> -> memref<16x128xf32, #tpu.memory_space<vmem>>
        %dma_wait3A_98 = arith.constant 9984 : i32
        %dma_wait3A_99 = arith.constant 0 : i32
        %dma_wait3A_100 = tpu.memref_slice %arg5[%dma_wait3A_98, %dma_wait3A_99] : memref<10008x128xf32, #tpu.memory_space<vmem_shared>> -> memref<16x128xf32, #tpu.memory_space<vmem_shared>>
        tpu.wait_dma2 semaphore(%run_scoped3A : memref<!tpu.dma_semaphore, #tpu.memory_space<semaphore_mem>>) src(%dma_wait3A_100 : memref<16x128xf32, #tpu.memory_space<vmem_shared>>) dst(%dma_wait3A_97 : memref<16x128xf32, #tpu.memory_space<vmem>>)
        tpu.yield
      }) : () -> ()
      "tpu.region"() ({
        %run_scoped3A = tpu.sem_alloc : memref<!tpu.dma_semaphore, #tpu.memory_space<semaphore_mem>>
        %dma_start3A_77 = arith.constant 0 : i32
        %dma_start3A_78 = arith.constant 0 : i32
        %dma_start3A_79 = tpu.memref_slice %arg7[%dma_start3A_77, %dma_start3A_78] : memref<128x128xf32, #tpu.memory_space<vmem>> -> memref<16x128xf32, #tpu.memory_space<vmem>>
        %dma_start3A_80 = arith.constant 9984 : i32
        %dma_start3A_81 = arith.constant 0 : i32
        %dma_start3A_82 = tpu.memref_slice %arg4[%arg0, %dma_start3A_80, %dma_start3A_81] : memref<2x10000x128xf32, #tpu.memory_space<hbm>> -> memref<1x16x128xf32, #tpu.memory_space<hbm>>
        %dma_start3A_83 = tpu.memref_squeeze %dma_start3A_82 : memref<1x16x128xf32, #tpu.memory_space<hbm>> -> memref<16x128xf32, #tpu.memory_space<hbm>>
        %dma_start3A_84 = arith.constant 9984 : i32
        %dma_start3A_85 = arith.constant 0 : i32
        %dma_start3A_86 = tpu.memref_slice %arg4[%arg0, %dma_start3A_84, %dma_start3A_85] : memref<2x10000x128xf32, #tpu.memory_space<hbm>> -> memref<1x16x128xf32, #tpu.memory_space<hbm>>
        %dma_start3A_87 = tpu.memref_squeeze %dma_start3A_86 : memref<1x16x128xf32, #tpu.memory_space<hbm>> -> memref<16x128xf32, #tpu.memory_space<hbm>>
        %dma_start3A_88 = arith.constant 0 : i32
        %dma_start3A_89 = arith.constant 0 : i32
        %dma_start3A_90 = tpu.memref_slice %arg7[%dma_start3A_88, %dma_start3A_89] : memref<128x128xf32, #tpu.memory_space<vmem>> -> memref<16x128xf32, #tpu.memory_space<vmem>>
        tpu.enqueue_dma source(%dma_start3A_90 : memref<16x128xf32, #tpu.memory_space<vmem>>) target(%dma_start3A_87 : memref<16x128xf32, #tpu.memory_space<hbm>>) target_semaphore(%run_scoped3A : memref<!tpu.dma_semaphore, #tpu.memory_space<semaphore_mem>>)
        %dma_wait3A_91 = arith.constant 0 : i32
        %dma_wait3A_92 = arith.constant 0 : i32
        %dma_wait3A_93 = tpu.memref_slice %arg7[%dma_wait3A_91, %dma_wait3A_92] : memref<128x128xf32, #tpu.memory_space<vmem>> -> memref<16x128xf32, #tpu.memory_space<vmem>>
        %dma_wait3A_94 = arith.constant 9984 : i32
        %dma_wait3A_95 = arith.constant 0 : i32
        %dma_wait3A_96 = tpu.memref_slice %arg4[%arg0, %dma_wait3A_94, %dma_wait3A_95] : memref<2x10000x128xf32, #tpu.memory_space<hbm>> -> memref<1x16x128xf32, #tpu.memory_space<hbm>>
        %dma_wait3A_97 = tpu.memref_squeeze %dma_wait3A_96 : memref<1x16x128xf32, #tpu.memory_space<hbm>> -> memref<16x128xf32, #tpu.memory_space<hbm>>
        %dma_wait3A_98 = arith.constant 9984 : i32
        %dma_wait3A_99 = arith.constant 0 : i32
        %dma_wait3A_100 = tpu.memref_slice %arg4[%arg0, %dma_wait3A_98, %dma_wait3A_99] : memref<2x10000x128xf32, #tpu.memory_space<hbm>> -> memref<1x16x128xf32, #tpu.memory_space<hbm>>
        %dma_wait3A_101 = tpu.memref_squeeze %dma_wait3A_100 : memref<1x16x128xf32, #tpu.memory_space<hbm>> -> memref<16x128xf32, #tpu.memory_space<hbm>>
        %dma_wait3A_102 = arith.constant 0 : i32
        %dma_wait3A_103 = arith.constant 0 : i32
        %dma_wait3A_104 = tpu.memref_slice %arg7[%dma_wait3A_102, %dma_wait3A_103] : memref<128x128xf32, #tpu.memory_space<vmem>> -> memref<16x128xf32, #tpu.memory_space<vmem>>
        tpu.wait_dma2 semaphore(%run_scoped3A : memref<!tpu.dma_semaphore, #tpu.memory_space<semaphore_mem>>) src(%dma_wait3A_104 : memref<16x128xf32, #tpu.memory_space<vmem>>) dst(%dma_wait3A_101 : memref<16x128xf32, #tpu.memory_space<hbm>>)
        tpu.yield
      }) : () -> ()
    } else {
    }
    return
  }
}

module attributes {stable_mosaic.version = 14 : i64} {
  func.func @_node_proj_body(%arg0: i32, %arg1: memref<1000x128xf32, #tpu.memory_space<vmem>>, %arg2: memref<128x128xf32, #tpu.memory_space<vmem>>, %arg3: memref<128x128xf32, #tpu.memory_space<vmem>>, %arg4: memref<1000x128xf32, #tpu.memory_space<vmem>>, %arg5: memref<1000x128xf32, #tpu.memory_space<vmem>>) attributes {dimension_semantics = [#tpu.dimension_semantics<arbitrary>], iteration_bounds = array<i64: 10>, scalar_prefetch = 0 : i64, scratch_operands = 0 : i64, tpu.core_type = #tpu.core_type<tc>, window_params = [{transform_indices = @transform_0, window_bounds = array<i64: 1000, 128>}, {pipeline_mode = #tpu.pipeline_mode<synchronous>, transform_indices = @transform_1, window_bounds = array<i64: 128, 128>}, {pipeline_mode = #tpu.pipeline_mode<synchronous>, transform_indices = @transform_2, window_bounds = array<i64: 128, 128>}, {transform_indices = @transform_3, window_bounds = array<i64: 1000, 128>}, {transform_indices = @transform_4, window_bounds = array<i64: 1000, 128>}]} {
    %get3A = arith.constant 0 : index
    %get3A_0 = arith.constant 0 : index
    %get3A_1 = vector.load %arg1[%get3A, %get3A_0] : memref<1000x128xf32, #tpu.memory_space<vmem>>, vector<1000x128xf32>
    %get3A_2 = arith.constant 0 : index
    %get3A_3 = arith.constant 0 : index
    %get3A_4 = vector.load %arg2[%get3A_2, %get3A_3] : memref<128x128xf32, #tpu.memory_space<vmem>>, vector<128x128xf32>
    %dot_general3A = arith.constant dense<0.000000e+00> : vector<1000x128xf32>
    %dot_general3A_5 = tpu.matmul %get3A_1, %get3A_4, %dot_general3A {dimension_numbers = #tpu.dot_dimension_numbers<[1], [0], [0], [1], [0, 0, 1, 1], [], []>, transpose_lhs_hint = false} : vector<1000x128xf32>, vector<128x128xf32>, vector<1000x128xf32> -> vector<1000x128xf32>
    %swap3A = arith.constant 0 : index
    %swap3A_6 = arith.constant 0 : index
    %swap3A_7 = vector.load %arg4[%swap3A, %swap3A_6] : memref<1000x128xf32, #tpu.memory_space<vmem>>, vector<1000x128xf32>
    tpu.vector_store %arg4[%swap3A, %swap3A_6], %dot_general3A_5 {strides = array<i32>} : memref<1000x128xf32, #tpu.memory_space<vmem>>, vector<1000x128xf32>,
    %get3A_8 = arith.constant 0 : index
    %get3A_9 = arith.constant 0 : index
    %get3A_10 = vector.load %arg3[%get3A_8, %get3A_9] : memref<128x128xf32, #tpu.memory_space<vmem>>, vector<128x128xf32>
    %dot_general3A_11 = arith.constant dense<0.000000e+00> : vector<1000x128xf32>
    %dot_general3A_12 = tpu.matmul %get3A_1, %get3A_10, %dot_general3A_11 {dimension_numbers = #tpu.dot_dimension_numbers<[1], [0], [0], [1], [0, 0, 1, 1], [], []>, transpose_lhs_hint = false} : vector<1000x128xf32>, vector<128x128xf32>, vector<1000x128xf32> -> vector<1000x128xf32>
    %swap3A_13 = arith.constant 0 : index
    %swap3A_14 = arith.constant 0 : index
    %swap3A_15 = vector.load %arg5[%swap3A_13, %swap3A_14] : memref<1000x128xf32, #tpu.memory_space<vmem>>, vector<1000x128xf32>
    tpu.vector_store %arg5[%swap3A_13, %swap3A_14], %dot_general3A_12 {strides = array<i32>} : memref<1000x128xf32, #tpu.memory_space<vmem>>, vector<1000x128xf32>,
    return
  }
  func.func @transform_0(%arg0: i32) -> (i32, i32) {
    %c0_i32 = arith.constant 0 : i32
    %c0_i32_0 = arith.constant 0 : i32
    return %arg0, %c0_i32 : i32, i32
  }
  func.func @transform_1(%arg0: i32) -> (i32, i32) {
    %c0_i32 = arith.constant 0 : i32
    %c0_i32_0 = arith.constant 0 : i32
    %c0_i32_1 = arith.constant 0 : i32
    return %c0_i32, %c0_i32_0 : i32, i32
  }
  func.func @transform_2(%arg0: i32) -> (i32, i32) {
    %c0_i32 = arith.constant 0 : i32
    %c0_i32_0 = arith.constant 0 : i32
    %c0_i32_1 = arith.constant 0 : i32
    return %c0_i32, %c0_i32_0 : i32, i32
  }
  func.func @transform_3(%arg0: i32) -> (i32, i32) {
    %c0_i32 = arith.constant 0 : i32
    %c0_i32_0 = arith.constant 0 : i32
    return %arg0, %c0_i32 : i32, i32
  }
  func.func @transform_4(%arg0: i32) -> (i32, i32) {
    %c0_i32 = arith.constant 0 : i32
    %c0_i32_0 = arith.constant 0 : i32
    return %arg0, %c0_i32 : i32, i32
  }
}

module attributes {stable_mosaic.version = 14 : i64} {
  func.func @_edge_mlp_body(%arg0: i32, %arg1: memref<2560x128xf32, #tpu.memory_space<vmem>>, %arg2: memref<2560x128xf32, #tpu.memory_space<vmem>>, %arg3: memref<2560x16xf32, #tpu.memory_space<vmem>>, %arg4: memref<16x128xf32, #tpu.memory_space<vmem>>, %arg5: memref<1x128xf32, #tpu.memory_space<vmem>>, %arg6: memref<128x256xbf16, #tpu.memory_space<vmem>>, %arg7: memref<1x256xf32, #tpu.memory_space<vmem>>, %arg8: memref<128x16xbf16, #tpu.memory_space<vmem>>, %arg9: memref<1x16xf32, #tpu.memory_space<vmem>>, %arg10: memref<2560x128xf32, #tpu.memory_space<vmem>>, %arg11: memref<2560x16xf32, #tpu.memory_space<vmem>>) attributes {dimension_semantics = [#tpu.dimension_semantics<arbitrary>], iteration_bounds = array<i64: 128>, scalar_prefetch = 0 : i64, scratch_operands = 0 : i64, tpu.core_type = #tpu.core_type<tc>, window_params = [{transform_indices = @transform_0, window_bounds = array<i64: 2560, 128>}, {transform_indices = @transform_1, window_bounds = array<i64: 2560, 128>}, {transform_indices = @transform_2, window_bounds = array<i64: 2560, 16>}, {pipeline_mode = #tpu.pipeline_mode<synchronous>, transform_indices = @transform_3, window_bounds = array<i64: 16, 128>}, {pipeline_mode = #tpu.pipeline_mode<synchronous>, transform_indices = @transform_4, window_bounds = array<i64: 1, 128>}, {pipeline_mode = #tpu.pipeline_mode<synchronous>, transform_indices = @transform_5, window_bounds = array<i64: 128, 256>}, {pipeline_mode = #tpu.pipeline_mode<synchronous>, transform_indices = @transform_6, window_bounds = array<i64: 1, 256>}, {pipeline_mode = #tpu.pipeline_mode<synchronous>, transform_indices = @transform_7, window_bounds = array<i64: 128, 16>}, {pipeline_mode = #tpu.pipeline_mode<synchronous>, transform_indices = @transform_8, window_bounds = array<i64: 1, 16>}, {transform_indices = @transform_9, window_bounds = array<i64: 2560, 128>}, {transform_indices = @transform_10, window_bounds = array<i64: 2560, 16>}]} {
    %get3A = arith.constant 0 : index
    %get3A_0 = arith.constant 0 : index
    %get3A_1 = vector.load %arg1[%get3A, %get3A_0] : memref<2560x128xf32, #tpu.memory_space<vmem>>, vector<2560x128xf32>
    %get3A_2 = arith.constant 0 : index
    %get3A_3 = arith.constant 0 : index
    %get3A_4 = vector.load %arg2[%get3A_2, %get3A_3] : memref<2560x128xf32, #tpu.memory_space<vmem>>, vector<2560x128xf32>
    %add3A = arith.addf %get3A_1, %get3A_4 : vector<2560x128xf32>
    %get3A_5 = arith.constant 0 : index
    %get3A_6 = arith.constant 0 : index
    %get3A_7 = vector.load %arg3[%get3A_5, %get3A_6] : memref<2560x16xf32, #tpu.memory_space<vmem>>, vector<2560x16xf32>
    %get3A_8 = arith.constant 0 : index
    %get3A_9 = arith.constant 0 : index
    %get3A_10 = vector.load %arg4[%get3A_8, %get3A_9] : memref<16x128xf32, #tpu.memory_space<vmem>>, vector<16x128xf32>
    %dot_general3A = arith.constant dense<0.000000e+00> : vector<2560x128xf32>
    %dot_general3A_11 = tpu.matmul %get3A_7, %get3A_10, %dot_general3A {dimension_numbers = #tpu.dot_dimension_numbers<[1], [0], [0], [1], [0, 0, 1, 1], [], []>, transpose_lhs_hint = false} : vector<2560x16xf32>, vector<16x128xf32>, vector<2560x128xf32> -> vector<2560x128xf32>
    %add3A_12 = arith.addf %add3A, %dot_general3A_11 : vector<2560x128xf32>
    %get3A_13 = arith.constant 0 : index
    %get3A_14 = arith.constant 0 : index
    %get3A_15 = vector.load %arg5[%get3A_13, %get3A_14] : memref<1x128xf32, #tpu.memory_space<vmem>>, vector<1x128xf32>
    %add3A_16 = vector.broadcast %get3A_15 : vector<1x128xf32> to vector<2560x128xf32>
    %add3A_17 = arith.addf %add3A_12, %add3A_16 : vector<2560x128xf32>
    %max3A = arith.constant 0.000000e+00 : f32
    %max3A_18 = vector.broadcast %max3A : f32 to vector<2560x128xf32>
    %max3A_19 = arith.maximumf %add3A_17, %max3A_18 : vector<2560x128xf32>
    %convert_element_type3A = arith.truncf %max3A_19 : vector<2560x128xf32> to vector<2560x128xbf16>
    %get3A_20 = arith.constant 0 : index
    %get3A_21 = arith.constant 0 : index
    %get3A_22 = vector.load %arg6[%get3A_20, %get3A_21] : memref<128x256xbf16, #tpu.memory_space<vmem>>, vector<128x256xbf16>
    %dot_general3A_23 = arith.constant dense<0.000000e+00> : vector<2560x256xf32>
    %dot_general3A_24 = tpu.matmul %convert_element_type3A, %get3A_22, %dot_general3A_23 {dimension_numbers = #tpu.dot_dimension_numbers<[1], [0], [0], [1], [0, 0, 1, 1], [], []>, transpose_lhs_hint = false} : vector<2560x128xbf16>, vector<128x256xbf16>, vector<2560x256xf32> -> vector<2560x256xf32>
    %get3A_25 = arith.constant 0 : index
    %get3A_26 = arith.constant 0 : index
    %get3A_27 = vector.load %arg7[%get3A_25, %get3A_26] : memref<1x256xf32, #tpu.memory_space<vmem>>, vector<1x256xf32>
    %add3A_28 = vector.broadcast %get3A_27 : vector<1x256xf32> to vector<2560x256xf32>
    %add3A_29 = arith.addf %dot_general3A_24, %add3A_28 : vector<2560x256xf32>
    %max3A_30 = arith.constant 0.000000e+00 : f32
    %max3A_31 = vector.broadcast %max3A_30 : f32 to vector<2560x256xf32>
    %max3A_32 = arith.maximumf %add3A_29, %max3A_31 : vector<2560x256xf32>
    %slice3A = vector.extract_strided_slice %max3A_32 {offsets = [0, 0], sizes = [2560, 128], strides = [1, 1]} : vector<2560x256xf32> to vector<2560x128xf32>
    %slice3A_33 = vector.extract_strided_slice %max3A_32 {offsets = [0, 128], sizes = [2560, 128], strides = [1, 1]} : vector<2560x256xf32> to vector<2560x128xf32>
    %add3A_34 = arith.addf %slice3A, %slice3A_33 : vector<2560x128xf32>
    %swap3A = arith.constant 0 : index
    %swap3A_35 = arith.constant 0 : index
    %swap3A_36 = vector.load %arg10[%swap3A, %swap3A_35] : memref<2560x128xf32, #tpu.memory_space<vmem>>, vector<2560x128xf32>
    tpu.vector_store %arg10[%swap3A, %swap3A_35], %add3A_34 {strides = array<i32>} : memref<2560x128xf32, #tpu.memory_space<vmem>>, vector<2560x128xf32>,
    %get3A_37 = arith.constant 0 : index
    %get3A_38 = arith.constant 0 : index
    %get3A_39 = vector.load %arg8[%get3A_37, %get3A_38] : memref<128x16xbf16, #tpu.memory_space<vmem>>, vector<128x16xbf16>
    %dot_general3A_40 = arith.constant dense<0.000000e+00> : vector<2560x16xf32>
    %dot_general3A_41 = tpu.matmul %convert_element_type3A, %get3A_39, %dot_general3A_40 {dimension_numbers = #tpu.dot_dimension_numbers<[1], [0], [0], [1], [0, 0, 1, 1], [], []>, transpose_lhs_hint = false} : vector<2560x128xbf16>, vector<128x16xbf16>, vector<2560x16xf32> -> vector<2560x16xf32>
    %get3A_42 = arith.constant 0 : index
    %get3A_43 = arith.constant 0 : index
    %get3A_44 = vector.load %arg9[%get3A_42, %get3A_43] : memref<1x16xf32, #tpu.memory_space<vmem>>, vector<1x16xf32>
    %add3A_45 = vector.broadcast %get3A_44 : vector<1x16xf32> to vector<2560x16xf32>
    %add3A_46 = arith.addf %dot_general3A_41, %add3A_45 : vector<2560x16xf32>
    %max3A_47 = arith.constant 0.000000e+00 : f32
    %max3A_48 = vector.broadcast %max3A_47 : f32 to vector<2560x16xf32>
    %max3A_49 = arith.maximumf %add3A_46, %max3A_48 : vector<2560x16xf32>
    %swap3A_50 = arith.constant 0 : index
    %swap3A_51 = arith.constant 0 : index
    %swap3A_52 = vector.load %arg11[%swap3A_50, %swap3A_51] : memref<2560x16xf32, #tpu.memory_space<vmem>>, vector<2560x16xf32>
    tpu.vector_store %arg11[%swap3A_50, %swap3A_51], %max3A_49 {strides = array<i32>} : memref<2560x16xf32, #tpu.memory_space<vmem>>, vector<2560x16xf32>,
    return
  }
  func.func @transform_0(%arg0: i32) -> (i32, i32) {
    %c0_i32 = arith.constant 0 : i32
    %c0_i32_0 = arith.constant 0 : i32
    return %arg0, %c0_i32 : i32, i32
  }
  func.func @transform_1(%arg0: i32) -> (i32, i32) {
    %c0_i32 = arith.constant 0 : i32
    %c0_i32_0 = arith.constant 0 : i32
    return %arg0, %c0_i32 : i32, i32
  }
  func.func @transform_2(%arg0: i32) -> (i32, i32) {
    %c0_i32 = arith.constant 0 : i32
    %c0_i32_0 = arith.constant 0 : i32
    return %arg0, %c0_i32 : i32, i32
  }
  func.func @transform_3(%arg0: i32) -> (i32, i32) {
    %c0_i32 = arith.constant 0 : i32
    %c0_i32_0 = arith.constant 0 : i32
    %c0_i32_1 = arith.constant 0 : i32
    return %c0_i32, %c0_i32_0 : i32, i32
  }
  func.func @transform_4(%arg0: i32) -> (i32, i32) {
    %c0_i32 = arith.constant 0 : i32
    %c0_i32_0 = arith.constant 0 : i32
    %c0_i32_1 = arith.constant 0 : i32
    return %c0_i32, %c0_i32_0 : i32, i32
  }
  func.func @transform_5(%arg0: i32) -> (i32, i32) {
    %c0_i32 = arith.constant 0 : i32
    %c0_i32_0 = arith.constant 0 : i32
    %c0_i32_1 = arith.constant 0 : i32
    return %c0_i32, %c0_i32_0 : i32, i32
  }
  func.func @transform_6(%arg0: i32) -> (i32, i32) {
    %c0_i32 = arith.constant 0 : i32
    %c0_i32_0 = arith.constant 0 : i32
    %c0_i32_1 = arith.constant 0 : i32
    return %c0_i32, %c0_i32_0 : i32, i32
  }
  func.func @transform_7(%arg0: i32) -> (i32, i32) {
    %c0_i32 = arith.constant 0 : i32
    %c0_i32_0 = arith.constant 0 : i32
    %c0_i32_1 = arith.constant 0 : i32
    return %c0_i32, %c0_i32_0 : i32, i32
  }
  func.func @transform_8(%arg0: i32) -> (i32, i32) {
    %c0_i32 = arith.constant 0 : i32
    %c0_i32_0 = arith.constant 0 : i32
    %c0_i32_1 = arith.constant 0 : i32
    return %c0_i32, %c0_i32_0 : i32, i32
  }
  func.func @transform_9(%arg0: i32) -> (i32, i32) {
    %c0_i32 = arith.constant 0 : i32
    %c0_i32_0 = arith.constant 0 : i32
    return %arg0, %c0_i32 : i32, i32
  }
  func.func @transform_10(%arg0: i32) -> (i32, i32) {
    %c0_i32 = arith.constant 0 : i32
    %c0_i32_0 = arith.constant 0 : i32
    return %arg0, %c0_i32 : i32, i32
  }
}

module attributes {stable_mosaic.version = 14 : i64} {
  func.func @_node_epi_body(%arg0: i32, %arg1: memref<1000x128xf32, #tpu.memory_space<vmem>>, %arg2: memref<2x1000x128xf32, #tpu.memory_space<vmem>>, %arg3: memref<2x1000x128xf32, #tpu.memory_space<vmem>>, %arg4: memref<128x128xf32, #tpu.memory_space<vmem>>, %arg5: memref<1x128xf32, #tpu.memory_space<vmem>>, %arg6: memref<128x128xf32, #tpu.memory_space<vmem>>, %arg7: memref<1x128xf32, #tpu.memory_space<vmem>>, %arg8: memref<1000x128xf32, #tpu.memory_space<vmem>>) attributes {dimension_semantics = [#tpu.dimension_semantics<arbitrary>], iteration_bounds = array<i64: 10>, scalar_prefetch = 0 : i64, scratch_operands = 0 : i64, tpu.core_type = #tpu.core_type<tc>, window_params = [{transform_indices = @transform_0, window_bounds = array<i64: 1000, 128>}, {transform_indices = @transform_1, window_bounds = array<i64: 2, 1000, 128>}, {transform_indices = @transform_2, window_bounds = array<i64: 2, 1000, 128>}, {pipeline_mode = #tpu.pipeline_mode<synchronous>, transform_indices = @transform_3, window_bounds = array<i64: 128, 128>}, {pipeline_mode = #tpu.pipeline_mode<synchronous>, transform_indices = @transform_4, window_bounds = array<i64: 1, 128>}, {pipeline_mode = #tpu.pipeline_mode<synchronous>, transform_indices = @transform_5, window_bounds = array<i64: 128, 128>}, {pipeline_mode = #tpu.pipeline_mode<synchronous>, transform_indices = @transform_6, window_bounds = array<i64: 1, 128>}, {transform_indices = @transform_7, window_bounds = array<i64: 1000, 128>}]} {
    %get3A = arith.constant 0 : index
    %get3A_0 = arith.constant 0 : index
    %get3A_1 = arith.constant 0 : index
    %get3A_2 = vector.load %arg2[%get3A, %get3A_0, %get3A_1] : memref<2x1000x128xf32, #tpu.memory_space<vmem>>, vector<1x1000x128xf32>
    %get3A_3 = vector.shape_cast %get3A_2 : vector<1x1000x128xf32> to vector<1000x128xf32>
    %get3A_4 = arith.constant 1 : index
    %get3A_5 = arith.constant 0 : index
    %get3A_6 = arith.constant 0 : index
    %get3A_7 = vector.load %arg2[%get3A_4, %get3A_5, %get3A_6] : memref<2x1000x128xf32, #tpu.memory_space<vmem>>, vector<1x1000x128xf32>
    %get3A_8 = vector.shape_cast %get3A_7 : vector<1x1000x128xf32> to vector<1000x128xf32>
    %add3A = arith.addf %get3A_3, %get3A_8 : vector<1000x128xf32>
    %get3A_9 = arith.constant 0 : index
    %get3A_10 = arith.constant 0 : index
    %get3A_11 = arith.constant 0 : index
    %get3A_12 = vector.load %arg3[%get3A_9, %get3A_10, %get3A_11] : memref<2x1000x128xf32, #tpu.memory_space<vmem>>, vector<1x1000x1xf32>
    %get3A_13 = vector.shape_cast %get3A_12 : vector<1x1000x1xf32> to vector<1000x1xf32>
    %get3A_14 = arith.constant 1 : index
    %get3A_15 = arith.constant 0 : index
    %get3A_16 = arith.constant 0 : index
    %get3A_17 = vector.load %arg3[%get3A_14, %get3A_15, %get3A_16] : memref<2x1000x128xf32, #tpu.memory_space<vmem>>, vector<1x1000x1xf32>
    %get3A_18 = vector.shape_cast %get3A_17 : vector<1x1000x1xf32> to vector<1000x1xf32>
    %add3A_19 = arith.addf %get3A_13, %get3A_18 : vector<1000x1xf32>
    %max3A = arith.constant 1.000000e+00 : f32
    %max3A_20 = vector.broadcast %max3A : f32 to vector<1000x1xf32>
    %max3A_21 = arith.maximumf %add3A_19, %max3A_20 : vector<1000x1xf32>
    %div3A = vector.broadcast %max3A_21 : vector<1000x1xf32> to vector<1000x128xf32>
    %div3A_22 = arith.divf %add3A, %div3A : vector<1000x128xf32>
    %get3A_23 = arith.constant 0 : index
    %get3A_24 = arith.constant 0 : index
    %get3A_25 = vector.load %arg4[%get3A_23, %get3A_24] : memref<128x128xf32, #tpu.memory_space<vmem>>, vector<128x128xf32>
    %dot_general3A = arith.constant dense<0.000000e+00> : vector<1000x128xf32>
    %dot_general3A_26 = tpu.matmul %div3A_22, %get3A_25, %dot_general3A {dimension_numbers = #tpu.dot_dimension_numbers<[1], [0], [0], [1], [0, 0, 1, 1], [], []>, transpose_lhs_hint = false} : vector<1000x128xf32>, vector<128x128xf32>, vector<1000x128xf32> -> vector<1000x128xf32>
    %get3A_27 = arith.constant 0 : index
    %get3A_28 = arith.constant 0 : index
    %get3A_29 = vector.load %arg5[%get3A_27, %get3A_28] : memref<1x128xf32, #tpu.memory_space<vmem>>, vector<1x128xf32>
    %add3A_30 = vector.broadcast %get3A_29 : vector<1x128xf32> to vector<1000x128xf32>
    %add3A_31 = arith.addf %dot_general3A_26, %add3A_30 : vector<1000x128xf32>
    %max3A_32 = arith.constant 0.000000e+00 : f32
    %max3A_33 = vector.broadcast %max3A_32 : f32 to vector<1000x128xf32>
    %max3A_34 = arith.maximumf %add3A_31, %max3A_33 : vector<1000x128xf32>
    %get3A_35 = arith.constant 0 : index
    %get3A_36 = arith.constant 0 : index
    %get3A_37 = vector.load %arg1[%get3A_35, %get3A_36] : memref<1000x128xf32, #tpu.memory_space<vmem>>, vector<1000x128xf32>
    %get3A_38 = arith.constant 0 : index
    %get3A_39 = arith.constant 0 : index
    %get3A_40 = vector.load %arg6[%get3A_38, %get3A_39] : memref<128x128xf32, #tpu.memory_space<vmem>>, vector<128x128xf32>
    %dot_general3A_41 = arith.constant dense<0.000000e+00> : vector<1000x128xf32>
    %dot_general3A_42 = tpu.matmul %max3A_34, %get3A_40, %dot_general3A_41 {dimension_numbers = #tpu.dot_dimension_numbers<[1], [0], [0], [1], [0, 0, 1, 1], [], []>, transpose_lhs_hint = false} : vector<1000x128xf32>, vector<128x128xf32>, vector<1000x128xf32> -> vector<1000x128xf32>
    %add3A_43 = arith.addf %get3A_37, %dot_general3A_42 : vector<1000x128xf32>
    %get3A_44 = arith.constant 0 : index
    %get3A_45 = arith.constant 0 : index
    %get3A_46 = vector.load %arg7[%get3A_44, %get3A_45] : memref<1x128xf32, #tpu.memory_space<vmem>>, vector<1x128xf32>
    %add3A_47 = vector.broadcast %get3A_46 : vector<1x128xf32> to vector<1000x128xf32>
    %add3A_48 = arith.addf %add3A_43, %add3A_47 : vector<1000x128xf32>
    %max3A_49 = arith.constant 0.000000e+00 : f32
    %max3A_50 = vector.broadcast %max3A_49 : f32 to vector<1000x128xf32>
    %max3A_51 = arith.maximumf %add3A_48, %max3A_50 : vector<1000x128xf32>
    %swap3A = arith.constant 0 : index
    %swap3A_52 = arith.constant 0 : index
    %swap3A_53 = vector.load %arg8[%swap3A, %swap3A_52] : memref<1000x128xf32, #tpu.memory_space<vmem>>, vector<1000x128xf32>
    tpu.vector_store %arg8[%swap3A, %swap3A_52], %max3A_51 {strides = array<i32>} : memref<1000x128xf32, #tpu.memory_space<vmem>>, vector<1000x128xf32>,
    return
  }
  func.func @transform_0(%arg0: i32) -> (i32, i32) {
    %c0_i32 = arith.constant 0 : i32
    %c0_i32_0 = arith.constant 0 : i32
    return %arg0, %c0_i32 : i32, i32
  }
  func.func @transform_1(%arg0: i32) -> (i32, i32, i32) {
    %c0_i32 = arith.constant 0 : i32
    %c0_i32_0 = arith.constant 0 : i32
    %c0_i32_1 = arith.constant 0 : i32
    return %c0_i32, %arg0, %c0_i32_0 : i32, i32, i32
  }
  func.func @transform_2(%arg0: i32) -> (i32, i32, i32) {
    %c0_i32 = arith.constant 0 : i32
    %c0_i32_0 = arith.constant 0 : i32
    %c0_i32_1 = arith.constant 0 : i32
    return %c0_i32, %arg0, %c0_i32_0 : i32, i32, i32
  }
  func.func @transform_3(%arg0: i32) -> (i32, i32) {
    %c0_i32 = arith.constant 0 : i32
    %c0_i32_0 = arith.constant 0 : i32
    %c0_i32_1 = arith.constant 0 : i32
    return %c0_i32, %c0_i32_0 : i32, i32
  }
  func.func @transform_4(%arg0: i32) -> (i32, i32) {
    %c0_i32 = arith.constant 0 : i32
    %c0_i32_0 = arith.constant 0 : i32
    %c0_i32_1 = arith.constant 0 : i32
    return %c0_i32, %c0_i32_0 : i32, i32
  }
  func.func @transform_5(%arg0: i32) -> (i32, i32) {
    %c0_i32 = arith.constant 0 : i32
    %c0_i32_0 = arith.constant 0 : i32
    %c0_i32_1 = arith.constant 0 : i32
    return %c0_i32, %c0_i32_0 : i32, i32
  }
  func.func @transform_6(%arg0: i32) -> (i32, i32) {
    %c0_i32 = arith.constant 0 : i32
    %c0_i32_0 = arith.constant 0 : i32
    %c0_i32_1 = arith.constant 0 : i32
    return %c0_i32, %c0_i32_0 : i32, i32
  }
  func.func @transform_7(%arg0: i32) -> (i32, i32) {
    %c0_i32 = arith.constant 0 : i32
    %c0_i32_0 = arith.constant 0 : i32
    return %arg0, %c0_i32 : i32, i32
  }
}

module attributes {stable_mosaic.version = 14 : i64} {
  func.func @_node_epi_body(%arg0: i32, %arg1: memref<1000x128xf32, #tpu.memory_space<vmem>>, %arg2: memref<2x1000x128xf32, #tpu.memory_space<vmem>>, %arg3: memref<2x1000x128xf32, #tpu.memory_space<vmem>>, %arg4: memref<128x128xf32, #tpu.memory_space<vmem>>, %arg5: memref<1x128xf32, #tpu.memory_space<vmem>>, %arg6: memref<128x128xf32, #tpu.memory_space<vmem>>, %arg7: memref<1x128xf32, #tpu.memory_space<vmem>>, %arg8: memref<1000x128xf32, #tpu.memory_space<vmem>>) attributes {dimension_semantics = [#tpu.dimension_semantics<arbitrary>], iteration_bounds = array<i64: 10>, scalar_prefetch = 0 : i64, scratch_operands = 0 : i64, tpu.core_type = #tpu.core_type<tc>, window_params = [{transform_indices = @transform_0, window_bounds = array<i64: 1000, 128>}, {transform_indices = @transform_1, window_bounds = array<i64: 2, 1000, 128>}, {transform_indices = @transform_2, window_bounds = array<i64: 2, 1000, 128>}, {pipeline_mode = #tpu.pipeline_mode<synchronous>, transform_indices = @transform_3, window_bounds = array<i64: 128, 128>}, {pipeline_mode = #tpu.pipeline_mode<synchronous>, transform_indices = @transform_4, window_bounds = array<i64: 1, 128>}, {pipeline_mode = #tpu.pipeline_mode<synchronous>, transform_indices = @transform_5, window_bounds = array<i64: 128, 128>}, {pipeline_mode = #tpu.pipeline_mode<synchronous>, transform_indices = @transform_6, window_bounds = array<i64: 1, 128>}, {transform_indices = @transform_7, window_bounds = array<i64: 1000, 128>}]} {
    %get3A = arith.constant 0 : index
    %get3A_0 = arith.constant 0 : index
    %get3A_1 = arith.constant 0 : index
    %get3A_2 = vector.load %arg2[%get3A, %get3A_0, %get3A_1] : memref<2x1000x128xf32, #tpu.memory_space<vmem>>, vector<1x1000x128xf32>
    %get3A_3 = vector.shape_cast %get3A_2 : vector<1x1000x128xf32> to vector<1000x128xf32>
    %get3A_4 = arith.constant 1 : index
    %get3A_5 = arith.constant 0 : index
    %get3A_6 = arith.constant 0 : index
    %get3A_7 = vector.load %arg2[%get3A_4, %get3A_5, %get3A_6] : memref<2x1000x128xf32, #tpu.memory_space<vmem>>, vector<1x1000x128xf32>
    %get3A_8 = vector.shape_cast %get3A_7 : vector<1x1000x128xf32> to vector<1000x128xf32>
    %add3A = arith.addf %get3A_3, %get3A_8 : vector<1000x128xf32>
    %get3A_9 = arith.constant 0 : index
    %get3A_10 = arith.constant 0 : index
    %get3A_11 = arith.constant 0 : index
    %get3A_12 = vector.load %arg3[%get3A_9, %get3A_10, %get3A_11] : memref<2x1000x128xf32, #tpu.memory_space<vmem>>, vector<1x1000x1xf32>
    %get3A_13 = vector.shape_cast %get3A_12 : vector<1x1000x1xf32> to vector<1000x1xf32>
    %get3A_14 = arith.constant 1 : index
    %get3A_15 = arith.constant 0 : index
    %get3A_16 = arith.constant 0 : index
    %get3A_17 = vector.load %arg3[%get3A_14, %get3A_15, %get3A_16] : memref<2x1000x128xf32, #tpu.memory_space<vmem>>, vector<1x1000x1xf32>
    %get3A_18 = vector.shape_cast %get3A_17 : vector<1x1000x1xf32> to vector<1000x1xf32>
    %add3A_19 = arith.addf %get3A_13, %get3A_18 : vector<1000x1xf32>
    %max3A = arith.constant 1.000000e+00 : f32
    %max3A_20 = vector.broadcast %max3A : f32 to vector<1000x1xf32>
    %max3A_21 = arith.maximumf %add3A_19, %max3A_20 : vector<1000x1xf32>
    %div3A = vector.broadcast %max3A_21 : vector<1000x1xf32> to vector<1000x128xf32>
    %div3A_22 = arith.divf %add3A, %div3A : vector<1000x128xf32>
    %get3A_23 = arith.constant 0 : index
    %get3A_24 = arith.constant 0 : index
    %get3A_25 = vector.load %arg4[%get3A_23, %get3A_24] : memref<128x128xf32, #tpu.memory_space<vmem>>, vector<128x128xf32>
    %dot_general3A = arith.constant dense<0.000000e+00> : vector<1000x128xf32>
    %dot_general3A_26 = tpu.matmul %div3A_22, %get3A_25, %dot_general3A {dimension_numbers = #tpu.dot_dimension_numbers<[1], [0], [0], [1], [0, 0, 1, 1], [], []>, transpose_lhs_hint = false} : vector<1000x128xf32>, vector<128x128xf32>, vector<1000x128xf32> -> vector<1000x128xf32>
    %get3A_27 = arith.constant 0 : index
    %get3A_28 = arith.constant 0 : index
    %get3A_29 = vector.load %arg5[%get3A_27, %get3A_28] : memref<1x128xf32, #tpu.memory_space<vmem>>, vector<1x128xf32>
    %add3A_30 = vector.broadcast %get3A_29 : vector<1x128xf32> to vector<1000x128xf32>
    %add3A_31 = arith.addf %dot_general3A_26, %add3A_30 : vector<1000x128xf32>
    %max3A_32 = arith.constant 0.000000e+00 : f32
    %max3A_33 = vector.broadcast %max3A_32 : f32 to vector<1000x128xf32>
    %max3A_34 = arith.maximumf %add3A_31, %max3A_33 : vector<1000x128xf32>
    %get3A_35 = arith.constant 0 : index
    %get3A_36 = arith.constant 0 : index
    %get3A_37 = vector.load %arg1[%get3A_35, %get3A_36] : memref<1000x128xf32, #tpu.memory_space<vmem>>, vector<1000x128xf32>
    %get3A_38 = arith.constant 0 : index
    %get3A_39 = arith.constant 0 : index
    %get3A_40 = vector.load %arg6[%get3A_38, %get3A_39] : memref<128x128xf32, #tpu.memory_space<vmem>>, vector<128x128xf32>
    %dot_general3A_41 = arith.constant dense<0.000000e+00> : vector<1000x128xf32>
    %dot_general3A_42 = tpu.matmul %max3A_34, %get3A_40, %dot_general3A_41 {dimension_numbers = #tpu.dot_dimension_numbers<[1], [0], [0], [1], [0, 0, 1, 1], [], []>, transpose_lhs_hint = false} : vector<1000x128xf32>, vector<128x128xf32>, vector<1000x128xf32> -> vector<1000x128xf32>
    %add3A_43 = arith.addf %get3A_37, %dot_general3A_42 : vector<1000x128xf32>
    %get3A_44 = arith.constant 0 : index
    %get3A_45 = arith.constant 0 : index
    %get3A_46 = vector.load %arg7[%get3A_44, %get3A_45] : memref<1x128xf32, #tpu.memory_space<vmem>>, vector<1x128xf32>
    %add3A_47 = vector.broadcast %get3A_46 : vector<1x128xf32> to vector<1000x128xf32>
    %add3A_48 = arith.addf %add3A_43, %add3A_47 : vector<1000x128xf32>
    %swap3A = arith.constant 0 : index
    %swap3A_49 = arith.constant 0 : index
    %swap3A_50 = vector.load %arg8[%swap3A, %swap3A_49] : memref<1000x128xf32, #tpu.memory_space<vmem>>, vector<1000x128xf32>
    tpu.vector_store %arg8[%swap3A, %swap3A_49], %add3A_48 {strides = array<i32>} : memref<1000x128xf32, #tpu.memory_space<vmem>>, vector<1000x128xf32>,
    return
  }
  func.func @transform_0(%arg0: i32) -> (i32, i32) {
    %c0_i32 = arith.constant 0 : i32
    %c0_i32_0 = arith.constant 0 : i32
    return %arg0, %c0_i32 : i32, i32
  }
  func.func @transform_1(%arg0: i32) -> (i32, i32, i32) {
    %c0_i32 = arith.constant 0 : i32
    %c0_i32_0 = arith.constant 0 : i32
    %c0_i32_1 = arith.constant 0 : i32
    return %c0_i32, %arg0, %c0_i32_0 : i32, i32, i32
  }
  func.func @transform_2(%arg0: i32) -> (i32, i32, i32) {
    %c0_i32 = arith.constant 0 : i32
    %c0_i32_0 = arith.constant 0 : i32
    %c0_i32_1 = arith.constant 0 : i32
    return %c0_i32, %arg0, %c0_i32_0 : i32, i32, i32
  }
  func.func @transform_3(%arg0: i32) -> (i32, i32) {
    %c0_i32 = arith.constant 0 : i32
    %c0_i32_0 = arith.constant 0 : i32
    %c0_i32_1 = arith.constant 0 : i32
    return %c0_i32, %c0_i32_0 : i32, i32
  }
  func.func @transform_4(%arg0: i32) -> (i32, i32) {
    %c0_i32 = arith.constant 0 : i32
    %c0_i32_0 = arith.constant 0 : i32
    %c0_i32_1 = arith.constant 0 : i32
    return %c0_i32, %c0_i32_0 : i32, i32
  }
  func.func @transform_5(%arg0: i32) -> (i32, i32) {
    %c0_i32 = arith.constant 0 : i32
    %c0_i32_0 = arith.constant 0 : i32
    %c0_i32_1 = arith.constant 0 : i32
    return %c0_i32, %c0_i32_0 : i32, i32
  }
  func.func @transform_6(%arg0: i32) -> (i32, i32) {
    %c0_i32 = arith.constant 0 : i32
    %c0_i32_0 = arith.constant 0 : i32
    %c0_i32_1 = arith.constant 0 : i32
    return %c0_i32, %c0_i32_0 : i32, i32
  }
  func.func @transform_7(%arg0: i32) -> (i32, i32) {
    %c0_i32 = arith.constant 0 : i32
    %c0_i32_0 = arith.constant 0 : i32
    return %arg0, %c0_i32 : i32, i32
  }
}

</mosaic_0001>

<sc_bundles>
// kernel: kernel.13.cloned.1.call-start
scs
__scs_entry_jumppad:
0x0: {  	(pc) =	sbr.rel $0x88, $3  }
0x1: {  	(tag) =	ssettag $0x0;
	lr =	simm.s32 $0x1  }
0x2: {  	[smem:$0x3F76] =	sst lr;
	_ =	strace $0xD0000000  }
0x3: {  	_ = 	snop  }
0x4: {  	_ = 	snop  }
0x5: {  	_ = 	snop  }
0x6: {  	_ = 	snop  }
0x7: {  	_ = 	snop  }
__scs_overlays_trampoline_lowered:
0x8: {  	[smem:$0x3F85] =	sst s0  }
0x9: {  	[smem:$0x3F86] =	sst s1  }
0xa: {  	[smem:$0x3F87] =	sst s2  }
0xb: {  	[smem:$0x3F88] =	sst s3  }
0xc: {  	[smem:$0x3F89] =	sst s4  }
0xd: {  	[smem:$0x3F8A] =	sst s5  }
0xe: {  	[smem:$0x3F8B] =	sst s6  }
0xf: {  	[smem:$0x3F8C] =	sst s7  }
0x10: {  	[smem:$0x3F8D] =	sst s8  }
0x11: {  	[smem:$0x3F8E] =	sst s9;
	s0 =	simm.s32 @!p0 $0x0  }
0x12: {  	s1 =	sld [smem:$0x3F74];
	s0 =	simm.s32 @p0 $0x1  }
0x13: {  	[smem:$0x3F8F] =	sst s0;
	s0 =	simm.s32 @!p1 $0x0  }
0x14: {  	s2 =	sld [smem:$0x3F73];
	s0 =	simm.s32 @p1 $0x1  }
0x15: {  	[smem:$0x3F90] =	sst s0;
	s0 =	simm.s32 @!p2 $0x0  }
0x16: {  	s3 =	sld [smem:$0x3FDB];
	s0 =	simm.s32 @p2 $0x1  }
0x17: {  	s4 =	simm.s32 $0x1BF5;
	[smem:$0x3F92] =	sst s0  }
0x18: {  	s0 =	sld [smem:$0x3F75];
	_ =	swait.ge [sflag:s4], $0x0  }
0x19: {  	s7 =	sld [smem:$0x3F76]  }
0x1a: {  	s8 =	sadd.s32 $0xFFFFE003, lr  }
0x1b: {  	s9 =	sadd.s32 $0xFFFFFEF7, lr;
	s5 =	simm.s32 $0xFFFFFFFF;
	p2 =	slt.u32 s8, $0xFFFFF086  }
0x1c: {  	p1 =	slt.u32 s9, $0xF7A;
	s5 =	simm.s32 @!p2 $0x0  }
0x1d: {  	s5 =	simm.s32 @p1 $0x1;
	p0 =	seq.s32 s7, s2  }
0x1e: {  	s7 =	smul.u32 @!p0 $0xF7A, s2;
	p2 =	seq.s32 @!p0 s5, $0x0  }
0x1f: {  	s9 =	smul.u32 $0xF7A, s1;
	s8 =	simm.s32 @!p0 $0x1BF5;
	p2 =	por !p2, p0  }
0x20: {  	[sflag:s8] =	ssyncset.s32 @!p0 $0xFFFFF086;
	s6 =	sadd.s32 @!p0 s3, s7;
	s7 =	simm.s32 @!p0 $0x108  }
0x21: {  	s3 =	sadd.s32 s3, s9;
	s6 =	sadd.s32 @!p0 $0x88, s6;
	s7 =	simm.s32 @p2 $0x1082  }
0x22: {  	[simem:s7], [sflag:s8] =	dma.local @!p0 [hbm:s6], $0xF7A  }
0x23: {  	s9 =	sor.u32 $0xD0000000, s2;
	s6 =	simm.s32 $0x108;
	_ =	swait.ge @!p0 [sflag:s8], $0x0  }
0x24: {  	s3 =	sadd.s32 $0x88, s3;
	s6 =	simm.s32 @!p1 $0x1082;
	[sflag:s4] =	ssyncset.s32 $0xFFFFF086  }
0x25: {  	[simem:s6], [sflag:s4] =	dma.local [hbm:s3], $0xF7A  }
0x26: {  	[smem:$0x3F76] =	sst s1;
	(tag) =	ssettag s2;
	_ =	strace s9  }
0x27: {  	s1 =	sld [smem:$0x3F86]  }
0x28: {  	s2 =	sld [smem:$0x3F87]  }
0x29: {  	s4 =	sld [smem:$0x3F89]  }
0x2a: {  	p0 =	seq.s32 s5, $0x0;
	s5 =	sld [smem:$0x3F8A]  }
0x2b: {  	s6 =	sld [smem:$0x3F8B]  }
0x2c: {  	s7 =	sld [smem:$0x3F8C]  }
0x2d: {  	s3 =	simm.s32 $0x108;
	s8 =	sld [smem:$0x3F8D]  }
0x2e: {  	s3 =	simm.s32 @!p0 $0x1082;
	s9 =	sld [smem:$0x3F8E]  }
0x2f: {  	lr =	sadd.s32 s0, s3;
	s0 =	sld [smem:$0x3F85]  }
0x30: {  	s3 =	sld [smem:$0x3F88]  }
0x31: {  	[smem:$0x3F91] =	sst s10  }
0x32: {  	s10 =	sld [smem:$0x3F8F];
	_ =	sdelay $0x3  }
0x33: {  	p0 =	seq.s32 s10, $0x1;
	s10 =	sld [smem:$0x3F91];
	_ =	sdelay $0x3  }
0x34: {  	[smem:$0x3F91] =	sst s10  }
0x35: {  	s10 =	sld [smem:$0x3F90];
	_ =	sdelay $0x3  }
0x36: {  	p1 =	seq.s32 s10, $0x1;
	s10 =	sld [smem:$0x3F91];
	_ =	sdelay $0x3  }
0x37: {  	[smem:$0x3F91] =	sst s10  }
0x38: {  	s10 =	sld [smem:$0x3F92]  }
0x39: {  	_ = 	snop;
	(pc) =	sbr.ind lr, $3  }
0x3a: {  	_ = 	snop  }
0x3b: {  	_ = 	snop  }
0x3c: {  	p2 =	seq.s32 s10, $0x1;
	s10 =	sld [smem:$0x3F91]  }
0x3d: {  	_ =	shalt  }
0x3e: {  	_ =	shalt  }
0x3f: {  	_ =	shalt  }
0x40: {  	_ =	shalt  }
0x41: {  	_ =	shalt  }
0x42: {  	_ =	shalt  }
0x43: {  	_ =	shalt  }
0x44: {  	_ =	shalt  }
0x45: {  	_ =	shalt  }
0x46: {  	_ =	shalt  }
0x47: {  	_ =	shalt  }
0x48: {  	_ =	shalt  }
0x49: {  	_ =	shalt  }
0x4a: {  	_ =	shalt  }
0x4b: {  	_ =	shalt  }
0x4c: {  	_ =	shalt  }
0x4d: {  	_ =	shalt  }
0x4e: {  	_ =	shalt  }
0x4f: {  	_ =	shalt  }
0x50: {  	_ =	shalt  }
0x51: {  	_ =	shalt  }
0x52: {  	_ =	shalt  }
0x53: {  	_ =	shalt  }
0x54: {  	_ =	shalt  }
0x55: {  	_ =	shalt  }
0x56: {  	_ =	shalt  }
0x57: {  	_ =	shalt  }
0x58: {  	_ =	shalt  }
0x59: {  	_ =	shalt  }
0x5a: {  	_ =	shalt  }
0x5b: {  	_ =	shalt  }
0x5c: {  	_ =	shalt  }
0x5d: {  	_ =	shalt  }
0x5e: {  	_ =	shalt  }
0x5f: {  	_ =	shalt  }
0x60: {  	_ =	shalt  }
0x61: {  	_ =	shalt  }
0x62: {  	_ =	shalt  }
0x63: {  	_ =	shalt  }
0x64: {  	_ =	shalt  }
0x65: {  	_ =	shalt  }
0x66: {  	_ =	shalt  }
0x67: {  	_ =	shalt  }
0x68: {  	_ =	shalt  }
0x69: {  	_ =	shalt  }
0x6a: {  	_ =	shalt  }
0x6b: {  	_ =	shalt  }
0x6c: {  	_ =	shalt  }
0x6d: {  	_ =	shalt  }
0x6e: {  	_ =	shalt  }
0x6f: {  	_ =	shalt  }
0x70: {  	_ =	shalt  }
0x71: {  	_ =	shalt  }
0x72: {  	_ =	shalt  }
0x73: {  	_ =	shalt  }
0x74: {  	_ =	shalt  }
0x75: {  	_ =	shalt  }
0x76: {  	_ =	shalt  }
0x77: {  	_ =	shalt  }
0x78: {  	_ =	shalt  }
0x79: {  	_ =	shalt  }
0x7a: {  	_ =	shalt  }
0x7b: {  	_ =	shalt  }
0x7c: {  	_ =	shalt  }
0x7d: {  	_ =	shalt  }
0x7e: {  	_ =	shalt  }
0x7f: {  	_ =	shalt  }
0x80: {  	_ =	shalt  }
0x81: {  	_ =	shalt  }
0x82: {  	_ =	shalt  }
0x83: {  	_ =	shalt  }
0x84: {  	_ =	shalt  }
0x85: {  	_ =	shalt  }
0x86: {  	_ =	shalt  }
0x87: {  	_ =	shalt  }
.Lfunc_end0:
.L_simem_size_0:
called_computation_lowered:
.L_overlay_start_0:
0x88: {  	s2 =	sld [smem:$0x3FD9]  }
0x89: {  	s3 =	sld [smem:$0x3FFE];
	_ =	sdelay $0x1  }
0x8a: {  	s1 =	srdreg.scid  }
0x8b: {  	s0 =	sand.u32 $0x1, s1  }
0x8c: {  	s17 =	sshll.u32 s0, $0xA;
	s2 =	sadd.s32 s3, s2  }
0x8d: {  	s2 =	sadd.s32 s2, s17  }
0x8e: {  	[smem:$0x3F9D] =	sst s2  }
0x8f: {  	_ = 	snop  }
0x90: {  	(tm) =	ssettm $0x1  }
0x91: {  	s18 =	sld [smem:$0x3FFB];
	_ =	sdelay $0x3  }
0x92: {  	_ =	strace s18  }
0x93: {  	s2 =	sld [smem:$0x3FFC];
	_ =	sdelay $0x3  }
0x94: {  	_ =	strace s2  }
0x95: {  	s2 =	sld [smem:$0x3FFD];
	_ =	sdelay $0x3  }
0x96: {  	_ =	strace s2  }
0x97: {  	_ =	strace $0x8FFFFFFF  }
0x98: {  	s19 =	sld [smem:$0x3FDB];
	_ =	sdelay $0x1  }
0x99: {  	s20 =	simm.s32 $_scs_section_size  }
0x9a: {  	s4 =	simm.s32 $_size__tile_overlayer_lowered;
	s5 =	simm.s32 $_tile_overlayer_lowered  }
0x9b: {  	s6 =	simm.s32 $0x1BFF;
	s21 =	sshll.u32 s5, $0x1;
	s3 =	sadd.s32 s20, s19  }
0x9c: {  	s22 =	simm.s32 $0x0;
	s4 =	sshll.u32 s4, $0x1;
	s5 =	sadd.s32 s21, s3  }
0x9d: {  	[timem:s22], [sflag:s6] =	dma.local [hbm:s5], s4  }
0x9e: {  	_ =	swait.ge [sflag:s6], s4  }
0x9f: {  	s4 =	ssub.s32 $0x0, s4;
	[sflag:s6] =	ssyncset.done $0x0  }
0xa0: {  	[sflag:s6] =	ssyncadd.s32 s4;
	_ =	sdelay $0x1  }
0xa1: {  	s23 =	simm.s32 $0x1B8B  }
0xa2: {  	_ =	swait.ge [sflag:s23], $0x1  }
0xa3: {  	[sflag:s23] =	ssyncset.done $0x0  }
0xa4: {  	[sflag:s23] =	ssyncadd.s32 $0xFFFFFFFF  }
0xa5: {  	s4 =	sld [smem:$0x0]  }
0xa6: {  	s5 =	sand.u32 $0xFFFFFFFE, s1  }
0xa7: {  	p0 =	sne.s32 s1, s5  }
0xa8: {  	s5 =	sshll.u32 @p0 s5, $0xE  }
0xa9: {  	s5 =	sadd.s32 @p0 $0x11B8D, s5;
	s6 =	sshll.u32 @p0 s4, $0x11  }
0xaa: {  	s5 =	sor.u32 @p0 s6, s5  }
0xab: {  	[sflag:s5] =	ssyncadd.remote.s32 @p0 $0x1;
	_ =	sdelay $0x1  }
0xac: {  	s5 =	simm.s32 @p0 $0x1B8D  }
0xad: {  	_ =	swait.eq @p0 [sflag:s5], $0x1  }
0xae: {  	[sflag:s5] =	ssyncadd.s32 @p0 $0xFFFFFFFF  }
0xaf: {  	s6 =	sshll.u32 @!p0 s1, $0xE  }
0xb0: {  	s6 =	sor.u32 @!p0 $0x4000, s6;
	s5 =	simm.s32 @!p0 $0x1B8D  }
0xb1: {  	s4 =	sshll.u32 @!p0 s4, $0x11;
	s6 =	sadd.s32 @!p0 $0x11B8D, s6;
	_ =	swait.eq @!p0 [sflag:s5], $0x1  }
0xb2: {  	s4 =	sor.u32 @!p0 s4, s6;
	[sflag:s5] =	ssyncadd.s32 @!p0 $0xFFFFFFFF  }
0xb3: {  	s25 =	simm.s32 $0x1B8E;
	s24 =	sld [smem:$0x3FFE];
	[sflag:s4] =	ssyncadd.remote.s32 @!p0 $0x1  }
0xb4: {  	s26 =	simm.s32 $execute0_lowered;
	[smem:$0x3FD2] =	sst s25  }
0xb5: {  	s5 =	sshll.u32 s26, $0x1;
	_ =	strace $0x80000049;
	[dreg:$0x1] =	wrdreg $0xFFFFFFFF  }
0xb6: {  	s28 =	simm.s32 $_size_execute0_lowered;
	s3 =	sadd.s32 s3, s5;
	[dreg:$0x0] =	wrdreg $0x0  }
0xb7: {  	s5 =	sshll.u32 s28, $0x1;
	[dreg:$0x2] =	wrdreg s3  }
0xb8: {  	[dreg:$0x3] =	wrdreg s5  }
0xb9: {  	[dreg:$0x4] =	wrdreg $0xC0  }
0xba: {  	_ =	task [dreg:s22], $0x5FFFF  }
0xbb: {  	[dreg:$0x1] =	wrdreg $0xFFFFFFFF  }
0xbc: {  	[dreg:$0x0] =	wrdreg $0x60  }
0xbd: {  	[dreg:$0x2] =	wrdreg s24  }
0xbe: {  	[dreg:$0x3] =	wrdreg $0x0  }
0xbf: {  	[dreg:$0x4] =	wrdreg $0x9  }
0xc0: {  	_ =	task.clear_ibuf [dreg:s22], $0x5FFFF;
	_ =	strace $0x90000049  }
0xc1: {  	s29 =	simm.s32 $0x9;
	_ =	strace $0x8000004B  }
0xc2: {  	_ =	swait.ge [sflag:s29], $0x1  }
0xc3: {  	[sflag:s29] =	ssyncadd.s32 $0xFFFFFFFF  }
0xc4: {  	_ =	strace $0x9000004B  }
0xc5: {  	_ =	sfence  }
0xc6: {  	s30 =	sld [smem:$0x0];
	_ =	sdelay $0x2  }
0xc7: {  	s31 =	sshll.u32 s1, $0xD;
	s1 =	sshrl.u32 s1, $0x2  }
0xc8: {  	s4 =	sand.u32 $0x4000, s31;
	s1 =	sadd.s32 s1, s30  }
0xc9: {  	s0 =	sor.u32 s4, s0;
	s1 =	sshll.u32 s1, $0x11  }
0xca: {  	s0 =	sor.u32 s1, s0  }
0xcb: {  	s0 =	sadd.s32 $0x8F2B, s0  }
0xcc: {  	[sflag:s0] =	ssyncadd.remote.s32 $0x1  }
0xcd: {  	_ =	sfence.sel $0xFFFF  }
0xce: {  	[dreg:$0x0] =	wrdreg $0xFFFFFFFF;
	(pc) =	sbr.abs _section_cstart, $3  }
0xcf: {  	[dreg:$0x1] =	wrdreg $0xFFFFFFFF  }
0xd0: {  	_ =	task.clear_ibuf [dreg:s22], $0x2FFFF;
	_ =	strace $0x9FFFFFFF  }
0xd1: {  	(tm) =	ssettm $0x7FFFFFFF  }
tec
execute0_lowered:
.L_overlay_start_1:
0x0: {  	(tag) =	ssettag $0x1  }
0x1: {  	s3 =	rddreg [dreg:$0x0]  }
0x2: {  	s0 =	srdreg.scid;
	s12 =	stileid.u32  }
0x3: {  	s1 =	rddreg [dreg:$0x1];
	s2 =	simm.s32 $0x0;
	s14 =	simm.s32 $0x1  }
0x4: {  	s15 =	simm.s32 $0x2;
	s4 =	sand.u32 $0x1, s0;
	s0 =	rddreg [dreg:$0x2]  }
0x5: {  	s16 =	simm.s32 $0x0;
	s5 =	sshll.u32 s12, $0x1;
	[smem:$0x7FF] =	sst s2  }
0x6: {  	s9 =	sadd.s32 $0xA28600, s3;
	s7 =	ssub.s32 $0x5D, s12;
	s30 =	sshll.u32 s12, $0xE  }
0x7: {  	p0 =	sne.s32 s12, $0x0;
	s12 =	simm.s32 $0x138C0;
	s5 =	sor.u32 s4, s5  }
0x8: {  	_ =	strace $0x8000004A;
	s28 =	ssub.s32 $0x2, s4;
	s8 =	smul.u32 $0x138800, s4  }
0x9: {  	s4 =	sadd.s32 s30, s1;
	s5 =	smul.u32 $0x500, s5;
	s29 =	sshrl.u32 s28, $0x1  }
0xa: {  	s10 =	ssub.s32 s28, s29;
	s11 =	sshrl.u32 s8, $0x3;
	s13 =	sadd.s32 s30, s8  }
0xb: {  	s6 =	sadd.s32 s5, s3;
	s3 =	sshrl.u32 s7, $0x4;
	s5 =	sadd.s32 $0x138000, s1  }
0xc: {  	s11 =	sadd.s32 s9, s11;
	s8 =	smax.u32 s10, $0x1;
	s31 =	sshrl.u32 s13, $0x3  }
0xd: {  	s10 =	simm.s32 $0x160C0;
	s13 =	simm.s32 $0x80;
	s6 =	sadd.s32 $0x1E600, s6  }
0xe: {  	v0 =	vimm.f32 $0.0e+00;
	v1 =	vimm.f32 $1.000000000e+00;
	s7 =	sadd.s32 $0x27000, s11;
	s9 =	sadd.s32 s31, s9;
	s11 =	simm.s32 $0x3  }
.LBB2_1:
0xf: {  	s17 =	simm.s32 $0x0;
	s18 =	simm.s32 $0x200  }
.LBB2_2:
0x10: {  	p1 =	sne.s32 s18, $0xFE00;
	[tilespmem:s17+$0x16130] =	vst v0  }
0x11: {  	[tilespmem:s17+$0x160C0] =	vst v0  }
0x12: {  	[tilespmem:s17+$0x160D0] =	vst v0  }
.Ltmp0:
0x13: {  	[tilespmem:s17+$0x160E0] =	vst v0;
	(pc) =	sbr.rel @p1 .LBB2_2-.Ltmp0, $4  }
0x14: {  	[tilespmem:s17+$0x160F0] =	vst v0  }
0x15: {  	[tilespmem:s17+$0x16100] =	vst v0  }
0x16: {  	[tilespmem:s17+$0x16110] =	vst v0  }
0x17: {  	[tilespmem:s17+$0x16120] =	vst v0;
	s17 =	sshra.s32 s18, $0x2;
	s18 =	sadd.s32 $0x200, s18  }
0x18: {  	[tilespmem:s17+$0x16130] =	vst v0  }
0x19: {  	[tilespmem:s17+$0x160C0] =	vst v0  }
0x1a: {  	[tilespmem:s17+$0x160D0] =	vst v0  }
0x1b: {  	[tilespmem:s17+$0x160E0] =	vst v0  }
0x1c: {  	[tilespmem:s17+$0x160F0] =	vst v0  }
0x1d: {  	[tilespmem:s17+$0x16100] =	vst v0;
	p1 =	sne.s32 s3, $0x1  }
.Ltmp1:
0x1e: {  	[tilespmem:s17+$0x16110] =	vst v0;
	(pc) =	sbr.rel @!p1 .LBB2_5-.Ltmp1, $4  }
0x1f: {  	[tilespmem:s17+$0x16120] =	vst v0  }
0x20: {  	[spmem:s4] =	stream.linear.scatter [tilespmem:s10], [sflag:$0x3], $0x4000, $0x38;
	[tilespmem:$0x1A0C0] =	vst v63  }
0x21: {  	_ =	swait.ge [sflag:s11], $0x4000  }
0x22: {  	s17 =	sadd.s32 $0xFFFFFFFF, s3;
	s18 =	smov.u32 s4;
	[sflag:s11] =	ssyncset.done $0x0  }
.LBB2_4:
0x23: {  	p2 =	sne.s32 s17, $0x1;
	[sflag:s11] =	ssyncadd.s32 $0xFFFFC000;
	s18 =	sadd.s32 $0x40000, s18  }
.Ltmp2:
0x24: {  	s17 =	sadd.s32 $0xFFFFFFFF, s17;
	(pc) =	sbr.rel @p2 .LBB2_4-.Ltmp2, $4  }
0x25: {  	_ = 	snop  }
0x26: {  	[spmem:s18] =	stream.linear.scatter [tilespmem:s10], [sflag:$0x3], $0x4000, $0x38;
	[tilespmem:$0x1A0C0] =	vst v63  }
0x27: {  	_ =	swait.ge [sflag:s11], $0x4000  }
0x28: {  	[sflag:s11] =	ssyncset.done $0x0  }
.LBB2_5:
0x29: {  	[sflag:s11] =	ssyncadd.s32 $0xFFFFC000;
	s17 =	simm.s32 @!p0 $0x160C0  }
0x2a: {  	[spmem:s5] =	stream.linear.scatter @!p0 [tilespmem:s17], [sflag:$0x3], $0xC00, $0x38;
	[tilespmem:$0x1A0C0] =	vst v63  }
0x2b: {  	s17 =	simm.s32 @!p0 $0x3  }
0x2c: {  	_ =	swait.ge @!p0 [sflag:s17], $0xC00  }
0x2d: {  	[sflag:s17] =	ssyncset.done @!p0 $0x0  }
0x2e: {  	s31 =	simm.s32 $0x0;
	[sflag:s17] =	ssyncadd.s32 @!p0 $0xFFFFF400  }
0x2f: {  	[tilespmem:s12], [sflag:$0x3] =	stream.linear.gather [hbm4b:s6+s31], $0x2800, $0x38;
	[tilespmem:$0x1A0C0] =	vst v63  }
0x30: {  	_ =	swait.ge [sflag:s11], $0x2800  }
0x31: {  	[sflag:s11] =	ssyncset.done $0x0  }
0x32: {  	s18 =	simm.s32 $0x200;
	s17 =	simm.s32 $0x0;
	[sflag:s11] =	ssyncadd.s32 $0xFFFFD800  }
.LBB2_6:
0x33: {  	p2 =	sne.s32 s18, $0xFE00;
	[tilespmem:s17+$0x16130] =	vst v1  }
0x34: {  	[tilespmem:s17+$0x160C0] =	vst v1  }
0x35: {  	[tilespmem:s17+$0x160D0] =	vst v1  }
.Ltmp3:
0x36: {  	[tilespmem:s17+$0x160E0] =	vst v1;
	(pc) =	sbr.rel @p2 .LBB2_6-.Ltmp3, $4  }
0x37: {  	[tilespmem:s17+$0x160F0] =	vst v1  }
0x38: {  	[tilespmem:s17+$0x16100] =	vst v1  }
0x39: {  	[tilespmem:s17+$0x16110] =	vst v1  }
0x3a: {  	[tilespmem:s17+$0x16120] =	vst v1;
	s17 =	sshra.s32 s18, $0x2;
	s18 =	sadd.s32 $0x200, s18  }
0x3b: {  	[tilespmem:s17+$0x16130] =	vst v1  }
0x3c: {  	[tilespmem:s17+$0x160C0] =	vst v1  }
0x3d: {  	[tilespmem:s17+$0x160D0] =	vst v1  }
0x3e: {  	[tilespmem:s17+$0x160E0] =	vst v1  }
0x3f: {  	[tilespmem:s17+$0x160F0] =	vst v1  }
0x40: {  	[tilespmem:s17+$0x16100] =	vst v1  }
0x41: {  	[tilespmem:s17+$0x16110] =	vst v1  }
0x42: {  	[tilespmem:s17+$0x16120] =	vst v1  }
0x43: {  	s30 =	simm.s32 $0x138C0;
	[bflag:$0x0] =	sbarrier.arrive $0xFFFF  }
0x44: {  	[spmem:s1] =	stream.indirect.scatter.add.f32 [tilespmem:s10], [sflag:$0x1], $0x80, s30, s13, $0xb8;
	[tilespmem:$0x1A0C0] =	vst v63  }
0x45: {  	s31 =	simm.s32 $0x13940  }
0x46: {  	[spmem:s1] =	stream.indirect.scatter.add.f32 [tilespmem:s10], [sflag:$0x2], $0x80, s31, s13, $0xb8;
	[tilespmem:$0x1A0C0] =	vst v63  }
0x47: {  	_ =	swait.ge [sflag:s14], $0x4000  }
0x48: {  	[sflag:s14] =	ssyncset.done $0x0  }
0x49: {  	[sflag:s14] =	ssyncadd.s32 $0xFFFFC000  }
0x4a: {  	_ =	swait.ge [sflag:s15], $0x4000  }
0x4b: {  	s18 =	simm.s32 $0x800;
	s17 =	simm.s32 $0x100;
	[sflag:s15] =	ssyncset.done $0x0  }
.LBB2_8:
0x4c: {  	s19 =	sadd.s32 $0x138C0, s17  }
0x4d: {  	[sflag:s15] =	ssyncadd.s32 $0xFFFFC000;
	s20 =	smov.u32 s18;
	s21 =	sadd.s32 $0x400, s18  }
0x4e: {  	[spmem:s1] =	stream.indirect.scatter.add.f32 [tilespmem:s10], [sflag:$0x1], $0x80, s19, s13, $0xb8;
	[tilespmem:$0x1A0C0] =	vst v63  }
0x4f: {  	p2 =	sne.s32 s18, $0x9C00;
	s17 =	sadd.s32 $0x13940, s17  }
0x50: {  	[spmem:s1] =	stream.indirect.scatter.add.f32 [tilespmem:s10], [sflag:$0x2], $0x80, s17, s13, $0xb8;
	[tilespmem:$0x1A0C0] =	vst v63  }
.Ltmp4:
0x51: {  	_ =	swait.ge [sflag:s14], $0x4000;
	(pc) =	sbr.rel @p2 .LBB2_8-.Ltmp4, $4  }
0x52: {  	[sflag:s14] =	ssyncset.done $0x0  }
0x53: {  	[sflag:s14] =	ssyncadd.s32 $0xFFFFC000  }
0x54: {  	_ =	swait.ge [sflag:s15], $0x4000  }
0x55: {  	s18 =	smov.u32 s21;
	s17 =	sshra.s32 s20, $0x2;
	[sflag:s15] =	ssyncset.done $0x0  }
0x56: {  	s18 =	sadd.s32 $0x138C0, s17;
	[sflag:s15] =	ssyncadd.s32 $0xFFFFC000  }
0x57: {  	[spmem:s1] =	stream.indirect.scatter.add.f32 [tilespmem:s10], [sflag:$0x1], $0x80, s18, s13, $0xb8;
	[tilespmem:$0x1A0C0] =	vst v63  }
0x58: {  	s31 =	sadd.s32 $0x13940, s17  }
0x59: {  	[spmem:s1] =	stream.indirect.scatter.add.f32 [tilespmem:s10], [sflag:$0x2], $0x80, s31, s13, $0xb8;
	[tilespmem:$0x1A0C0] =	vst v63  }
0x5a: {  	_ =	swait.ge [sflag:s14], $0x4000  }
0x5b: {  	[sflag:s14] =	ssyncset.done $0x0  }
0x5c: {  	[sflag:s14] =	ssyncadd.s32 $0xFFFFC000  }
0x5d: {  	_ =	swait.ge [sflag:s15], $0x4000  }
0x5e: {  	[sflag:s15] =	ssyncset.done $0x0  }
0x5f: {  	[sflag:s15] =	ssyncadd.s32 $0xFFFFC000  }
0x60: {  	[bflag:$0x0] =	sbarrier.arrive $0xFFFF  }
0x61: {  	[tilespmem:s10], [sflag:$0x3] =	stream.linear.gather [spmem:s4], $0x4000, $0x38;
	[tilespmem:$0x1A0C0] =	vst v63  }
0x62: {  	_ =	swait.ge [sflag:s11], $0x4000  }
.Ltmp5:
0x63: {  	[sflag:s11] =	ssyncset.done $0x0;
	(pc) =	sbr.rel @!p1 .LBB2_11-.Ltmp5, $4  }
0x64: {  	[sflag:s11] =	ssyncadd.s32 $0xFFFFC000  }
0x65: {  	[hbm4b:s9+s2] =	stream.linear.scatter [tilespmem:s10], [sflag:$0x3], $0x4000, $0x38;
	[tilespmem:$0x1A0C0] =	vst v63  }
0x66: {  	s17 =	sadd.s32 $0xFFFFFFFF, s3;
	_ =	swait.ge [sflag:s11], $0x4000  }
0x67: {  	s19 =	smov.u32 s4;
	s18 =	smov.u32 s9;
	[sflag:s11] =	ssyncset.done $0x0  }
.LBB2_10:
0x68: {  	[sflag:s11] =	ssyncadd.s32 $0xFFFFC000;
	s18 =	sadd.s32 $0x8000, s18;
	s19 =	sadd.s32 $0x40000, s19  }
0x69: {  	[tilespmem:s10], [sflag:$0x3] =	stream.linear.gather [spmem:s19], $0x4000, $0x38;
	[tilespmem:$0x1A0C0] =	vst v63  }
0x6a: {  	p1 =	sne.s32 s17, $0x1;
	s17 =	sadd.s32 $0xFFFFFFFF, s17;
	_ =	swait.ge [sflag:s11], $0x4000  }
.Ltmp6:
0x6b: {  	[sflag:s11] =	ssyncset.done $0x0;
	(pc) =	sbr.rel @p1 .LBB2_10-.Ltmp6, $4  }
0x6c: {  	[sflag:s11] =	ssyncadd.s32 $0xFFFFC000  }
0x6d: {  	[hbm4b:s18+s2] =	stream.linear.scatter [tilespmem:s10], [sflag:$0x3], $0x4000, $0x38;
	[tilespmem:$0x1A0C0] =	vst v63  }
0x6e: {  	_ =	swait.ge [sflag:s11], $0x4000  }
0x6f: {  	[sflag:s11] =	ssyncset.done $0x0  }
.LBB2_11:
0x70: {  	[sflag:s11] =	ssyncadd.s32 $0xFFFFC000;
	s17 =	simm.s32 @!p0 $0x160C0;
	s18 =	simm.s32 @!p0 $0x3  }
0x71: {  	[tilespmem:s17], [sflag:$0x3] =	stream.linear.gather @!p0 [spmem:s5], $0x800, $0x38;
	[tilespmem:$0x1A0C0] =	vst v63  }
0x72: {  	s16 =	sadd.s32 $0x1, s16;
	_ =	swait.ge @!p0 [sflag:s18], $0x800  }
0x73: {  	p1 =	sne.s32 s16, s8;
	[sflag:s18] =	ssyncset.done @!p0 $0x0  }
.Ltmp7:
0x74: {  	s19 =	simm.s32 @!p0 $0x0;
	[sflag:s18] =	ssyncadd.s32 @!p0 $0xFFFFF800;
	(pc) =	sbr.rel @p1 .LBB2_1-.Ltmp7, $4  }
0x75: {  	[hbm4b:s7+s19] =	stream.linear.scatter @!p0 [tilespmem:s17], [sflag:$0x3], $0x800, $0x38;
	[tilespmem:$0x1A0C0] =	vst v63  }
0x76: {  	_ =	swait.ge @!p0 [sflag:s18], $0x800  }
0x77: {  	[sflag:s18] =	ssyncset.done @!p0 $0x0  }
0x78: {  	[sflag:s18] =	ssyncadd.s32 @!p0 $0xFFFFF800  }
0x79: {  	_ =	sfence.sel $0x180000  }
0x7a: {  	[bflag:$0x0] =	sbarrier.arrive $0xFFFF  }
0x7b: {  	_ =	strace $0x9000004A  }
0x7c: {  	s0 =	sadd.s32 @!p0 $0x100000, s0;
	[bflag:$0x2] =	sbarrier.arrive $0xFFFF  }
0x7d: {  	[sflag:s0] =	ssyncadd.tile.s32 @!p0 $0x1;
	_ =	shalt  }
.Lfunc_end2:
_tile_overlayer_lowered:
.L_overlay_start_2:
0x7e: {  	(tag) =	ssettag $0x2  }
0x7f: {  	s0 =	rddreg [dreg:$0x0];
	s2 =	stileid.u32  }
0x80: {  	s1 =	rddreg [dreg:$0x1];
	p0 =	sne.s32 s2, $0x0  }
0x81: {  	s3 =	rddreg [dreg:$0x2];
	[bflag:$0x3] =	sbarrier.arrive $0xFFFF;
	s2 =	simm.s32 @!p0 $0x1C03  }
0x82: {  	[timem:s3], [sflag:s2] =	dma.local @!p0 [hbm:s0], s1  }
0x83: {  	s0 =	simm.s32 @!p0 $0x3  }
0x84: {  	_ =	swait.ge @!p0 [sflag:s0], s1  }
0x85: {  	s1 =	ssub.s32 @!p0 $0x0, s1;
	[sflag:s0] =	ssyncset.done @!p0 $0x0  }
0x86: {  	[sflag:s0] =	ssyncadd.s32 @!p0 s1  }
0x87: {  	[bflag:$0x3] =	sbarrier.arrive $0xFFFF  }
0x88: {  	_ =	shalt  }

// kernel: kernel.16.cloned.1.call-start
scs
__scs_entry_jumppad:
0x0: {  	(pc) =	sbr.rel $0x88, $3  }
0x1: {  	(tag) =	ssettag $0x0;
	lr =	simm.s32 $0x1  }
0x2: {  	[smem:$0x3F76] =	sst lr;
	_ =	strace $0xD0000000  }
0x3: {  	_ = 	snop  }
0x4: {  	_ = 	snop  }
0x5: {  	_ = 	snop  }
0x6: {  	_ = 	snop  }
0x7: {  	_ = 	snop  }
__scs_overlays_trampoline_lowered:
0x8: {  	[smem:$0x3F85] =	sst s0  }
0x9: {  	[smem:$0x3F86] =	sst s1  }
0xa: {  	[smem:$0x3F87] =	sst s2  }
0xb: {  	[smem:$0x3F88] =	sst s3  }
0xc: {  	[smem:$0x3F89] =	sst s4  }
0xd: {  	[smem:$0x3F8A] =	sst s5  }
0xe: {  	[smem:$0x3F8B] =	sst s6  }
0xf: {  	[smem:$0x3F8C] =	sst s7  }
0x10: {  	[smem:$0x3F8D] =	sst s8  }
0x11: {  	[smem:$0x3F8E] =	sst s9;
	s0 =	simm.s32 @!p0 $0x0  }
0x12: {  	s1 =	sld [smem:$0x3F74];
	s0 =	simm.s32 @p0 $0x1  }
0x13: {  	[smem:$0x3F8F] =	sst s0;
	s0 =	simm.s32 @!p1 $0x0  }
0x14: {  	s2 =	sld [smem:$0x3F73];
	s0 =	simm.s32 @p1 $0x1  }
0x15: {  	[smem:$0x3F90] =	sst s0;
	s0 =	simm.s32 @!p2 $0x0  }
0x16: {  	s3 =	sld [smem:$0x3FDB];
	s0 =	simm.s32 @p2 $0x1  }
0x17: {  	s4 =	simm.s32 $0x1BF5;
	[smem:$0x3F92] =	sst s0  }
0x18: {  	s0 =	sld [smem:$0x3F75];
	_ =	swait.ge [sflag:s4], $0x0  }
0x19: {  	s7 =	sld [smem:$0x3F76]  }
0x1a: {  	s8 =	sadd.s32 $0xFFFFE003, lr  }
0x1b: {  	s9 =	sadd.s32 $0xFFFFFEF7, lr;
	s5 =	simm.s32 $0xFFFFFFFF;
	p2 =	slt.u32 s8, $0xFFFFF086  }
0x1c: {  	p1 =	slt.u32 s9, $0xF7A;
	s5 =	simm.s32 @!p2 $0x0  }
0x1d: {  	s5 =	simm.s32 @p1 $0x1;
	p0 =	seq.s32 s7, s2  }
0x1e: {  	s7 =	smul.u32 @!p0 $0xF7A, s2;
	p2 =	seq.s32 @!p0 s5, $0x0  }
0x1f: {  	s9 =	smul.u32 $0xF7A, s1;
	s8 =	simm.s32 @!p0 $0x1BF5;
	p2 =	por !p2, p0  }
0x20: {  	[sflag:s8] =	ssyncset.s32 @!p0 $0xFFFFF086;
	s6 =	sadd.s32 @!p0 s3, s7;
	s7 =	simm.s32 @!p0 $0x108  }
0x21: {  	s3 =	sadd.s32 s3, s9;
	s6 =	sadd.s32 @!p0 $0x88, s6;
	s7 =	simm.s32 @p2 $0x1082  }
0x22: {  	[simem:s7], [sflag:s8] =	dma.local @!p0 [hbm:s6], $0xF7A  }
0x23: {  	s9 =	sor.u32 $0xD0000000, s2;
	s6 =	simm.s32 $0x108;
	_ =	swait.ge @!p0 [sflag:s8], $0x0  }
0x24: {  	s3 =	sadd.s32 $0x88, s3;
	s6 =	simm.s32 @!p1 $0x1082;
	[sflag:s4] =	ssyncset.s32 $0xFFFFF086  }
0x25: {  	[simem:s6], [sflag:s4] =	dma.local [hbm:s3], $0xF7A  }
0x26: {  	[smem:$0x3F76] =	sst s1;
	(tag) =	ssettag s2;
	_ =	strace s9  }
0x27: {  	s1 =	sld [smem:$0x3F86]  }
0x28: {  	s2 =	sld [smem:$0x3F87]  }
0x29: {  	s4 =	sld [smem:$0x3F89]  }
0x2a: {  	p0 =	seq.s32 s5, $0x0;
	s5 =	sld [smem:$0x3F8A]  }
0x2b: {  	s6 =	sld [smem:$0x3F8B]  }
0x2c: {  	s7 =	sld [smem:$0x3F8C]  }
0x2d: {  	s3 =	simm.s32 $0x108;
	s8 =	sld [smem:$0x3F8D]  }
0x2e: {  	s3 =	simm.s32 @!p0 $0x1082;
	s9 =	sld [smem:$0x3F8E]  }
0x2f: {  	lr =	sadd.s32 s0, s3;
	s0 =	sld [smem:$0x3F85]  }
0x30: {  	s3 =	sld [smem:$0x3F88]  }
0x31: {  	[smem:$0x3F91] =	sst s10  }
0x32: {  	s10 =	sld [smem:$0x3F8F];
	_ =	sdelay $0x3  }
0x33: {  	p0 =	seq.s32 s10, $0x1;
	s10 =	sld [smem:$0x3F91];
	_ =	sdelay $0x3  }
0x34: {  	[smem:$0x3F91] =	sst s10  }
0x35: {  	s10 =	sld [smem:$0x3F90];
	_ =	sdelay $0x3  }
0x36: {  	p1 =	seq.s32 s10, $0x1;
	s10 =	sld [smem:$0x3F91];
	_ =	sdelay $0x3  }
0x37: {  	[smem:$0x3F91] =	sst s10  }
0x38: {  	s10 =	sld [smem:$0x3F92]  }
0x39: {  	_ = 	snop;
	(pc) =	sbr.ind lr, $3  }
0x3a: {  	_ = 	snop  }
0x3b: {  	_ = 	snop  }
0x3c: {  	p2 =	seq.s32 s10, $0x1;
	s10 =	sld [smem:$0x3F91]  }
0x3d: {  	_ =	shalt  }
0x3e: {  	_ =	shalt  }
0x3f: {  	_ =	shalt  }
0x40: {  	_ =	shalt  }
0x41: {  	_ =	shalt  }
0x42: {  	_ =	shalt  }
0x43: {  	_ =	shalt  }
0x44: {  	_ =	shalt  }
0x45: {  	_ =	shalt  }
0x46: {  	_ =	shalt  }
0x47: {  	_ =	shalt  }
0x48: {  	_ =	shalt  }
0x49: {  	_ =	shalt  }
0x4a: {  	_ =	shalt  }
0x4b: {  	_ =	shalt  }
0x4c: {  	_ =	shalt  }
0x4d: {  	_ =	shalt  }
0x4e: {  	_ =	shalt  }
0x4f: {  	_ =	shalt  }
0x50: {  	_ =	shalt  }
0x51: {  	_ =	shalt  }
0x52: {  	_ =	shalt  }
0x53: {  	_ =	shalt  }
0x54: {  	_ =	shalt  }
0x55: {  	_ =	shalt  }
0x56: {  	_ =	shalt  }
0x57: {  	_ =	shalt  }
0x58: {  	_ =	shalt  }
0x59: {  	_ =	shalt  }
0x5a: {  	_ =	shalt  }
0x5b: {  	_ =	shalt  }
0x5c: {  	_ =	shalt  }
0x5d: {  	_ =	shalt  }
0x5e: {  	_ =	shalt  }
0x5f: {  	_ =	shalt  }
0x60: {  	_ =	shalt  }
0x61: {  	_ =	shalt  }
0x62: {  	_ =	shalt  }
0x63: {  	_ =	shalt  }
0x64: {  	_ =	shalt  }
0x65: {  	_ =	shalt  }
0x66: {  	_ =	shalt  }
0x67: {  	_ =	shalt  }
0x68: {  	_ =	shalt  }
0x69: {  	_ =	shalt  }
0x6a: {  	_ =	shalt  }
0x6b: {  	_ =	shalt  }
0x6c: {  	_ =	shalt  }
0x6d: {  	_ =	shalt  }
0x6e: {  	_ =	shalt  }
0x6f: {  	_ =	shalt  }
0x70: {  	_ =	shalt  }
0x71: {  	_ =	shalt  }
0x72: {  	_ =	shalt  }
0x73: {  	_ =	shalt  }
0x74: {  	_ =	shalt  }
0x75: {  	_ =	shalt  }
0x76: {  	_ =	shalt  }
0x77: {  	_ =	shalt  }
0x78: {  	_ =	shalt  }
0x79: {  	_ =	shalt  }
0x7a: {  	_ =	shalt  }
0x7b: {  	_ =	shalt  }
0x7c: {  	_ =	shalt  }
0x7d: {  	_ =	shalt  }
0x7e: {  	_ =	shalt  }
0x7f: {  	_ =	shalt  }
0x80: {  	_ =	shalt  }
0x81: {  	_ =	shalt  }
0x82: {  	_ =	shalt  }
0x83: {  	_ =	shalt  }
0x84: {  	_ =	shalt  }
0x85: {  	_ =	shalt  }
0x86: {  	_ =	shalt  }
0x87: {  	_ =	shalt  }
.Lfunc_end0:
.L_simem_size_0:
called_computation.1_lowered:
.L_overlay_start_0:
0x88: {  	s2 =	sld [smem:$0x3FD9]  }
0x89: {  	s3 =	sld [smem:$0x3FFE];
	_ =	sdelay $0x1  }
0x8a: {  	s1 =	srdreg.scid  }
0x8b: {  	s0 =	sand.u32 $0x1, s1  }
0x8c: {  	s14 =	sshll.u32 s0, $0xA;
	s2 =	sadd.s32 s3, s2  }
0x8d: {  	s2 =	sadd.s32 s2, s14  }
0x8e: {  	[smem:$0x3F9D] =	sst s2  }
0x8f: {  	_ = 	snop  }
0x90: {  	s2 =	sld [smem:$0x3FD0];
	_ =	sdelay $0x2  }
0x91: {  	s15 =	simm.s32 $0xB;
	s4 =	simm.s32 $0x10  }
0x92: {  	[smem:s4], [sflag:s15] =	dma.local [hbm:s2], $0x1  }
0x93: {  	_ =	swait.eq [sflag:s15], $0x1  }
0x94: {  	[sflag:s15] =	ssyncset.done $0x0  }
0x95: {  	s16 =	sld [smem:$0x10];
	[sflag:s15] =	ssyncadd.s32 $0xFFFFFFFF  }
0x96: {  	s17 =	sld [smem:$0x11];
	(tm) =	ssettm $0x1  }
0x97: {  	s18 =	sld [smem:$0x3FFB];
	_ =	sdelay $0x3  }
0x98: {  	_ =	strace s18  }
0x99: {  	s4 =	sld [smem:$0x3FFC];
	_ =	sdelay $0x3  }
0x9a: {  	_ =	strace s4  }
0x9b: {  	s4 =	sld [smem:$0x3FFD];
	_ =	sdelay $0x3  }
0x9c: {  	_ =	strace s4  }
0x9d: {  	_ =	strace $0x8FFFFFFF  }
0x9e: {  	s19 =	sld [smem:$0x3FDB];
	_ =	sdelay $0x1  }
0x9f: {  	s5 =	simm.s32 $_scs_section_size  }
0xa0: {  	s6 =	simm.s32 $_size__tile_overlayer_lowered;
	s7 =	simm.s32 $_tile_overlayer_lowered  }
0xa1: {  	s22 =	simm.s32 $0x1BFF;
	s21 =	sshll.u32 s7, $0x1;
	s4 =	sadd.s32 s5, s19  }
0xa2: {  	s8 =	simm.s32 $0x0;
	s20 =	sshll.u32 s6, $0x1;
	s6 =	sadd.s32 s21, s4  }
0xa3: {  	[timem:s8], [sflag:s22] =	dma.local [hbm:s6], s20  }
0xa4: {  	_ =	swait.ge [sflag:s22], s20  }
0xa5: {  	s5 =	ssub.s32 $0x0, s20;
	[sflag:s22] =	ssyncset.done $0x0  }
0xa6: {  	[sflag:s22] =	ssyncadd.s32 s5;
	_ =	sdelay $0x1  }
0xa7: {  	s23 =	simm.s32 $0x1B8B  }
0xa8: {  	_ =	swait.ge [sflag:s23], $0x1  }
0xa9: {  	[sflag:s23] =	ssyncset.done $0x0  }
0xaa: {  	s25 =	simm.s32 $0x1B8E;
	s24 =	sld [smem:$0x3FFE];
	[sflag:s23] =	ssyncadd.s32 $0xFFFFFFFF  }
0xab: {  	s26 =	simm.s32 $execute0_lowered;
	[smem:$0x3FD2] =	sst s25  }
0xac: {  	s6 =	sshll.u32 s26, $0x1;
	_ =	strace $0x80000046;
	[dreg:$0x1] =	wrdreg $0xFFFFFFFF  }
0xad: {  	s28 =	simm.s32 $_size_execute0_lowered;
	s4 =	sadd.s32 s4, s6;
	[dreg:$0x0] =	wrdreg $0x0  }
0xae: {  	s6 =	sshll.u32 s28, $0x1;
	[dreg:$0x2] =	wrdreg s4  }
0xaf: {  	[dreg:$0x3] =	wrdreg s6  }
0xb0: {  	[dreg:$0x4] =	wrdreg $0xC0  }
0xb1: {  	_ =	task [dreg:s8], $0x5FFFF  }
0xb2: {  	[dreg:$0x1] =	wrdreg $0xFFFFFFFF  }
0xb3: {  	[dreg:$0x0] =	wrdreg $0x60  }
0xb4: {  	[dreg:$0x2] =	wrdreg s16  }
0xb5: {  	[dreg:$0x3] =	wrdreg s17  }
0xb6: {  	[dreg:$0x4] =	wrdreg s24  }
0xb7: {  	[dreg:$0x5] =	wrdreg $0xA  }
0xb8: {  	_ =	task.clear_ibuf [dreg:s8], $0x6FFFF;
	_ =	strace $0x90000046  }
0xb9: {  	s29 =	simm.s32 $0xA;
	_ =	strace $0x80000048  }
0xba: {  	_ =	swait.ge [sflag:s29], $0x1  }
0xbb: {  	[sflag:s29] =	ssyncadd.s32 $0xFFFFFFFF  }
0xbc: {  	_ =	strace $0x90000048  }
0xbd: {  	_ =	sfence  }
0xbe: {  	s30 =	sld [smem:$0x0];
	_ =	sdelay $0x2  }
0xbf: {  	s31 =	sshll.u32 s1, $0xD;
	s1 =	sshrl.u32 s1, $0x2  }
0xc0: {  	s3 =	sand.u32 $0x4000, s31;
	s1 =	sadd.s32 s1, s30  }
0xc1: {  	s0 =	sor.u32 s3, s0;
	s1 =	sshll.u32 s1, $0x11  }
0xc2: {  	s0 =	sor.u32 s1, s0  }
0xc3: {  	s0 =	sadd.s32 $0x8F2B, s0  }
0xc4: {  	[sflag:s0] =	ssyncadd.remote.s32 $0x1  }
0xc5: {  	_ =	sfence.sel $0xFFFF  }
0xc6: {  	[dreg:$0x0] =	wrdreg $0xFFFFFFFF;
	(pc) =	sbr.abs _section_cstart, $3  }
0xc7: {  	[dreg:$0x1] =	wrdreg $0xFFFFFFFF  }
0xc8: {  	_ =	task.clear_ibuf [dreg:s8], $0x2FFFF;
	_ =	strace $0x9FFFFFFF  }
0xc9: {  	(tm) =	ssettm $0x7FFFFFFF  }
tec
execute0_lowered:
.L_overlay_start_1:
0x0: {  	(tag) =	ssettag $0x1  }
0x1: {  	s1 =	rddreg [dreg:$0x0]  }
0x2: {  	s3 =	rddreg [dreg:$0x1]  }
0x3: {  	s0 =	srdreg.scid;
	s10 =	stileid.u32  }
0x4: {  	s2 =	rddreg [dreg:$0x2];
	s4 =	simm.s32 $0x0;
	s16 =	simm.s32 $0x5  }
0x5: {  	s17 =	simm.s32 $0x2800;
	s18 =	simm.s32 $0x80;
	s19 =	simm.s32 $0x5000  }
0x6: {  	s20 =	simm.s32 $0x9000;
	s21 =	simm.s32 $0xD000;
	s23 =	simm.s32 $0x11000  }
0x7: {  	s24 =	simm.s32 $0x1;
	s25 =	simm.s32 $0x2;
	s13 =	smul.u32 $0xA0, s10  }
0x8: {  	s26 =	simm.s32 $0x3;
	s0 =	sand.u32 $0x1, s0;
	s15 =	smul.u32 $0x50000, s10  }
0x9: {  	s30 =	simm.s32 $0x4;
	s5 =	sshll.u32 s10, $0x1;
	s14 =	smul.u32 $0x50, s0  }
0xa: {  	s5 =	sor.u32 s0, s5;
	s7 =	ssub.s32 $0x2, s0;
	s0 =	smul.u32 $0x28000, s0  }
0xb: {  	s31 =	simm.s32 $0x0;
	[smem:$0x7FF] =	sst s4;
	s6 =	smul.u32 $0x500, s5  }
0xc: {  	_ =	strace $0x80000047;
	s12 =	smul.u32 $0x28000, s5;
	s9 =	sshrl.u32 s7, $0x1  }
0xd: {  	s5 =	sadd.s32 $0x28600, s2;
	s28 =	ssub.s32 s7, s9;
	s13 =	sadd.s32 s14, s13  }
.Ltmp0:
0xe: {  	s15 =	sadd.s32 s0, s15;
	s8 =	sadd.s32 s6, s2;
	(pc) =	sbr.rel .LBB2_1-.Ltmp0, $4  }
0xf: {  	s6 =	sadd.s32 $0x528600, s2;
	s9 =	smax.u32 s28, $0x1;
	s10 =	sadd.s32 s5, s12  }
0x10: {  	s29 =	sor.u32 $0x800, s12;
	s14 =	sshll.u32 s13, $0xB;
	s2 =	sor.u32 $0x1000, s15  }
0x11: {  	s7 =	sadd.s32 $0xA600, s8;
	s8 =	sadd.s32 $0x14600, s8;
	s11 =	sadd.s32 s6, s12  }
0x12: {  	s12 =	sadd.s32 s5, s29;
	s13 =	sadd.s32 s6, s29;
	s0 =	sor.u32 $0x1800, s14  }
.LBB2_4:
0x13: {  	s31 =	sadd.s32 $0x1, s31  }
0x14: {  	_ =	swait.ge [sflag:s30], $0x4000;
	p0 =	sne.s32 s31, s9  }
.Ltmp1:
0x15: {  	[sflag:s30] =	ssyncset.done $0x0;
	(pc) =	sbr.rel @!p0 .LBB2_5-.Ltmp1, $4  }
0x16: {  	[sflag:s30] =	ssyncadd.s32 $0xFFFFC000  }
0x17: {  	_ =	swait.ge [sflag:s30], $0x4000  }
0x18: {  	[sflag:s30] =	ssyncset.done $0x0  }
0x19: {  	[sflag:s30] =	ssyncadd.s32 $0xFFFFC000  }
.LBB2_1:
0x1a: {  	[tilespmem:s4], [sflag:$0x5] =	stream.linear.gather [hbm4b:s7+s4], $0x2800, $0x38;
	[tilespmem:$0x15000] =	vst v63  }
0x1b: {  	_ =	swait.ge [sflag:s16], $0x2800  }
0x1c: {  	[sflag:s16] =	ssyncset.done $0x0  }
0x1d: {  	[sflag:s16] =	ssyncadd.s32 $0xFFFFD800  }
0x1e: {  	[tilespmem:s17], [sflag:$0x5] =	stream.linear.gather [hbm4b:s8+s4], $0x2800, $0x38;
	[tilespmem:$0x15000] =	vst v63  }
0x1f: {  	_ =	swait.ge [sflag:s16], $0x2800  }
0x20: {  	[sflag:s16] =	ssyncset.done $0x0  }
0x21: {  	[sflag:s16] =	ssyncadd.s32 $0xFFFFD800  }
0x22: {  	[tilespmem:s19], [sflag:$0x1] =	stream.indirect.gather [hbm4b:s1+s18], $0x80, s4, s18, $0xb8;
	[tilespmem:$0x15000] =	vst v63  }
0x23: {  	_ = 	snop  }
0x24: {  	[tilespmem:s20], [sflag:$0x1] =	stream.indirect.gather [hbm4b:s3+s18], $0x80, s17, s18, $0xb8;
	[tilespmem:$0x15000] =	vst v63  }
0x25: {  	_ = 	snop  }
0x26: {  	[tilespmem:s21], [sflag:$0x2] =	stream.indirect.gather [hbm4b:s1+s18], $0x80, s18, s18, $0xb8;
	[tilespmem:$0x15000] =	vst v63  }
0x27: {  	s14 =	simm.s32 $0x2880  }
0x28: {  	[tilespmem:s23], [sflag:$0x2] =	stream.indirect.gather [hbm4b:s3+s18], $0x80, s14, s18, $0xb8;
	[tilespmem:$0x15000] =	vst v63  }
0x29: {  	_ =	swait.ge [sflag:s24], $0x4000  }
0x2a: {  	[sflag:s24] =	ssyncset.done $0x0  }
0x2b: {  	[sflag:s24] =	ssyncadd.s32 $0xFFFFC000  }
0x2c: {  	_ =	swait.ge [sflag:s24], $0x4000  }
0x2d: {  	[sflag:s24] =	ssyncset.done $0x0  }
0x2e: {  	[sflag:s24] =	ssyncadd.s32 $0xFFFFC000  }
0x2f: {  	[hbm4b:s10+s4] =	stream.linear.scatter [tilespmem:s19], [sflag:$0x3], $0x4000, $0x38;
	[tilespmem:$0x15000] =	vst v63  }
0x30: {  	_ = 	snop  }
0x31: {  	[hbm4b:s11+s4] =	stream.linear.scatter [tilespmem:s20], [sflag:$0x3], $0x4000, $0x38;
	[tilespmem:$0x15000] =	vst v63  }
0x32: {  	_ =	swait.ge [sflag:s25], $0x4000  }
0x33: {  	[sflag:s25] =	ssyncset.done $0x0  }
0x34: {  	[sflag:s25] =	ssyncadd.s32 $0xFFFFC000  }
0x35: {  	_ =	swait.ge [sflag:s25], $0x4000  }
0x36: {  	[sflag:s25] =	ssyncset.done $0x0  }
0x37: {  	[sflag:s25] =	ssyncadd.s32 $0xFFFFC000  }
0x38: {  	[hbm4b:s12+s4] =	stream.linear.scatter [tilespmem:s21], [sflag:$0x4], $0x4000, $0x38;
	[tilespmem:$0x15000] =	vst v63  }
0x39: {  	_ = 	snop  }
0x3a: {  	[hbm4b:s13+s4] =	stream.linear.scatter [tilespmem:s23], [sflag:$0x4], $0x4000, $0x38;
	[tilespmem:$0x15000] =	vst v63  }
0x3b: {  	_ =	swait.ge [sflag:s26], $0x4000  }
0x3c: {  	[sflag:s26] =	ssyncset.done $0x0  }
0x3d: {  	[sflag:s26] =	ssyncadd.s32 $0xFFFFC000  }
0x3e: {  	_ =	swait.ge [sflag:s26], $0x4000  }
0x3f: {  	[sflag:s26] =	ssyncset.done $0x0  }
0x40: {  	s28 =	simm.s32 $0x100;
	s29 =	simm.s32 $0x2900;
	[sflag:s26] =	ssyncadd.s32 $0xFFFFC000  }
0x41: {  	[tilespmem:s19], [sflag:$0x1] =	stream.indirect.gather [hbm4b:s1+s18], $0x80, s28, s18, $0xb8;
	[tilespmem:$0x15000] =	vst v63  }
0x42: {  	s15 =	smov.u32 s2;
	s22 =	simm.s32 $0x0;
	s14 =	smov.u32 s0  }
0x43: {  	[tilespmem:s20], [sflag:$0x1] =	stream.indirect.gather [hbm4b:s3+s18], $0x80, s29, s18, $0xb8;
	[tilespmem:$0x15000] =	vst v63  }
.LBB2_2:
0x44: {  	_ =	swait.ge [sflag:s30], $0x4000  }
0x45: {  	[sflag:s30] =	ssyncset.done $0x0  }
0x46: {  	[sflag:s30] =	ssyncadd.s32 $0xFFFFC000  }
0x47: {  	_ =	swait.ge [sflag:s30], $0x4000  }
0x48: {  	s28 =	sshra.s32 s22, $0x2;
	[sflag:s30] =	ssyncset.done $0x0  }
0x49: {  	s29 =	sadd.s32 $0x180, s28;
	[sflag:s30] =	ssyncadd.s32 $0xFFFFC000  }
0x4a: {  	[tilespmem:s21], [sflag:$0x2] =	stream.indirect.gather [hbm4b:s1+s18], $0x80, s29, s18, $0xb8;
	[tilespmem:$0x15000] =	vst v63  }
0x4b: {  	s29 =	sadd.s32 $0x2980, s28  }
0x4c: {  	[tilespmem:s23], [sflag:$0x2] =	stream.indirect.gather [hbm4b:s3+s18], $0x80, s29, s18, $0xb8;
	[tilespmem:$0x15000] =	vst v63  }
0x4d: {  	_ =	swait.ge [sflag:s24], $0x4000  }
0x4e: {  	[sflag:s24] =	ssyncset.done $0x0  }
0x4f: {  	[sflag:s24] =	ssyncadd.s32 $0xFFFFC000  }
0x50: {  	_ =	swait.ge [sflag:s24], $0x4000  }
0x51: {  	[sflag:s24] =	ssyncset.done $0x0  }
0x52: {  	s29 =	sadd.s32 s15, s5;
	[sflag:s24] =	ssyncadd.s32 $0xFFFFC000  }
0x53: {  	[hbm4b:s29+s4] =	stream.linear.scatter [tilespmem:s19], [sflag:$0x3], $0x4000, $0x38;
	[tilespmem:$0x15000] =	vst v63  }
0x54: {  	s29 =	sadd.s32 s15, s6  }
0x55: {  	[hbm4b:s29+s4] =	stream.linear.scatter [tilespmem:s20], [sflag:$0x3], $0x4000, $0x38;
	[tilespmem:$0x15000] =	vst v63  }
0x56: {  	_ =	swait.ge [sflag:s25], $0x4000  }
0x57: {  	[sflag:s25] =	ssyncset.done $0x0  }
0x58: {  	[sflag:s25] =	ssyncadd.s32 $0xFFFFC000  }
0x59: {  	_ =	swait.ge [sflag:s25], $0x4000  }
0x5a: {  	[sflag:s25] =	ssyncset.done $0x0  }
0x5b: {  	s29 =	sadd.s32 s14, s5;
	[sflag:s25] =	ssyncadd.s32 $0xFFFFC000  }
0x5c: {  	[hbm4b:s29+s4] =	stream.linear.scatter [tilespmem:s21], [sflag:$0x4], $0x4000, $0x38;
	[tilespmem:$0x15000] =	vst v63  }
0x5d: {  	s29 =	sadd.s32 s14, s6  }
0x5e: {  	[hbm4b:s29+s4] =	stream.linear.scatter [tilespmem:s23], [sflag:$0x4], $0x4000, $0x38;
	[tilespmem:$0x15000] =	vst v63  }
0x5f: {  	p0 =	seq.s32 s22, $0x9800;
	_ =	swait.ge [sflag:s26], $0x4000  }
.Ltmp2:
0x60: {  	[sflag:s26] =	ssyncset.done $0x0;
	(pc) =	sbr.rel @p0 .LBB2_4-.Ltmp2, $4  }
0x61: {  	[sflag:s26] =	ssyncadd.s32 $0xFFFFC000  }
0x62: {  	_ =	swait.ge [sflag:s26], $0x4000  }
0x63: {  	[sflag:s26] =	ssyncset.done $0x0  }
0x64: {  	[sflag:s26] =	ssyncadd.s32 $0xFFFFC000  }
.Ltmp3:
0x65: {  	(pc) =	sbr.rel .LBB2_2-.Ltmp3, $4  }
0x66: {  	s29 =	sadd.s32 $0x200, s28;
	s22 =	sadd.s32 $0x400, s22  }
0x67: {  	[tilespmem:s19], [sflag:$0x1] =	stream.indirect.gather [hbm4b:s1+s18], $0x80, s29, s18, $0xb8;
	[tilespmem:$0x15000] =	vst v63  }
0x68: {  	s14 =	sadd.s32 $0x1000, s14;
	s15 =	sadd.s32 $0x1000, s15;
	s29 =	sadd.s32 $0x2A00, s28  }
0x69: {  	[tilespmem:s20], [sflag:$0x1] =	stream.indirect.gather [hbm4b:s3+s18], $0x80, s29, s18, $0xb8;
	[tilespmem:$0x15000] =	vst v63  }
.LBB2_5:
0x6a: {  	_ =	sfence.sel $0x180000  }
0x6b: {  	[bflag:$0x0] =	sbarrier.arrive $0xFFFF  }
0x6c: {  	_ =	strace $0x90000047  }
0x6d: {  	s0 =	stileid.u32;
	[bflag:$0x2] =	sbarrier.arrive $0xFFFF  }
0x6e: {  	p0 =	sne.s32 s0, $0x0;
	s0 =	rddreg [dreg:$0x3]  }
0x6f: {  	s0 =	sadd.s32 @!p0 $0x100000, s0  }
0x70: {  	[sflag:s0] =	ssyncadd.tile.s32 @!p0 $0x1;
	_ =	shalt  }
.Lfunc_end2:
_tile_overlayer_lowered:
.L_overlay_start_2:
0x71: {  	(tag) =	ssettag $0x2  }
0x72: {  	s0 =	rddreg [dreg:$0x0];
	s2 =	stileid.u32  }
0x73: {  	s1 =	rddreg [dreg:$0x1];
	p0 =	sne.s32 s2, $0x0  }
0x74: {  	s3 =	rddreg [dreg:$0x2];
	[bflag:$0x3] =	sbarrier.arrive $0xFFFF;
	s2 =	simm.s32 @!p0 $0x1C05  }
0x75: {  	[timem:s3], [sflag:s2] =	dma.local @!p0 [hbm:s0], s1  }
0x76: {  	s0 =	simm.s32 @!p0 $0x5  }
0x77: {  	_ =	swait.ge @!p0 [sflag:s0], s1  }
0x78: {  	s1 =	ssub.s32 @!p0 $0x0, s1;
	[sflag:s0] =	ssyncset.done @!p0 $0x0  }
0x79: {  	[sflag:s0] =	ssyncadd.s32 @!p0 s1  }
0x7a: {  	[bflag:$0x3] =	sbarrier.arrive $0xFFFF  }
0x7b: {  	_ =	shalt  }

// kernel: kernel.19.cloned.1.call-start
scs
__scs_entry_jumppad:
0x0: {  	(pc) =	sbr.rel $0x88, $3  }
0x1: {  	(tag) =	ssettag $0x0;
	lr =	simm.s32 $0x1  }
0x2: {  	[smem:$0x3F76] =	sst lr;
	_ =	strace $0xD0000000  }
0x3: {  	_ = 	snop  }
0x4: {  	_ = 	snop  }
0x5: {  	_ = 	snop  }
0x6: {  	_ = 	snop  }
0x7: {  	_ = 	snop  }
__scs_overlays_trampoline_lowered:
0x8: {  	[smem:$0x3F85] =	sst s0  }
0x9: {  	[smem:$0x3F86] =	sst s1  }
0xa: {  	[smem:$0x3F87] =	sst s2  }
0xb: {  	[smem:$0x3F88] =	sst s3  }
0xc: {  	[smem:$0x3F89] =	sst s4  }
0xd: {  	[smem:$0x3F8A] =	sst s5  }
0xe: {  	[smem:$0x3F8B] =	sst s6  }
0xf: {  	[smem:$0x3F8C] =	sst s7  }
0x10: {  	[smem:$0x3F8D] =	sst s8  }
0x11: {  	[smem:$0x3F8E] =	sst s9;
	s0 =	simm.s32 @!p0 $0x0  }
0x12: {  	s1 =	sld [smem:$0x3F74];
	s0 =	simm.s32 @p0 $0x1  }
0x13: {  	[smem:$0x3F8F] =	sst s0;
	s0 =	simm.s32 @!p1 $0x0  }
0x14: {  	s2 =	sld [smem:$0x3F73];
	s0 =	simm.s32 @p1 $0x1  }
0x15: {  	[smem:$0x3F90] =	sst s0;
	s0 =	simm.s32 @!p2 $0x0  }
0x16: {  	s3 =	sld [smem:$0x3FDB];
	s0 =	simm.s32 @p2 $0x1  }
0x17: {  	s4 =	simm.s32 $0x1BF5;
	[smem:$0x3F92] =	sst s0  }
0x18: {  	s0 =	sld [smem:$0x3F75];
	_ =	swait.ge [sflag:s4], $0x0  }
0x19: {  	s7 =	sld [smem:$0x3F76]  }
0x1a: {  	s8 =	sadd.s32 $0xFFFFE003, lr  }
0x1b: {  	s9 =	sadd.s32 $0xFFFFFEF7, lr;
	s5 =	simm.s32 $0xFFFFFFFF;
	p2 =	slt.u32 s8, $0xFFFFF086  }
0x1c: {  	p1 =	slt.u32 s9, $0xF7A;
	s5 =	simm.s32 @!p2 $0x0  }
0x1d: {  	s5 =	simm.s32 @p1 $0x1;
	p0 =	seq.s32 s7, s2  }
0x1e: {  	s7 =	smul.u32 @!p0 $0xF7A, s2;
	p2 =	seq.s32 @!p0 s5, $0x0  }
0x1f: {  	s9 =	smul.u32 $0xF7A, s1;
	s8 =	simm.s32 @!p0 $0x1BF5;
	p2 =	por !p2, p0  }
0x20: {  	[sflag:s8] =	ssyncset.s32 @!p0 $0xFFFFF086;
	s6 =	sadd.s32 @!p0 s3, s7;
	s7 =	simm.s32 @!p0 $0x108  }
0x21: {  	s3 =	sadd.s32 s3, s9;
	s6 =	sadd.s32 @!p0 $0x88, s6;
	s7 =	simm.s32 @p2 $0x1082  }
0x22: {  	[simem:s7], [sflag:s8] =	dma.local @!p0 [hbm:s6], $0xF7A  }
0x23: {  	s9 =	sor.u32 $0xD0000000, s2;
	s6 =	simm.s32 $0x108;
	_ =	swait.ge @!p0 [sflag:s8], $0x0  }
0x24: {  	s3 =	sadd.s32 $0x88, s3;
	s6 =	simm.s32 @!p1 $0x1082;
	[sflag:s4] =	ssyncset.s32 $0xFFFFF086  }
0x25: {  	[simem:s6], [sflag:s4] =	dma.local [hbm:s3], $0xF7A  }
0x26: {  	[smem:$0x3F76] =	sst s1;
	(tag) =	ssettag s2;
	_ =	strace s9  }
0x27: {  	s1 =	sld [smem:$0x3F86]  }
0x28: {  	s2 =	sld [smem:$0x3F87]  }
0x29: {  	s4 =	sld [smem:$0x3F89]  }
0x2a: {  	p0 =	seq.s32 s5, $0x0;
	s5 =	sld [smem:$0x3F8A]  }
0x2b: {  	s6 =	sld [smem:$0x3F8B]  }
0x2c: {  	s7 =	sld [smem:$0x3F8C]  }
0x2d: {  	s3 =	simm.s32 $0x108;
	s8 =	sld [smem:$0x3F8D]  }
0x2e: {  	s3 =	simm.s32 @!p0 $0x1082;
	s9 =	sld [smem:$0x3F8E]  }
0x2f: {  	lr =	sadd.s32 s0, s3;
	s0 =	sld [smem:$0x3F85]  }
0x30: {  	s3 =	sld [smem:$0x3F88]  }
0x31: {  	[smem:$0x3F91] =	sst s10  }
0x32: {  	s10 =	sld [smem:$0x3F8F];
	_ =	sdelay $0x3  }
0x33: {  	p0 =	seq.s32 s10, $0x1;
	s10 =	sld [smem:$0x3F91];
	_ =	sdelay $0x3  }
0x34: {  	[smem:$0x3F91] =	sst s10  }
0x35: {  	s10 =	sld [smem:$0x3F90];
	_ =	sdelay $0x3  }
0x36: {  	p1 =	seq.s32 s10, $0x1;
	s10 =	sld [smem:$0x3F91];
	_ =	sdelay $0x3  }
0x37: {  	[smem:$0x3F91] =	sst s10  }
0x38: {  	s10 =	sld [smem:$0x3F92]  }
0x39: {  	_ = 	snop;
	(pc) =	sbr.ind lr, $3  }
0x3a: {  	_ = 	snop  }
0x3b: {  	_ = 	snop  }
0x3c: {  	p2 =	seq.s32 s10, $0x1;
	s10 =	sld [smem:$0x3F91]  }
0x3d: {  	_ =	shalt  }
0x3e: {  	_ =	shalt  }
0x3f: {  	_ =	shalt  }
0x40: {  	_ =	shalt  }
0x41: {  	_ =	shalt  }
0x42: {  	_ =	shalt  }
0x43: {  	_ =	shalt  }
0x44: {  	_ =	shalt  }
0x45: {  	_ =	shalt  }
0x46: {  	_ =	shalt  }
0x47: {  	_ =	shalt  }
0x48: {  	_ =	shalt  }
0x49: {  	_ =	shalt  }
0x4a: {  	_ =	shalt  }
0x4b: {  	_ =	shalt  }
0x4c: {  	_ =	shalt  }
0x4d: {  	_ =	shalt  }
0x4e: {  	_ =	shalt  }
0x4f: {  	_ =	shalt  }
0x50: {  	_ =	shalt  }
0x51: {  	_ =	shalt  }
0x52: {  	_ =	shalt  }
0x53: {  	_ =	shalt  }
0x54: {  	_ =	shalt  }
0x55: {  	_ =	shalt  }
0x56: {  	_ =	shalt  }
0x57: {  	_ =	shalt  }
0x58: {  	_ =	shalt  }
0x59: {  	_ =	shalt  }
0x5a: {  	_ =	shalt  }
0x5b: {  	_ =	shalt  }
0x5c: {  	_ =	shalt  }
0x5d: {  	_ =	shalt  }
0x5e: {  	_ =	shalt  }
0x5f: {  	_ =	shalt  }
0x60: {  	_ =	shalt  }
0x61: {  	_ =	shalt  }
0x62: {  	_ =	shalt  }
0x63: {  	_ =	shalt  }
0x64: {  	_ =	shalt  }
0x65: {  	_ =	shalt  }
0x66: {  	_ =	shalt  }
0x67: {  	_ =	shalt  }
0x68: {  	_ =	shalt  }
0x69: {  	_ =	shalt  }
0x6a: {  	_ =	shalt  }
0x6b: {  	_ =	shalt  }
0x6c: {  	_ =	shalt  }
0x6d: {  	_ =	shalt  }
0x6e: {  	_ =	shalt  }
0x6f: {  	_ =	shalt  }
0x70: {  	_ =	shalt  }
0x71: {  	_ =	shalt  }
0x72: {  	_ =	shalt  }
0x73: {  	_ =	shalt  }
0x74: {  	_ =	shalt  }
0x75: {  	_ =	shalt  }
0x76: {  	_ =	shalt  }
0x77: {  	_ =	shalt  }
0x78: {  	_ =	shalt  }
0x79: {  	_ =	shalt  }
0x7a: {  	_ =	shalt  }
0x7b: {  	_ =	shalt  }
0x7c: {  	_ =	shalt  }
0x7d: {  	_ =	shalt  }
0x7e: {  	_ =	shalt  }
0x7f: {  	_ =	shalt  }
0x80: {  	_ =	shalt  }
0x81: {  	_ =	shalt  }
0x82: {  	_ =	shalt  }
0x83: {  	_ =	shalt  }
0x84: {  	_ =	shalt  }
0x85: {  	_ =	shalt  }
0x86: {  	_ =	shalt  }
0x87: {  	_ =	shalt  }
.Lfunc_end0:
.L_simem_size_0:
called_computation.2_lowered:
.L_overlay_start_0:
0x88: {  	s2 =	sld [smem:$0x3FD9]  }
0x89: {  	s3 =	sld [smem:$0x3FFE];
	_ =	sdelay $0x1  }
0x8a: {  	s1 =	srdreg.scid  }
0x8b: {  	s0 =	sand.u32 $0x1, s1  }
0x8c: {  	s15 =	sshll.u32 s0, $0xA;
	s2 =	sadd.s32 s3, s2  }
0x8d: {  	s2 =	sadd.s32 s2, s15  }
0x8e: {  	[smem:$0x3F9D] =	sst s2  }
0x8f: {  	_ = 	snop  }
0x90: {  	s2 =	sld [smem:$0x3FD0];
	_ =	sdelay $0x2  }
0x91: {  	s16 =	simm.s32 $0xB;
	s4 =	simm.s32 $0x10  }
0x92: {  	[smem:s4], [sflag:s16] =	dma.local [hbm:s2], $0x1  }
0x93: {  	_ =	swait.eq [sflag:s16], $0x1  }
0x94: {  	[sflag:s16] =	ssyncset.done $0x0  }
0x95: {  	[sflag:s16] =	ssyncadd.s32 $0xFFFFFFFF  }
0x96: {  	s17 =	sld [smem:$0x11];
	(tm) =	ssettm $0x1  }
0x97: {  	s18 =	sld [smem:$0x3FFB];
	_ =	sdelay $0x3  }
0x98: {  	_ =	strace s18  }
0x99: {  	s2 =	sld [smem:$0x3FFC];
	_ =	sdelay $0x3  }
0x9a: {  	_ =	strace s2  }
0x9b: {  	s2 =	sld [smem:$0x3FFD];
	_ =	sdelay $0x3  }
0x9c: {  	_ =	strace s2  }
0x9d: {  	_ =	strace $0x8FFFFFFF  }
0x9e: {  	s19 =	sld [smem:$0x3FDB];
	_ =	sdelay $0x1  }
0x9f: {  	s20 =	simm.s32 $_scs_section_size  }
0xa0: {  	s5 =	simm.s32 $_size__tile_overlayer_lowered;
	s6 =	simm.s32 $_tile_overlayer_lowered  }
0xa1: {  	s7 =	simm.s32 $0x1BFF;
	s21 =	sshll.u32 s6, $0x1;
	s4 =	sadd.s32 s20, s19  }
0xa2: {  	s22 =	simm.s32 $0x0;
	s5 =	sshll.u32 s5, $0x1;
	s6 =	sadd.s32 s21, s4  }
0xa3: {  	[timem:s22], [sflag:s7] =	dma.local [hbm:s6], s5  }
0xa4: {  	_ =	swait.ge [sflag:s7], s5  }
0xa5: {  	s5 =	ssub.s32 $0x0, s5;
	[sflag:s7] =	ssyncset.done $0x0  }
0xa6: {  	[sflag:s7] =	ssyncadd.s32 s5;
	_ =	sdelay $0x1  }
0xa7: {  	s23 =	simm.s32 $0x1B8B  }
0xa8: {  	_ =	swait.ge [sflag:s23], $0x1  }
0xa9: {  	[sflag:s23] =	ssyncset.done $0x0  }
0xaa: {  	[sflag:s23] =	ssyncadd.s32 $0xFFFFFFFF  }
0xab: {  	s5 =	sld [smem:$0x0]  }
0xac: {  	s6 =	sand.u32 $0xFFFFFFFE, s1  }
0xad: {  	p0 =	sne.s32 s1, s6  }
0xae: {  	s6 =	sshll.u32 @p0 s6, $0xE  }
0xaf: {  	s6 =	sadd.s32 @p0 $0x11B8D, s6;
	s7 =	sshll.u32 @p0 s5, $0x11  }
0xb0: {  	s6 =	sor.u32 @p0 s7, s6  }
0xb1: {  	[sflag:s6] =	ssyncadd.remote.s32 @p0 $0x1;
	_ =	sdelay $0x1  }
0xb2: {  	s6 =	simm.s32 @p0 $0x1B8D  }
0xb3: {  	_ =	swait.eq @p0 [sflag:s6], $0x1  }
0xb4: {  	[sflag:s6] =	ssyncadd.s32 @p0 $0xFFFFFFFF  }
0xb5: {  	s7 =	sshll.u32 @!p0 s1, $0xE  }
0xb6: {  	s7 =	sor.u32 @!p0 $0x4000, s7;
	s6 =	simm.s32 @!p0 $0x1B8D  }
0xb7: {  	s5 =	sshll.u32 @!p0 s5, $0x11;
	s7 =	sadd.s32 @!p0 $0x11B8D, s7;
	_ =	swait.eq @!p0 [sflag:s6], $0x1  }
0xb8: {  	s5 =	sor.u32 @!p0 s5, s7;
	[sflag:s6] =	ssyncadd.s32 @!p0 $0xFFFFFFFF  }
0xb9: {  	s25 =	simm.s32 $0x1B8E;
	s24 =	sld [smem:$0x3FFE];
	[sflag:s5] =	ssyncadd.remote.s32 @!p0 $0x1  }
0xba: {  	s26 =	simm.s32 $execute0_lowered;
	[smem:$0x3FD2] =	sst s25  }
0xbb: {  	s6 =	sshll.u32 s26, $0x1;
	_ =	strace $0x8000004C;
	[dreg:$0x1] =	wrdreg $0xFFFFFFFF  }
0xbc: {  	s28 =	simm.s32 $_size_execute0_lowered;
	s4 =	sadd.s32 s4, s6;
	[dreg:$0x0] =	wrdreg $0x0  }
0xbd: {  	s6 =	sshll.u32 s28, $0x1;
	[dreg:$0x2] =	wrdreg s4  }
0xbe: {  	[dreg:$0x3] =	wrdreg s6  }
0xbf: {  	[dreg:$0x4] =	wrdreg $0xC0  }
0xc0: {  	_ =	task [dreg:s22], $0x5FFFF  }
0xc1: {  	[dreg:$0x1] =	wrdreg $0xFFFFFFFF  }
0xc2: {  	[dreg:$0x0] =	wrdreg $0x60  }
0xc3: {  	[dreg:$0x2] =	wrdreg s24  }
0xc4: {  	[dreg:$0x3] =	wrdreg s17  }
0xc5: {  	[dreg:$0x4] =	wrdreg $0x0  }
0xc6: {  	[dreg:$0x5] =	wrdreg $0xA  }
0xc7: {  	_ =	task.clear_ibuf [dreg:s22], $0x6FFFF;
	_ =	strace $0x9000004C  }
0xc8: {  	s29 =	simm.s32 $0xA;
	_ =	strace $0x8000004E  }
0xc9: {  	_ =	swait.ge [sflag:s29], $0x1  }
0xca: {  	[sflag:s29] =	ssyncadd.s32 $0xFFFFFFFF  }
0xcb: {  	_ =	strace $0x9000004E  }
0xcc: {  	_ =	sfence  }
0xcd: {  	s30 =	sld [smem:$0x0];
	_ =	sdelay $0x2  }
0xce: {  	s31 =	sshll.u32 s1, $0xD;
	s1 =	sshrl.u32 s1, $0x2  }
0xcf: {  	s4 =	sand.u32 $0x4000, s31;
	s1 =	sadd.s32 s1, s30  }
0xd0: {  	s0 =	sor.u32 s4, s0;
	s1 =	sshll.u32 s1, $0x11  }
0xd1: {  	s0 =	sor.u32 s1, s0  }
0xd2: {  	s0 =	sadd.s32 $0x8F2B, s0  }
0xd3: {  	[sflag:s0] =	ssyncadd.remote.s32 $0x1  }
0xd4: {  	_ =	sfence.sel $0xFFFF  }
0xd5: {  	[dreg:$0x0] =	wrdreg $0xFFFFFFFF;
	(pc) =	sbr.abs _section_cstart, $3  }
0xd6: {  	[dreg:$0x1] =	wrdreg $0xFFFFFFFF  }
0xd7: {  	_ =	task.clear_ibuf [dreg:s22], $0x2FFFF;
	_ =	strace $0x9FFFFFFF  }
0xd8: {  	(tm) =	ssettm $0x7FFFFFFF  }
0xd9: {  	_ =	shalt  }
tec
execute0_lowered:
.L_overlay_start_1:
0x0: {  	(tag) =	ssettag $0x1  }
0x1: {  	s3 =	rddreg [dreg:$0x0]  }
0x2: {  	s14 =	rddreg [dreg:$0x1]  }
0x3: {  	s0 =	srdreg.scid;
	s17 =	stileid.u32  }
0x4: {  	s1 =	rddreg [dreg:$0x2];
	s2 =	simm.s32 $0x0;
	s18 =	simm.s32 $0x1A0C0  }
0x5: {  	s19 =	simm.s32 $0x1;
	s20 =	simm.s32 $0x80;
	s21 =	simm.s32 $0x2  }
0x6: {  	s22 =	simm.s32 $0x13940;
	s23 =	simm.s32 $0x3;
	s24 =	simm.s32 $0x4  }
0x7: {  	s25 =	simm.s32 $0x0;
	s6 =	sand.u32 $0x1, s0;
	s0 =	rddreg [dreg:$0x3]  }
0x8: {  	s4 =	sshll.u32 s17, $0x1;
	[smem:$0x7FF] =	sst s2;
	s12 =	sadd.s32 $0x1458800, s3  }
0x9: {  	s29 =	ssub.s32 $0x5D, s17;
	s11 =	sshll.u32 s17, $0xE;
	s15 =	smul.u32 $0xA0, s17  }
0xa: {  	p0 =	sne.s32 s17, $0x0;
	s17 =	simm.s32 $0x138C0;
	s13 =	smul.u32 $0x138800, s6  }
0xb: {  	s4 =	sor.u32 s6, s4;
	s7 =	ssub.s32 $0x2, s6;
	s16 =	smul.u32 $0x50, s6  }
0xc: {  	_ =	strace $0x8000004D;
	s5 =	smul.u32 $0x500, s4;
	s8 =	sshrl.u32 s7, $0x1  }
0xd: {  	s28 =	smul.u32 $0x28000, s4;
	s4 =	sadd.s32 s11, s1;
	s10 =	ssub.s32 s7, s8  }
0xe: {  	s30 =	sshrl.u32 s13, $0x3;
	s15 =	sadd.s32 s16, s15;
	s13 =	sadd.s32 s11, s13  }
0xf: {  	s16 =	simm.s32 $0x5;
	s9 =	sadd.s32 s5, s3;
	s3 =	sshrl.u32 s29, $0x4  }
0x10: {  	s5 =	sadd.s32 $0x138000, s1;
	s7 =	sadd.s32 s12, s28;
	s8 =	sadd.s32 s14, s30  }
0x11: {  	s15 =	sshll.u32 s15, $0xB;
	s31 =	sshrl.u32 s13, $0x3;
	s6 =	sadd.s32 $0x1E600, s9  }
0x12: {  	s8 =	sadd.s32 $0x27000, s8;
	s9 =	smax.u32 s10, $0x1;
	s10 =	sadd.s32 $0x800, s7  }
0x13: {  	s11 =	sadd.s32 $0x1000, s7;
	s15 =	sadd.s32 s15, s12;
	s14 =	sadd.s32 s31, s14  }
0x14: {  	v0 =	vimm.f32 $0.0e+00;
	s12 =	sadd.s32 $0x2000, s15;
	s13 =	sadd.s32 $0x1800, s15;
	s15 =	simm.s32 $0x160C0  }
.LBB2_1:
0x15: {  	s26 =	simm.s32 $0x0;
	s28 =	simm.s32 $0x200  }
.LBB2_2:
0x16: {  	p1 =	sne.s32 s28, $0xFE00;
	[tilespmem:s26+$0x16130] =	vst v0  }
0x17: {  	[tilespmem:s26+$0x160C0] =	vst v0  }
0x18: {  	[tilespmem:s26+$0x160D0] =	vst v0  }
.Ltmp0:
0x19: {  	[tilespmem:s26+$0x160E0] =	vst v0;
	(pc) =	sbr.rel @p1 .LBB2_2-.Ltmp0, $4  }
0x1a: {  	[tilespmem:s26+$0x160F0] =	vst v0  }
0x1b: {  	[tilespmem:s26+$0x16100] =	vst v0  }
0x1c: {  	[tilespmem:s26+$0x16110] =	vst v0  }
0x1d: {  	[tilespmem:s26+$0x16120] =	vst v0;
	s26 =	sshra.s32 s28, $0x2;
	s28 =	sadd.s32 $0x200, s28  }
0x1e: {  	[tilespmem:s26+$0x16130] =	vst v0  }
0x1f: {  	[tilespmem:s26+$0x160C0] =	vst v0  }
0x20: {  	[tilespmem:s26+$0x160D0] =	vst v0  }
0x21: {  	[tilespmem:s26+$0x160E0] =	vst v0  }
0x22: {  	[tilespmem:s26+$0x160F0] =	vst v0  }
0x23: {  	[tilespmem:s26+$0x16100] =	vst v0;
	p1 =	sne.s32 s3, $0x1  }
.Ltmp1:
0x24: {  	[tilespmem:s26+$0x16110] =	vst v0;
	(pc) =	sbr.rel @!p1 .LBB2_5-.Ltmp1, $4  }
0x25: {  	[tilespmem:s26+$0x16120] =	vst v0  }
0x26: {  	[spmem:s4] =	stream.linear.scatter [tilespmem:s15], [sflag:$0x5], $0x4000, $0x38;
	[tilespmem:$0x1E0C0] =	vst v63  }
0x27: {  	_ =	swait.ge [sflag:s16], $0x4000  }
0x28: {  	s26 =	sadd.s32 $0xFFFFFFFF, s3;
	s28 =	smov.u32 s4;
	[sflag:s16] =	ssyncset.done $0x0  }
.LBB2_4:
0x29: {  	p2 =	sne.s32 s26, $0x1;
	[sflag:s16] =	ssyncadd.s32 $0xFFFFC000;
	s28 =	sadd.s32 $0x40000, s28  }
.Ltmp2:
0x2a: {  	s26 =	sadd.s32 $0xFFFFFFFF, s26;
	(pc) =	sbr.rel @p2 .LBB2_4-.Ltmp2, $4  }
0x2b: {  	_ = 	snop  }
0x2c: {  	[spmem:s28] =	stream.linear.scatter [tilespmem:s15], [sflag:$0x5], $0x4000, $0x38;
	[tilespmem:$0x1E0C0] =	vst v63  }
0x2d: {  	_ =	swait.ge [sflag:s16], $0x4000  }
0x2e: {  	[sflag:s16] =	ssyncset.done $0x0  }
.LBB2_5:
0x2f: {  	[sflag:s16] =	ssyncadd.s32 $0xFFFFC000;
	s26 =	simm.s32 @!p0 $0x160C0  }
0x30: {  	[spmem:s5] =	stream.linear.scatter @!p0 [tilespmem:s26], [sflag:$0x5], $0xC00, $0x38;
	[tilespmem:$0x1E0C0] =	vst v63  }
0x31: {  	s26 =	simm.s32 @!p0 $0x5  }
0x32: {  	_ =	swait.ge @!p0 [sflag:s26], $0xC00  }
0x33: {  	[sflag:s26] =	ssyncset.done @!p0 $0x0  }
0x34: {  	[sflag:s26] =	ssyncadd.s32 @!p0 $0xFFFFF400;
	s26 =	simm.s32 $0x0  }
0x35: {  	[tilespmem:s17], [sflag:$0x5] =	stream.linear.gather [hbm4b:s6+s26], $0x2800, $0x38;
	[tilespmem:$0x1E0C0] =	vst v63  }
0x36: {  	_ =	swait.ge [sflag:s16], $0x2800  }
0x37: {  	[sflag:s16] =	ssyncset.done $0x0  }
0x38: {  	[sflag:s16] =	ssyncadd.s32 $0xFFFFD800  }
0x39: {  	[bflag:$0x0] =	sbarrier.arrive $0xFFFF  }
0x3a: {  	[tilespmem:s15], [sflag:$0x1] =	stream.linear.gather [hbm4b:s7+s26], $0x4000, $0x38;
	[tilespmem:$0x1E0C0] =	vst v63  }
0x3b: {  	_ = 	snop  }
0x3c: {  	[tilespmem:s18], [sflag:$0x2] =	stream.linear.gather [hbm4b:s10+s26], $0x4000, $0x38;
	[tilespmem:$0x1E0C0] =	vst v63  }
0x3d: {  	_ =	swait.ge [sflag:s19], $0x4000  }
0x3e: {  	[sflag:s19] =	ssyncset.done $0x0  }
0x3f: {  	[sflag:s19] =	ssyncadd.s32 $0xFFFFC000  }
0x40: {  	[spmem:s1] =	stream.indirect.scatter.add.f32 [tilespmem:s15], [sflag:$0x3], $0x80, s17, s20, $0xb8;
	[tilespmem:$0x1E0C0] =	vst v63  }
0x41: {  	_ =	swait.ge [sflag:s21], $0x4000  }
0x42: {  	[sflag:s21] =	ssyncset.done $0x0  }
0x43: {  	[sflag:s21] =	ssyncadd.s32 $0xFFFFC000  }
0x44: {  	[spmem:s1] =	stream.indirect.scatter.add.f32 [tilespmem:s18], [sflag:$0x4], $0x80, s22, s20, $0xb8;
	[tilespmem:$0x1E0C0] =	vst v63  }
0x45: {  	_ =	swait.ge [sflag:s23], $0x4000  }
0x46: {  	[sflag:s23] =	ssyncset.done $0x0  }
0x47: {  	s28 =	simm.s32 $0x139C0;
	[sflag:s23] =	ssyncadd.s32 $0xFFFFC000  }
0x48: {  	[tilespmem:s15], [sflag:$0x1] =	stream.linear.gather [hbm4b:s11+s26], $0x4000, $0x38;
	[tilespmem:$0x1E0C0] =	vst v63  }
.LBB2_6:
0x49: {  	_ =	swait.ge [sflag:s24], $0x4000  }
0x4a: {  	[sflag:s24] =	ssyncset.done $0x0  }
0x4b: {  	s29 =	sadd.s32 s26, s13;
	[sflag:s24] =	ssyncadd.s32 $0xFFFFC000  }
0x4c: {  	[tilespmem:s18], [sflag:$0x2] =	stream.linear.gather [hbm4b:s29+s2], $0x4000, $0x38;
	[tilespmem:$0x1E0C0] =	vst v63  }
0x4d: {  	_ =	swait.ge [sflag:s19], $0x4000  }
0x4e: {  	[sflag:s19] =	ssyncset.done $0x0  }
0x4f: {  	[sflag:s19] =	ssyncadd.s32 $0xFFFFC000  }
0x50: {  	[spmem:s1] =	stream.indirect.scatter.add.f32 [tilespmem:s15], [sflag:$0x3], $0x80, s28, s20, $0xb8;
	[tilespmem:$0x1E0C0] =	vst v63  }
0x51: {  	_ =	swait.ge [sflag:s21], $0x4000  }
0x52: {  	p2 =	seq.s32 s26, $0x26000;
	[sflag:s21] =	ssyncset.done $0x0  }
.Ltmp3:
0x53: {  	s31 =	sadd.s32 $0x80, s28;
	[sflag:s21] =	ssyncadd.s32 $0xFFFFC000;
	(pc) =	sbr.rel @p2 .LBB2_8-.Ltmp3, $4  }
0x54: {  	[spmem:s1] =	stream.indirect.scatter.add.f32 [tilespmem:s18], [sflag:$0x4], $0x80, s31, s20, $0xb8;
	[tilespmem:$0x1E0C0] =	vst v63  }
0x55: {  	_ =	swait.ge [sflag:s23], $0x4000  }
0x56: {  	[sflag:s23] =	ssyncset.done $0x0  }
0x57: {  	[sflag:s23] =	ssyncadd.s32 $0xFFFFC000  }
.Ltmp4:
0x58: {  	(pc) =	sbr.rel .LBB2_6-.Ltmp4, $3  }
0x59: {  	_ =	sdelay $0x1  }
0x5a: {  	s29 =	sadd.s32 s26, s12;
	s26 =	sadd.s32 $0x1000, s26;
	s28 =	sadd.s32 $0x100, s28  }
0x5b: {  	[tilespmem:s15], [sflag:$0x1] =	stream.linear.gather [hbm4b:s29+s2], $0x4000, $0x38;
	[tilespmem:$0x1E0C0] =	vst v63  }
.LBB2_8:
0x5c: {  	_ =	swait.ge [sflag:s24], $0x4000  }
0x5d: {  	[sflag:s24] =	ssyncset.done $0x0  }
0x5e: {  	[sflag:s24] =	ssyncadd.s32 $0xFFFFC000  }
0x5f: {  	[bflag:$0x0] =	sbarrier.arrive $0xFFFF  }
0x60: {  	[tilespmem:s15], [sflag:$0x5] =	stream.linear.gather [spmem:s4], $0x4000, $0x38;
	[tilespmem:$0x1E0C0] =	vst v63  }
0x61: {  	_ =	swait.ge [sflag:s16], $0x4000  }
.Ltmp5:
0x62: {  	[sflag:s16] =	ssyncset.done $0x0;
	(pc) =	sbr.rel @!p1 .LBB2_10-.Ltmp5, $4  }
0x63: {  	[sflag:s16] =	ssyncadd.s32 $0xFFFFC000  }
0x64: {  	[hbm4b:s14+s2] =	stream.linear.scatter [tilespmem:s15], [sflag:$0x5], $0x4000, $0x38;
	[tilespmem:$0x1E0C0] =	vst v63  }
0x65: {  	s26 =	sadd.s32 $0xFFFFFFFF, s3;
	_ =	swait.ge [sflag:s16], $0x4000  }
0x66: {  	s28 =	smov.u32 s14;
	s29 =	smov.u32 s4;
	[sflag:s16] =	ssyncset.done $0x0  }
.LBB2_9:
0x67: {  	[sflag:s16] =	ssyncadd.s32 $0xFFFFC000;
	s28 =	sadd.s32 $0x8000, s28;
	s29 =	sadd.s32 $0x40000, s29  }
0x68: {  	[tilespmem:s15], [sflag:$0x5] =	stream.linear.gather [spmem:s29], $0x4000, $0x38;
	[tilespmem:$0x1E0C0] =	vst v63  }
0x69: {  	p1 =	sne.s32 s26, $0x1;
	s26 =	sadd.s32 $0xFFFFFFFF, s26;
	_ =	swait.ge [sflag:s16], $0x4000  }
.Ltmp6:
0x6a: {  	[sflag:s16] =	ssyncset.done $0x0;
	(pc) =	sbr.rel @p1 .LBB2_9-.Ltmp6, $4  }
0x6b: {  	[sflag:s16] =	ssyncadd.s32 $0xFFFFC000  }
0x6c: {  	[hbm4b:s28+s2] =	stream.linear.scatter [tilespmem:s15], [sflag:$0x5], $0x4000, $0x38;
	[tilespmem:$0x1E0C0] =	vst v63  }
0x6d: {  	_ =	swait.ge [sflag:s16], $0x4000  }
0x6e: {  	[sflag:s16] =	ssyncset.done $0x0  }
.LBB2_10:
0x6f: {  	[sflag:s16] =	ssyncadd.s32 $0xFFFFC000;
	s26 =	simm.s32 @!p0 $0x160C0;
	s28 =	simm.s32 @!p0 $0x5  }
0x70: {  	[tilespmem:s26], [sflag:$0x5] =	stream.linear.gather @!p0 [spmem:s5], $0x800, $0x38;
	[tilespmem:$0x1E0C0] =	vst v63  }
0x71: {  	s25 =	sadd.s32 $0x1, s25;
	_ =	swait.ge @!p0 [sflag:s28], $0x800  }
0x72: {  	p1 =	sne.s32 s25, s9;
	[sflag:s28] =	ssyncset.done @!p0 $0x0  }
.Ltmp7:
0x73: {  	s29 =	simm.s32 @!p0 $0x0;
	[sflag:s28] =	ssyncadd.s32 @!p0 $0xFFFFF800;
	(pc) =	sbr.rel @p1 .LBB2_1-.Ltmp7, $4  }
0x74: {  	[hbm4b:s8+s29] =	stream.linear.scatter @!p0 [tilespmem:s26], [sflag:$0x5], $0x800, $0x38;
	[tilespmem:$0x1E0C0] =	vst v63  }
0x75: {  	_ =	swait.ge @!p0 [sflag:s28], $0x800  }
0x76: {  	[sflag:s28] =	ssyncset.done @!p0 $0x0  }
0x77: {  	[sflag:s28] =	ssyncadd.s32 @!p0 $0xFFFFF800  }
0x78: {  	_ =	sfence.sel $0x180000  }
0x79: {  	[bflag:$0x0] =	sbarrier.arrive $0xFFFF  }
0x7a: {  	_ =	strace $0x9000004D  }
0x7b: {  	s0 =	sadd.s32 @!p0 $0x100000, s0;
	[bflag:$0x2] =	sbarrier.arrive $0xFFFF  }
0x7c: {  	[sflag:s0] =	ssyncadd.tile.s32 @!p0 $0x1;
	_ =	shalt  }
.Lfunc_end2:
_tile_overlayer_lowered:
.L_overlay_start_2:
0x7d: {  	(tag) =	ssettag $0x2  }
0x7e: {  	s0 =	rddreg [dreg:$0x0];
	s2 =	stileid.u32  }
0x7f: {  	s1 =	rddreg [dreg:$0x1];
	p0 =	sne.s32 s2, $0x0  }
0x80: {  	s3 =	rddreg [dreg:$0x2];
	[bflag:$0x3] =	sbarrier.arrive $0xFFFF;
	s2 =	simm.s32 @!p0 $0x1C05  }
0x81: {  	[timem:s3], [sflag:s2] =	dma.local @!p0 [hbm:s0], s1  }
0x82: {  	s0 =	simm.s32 @!p0 $0x5  }
0x83: {  	_ =	swait.ge @!p0 [sflag:s0], s1  }
0x84: {  	s1 =	ssub.s32 @!p0 $0x0, s1;
	[sflag:s0] =	ssyncset.done @!p0 $0x0  }
0x85: {  	[sflag:s0] =	ssyncadd.s32 @!p0 s1  }
0x86: {  	[bflag:$0x3] =	sbarrier.arrive $0xFFFF  }
0x87: {  	_ =	shalt  }

// kernel: kernel.22.cloned.1.call-start
scs
__scs_entry_jumppad:
0x0: {  	(pc) =	sbr.rel $0x88, $3  }
0x1: {  	(tag) =	ssettag $0x0;
	lr =	simm.s32 $0x1  }
0x2: {  	[smem:$0x3F76] =	sst lr;
	_ =	strace $0xD0000000  }
0x3: {  	_ = 	snop  }
0x4: {  	_ = 	snop  }
0x5: {  	_ = 	snop  }
0x6: {  	_ = 	snop  }
0x7: {  	_ = 	snop  }
__scs_overlays_trampoline_lowered:
0x8: {  	[smem:$0x3F85] =	sst s0  }
0x9: {  	[smem:$0x3F86] =	sst s1  }
0xa: {  	[smem:$0x3F87] =	sst s2  }
0xb: {  	[smem:$0x3F88] =	sst s3  }
0xc: {  	[smem:$0x3F89] =	sst s4  }
0xd: {  	[smem:$0x3F8A] =	sst s5  }
0xe: {  	[smem:$0x3F8B] =	sst s6  }
0xf: {  	[smem:$0x3F8C] =	sst s7  }
0x10: {  	[smem:$0x3F8D] =	sst s8  }
0x11: {  	[smem:$0x3F8E] =	sst s9;
	s0 =	simm.s32 @!p0 $0x0  }
0x12: {  	s1 =	sld [smem:$0x3F74];
	s0 =	simm.s32 @p0 $0x1  }
0x13: {  	[smem:$0x3F8F] =	sst s0;
	s0 =	simm.s32 @!p1 $0x0  }
0x14: {  	s2 =	sld [smem:$0x3F73];
	s0 =	simm.s32 @p1 $0x1  }
0x15: {  	[smem:$0x3F90] =	sst s0;
	s0 =	simm.s32 @!p2 $0x0  }
0x16: {  	s3 =	sld [smem:$0x3FDB];
	s0 =	simm.s32 @p2 $0x1  }
0x17: {  	s4 =	simm.s32 $0x1BF5;
	[smem:$0x3F92] =	sst s0  }
0x18: {  	s0 =	sld [smem:$0x3F75];
	_ =	swait.ge [sflag:s4], $0x0  }
0x19: {  	s7 =	sld [smem:$0x3F76]  }
0x1a: {  	s8 =	sadd.s32 $0xFFFFE003, lr  }
0x1b: {  	s9 =	sadd.s32 $0xFFFFFEF7, lr;
	s5 =	simm.s32 $0xFFFFFFFF;
	p2 =	slt.u32 s8, $0xFFFFF086  }
0x1c: {  	p1 =	slt.u32 s9, $0xF7A;
	s5 =	simm.s32 @!p2 $0x0  }
0x1d: {  	s5 =	simm.s32 @p1 $0x1;
	p0 =	seq.s32 s7, s2  }
0x1e: {  	s7 =	smul.u32 @!p0 $0xF7A, s2;
	p2 =	seq.s32 @!p0 s5, $0x0  }
0x1f: {  	s9 =	smul.u32 $0xF7A, s1;
	s8 =	simm.s32 @!p0 $0x1BF5;
	p2 =	por !p2, p0  }
0x20: {  	[sflag:s8] =	ssyncset.s32 @!p0 $0xFFFFF086;
	s6 =	sadd.s32 @!p0 s3, s7;
	s7 =	simm.s32 @!p0 $0x108  }
0x21: {  	s3 =	sadd.s32 s3, s9;
	s6 =	sadd.s32 @!p0 $0x88, s6;
	s7 =	simm.s32 @p2 $0x1082  }
0x22: {  	[simem:s7], [sflag:s8] =	dma.local @!p0 [hbm:s6], $0xF7A  }
0x23: {  	s9 =	sor.u32 $0xD0000000, s2;
	s6 =	simm.s32 $0x108;
	_ =	swait.ge @!p0 [sflag:s8], $0x0  }
0x24: {  	s3 =	sadd.s32 $0x88, s3;
	s6 =	simm.s32 @!p1 $0x1082;
	[sflag:s4] =	ssyncset.s32 $0xFFFFF086  }
0x25: {  	[simem:s6], [sflag:s4] =	dma.local [hbm:s3], $0xF7A  }
0x26: {  	[smem:$0x3F76] =	sst s1;
	(tag) =	ssettag s2;
	_ =	strace s9  }
0x27: {  	s1 =	sld [smem:$0x3F86]  }
0x28: {  	s2 =	sld [smem:$0x3F87]  }
0x29: {  	s4 =	sld [smem:$0x3F89]  }
0x2a: {  	p0 =	seq.s32 s5, $0x0;
	s5 =	sld [smem:$0x3F8A]  }
0x2b: {  	s6 =	sld [smem:$0x3F8B]  }
0x2c: {  	s7 =	sld [smem:$0x3F8C]  }
0x2d: {  	s3 =	simm.s32 $0x108;
	s8 =	sld [smem:$0x3F8D]  }
0x2e: {  	s3 =	simm.s32 @!p0 $0x1082;
	s9 =	sld [smem:$0x3F8E]  }
0x2f: {  	lr =	sadd.s32 s0, s3;
	s0 =	sld [smem:$0x3F85]  }
0x30: {  	s3 =	sld [smem:$0x3F88]  }
0x31: {  	[smem:$0x3F91] =	sst s10  }
0x32: {  	s10 =	sld [smem:$0x3F8F];
	_ =	sdelay $0x3  }
0x33: {  	p0 =	seq.s32 s10, $0x1;
	s10 =	sld [smem:$0x3F91];
	_ =	sdelay $0x3  }
0x34: {  	[smem:$0x3F91] =	sst s10  }
0x35: {  	s10 =	sld [smem:$0x3F90];
	_ =	sdelay $0x3  }
0x36: {  	p1 =	seq.s32 s10, $0x1;
	s10 =	sld [smem:$0x3F91];
	_ =	sdelay $0x3  }
0x37: {  	[smem:$0x3F91] =	sst s10  }
0x38: {  	s10 =	sld [smem:$0x3F92]  }
0x39: {  	_ = 	snop;
	(pc) =	sbr.ind lr, $3  }
0x3a: {  	_ = 	snop  }
0x3b: {  	_ = 	snop  }
0x3c: {  	p2 =	seq.s32 s10, $0x1;
	s10 =	sld [smem:$0x3F91]  }
0x3d: {  	_ =	shalt  }
0x3e: {  	_ =	shalt  }
0x3f: {  	_ =	shalt  }
0x40: {  	_ =	shalt  }
0x41: {  	_ =	shalt  }
0x42: {  	_ =	shalt  }
0x43: {  	_ =	shalt  }
0x44: {  	_ =	shalt  }
0x45: {  	_ =	shalt  }
0x46: {  	_ =	shalt  }
0x47: {  	_ =	shalt  }
0x48: {  	_ =	shalt  }
0x49: {  	_ =	shalt  }
0x4a: {  	_ =	shalt  }
0x4b: {  	_ =	shalt  }
0x4c: {  	_ =	shalt  }
0x4d: {  	_ =	shalt  }
0x4e: {  	_ =	shalt  }
0x4f: {  	_ =	shalt  }
0x50: {  	_ =	shalt  }
0x51: {  	_ =	shalt  }
0x52: {  	_ =	shalt  }
0x53: {  	_ =	shalt  }
0x54: {  	_ =	shalt  }
0x55: {  	_ =	shalt  }
0x56: {  	_ =	shalt  }
0x57: {  	_ =	shalt  }
0x58: {  	_ =	shalt  }
0x59: {  	_ =	shalt  }
0x5a: {  	_ =	shalt  }
0x5b: {  	_ =	shalt  }
0x5c: {  	_ =	shalt  }
0x5d: {  	_ =	shalt  }
0x5e: {  	_ =	shalt  }
0x5f: {  	_ =	shalt  }
0x60: {  	_ =	shalt  }
0x61: {  	_ =	shalt  }
0x62: {  	_ =	shalt  }
0x63: {  	_ =	shalt  }
0x64: {  	_ =	shalt  }
0x65: {  	_ =	shalt  }
0x66: {  	_ =	shalt  }
0x67: {  	_ =	shalt  }
0x68: {  	_ =	shalt  }
0x69: {  	_ =	shalt  }
0x6a: {  	_ =	shalt  }
0x6b: {  	_ =	shalt  }
0x6c: {  	_ =	shalt  }
0x6d: {  	_ =	shalt  }
0x6e: {  	_ =	shalt  }
0x6f: {  	_ =	shalt  }
0x70: {  	_ =	shalt  }
0x71: {  	_ =	shalt  }
0x72: {  	_ =	shalt  }
0x73: {  	_ =	shalt  }
0x74: {  	_ =	shalt  }
0x75: {  	_ =	shalt  }
0x76: {  	_ =	shalt  }
0x77: {  	_ =	shalt  }
0x78: {  	_ =	shalt  }
0x79: {  	_ =	shalt  }
0x7a: {  	_ =	shalt  }
0x7b: {  	_ =	shalt  }
0x7c: {  	_ =	shalt  }
0x7d: {  	_ =	shalt  }
0x7e: {  	_ =	shalt  }
0x7f: {  	_ =	shalt  }
0x80: {  	_ =	shalt  }
0x81: {  	_ =	shalt  }
0x82: {  	_ =	shalt  }
0x83: {  	_ =	shalt  }
0x84: {  	_ =	shalt  }
0x85: {  	_ =	shalt  }
0x86: {  	_ =	shalt  }
0x87: {  	_ =	shalt  }
.Lfunc_end0:
.L_simem_size_0:
called_computation.3_lowered:
.L_overlay_start_0:
0x88: {  	s2 =	sld [smem:$0x3FD9]  }
0x89: {  	s3 =	sld [smem:$0x3FFE];
	_ =	sdelay $0x1  }
0x8a: {  	s1 =	srdreg.scid  }
0x8b: {  	s0 =	sand.u32 $0x1, s1  }
0x8c: {  	s14 =	sshll.u32 s0, $0xA;
	s2 =	sadd.s32 s3, s2  }
0x8d: {  	s2 =	sadd.s32 s2, s14  }
0x8e: {  	[smem:$0x3F9D] =	sst s2  }
0x8f: {  	_ = 	snop  }
0x90: {  	s2 =	sld [smem:$0x3FD0];
	_ =	sdelay $0x2  }
0x91: {  	s15 =	simm.s32 $0xB;
	s4 =	simm.s32 $0x10  }
0x92: {  	[smem:s4], [sflag:s15] =	dma.local [hbm:s2], $0x1  }
0x93: {  	_ =	swait.eq [sflag:s15], $0x1  }
0x94: {  	[sflag:s15] =	ssyncset.done $0x0  }
0x95: {  	[sflag:s15] =	ssyncadd.s32 $0xFFFFFFFF  }
0x96: {  	s16 =	sld [smem:$0x11];
	(tm) =	ssettm $0x1  }
0x97: {  	s17 =	sld [smem:$0x3FFB];
	_ =	sdelay $0x3  }
0x98: {  	_ =	strace s17  }
0x99: {  	s3 =	sld [smem:$0x3FFC];
	_ =	sdelay $0x3  }
0x9a: {  	_ =	strace s3  }
0x9b: {  	s3 =	sld [smem:$0x3FFD];
	_ =	sdelay $0x3  }
0x9c: {  	_ =	strace s3  }
0x9d: {  	_ =	strace $0x8FFFFFFF  }
0x9e: {  	s18 =	sld [smem:$0x3FDB];
	_ =	sdelay $0x1  }
0x9f: {  	s19 =	simm.s32 $_scs_section_size  }
0xa0: {  	s5 =	simm.s32 $_size__tile_overlayer_lowered;
	s6 =	simm.s32 $_tile_overlayer_lowered  }
0xa1: {  	s22 =	simm.s32 $0x1BFF;
	s21 =	sshll.u32 s6, $0x1;
	s3 =	sadd.s32 s19, s18  }
0xa2: {  	s7 =	simm.s32 $0x0;
	s20 =	sshll.u32 s5, $0x1;
	s5 =	sadd.s32 s21, s3  }
0xa3: {  	[timem:s7], [sflag:s22] =	dma.local [hbm:s5], s20  }
0xa4: {  	_ =	swait.ge [sflag:s22], s20  }
0xa5: {  	s4 =	ssub.s32 $0x0, s20;
	[sflag:s22] =	ssyncset.done $0x0  }
0xa6: {  	[sflag:s22] =	ssyncadd.s32 s4;
	_ =	sdelay $0x1  }
0xa7: {  	s23 =	simm.s32 $0x1B8B  }
0xa8: {  	_ =	swait.ge [sflag:s23], $0x1  }
0xa9: {  	[sflag:s23] =	ssyncset.done $0x0  }
0xaa: {  	s25 =	simm.s32 $0x1B8E;
	s24 =	sld [smem:$0x3FFE];
	[sflag:s23] =	ssyncadd.s32 $0xFFFFFFFF  }
0xab: {  	s26 =	simm.s32 $execute0_lowered;
	[smem:$0x3FD2] =	sst s25  }
0xac: {  	s5 =	sshll.u32 s26, $0x1;
	_ =	strace $0x8000004F;
	[dreg:$0x1] =	wrdreg $0xFFFFFFFF  }
0xad: {  	s28 =	simm.s32 $_size_execute0_lowered;
	s3 =	sadd.s32 s3, s5;
	[dreg:$0x0] =	wrdreg $0x0  }
0xae: {  	s5 =	sshll.u32 s28, $0x1;
	[dreg:$0x2] =	wrdreg s3  }
0xaf: {  	[dreg:$0x3] =	wrdreg s5  }
0xb0: {  	[dreg:$0x4] =	wrdreg $0xC0  }
0xb1: {  	_ =	task [dreg:s7], $0x5FFFF  }
0xb2: {  	[dreg:$0x1] =	wrdreg $0xFFFFFFFF  }
0xb3: {  	[dreg:$0x0] =	wrdreg $0x60  }
0xb4: {  	[dreg:$0x2] =	wrdreg s16  }
0xb5: {  	[dreg:$0x3] =	wrdreg s24  }
0xb6: {  	[dreg:$0x4] =	wrdreg $0x9  }
0xb7: {  	_ =	task.clear_ibuf [dreg:s7], $0x5FFFF;
	_ =	strace $0x9000004F  }
0xb8: {  	s29 =	simm.s32 $0x9;
	_ =	strace $0x80000051  }
0xb9: {  	_ =	swait.ge [sflag:s29], $0x1  }
0xba: {  	[sflag:s29] =	ssyncadd.s32 $0xFFFFFFFF  }
0xbb: {  	_ =	strace $0x90000051  }
0xbc: {  	_ =	sfence  }
0xbd: {  	s30 =	sld [smem:$0x0];
	_ =	sdelay $0x2  }
0xbe: {  	s31 =	sshll.u32 s1, $0xD;
	s1 =	sshrl.u32 s1, $0x2  }
0xbf: {  	s3 =	sand.u32 $0x4000, s31;
	s1 =	sadd.s32 s1, s30  }
0xc0: {  	s0 =	sor.u32 s3, s0;
	s1 =	sshll.u32 s1, $0x11  }
0xc1: {  	s0 =	sor.u32 s1, s0  }
0xc2: {  	s0 =	sadd.s32 $0x8F2B, s0  }
0xc3: {  	[sflag:s0] =	ssyncadd.remote.s32 $0x1  }
0xc4: {  	_ =	sfence.sel $0xFFFF  }
0xc5: {  	[dreg:$0x0] =	wrdreg $0xFFFFFFFF;
	(pc) =	sbr.abs _section_cstart, $3  }
0xc6: {  	[dreg:$0x1] =	wrdreg $0xFFFFFFFF  }
0xc7: {  	_ =	task.clear_ibuf [dreg:s7], $0x2FFFF;
	_ =	strace $0x9FFFFFFF  }
0xc8: {  	(tm) =	ssettm $0x7FFFFFFF  }
0xc9: {  	_ =	shalt  }
tec
execute0_lowered:
.L_overlay_start_1:
0x0: {  	(tag) =	ssettag $0x1  }
0x1: {  	s2 =	rddreg [dreg:$0x0];
	s0 =	srdreg.scid  }
0x2: {  	s10 =	stileid.u32;
	s1 =	rddreg [dreg:$0x1]  }
0x3: {  	s3 =	simm.s32 $0x0;
	s16 =	simm.s32 $0x5;
	s17 =	simm.s32 $0x2800  }
0x4: {  	s18 =	simm.s32 $0x80;
	s19 =	simm.s32 $0x5000;
	s20 =	simm.s32 $0x9000  }
0x5: {  	s21 =	simm.s32 $0xD000;
	s23 =	simm.s32 $0x11000;
	s24 =	simm.s32 $0x1  }
0x6: {  	s25 =	simm.s32 $0x2;
	s26 =	simm.s32 $0x3;
	s13 =	smul.u32 $0xA0, s10  }
0x7: {  	s30 =	simm.s32 $0x4;
	s0 =	sand.u32 $0x1, s0;
	s15 =	smul.u32 $0x50000, s10  }
0x8: {  	s4 =	sshll.u32 s10, $0x1;
	[smem:$0x7FF] =	sst s3;
	s14 =	smul.u32 $0x50, s0  }
0x9: {  	s5 =	sor.u32 s0, s4;
	s7 =	ssub.s32 $0x2, s0;
	s0 =	smul.u32 $0x28000, s0  }
0xa: {  	s31 =	simm.s32 $0x0;
	_ =	strace $0x80000050;
	s6 =	smul.u32 $0x500, s5  }
0xb: {  	s4 =	sadd.s32 $0x28600, s1;
	s12 =	smul.u32 $0x28000, s5;
	s9 =	sshrl.u32 s7, $0x1  }
0xc: {  	s5 =	sadd.s32 $0x4F800, s1;
	s28 =	ssub.s32 s7, s9;
	s13 =	sadd.s32 s14, s13  }
.Ltmp0:
0xd: {  	s15 =	sadd.s32 s0, s15;
	s8 =	sadd.s32 s6, s1;
	(pc) =	sbr.rel .LBB2_1-.Ltmp0, $4  }
0xe: {  	s6 =	sadd.s32 $0xA76800, s1;
	s9 =	smax.u32 s28, $0x1;
	s10 =	sadd.s32 s5, s12  }
0xf: {  	s29 =	sor.u32 $0x800, s12;
	s14 =	sshll.u32 s13, $0xB;
	s1 =	sor.u32 $0x1000, s15  }
0x10: {  	s7 =	sadd.s32 $0xA600, s8;
	s8 =	sadd.s32 $0x14600, s8;
	s11 =	sadd.s32 s6, s12  }
0x11: {  	s12 =	sadd.s32 s5, s29;
	s13 =	sadd.s32 s6, s29;
	s0 =	sor.u32 $0x1800, s14  }
.LBB2_4:
0x12: {  	s31 =	sadd.s32 $0x1, s31  }
0x13: {  	_ =	swait.ge [sflag:s30], $0x4000;
	p0 =	sne.s32 s31, s9  }
.Ltmp1:
0x14: {  	[sflag:s30] =	ssyncset.done $0x0;
	(pc) =	sbr.rel @!p0 .LBB2_5-.Ltmp1, $4  }
0x15: {  	[sflag:s30] =	ssyncadd.s32 $0xFFFFC000  }
0x16: {  	_ =	swait.ge [sflag:s30], $0x4000  }
0x17: {  	[sflag:s30] =	ssyncset.done $0x0  }
0x18: {  	[sflag:s30] =	ssyncadd.s32 $0xFFFFC000  }
.LBB2_1:
0x19: {  	[tilespmem:s3], [sflag:$0x5] =	stream.linear.gather [hbm4b:s7+s3], $0x2800, $0x38;
	[tilespmem:$0x15000] =	vst v63  }
0x1a: {  	_ =	swait.ge [sflag:s16], $0x2800  }
0x1b: {  	[sflag:s16] =	ssyncset.done $0x0  }
0x1c: {  	[sflag:s16] =	ssyncadd.s32 $0xFFFFD800  }
0x1d: {  	[tilespmem:s17], [sflag:$0x5] =	stream.linear.gather [hbm4b:s8+s3], $0x2800, $0x38;
	[tilespmem:$0x15000] =	vst v63  }
0x1e: {  	_ =	swait.ge [sflag:s16], $0x2800  }
0x1f: {  	[sflag:s16] =	ssyncset.done $0x0  }
0x20: {  	[sflag:s16] =	ssyncadd.s32 $0xFFFFD800  }
0x21: {  	[tilespmem:s19], [sflag:$0x1] =	stream.indirect.gather [hbm4b:s2+s18], $0x80, s3, s18, $0xb8;
	[tilespmem:$0x15000] =	vst v63  }
0x22: {  	_ = 	snop  }
0x23: {  	[tilespmem:s20], [sflag:$0x1] =	stream.indirect.gather [hbm4b:s4+s18], $0x80, s17, s18, $0xb8;
	[tilespmem:$0x15000] =	vst v63  }
0x24: {  	_ = 	snop  }
0x25: {  	[tilespmem:s21], [sflag:$0x2] =	stream.indirect.gather [hbm4b:s2+s18], $0x80, s18, s18, $0xb8;
	[tilespmem:$0x15000] =	vst v63  }
0x26: {  	s14 =	simm.s32 $0x2880  }
0x27: {  	[tilespmem:s23], [sflag:$0x2] =	stream.indirect.gather [hbm4b:s4+s18], $0x80, s14, s18, $0xb8;
	[tilespmem:$0x15000] =	vst v63  }
0x28: {  	_ =	swait.ge [sflag:s24], $0x4000  }
0x29: {  	[sflag:s24] =	ssyncset.done $0x0  }
0x2a: {  	[sflag:s24] =	ssyncadd.s32 $0xFFFFC000  }
0x2b: {  	_ =	swait.ge [sflag:s24], $0x4000  }
0x2c: {  	[sflag:s24] =	ssyncset.done $0x0  }
0x2d: {  	[sflag:s24] =	ssyncadd.s32 $0xFFFFC000  }
0x2e: {  	[hbm4b:s10+s3] =	stream.linear.scatter [tilespmem:s19], [sflag:$0x3], $0x4000, $0x38;
	[tilespmem:$0x15000] =	vst v63  }
0x2f: {  	_ = 	snop  }
0x30: {  	[hbm4b:s11+s3] =	stream.linear.scatter [tilespmem:s20], [sflag:$0x3], $0x4000, $0x38;
	[tilespmem:$0x15000] =	vst v63  }
0x31: {  	_ =	swait.ge [sflag:s25], $0x4000  }
0x32: {  	[sflag:s25] =	ssyncset.done $0x0  }
0x33: {  	[sflag:s25] =	ssyncadd.s32 $0xFFFFC000  }
0x34: {  	_ =	swait.ge [sflag:s25], $0x4000  }
0x35: {  	[sflag:s25] =	ssyncset.done $0x0  }
0x36: {  	[sflag:s25] =	ssyncadd.s32 $0xFFFFC000  }
0x37: {  	[hbm4b:s12+s3] =	stream.linear.scatter [tilespmem:s21], [sflag:$0x4], $0x4000, $0x38;
	[tilespmem:$0x15000] =	vst v63  }
0x38: {  	_ = 	snop  }
0x39: {  	[hbm4b:s13+s3] =	stream.linear.scatter [tilespmem:s23], [sflag:$0x4], $0x4000, $0x38;
	[tilespmem:$0x15000] =	vst v63  }
0x3a: {  	_ =	swait.ge [sflag:s26], $0x4000  }
0x3b: {  	[sflag:s26] =	ssyncset.done $0x0  }
0x3c: {  	[sflag:s26] =	ssyncadd.s32 $0xFFFFC000  }
0x3d: {  	_ =	swait.ge [sflag:s26], $0x4000  }
0x3e: {  	[sflag:s26] =	ssyncset.done $0x0  }
0x3f: {  	s28 =	simm.s32 $0x100;
	s29 =	simm.s32 $0x2900;
	[sflag:s26] =	ssyncadd.s32 $0xFFFFC000  }
0x40: {  	[tilespmem:s19], [sflag:$0x1] =	stream.indirect.gather [hbm4b:s2+s18], $0x80, s28, s18, $0xb8;
	[tilespmem:$0x15000] =	vst v63  }
0x41: {  	s15 =	smov.u32 s1;
	s22 =	simm.s32 $0x0;
	s14 =	smov.u32 s0  }
0x42: {  	[tilespmem:s20], [sflag:$0x1] =	stream.indirect.gather [hbm4b:s4+s18], $0x80, s29, s18, $0xb8;
	[tilespmem:$0x15000] =	vst v63  }
.LBB2_2:
0x43: {  	_ =	swait.ge [sflag:s30], $0x4000  }
0x44: {  	[sflag:s30] =	ssyncset.done $0x0  }
0x45: {  	[sflag:s30] =	ssyncadd.s32 $0xFFFFC000  }
0x46: {  	_ =	swait.ge [sflag:s30], $0x4000  }
0x47: {  	s28 =	sshra.s32 s22, $0x2;
	[sflag:s30] =	ssyncset.done $0x0  }
0x48: {  	s29 =	sadd.s32 $0x180, s28;
	[sflag:s30] =	ssyncadd.s32 $0xFFFFC000  }
0x49: {  	[tilespmem:s21], [sflag:$0x2] =	stream.indirect.gather [hbm4b:s2+s18], $0x80, s29, s18, $0xb8;
	[tilespmem:$0x15000] =	vst v63  }
0x4a: {  	s29 =	sadd.s32 $0x2980, s28  }
0x4b: {  	[tilespmem:s23], [sflag:$0x2] =	stream.indirect.gather [hbm4b:s4+s18], $0x80, s29, s18, $0xb8;
	[tilespmem:$0x15000] =	vst v63  }
0x4c: {  	_ =	swait.ge [sflag:s24], $0x4000  }
0x4d: {  	[sflag:s24] =	ssyncset.done $0x0  }
0x4e: {  	[sflag:s24] =	ssyncadd.s32 $0xFFFFC000  }
0x4f: {  	_ =	swait.ge [sflag:s24], $0x4000  }
0x50: {  	[sflag:s24] =	ssyncset.done $0x0  }
0x51: {  	s29 =	sadd.s32 s15, s5;
	[sflag:s24] =	ssyncadd.s32 $0xFFFFC000  }
0x52: {  	[hbm4b:s29+s3] =	stream.linear.scatter [tilespmem:s19], [sflag:$0x3], $0x4000, $0x38;
	[tilespmem:$0x15000] =	vst v63  }
0x53: {  	s29 =	sadd.s32 s15, s6  }
0x54: {  	[hbm4b:s29+s3] =	stream.linear.scatter [tilespmem:s20], [sflag:$0x3], $0x4000, $0x38;
	[tilespmem:$0x15000] =	vst v63  }
0x55: {  	_ =	swait.ge [sflag:s25], $0x4000  }
0x56: {  	[sflag:s25] =	ssyncset.done $0x0  }
0x57: {  	[sflag:s25] =	ssyncadd.s32 $0xFFFFC000  }
0x58: {  	_ =	swait.ge [sflag:s25], $0x4000  }
0x59: {  	[sflag:s25] =	ssyncset.done $0x0  }
0x5a: {  	s29 =	sadd.s32 s14, s5;
	[sflag:s25] =	ssyncadd.s32 $0xFFFFC000  }
0x5b: {  	[hbm4b:s29+s3] =	stream.linear.scatter [tilespmem:s21], [sflag:$0x4], $0x4000, $0x38;
	[tilespmem:$0x15000] =	vst v63  }
0x5c: {  	s29 =	sadd.s32 s14, s6  }
0x5d: {  	[hbm4b:s29+s3] =	stream.linear.scatter [tilespmem:s23], [sflag:$0x4], $0x4000, $0x38;
	[tilespmem:$0x15000] =	vst v63  }
0x5e: {  	p0 =	seq.s32 s22, $0x9800;
	_ =	swait.ge [sflag:s26], $0x4000  }
.Ltmp2:
0x5f: {  	[sflag:s26] =	ssyncset.done $0x0;
	(pc) =	sbr.rel @p0 .LBB2_4-.Ltmp2, $4  }
0x60: {  	[sflag:s26] =	ssyncadd.s32 $0xFFFFC000  }
0x61: {  	_ =	swait.ge [sflag:s26], $0x4000  }
0x62: {  	[sflag:s26] =	ssyncset.done $0x0  }
0x63: {  	[sflag:s26] =	ssyncadd.s32 $0xFFFFC000  }
.Ltmp3:
0x64: {  	(pc) =	sbr.rel .LBB2_2-.Ltmp3, $4  }
0x65: {  	s29 =	sadd.s32 $0x200, s28;
	s22 =	sadd.s32 $0x400, s22  }
0x66: {  	[tilespmem:s19], [sflag:$0x1] =	stream.indirect.gather [hbm4b:s2+s18], $0x80, s29, s18, $0xb8;
	[tilespmem:$0x15000] =	vst v63  }
0x67: {  	s14 =	sadd.s32 $0x1000, s14;
	s15 =	sadd.s32 $0x1000, s15;
	s29 =	sadd.s32 $0x2A00, s28  }
0x68: {  	[tilespmem:s20], [sflag:$0x1] =	stream.indirect.gather [hbm4b:s4+s18], $0x80, s29, s18, $0xb8;
	[tilespmem:$0x15000] =	vst v63  }
.LBB2_5:
0x69: {  	_ =	sfence.sel $0x180000  }
0x6a: {  	[bflag:$0x0] =	sbarrier.arrive $0xFFFF  }
0x6b: {  	_ =	strace $0x90000050  }
0x6c: {  	s0 =	stileid.u32;
	[bflag:$0x2] =	sbarrier.arrive $0xFFFF  }
0x6d: {  	p0 =	sne.s32 s0, $0x0;
	s0 =	rddreg [dreg:$0x2]  }
0x6e: {  	s0 =	sadd.s32 @!p0 $0x100000, s0  }
0x6f: {  	[sflag:s0] =	ssyncadd.tile.s32 @!p0 $0x1;
	_ =	shalt  }
.Lfunc_end2:
_tile_overlayer_lowered:
.L_overlay_start_2:
0x70: {  	(tag) =	ssettag $0x2  }
0x71: {  	s0 =	rddreg [dreg:$0x0];
	s2 =	stileid.u32  }
0x72: {  	s1 =	rddreg [dreg:$0x1];
	p0 =	sne.s32 s2, $0x0  }
0x73: {  	s3 =	rddreg [dreg:$0x2];
	[bflag:$0x3] =	sbarrier.arrive $0xFFFF;
	s2 =	simm.s32 @!p0 $0x1C05  }
0x74: {  	[timem:s3], [sflag:s2] =	dma.local @!p0 [hbm:s0], s1  }
0x75: {  	s0 =	simm.s32 @!p0 $0x5  }
0x76: {  	_ =	swait.ge @!p0 [sflag:s0], s1  }
0x77: {  	s1 =	ssub.s32 @!p0 $0x0, s1;
	[sflag:s0] =	ssyncset.done @!p0 $0x0  }
0x78: {  	[sflag:s0] =	ssyncadd.s32 @!p0 s1  }
0x79: {  	[bflag:$0x3] =	sbarrier.arrive $0xFFFF  }
0x7a: {  	_ =	shalt  }

// kernel: kernel.25.cloned.1.call-start
scs
__scs_entry_jumppad:
0x0: {  	(pc) =	sbr.rel $0x88, $3  }
0x1: {  	(tag) =	ssettag $0x0;
	lr =	simm.s32 $0x1  }
0x2: {  	[smem:$0x3F76] =	sst lr;
	_ =	strace $0xD0000000  }
0x3: {  	_ = 	snop  }
0x4: {  	_ = 	snop  }
0x5: {  	_ = 	snop  }
0x6: {  	_ = 	snop  }
0x7: {  	_ = 	snop  }
__scs_overlays_trampoline_lowered:
0x8: {  	[smem:$0x3F85] =	sst s0  }
0x9: {  	[smem:$0x3F86] =	sst s1  }
0xa: {  	[smem:$0x3F87] =	sst s2  }
0xb: {  	[smem:$0x3F88] =	sst s3  }
0xc: {  	[smem:$0x3F89] =	sst s4  }
0xd: {  	[smem:$0x3F8A] =	sst s5  }
0xe: {  	[smem:$0x3F8B] =	sst s6  }
0xf: {  	[smem:$0x3F8C] =	sst s7  }
0x10: {  	[smem:$0x3F8D] =	sst s8  }
0x11: {  	[smem:$0x3F8E] =	sst s9;
	s0 =	simm.s32 @!p0 $0x0  }
0x12: {  	s1 =	sld [smem:$0x3F74];
	s0 =	simm.s32 @p0 $0x1  }
0x13: {  	[smem:$0x3F8F] =	sst s0;
	s0 =	simm.s32 @!p1 $0x0  }
0x14: {  	s2 =	sld [smem:$0x3F73];
	s0 =	simm.s32 @p1 $0x1  }
0x15: {  	[smem:$0x3F90] =	sst s0;
	s0 =	simm.s32 @!p2 $0x0  }
0x16: {  	s3 =	sld [smem:$0x3FDB];
	s0 =	simm.s32 @p2 $0x1  }
0x17: {  	s4 =	simm.s32 $0x1BF5;
	[smem:$0x3F92] =	sst s0  }
0x18: {  	s0 =	sld [smem:$0x3F75];
	_ =	swait.ge [sflag:s4], $0x0  }
0x19: {  	s7 =	sld [smem:$0x3F76]  }
0x1a: {  	s8 =	sadd.s32 $0xFFFFE003, lr  }
0x1b: {  	s9 =	sadd.s32 $0xFFFFFEF7, lr;
	s5 =	simm.s32 $0xFFFFFFFF;
	p2 =	slt.u32 s8, $0xFFFFF086  }
0x1c: {  	p1 =	slt.u32 s9, $0xF7A;
	s5 =	simm.s32 @!p2 $0x0  }
0x1d: {  	s5 =	simm.s32 @p1 $0x1;
	p0 =	seq.s32 s7, s2  }
0x1e: {  	s7 =	smul.u32 @!p0 $0xF7A, s2;
	p2 =	seq.s32 @!p0 s5, $0x0  }
0x1f: {  	s9 =	smul.u32 $0xF7A, s1;
	s8 =	simm.s32 @!p0 $0x1BF5;
	p2 =	por !p2, p0  }
0x20: {  	[sflag:s8] =	ssyncset.s32 @!p0 $0xFFFFF086;
	s6 =	sadd.s32 @!p0 s3, s7;
	s7 =	simm.s32 @!p0 $0x108  }
0x21: {  	s3 =	sadd.s32 s3, s9;
	s6 =	sadd.s32 @!p0 $0x88, s6;
	s7 =	simm.s32 @p2 $0x1082  }
0x22: {  	[simem:s7], [sflag:s8] =	dma.local @!p0 [hbm:s6], $0xF7A  }
0x23: {  	s9 =	sor.u32 $0xD0000000, s2;
	s6 =	simm.s32 $0x108;
	_ =	swait.ge @!p0 [sflag:s8], $0x0  }
0x24: {  	s3 =	sadd.s32 $0x88, s3;
	s6 =	simm.s32 @!p1 $0x1082;
	[sflag:s4] =	ssyncset.s32 $0xFFFFF086  }
0x25: {  	[simem:s6], [sflag:s4] =	dma.local [hbm:s3], $0xF7A  }
0x26: {  	[smem:$0x3F76] =	sst s1;
	(tag) =	ssettag s2;
	_ =	strace s9  }
0x27: {  	s1 =	sld [smem:$0x3F86]  }
0x28: {  	s2 =	sld [smem:$0x3F87]  }
0x29: {  	s4 =	sld [smem:$0x3F89]  }
0x2a: {  	p0 =	seq.s32 s5, $0x0;
	s5 =	sld [smem:$0x3F8A]  }
0x2b: {  	s6 =	sld [smem:$0x3F8B]  }
0x2c: {  	s7 =	sld [smem:$0x3F8C]  }
0x2d: {  	s3 =	simm.s32 $0x108;
	s8 =	sld [smem:$0x3F8D]  }
0x2e: {  	s3 =	simm.s32 @!p0 $0x1082;
	s9 =	sld [smem:$0x3F8E]  }
0x2f: {  	lr =	sadd.s32 s0, s3;
	s0 =	sld [smem:$0x3F85]  }
0x30: {  	s3 =	sld [smem:$0x3F88]  }
0x31: {  	[smem:$0x3F91] =	sst s10  }
0x32: {  	s10 =	sld [smem:$0x3F8F];
	_ =	sdelay $0x3  }
0x33: {  	p0 =	seq.s32 s10, $0x1;
	s10 =	sld [smem:$0x3F91];
	_ =	sdelay $0x3  }
0x34: {  	[smem:$0x3F91] =	sst s10  }
0x35: {  	s10 =	sld [smem:$0x3F90];
	_ =	sdelay $0x3  }
0x36: {  	p1 =	seq.s32 s10, $0x1;
	s10 =	sld [smem:$0x3F91];
	_ =	sdelay $0x3  }
0x37: {  	[smem:$0x3F91] =	sst s10  }
0x38: {  	s10 =	sld [smem:$0x3F92]  }
0x39: {  	_ = 	snop;
	(pc) =	sbr.ind lr, $3  }
0x3a: {  	_ = 	snop  }
0x3b: {  	_ = 	snop  }
0x3c: {  	p2 =	seq.s32 s10, $0x1;
	s10 =	sld [smem:$0x3F91]  }
0x3d: {  	_ =	shalt  }
0x3e: {  	_ =	shalt  }
0x3f: {  	_ =	shalt  }
0x40: {  	_ =	shalt  }
0x41: {  	_ =	shalt  }
0x42: {  	_ =	shalt  }
0x43: {  	_ =	shalt  }
0x44: {  	_ =	shalt  }
0x45: {  	_ =	shalt  }
0x46: {  	_ =	shalt  }
0x47: {  	_ =	shalt  }
0x48: {  	_ =	shalt  }
0x49: {  	_ =	shalt  }
0x4a: {  	_ =	shalt  }
0x4b: {  	_ =	shalt  }
0x4c: {  	_ =	shalt  }
0x4d: {  	_ =	shalt  }
0x4e: {  	_ =	shalt  }
0x4f: {  	_ =	shalt  }
0x50: {  	_ =	shalt  }
0x51: {  	_ =	shalt  }
0x52: {  	_ =	shalt  }
0x53: {  	_ =	shalt  }
0x54: {  	_ =	shalt  }
0x55: {  	_ =	shalt  }
0x56: {  	_ =	shalt  }
0x57: {  	_ =	shalt  }
0x58: {  	_ =	shalt  }
0x59: {  	_ =	shalt  }
0x5a: {  	_ =	shalt  }
0x5b: {  	_ =	shalt  }
0x5c: {  	_ =	shalt  }
0x5d: {  	_ =	shalt  }
0x5e: {  	_ =	shalt  }
0x5f: {  	_ =	shalt  }
0x60: {  	_ =	shalt  }
0x61: {  	_ =	shalt  }
0x62: {  	_ =	shalt  }
0x63: {  	_ =	shalt  }
0x64: {  	_ =	shalt  }
0x65: {  	_ =	shalt  }
0x66: {  	_ =	shalt  }
0x67: {  	_ =	shalt  }
0x68: {  	_ =	shalt  }
0x69: {  	_ =	shalt  }
0x6a: {  	_ =	shalt  }
0x6b: {  	_ =	shalt  }
0x6c: {  	_ =	shalt  }
0x6d: {  	_ =	shalt  }
0x6e: {  	_ =	shalt  }
0x6f: {  	_ =	shalt  }
0x70: {  	_ =	shalt  }
0x71: {  	_ =	shalt  }
0x72: {  	_ =	shalt  }
0x73: {  	_ =	shalt  }
0x74: {  	_ =	shalt  }
0x75: {  	_ =	shalt  }
0x76: {  	_ =	shalt  }
0x77: {  	_ =	shalt  }
0x78: {  	_ =	shalt  }
0x79: {  	_ =	shalt  }
0x7a: {  	_ =	shalt  }
0x7b: {  	_ =	shalt  }
0x7c: {  	_ =	shalt  }
0x7d: {  	_ =	shalt  }
0x7e: {  	_ =	shalt  }
0x7f: {  	_ =	shalt  }
0x80: {  	_ =	shalt  }
0x81: {  	_ =	shalt  }
0x82: {  	_ =	shalt  }
0x83: {  	_ =	shalt  }
0x84: {  	_ =	shalt  }
0x85: {  	_ =	shalt  }
0x86: {  	_ =	shalt  }
0x87: {  	_ =	shalt  }
.Lfunc_end0:
.L_simem_size_0:
called_computation.4_lowered:
.L_overlay_start_0:
0x88: {  	s2 =	sld [smem:$0x3FD9]  }
0x89: {  	s3 =	sld [smem:$0x3FFE];
	_ =	sdelay $0x1  }
0x8a: {  	s1 =	srdreg.scid  }
0x8b: {  	s0 =	sand.u32 $0x1, s1  }
0x8c: {  	s16 =	sshll.u32 s0, $0xA;
	s2 =	sadd.s32 s3, s2  }
0x8d: {  	s2 =	sadd.s32 s2, s16  }
0x8e: {  	[smem:$0x3F9D] =	sst s2  }
0x8f: {  	_ = 	snop  }
0x90: {  	(tm) =	ssettm $0x1  }
0x91: {  	s17 =	sld [smem:$0x3FFB];
	_ =	sdelay $0x3  }
0x92: {  	_ =	strace s17  }
0x93: {  	s2 =	sld [smem:$0x3FFC];
	_ =	sdelay $0x3  }
0x94: {  	_ =	strace s2  }
0x95: {  	s2 =	sld [smem:$0x3FFD];
	_ =	sdelay $0x3  }
0x96: {  	_ =	strace s2  }
0x97: {  	_ =	strace $0x8FFFFFFF  }
0x98: {  	s18 =	sld [smem:$0x3FDB];
	_ =	sdelay $0x1  }
0x99: {  	s19 =	simm.s32 $_scs_section_size  }
0x9a: {  	s4 =	simm.s32 $_size__tile_overlayer_lowered;
	s5 =	simm.s32 $_tile_overlayer_lowered  }
0x9b: {  	s22 =	simm.s32 $0x1BFF;
	s21 =	sshll.u32 s5, $0x1;
	s2 =	sadd.s32 s19, s18  }
0x9c: {  	s6 =	simm.s32 $0x0;
	s20 =	sshll.u32 s4, $0x1;
	s4 =	sadd.s32 s21, s2  }
0x9d: {  	[timem:s6], [sflag:s22] =	dma.local [hbm:s4], s20  }
0x9e: {  	_ =	swait.ge [sflag:s22], s20  }
0x9f: {  	s3 =	ssub.s32 $0x0, s20;
	[sflag:s22] =	ssyncset.done $0x0  }
0xa0: {  	[sflag:s22] =	ssyncadd.s32 s3;
	_ =	sdelay $0x1  }
0xa1: {  	s23 =	simm.s32 $0x1B8B  }
0xa2: {  	_ =	swait.ge [sflag:s23], $0x1  }
0xa3: {  	[sflag:s23] =	ssyncset.done $0x0  }
0xa4: {  	s25 =	simm.s32 $0x1B8E;
	s24 =	sld [smem:$0x3FFE];
	[sflag:s23] =	ssyncadd.s32 $0xFFFFFFFF  }
0xa5: {  	s26 =	simm.s32 $execute0_lowered;
	[smem:$0x3FD2] =	sst s25  }
0xa6: {  	s4 =	sshll.u32 s26, $0x1;
	_ =	strace $0x80000052;
	[dreg:$0x1] =	wrdreg $0xFFFFFFFF  }
0xa7: {  	s28 =	simm.s32 $_size_execute0_lowered;
	s2 =	sadd.s32 s2, s4;
	[dreg:$0x0] =	wrdreg $0x0  }
0xa8: {  	s4 =	sshll.u32 s28, $0x1;
	[dreg:$0x2] =	wrdreg s2  }
0xa9: {  	[dreg:$0x3] =	wrdreg s4  }
0xaa: {  	[dreg:$0x4] =	wrdreg $0xC0  }
0xab: {  	_ =	task [dreg:s6], $0x5FFFF  }
0xac: {  	[dreg:$0x1] =	wrdreg $0xFFFFFFFF  }
0xad: {  	[dreg:$0x0] =	wrdreg $0x60  }
0xae: {  	[dreg:$0x2] =	wrdreg s24  }
0xaf: {  	[dreg:$0x3] =	wrdreg $0x0  }
0xb0: {  	[dreg:$0x4] =	wrdreg $0x9  }
0xb1: {  	_ =	task.clear_ibuf [dreg:s6], $0x5FFFF;
	_ =	strace $0x90000052  }
0xb2: {  	s29 =	simm.s32 $0x9;
	_ =	strace $0x80000054  }
0xb3: {  	_ =	swait.ge [sflag:s29], $0x1  }
0xb4: {  	[sflag:s29] =	ssyncadd.s32 $0xFFFFFFFF  }
0xb5: {  	_ =	strace $0x90000054  }
0xb6: {  	_ =	sfence  }
0xb7: {  	s30 =	sld [smem:$0x0];
	_ =	sdelay $0x2  }
0xb8: {  	s31 =	sshll.u32 s1, $0xD;
	s1 =	sshrl.u32 s1, $0x2  }
0xb9: {  	s3 =	sand.u32 $0x4000, s31;
	s1 =	sadd.s32 s1, s30  }
0xba: {  	s0 =	sor.u32 s3, s0;
	s1 =	sshll.u32 s1, $0x11  }
0xbb: {  	s0 =	sor.u32 s1, s0  }
0xbc: {  	s0 =	sadd.s32 $0x8F2B, s0  }
0xbd: {  	[sflag:s0] =	ssyncadd.remote.s32 $0x1  }
0xbe: {  	_ =	sfence.sel $0xFFFF  }
0xbf: {  	[dreg:$0x0] =	wrdreg $0xFFFFFFFF;
	(pc) =	sbr.abs _section_cstart, $3  }
0xc0: {  	[dreg:$0x1] =	wrdreg $0xFFFFFFFF  }
0xc1: {  	_ =	task.clear_ibuf [dreg:s6], $0x2FFFF;
	_ =	strace $0x9FFFFFFF  }
0xc2: {  	(tm) =	ssettm $0x7FFFFFFF  }
0xc3: {  	_ =	shalt  }
tec
execute0_lowered:
.L_overlay_start_1:
0x0: {  	(tag) =	ssettag $0x1  }
0x1: {  	s3 =	rddreg [dreg:$0x0];
	s0 =	srdreg.scid  }
0x2: {  	s17 =	stileid.u32;
	s1 =	rddreg [dreg:$0x1]  }
0x3: {  	s2 =	simm.s32 $0x0;
	s18 =	simm.s32 $0x1A0C0;
	s19 =	simm.s32 $0x1  }
0x4: {  	s20 =	simm.s32 $0x80;
	s21 =	simm.s32 $0x2;
	s22 =	simm.s32 $0x13940  }
0x5: {  	s23 =	simm.s32 $0x3;
	s24 =	simm.s32 $0x4;
	s6 =	sand.u32 $0x1, s0  }
0x6: {  	s4 =	sshll.u32 s17, $0x1;
	s0 =	rddreg [dreg:$0x2];
	s12 =	sadd.s32 $0x1E58800, s3  }
0x7: {  	[smem:$0x7FF] =	sst s2;
	s14 =	sadd.s32 $0xA76800, s3;
	s10 =	smul.u32 $0xA0, s17  }
0x8: {  	s28 =	ssub.s32 $0x5D, s17;
	s11 =	sshll.u32 s17, $0xE;
	s13 =	smul.u32 $0x138800, s6  }
0x9: {  	p0 =	sne.s32 s17, $0x0;
	s4 =	sor.u32 s6, s4;
	s16 =	smul.u32 $0x50, s6  }
0xa: {  	s17 =	simm.s32 $0x138C0;
	s7 =	ssub.s32 $0x2, s6;
	s5 =	smul.u32 $0x500, s4  }
0xb: {  	_ =	strace $0x80000053;
	s25 =	sshrl.u32 s7, $0x1;
	s26 =	smul.u32 $0x28000, s4  }
0xc: {  	s4 =	sadd.s32 s11, s1;
	s9 =	ssub.s32 s7, s25;
	s15 =	sshrl.u32 s13, $0x3  }
0xd: {  	s30 =	sadd.s32 s16, s10;
	s13 =	sadd.s32 s11, s13;
	s16 =	simm.s32 $0x5  }
0xe: {  	s25 =	simm.s32 $0x0;
	s8 =	sadd.s32 s5, s3;
	s3 =	sshrl.u32 s28, $0x4  }
0xf: {  	s5 =	sadd.s32 $0x138000, s1;
	s7 =	sadd.s32 s12, s26;
	s29 =	sadd.s32 s14, s15  }
0x10: {  	s9 =	smax.u32 s9, $0x1;
	s15 =	sshll.u32 s30, $0xB;
	s31 =	sshrl.u32 s13, $0x3  }
0x11: {  	s6 =	sadd.s32 $0x1E600, s8;
	s8 =	sadd.s32 $0x27000, s29;
	s10 =	sadd.s32 $0x800, s7  }
0x12: {  	s11 =	sadd.s32 $0x1000, s7;
	s15 =	sadd.s32 s15, s12;
	s14 =	sadd.s32 s31, s14  }
0x13: {  	v0 =	vimm.f32 $0.0e+00;
	s12 =	sadd.s32 $0x2000, s15;
	s13 =	sadd.s32 $0x1800, s15;
	s15 =	simm.s32 $0x160C0  }
.LBB2_1:
0x14: {  	s26 =	simm.s32 $0x0;
	s28 =	simm.s32 $0x200  }
.LBB2_2:
0x15: {  	p1 =	sne.s32 s28, $0xFE00;
	[tilespmem:s26+$0x16130] =	vst v0  }
0x16: {  	[tilespmem:s26+$0x160C0] =	vst v0  }
0x17: {  	[tilespmem:s26+$0x160D0] =	vst v0  }
.Ltmp0:
0x18: {  	[tilespmem:s26+$0x160E0] =	vst v0;
	(pc) =	sbr.rel @p1 .LBB2_2-.Ltmp0, $4  }
0x19: {  	[tilespmem:s26+$0x160F0] =	vst v0  }
0x1a: {  	[tilespmem:s26+$0x16100] =	vst v0  }
0x1b: {  	[tilespmem:s26+$0x16110] =	vst v0  }
0x1c: {  	[tilespmem:s26+$0x16120] =	vst v0;
	s26 =	sshra.s32 s28, $0x2;
	s28 =	sadd.s32 $0x200, s28  }
0x1d: {  	[tilespmem:s26+$0x16130] =	vst v0  }
0x1e: {  	[tilespmem:s26+$0x160C0] =	vst v0  }
0x1f: {  	[tilespmem:s26+$0x160D0] =	vst v0  }
0x20: {  	[tilespmem:s26+$0x160E0] =	vst v0  }
0x21: {  	[tilespmem:s26+$0x160F0] =	vst v0  }
0x22: {  	[tilespmem:s26+$0x16100] =	vst v0;
	p1 =	sne.s32 s3, $0x1  }
.Ltmp1:
0x23: {  	[tilespmem:s26+$0x16110] =	vst v0;
	(pc) =	sbr.rel @!p1 .LBB2_5-.Ltmp1, $4  }
0x24: {  	[tilespmem:s26+$0x16120] =	vst v0  }
0x25: {  	[spmem:s4] =	stream.linear.scatter [tilespmem:s15], [sflag:$0x5], $0x4000, $0x38;
	[tilespmem:$0x1E0C0] =	vst v63  }
0x26: {  	_ =	swait.ge [sflag:s16], $0x4000  }
0x27: {  	s26 =	sadd.s32 $0xFFFFFFFF, s3;
	s28 =	smov.u32 s4;
	[sflag:s16] =	ssyncset.done $0x0  }
.LBB2_4:
0x28: {  	p2 =	sne.s32 s26, $0x1;
	[sflag:s16] =	ssyncadd.s32 $0xFFFFC000;
	s28 =	sadd.s32 $0x40000, s28  }
.Ltmp2:
0x29: {  	s26 =	sadd.s32 $0xFFFFFFFF, s26;
	(pc) =	sbr.rel @p2 .LBB2_4-.Ltmp2, $4  }
0x2a: {  	_ = 	snop  }
0x2b: {  	[spmem:s28] =	stream.linear.scatter [tilespmem:s15], [sflag:$0x5], $0x4000, $0x38;
	[tilespmem:$0x1E0C0] =	vst v63  }
0x2c: {  	_ =	swait.ge [sflag:s16], $0x4000  }
0x2d: {  	[sflag:s16] =	ssyncset.done $0x0  }
.LBB2_5:
0x2e: {  	[sflag:s16] =	ssyncadd.s32 $0xFFFFC000;
	s26 =	simm.s32 @!p0 $0x160C0  }
0x2f: {  	[spmem:s5] =	stream.linear.scatter @!p0 [tilespmem:s26], [sflag:$0x5], $0xC00, $0x38;
	[tilespmem:$0x1E0C0] =	vst v63  }
0x30: {  	s26 =	simm.s32 @!p0 $0x5  }
0x31: {  	_ =	swait.ge @!p0 [sflag:s26], $0xC00  }
0x32: {  	[sflag:s26] =	ssyncset.done @!p0 $0x0  }
0x33: {  	[sflag:s26] =	ssyncadd.s32 @!p0 $0xFFFFF400;
	s26 =	simm.s32 $0x0  }
0x34: {  	[tilespmem:s17], [sflag:$0x5] =	stream.linear.gather [hbm4b:s6+s26], $0x2800, $0x38;
	[tilespmem:$0x1E0C0] =	vst v63  }
0x35: {  	_ =	swait.ge [sflag:s16], $0x2800  }
0x36: {  	[sflag:s16] =	ssyncset.done $0x0  }
0x37: {  	[sflag:s16] =	ssyncadd.s32 $0xFFFFD800  }
0x38: {  	[bflag:$0x0] =	sbarrier.arrive $0xFFFF  }
0x39: {  	[tilespmem:s15], [sflag:$0x1] =	stream.linear.gather [hbm4b:s7+s26], $0x4000, $0x38;
	[tilespmem:$0x1E0C0] =	vst v63  }
0x3a: {  	_ = 	snop  }
0x3b: {  	[tilespmem:s18], [sflag:$0x2] =	stream.linear.gather [hbm4b:s10+s26], $0x4000, $0x38;
	[tilespmem:$0x1E0C0] =	vst v63  }
0x3c: {  	_ =	swait.ge [sflag:s19], $0x4000  }
0x3d: {  	[sflag:s19] =	ssyncset.done $0x0  }
0x3e: {  	[sflag:s19] =	ssyncadd.s32 $0xFFFFC000  }
0x3f: {  	[spmem:s1] =	stream.indirect.scatter.add.f32 [tilespmem:s15], [sflag:$0x3], $0x80, s17, s20, $0xb8;
	[tilespmem:$0x1E0C0] =	vst v63  }
0x40: {  	_ =	swait.ge [sflag:s21], $0x4000  }
0x41: {  	[sflag:s21] =	ssyncset.done $0x0  }
0x42: {  	[sflag:s21] =	ssyncadd.s32 $0xFFFFC000  }
0x43: {  	[spmem:s1] =	stream.indirect.scatter.add.f32 [tilespmem:s18], [sflag:$0x4], $0x80, s22, s20, $0xb8;
	[tilespmem:$0x1E0C0] =	vst v63  }
0x44: {  	_ =	swait.ge [sflag:s23], $0x4000  }
0x45: {  	[sflag:s23] =	ssyncset.done $0x0  }
0x46: {  	s28 =	simm.s32 $0x139C0;
	[sflag:s23] =	ssyncadd.s32 $0xFFFFC000  }
0x47: {  	[tilespmem:s15], [sflag:$0x1] =	stream.linear.gather [hbm4b:s11+s26], $0x4000, $0x38;
	[tilespmem:$0x1E0C0] =	vst v63  }
.LBB2_6:
0x48: {  	_ =	swait.ge [sflag:s24], $0x4000  }
0x49: {  	[sflag:s24] =	ssyncset.done $0x0  }
0x4a: {  	s29 =	sadd.s32 s26, s13;
	[sflag:s24] =	ssyncadd.s32 $0xFFFFC000  }
0x4b: {  	[tilespmem:s18], [sflag:$0x2] =	stream.linear.gather [hbm4b:s29+s2], $0x4000, $0x38;
	[tilespmem:$0x1E0C0] =	vst v63  }
0x4c: {  	_ =	swait.ge [sflag:s19], $0x4000  }
0x4d: {  	[sflag:s19] =	ssyncset.done $0x0  }
0x4e: {  	[sflag:s19] =	ssyncadd.s32 $0xFFFFC000  }
0x4f: {  	[spmem:s1] =	stream.indirect.scatter.add.f32 [tilespmem:s15], [sflag:$0x3], $0x80, s28, s20, $0xb8;
	[tilespmem:$0x1E0C0] =	vst v63  }
0x50: {  	_ =	swait.ge [sflag:s21], $0x4000  }
0x51: {  	p2 =	seq.s32 s26, $0x26000;
	[sflag:s21] =	ssyncset.done $0x0  }
.Ltmp3:
0x52: {  	s31 =	sadd.s32 $0x80, s28;
	[sflag:s21] =	ssyncadd.s32 $0xFFFFC000;
	(pc) =	sbr.rel @p2 .LBB2_8-.Ltmp3, $4  }
0x53: {  	[spmem:s1] =	stream.indirect.scatter.add.f32 [tilespmem:s18], [sflag:$0x4], $0x80, s31, s20, $0xb8;
	[tilespmem:$0x1E0C0] =	vst v63  }
0x54: {  	_ =	swait.ge [sflag:s23], $0x4000  }
0x55: {  	[sflag:s23] =	ssyncset.done $0x0  }
0x56: {  	[sflag:s23] =	ssyncadd.s32 $0xFFFFC000  }
.Ltmp4:
0x57: {  	(pc) =	sbr.rel .LBB2_6-.Ltmp4, $3  }
0x58: {  	_ =	sdelay $0x1  }
0x59: {  	s29 =	sadd.s32 s26, s12;
	s26 =	sadd.s32 $0x1000, s26;
	s28 =	sadd.s32 $0x100, s28  }
0x5a: {  	[tilespmem:s15], [sflag:$0x1] =	stream.linear.gather [hbm4b:s29+s2], $0x4000, $0x38;
	[tilespmem:$0x1E0C0] =	vst v63  }
.LBB2_8:
0x5b: {  	_ =	swait.ge [sflag:s24], $0x4000  }
0x5c: {  	[sflag:s24] =	ssyncset.done $0x0  }
0x5d: {  	[sflag:s24] =	ssyncadd.s32 $0xFFFFC000  }
0x5e: {  	[bflag:$0x0] =	sbarrier.arrive $0xFFFF  }
0x5f: {  	[tilespmem:s15], [sflag:$0x5] =	stream.linear.gather [spmem:s4], $0x4000, $0x38;
	[tilespmem:$0x1E0C0] =	vst v63  }
0x60: {  	_ =	swait.ge [sflag:s16], $0x4000  }
.Ltmp5:
0x61: {  	[sflag:s16] =	ssyncset.done $0x0;
	(pc) =	sbr.rel @!p1 .LBB2_10-.Ltmp5, $4  }
0x62: {  	[sflag:s16] =	ssyncadd.s32 $0xFFFFC000  }
0x63: {  	[hbm4b:s14+s2] =	stream.linear.scatter [tilespmem:s15], [sflag:$0x5], $0x4000, $0x38;
	[tilespmem:$0x1E0C0] =	vst v63  }
0x64: {  	s26 =	sadd.s32 $0xFFFFFFFF, s3;
	_ =	swait.ge [sflag:s16], $0x4000  }
0x65: {  	s28 =	smov.u32 s14;
	s29 =	smov.u32 s4;
	[sflag:s16] =	ssyncset.done $0x0  }
.LBB2_9:
0x66: {  	[sflag:s16] =	ssyncadd.s32 $0xFFFFC000;
	s28 =	sadd.s32 $0x8000, s28;
	s29 =	sadd.s32 $0x40000, s29  }
0x67: {  	[tilespmem:s15], [sflag:$0x5] =	stream.linear.gather [spmem:s29], $0x4000, $0x38;
	[tilespmem:$0x1E0C0] =	vst v63  }
0x68: {  	p1 =	sne.s32 s26, $0x1;
	s26 =	sadd.s32 $0xFFFFFFFF, s26;
	_ =	swait.ge [sflag:s16], $0x4000  }
.Ltmp6:
0x69: {  	[sflag:s16] =	ssyncset.done $0x0;
	(pc) =	sbr.rel @p1 .LBB2_9-.Ltmp6, $4  }
0x6a: {  	[sflag:s16] =	ssyncadd.s32 $0xFFFFC000  }
0x6b: {  	[hbm4b:s28+s2] =	stream.linear.scatter [tilespmem:s15], [sflag:$0x5], $0x4000, $0x38;
	[tilespmem:$0x1E0C0] =	vst v63  }
0x6c: {  	_ =	swait.ge [sflag:s16], $0x4000  }
0x6d: {  	[sflag:s16] =	ssyncset.done $0x0  }
.LBB2_10:
0x6e: {  	[sflag:s16] =	ssyncadd.s32 $0xFFFFC000;
	s26 =	simm.s32 @!p0 $0x160C0;
	s28 =	simm.s32 @!p0 $0x5  }
0x6f: {  	[tilespmem:s26], [sflag:$0x5] =	stream.linear.gather @!p0 [spmem:s5], $0x800, $0x38;
	[tilespmem:$0x1E0C0] =	vst v63  }
0x70: {  	s25 =	sadd.s32 $0x1, s25;
	_ =	swait.ge @!p0 [sflag:s28], $0x800  }
0x71: {  	p1 =	sne.s32 s25, s9;
	[sflag:s28] =	ssyncset.done @!p0 $0x0  }
.Ltmp7:
0x72: {  	s29 =	simm.s32 @!p0 $0x0;
	[sflag:s28] =	ssyncadd.s32 @!p0 $0xFFFFF800;
	(pc) =	sbr.rel @p1 .LBB2_1-.Ltmp7, $4  }
0x73: {  	[hbm4b:s8+s29] =	stream.linear.scatter @!p0 [tilespmem:s26], [sflag:$0x5], $0x800, $0x38;
	[tilespmem:$0x1E0C0] =	vst v63  }
0x74: {  	_ =	swait.ge @!p0 [sflag:s28], $0x800  }
0x75: {  	[sflag:s28] =	ssyncset.done @!p0 $0x0  }
0x76: {  	[sflag:s28] =	ssyncadd.s32 @!p0 $0xFFFFF800  }
0x77: {  	_ =	sfence.sel $0x180000  }
0x78: {  	[bflag:$0x0] =	sbarrier.arrive $0xFFFF  }
0x79: {  	_ =	strace $0x90000053  }
0x7a: {  	s0 =	sadd.s32 @!p0 $0x100000, s0;
	[bflag:$0x2] =	sbarrier.arrive $0xFFFF  }
0x7b: {  	[sflag:s0] =	ssyncadd.tile.s32 @!p0 $0x1;
	_ =	shalt  }
.Lfunc_end2:
_tile_overlayer_lowered:
.L_overlay_start_2:
0x7c: {  	(tag) =	ssettag $0x2  }
0x7d: {  	s0 =	rddreg [dreg:$0x0];
	s2 =	stileid.u32  }
0x7e: {  	s1 =	rddreg [dreg:$0x1];
	p0 =	sne.s32 s2, $0x0  }
0x7f: {  	s3 =	rddreg [dreg:$0x2];
	[bflag:$0x3] =	sbarrier.arrive $0xFFFF;
	s2 =	simm.s32 @!p0 $0x1C05  }
0x80: {  	[timem:s3], [sflag:s2] =	dma.local @!p0 [hbm:s0], s1  }
0x81: {  	s0 =	simm.s32 @!p0 $0x5  }
0x82: {  	_ =	swait.ge @!p0 [sflag:s0], s1  }
0x83: {  	s1 =	ssub.s32 @!p0 $0x0, s1;
	[sflag:s0] =	ssyncset.done @!p0 $0x0  }
0x84: {  	[sflag:s0] =	ssyncadd.s32 @!p0 s1  }
0x85: {  	[bflag:$0x3] =	sbarrier.arrive $0xFFFF  }
0x86: {  	_ =	shalt  }

</sc_bundles>
